<compile_context>
chip_gen: v7x
topology: tpu7x:2x2x1
jax: 0.10.2.dev20260603
libtpu: 0.0.44.dev20260713+nightly
codegen_flags: <defaults>
</compile_context>

<pallas_src>
import functools

import jax
import jax.numpy as jnp
from jax import lax
from jax.experimental import pallas as pl
from jax.experimental.pallas import tpu as pltpu
from jax.experimental.pallas import tpu_sc as plsc

N = 10000
E = 320000
D_IN = 128
D_HID = 64
D_OUT = 128

NC = 2
NS = 16
NW = NC * NS
CB = 128
NCHUNK = 2560
EP = NCHUNK * CB
KE0, KE1 = 118, 42
KD0, KD1 = 96, 64
NP = 10240
RPT = NP // NS
NZC = RPT // CB

_f32 = jnp.float32


def _sc_mesh():
    return plsc.VectorSubcoreMesh(core_axis_name="c", subcore_axis_name="s")


def _deg_body(src2, dst2, out_o, out_i, sidx, didx, vals, acc_o, acc_i,
              so, si):
    cid = lax.axis_index("c")
    sid = lax.axis_index("s")

    z16 = jnp.zeros((16,), _f32)
    o16 = jnp.ones((16,), _f32)

    def zfill(i, _):
        vals[i, :] = z16
        return 0

    lax.fori_loop(0, CB, zfill, 0)
    for k in range(NZC):
        r0 = sid * RPT + k * CB
        pltpu.sync_copy(vals, acc_o.at[pl.ds(r0, CB)])
        pltpu.sync_copy(vals, acc_i.at[pl.ds(r0, CB)])

    def ofill(i, _):
        vals[i, :] = o16
        return 0

    lax.fori_loop(0, CB, ofill, 0)
    plsc.subcore_barrier()

    G = 8

    def run(base, kc):
        pltpu.sync_copy(src2.at[pl.ds(base, kc)], sidx.at[pl.ds(0, kc)])
        pltpu.sync_copy(dst2.at[pl.ds(base, kc)], didx.at[pl.ds(0, kc)])

        def group(g, _):
            for i in range(G):
                pltpu.async_copy(vals, acc_o.at[sidx.at[g * G + i]], so,
                                 add=True)
                pltpu.async_copy(vals, acc_i.at[didx.at[g * G + i]], si,
                                 add=True)
            for i in range(G):
                pltpu.make_async_copy(vals, acc_o.at[sidx.at[0]], so).wait()
                pltpu.make_async_copy(vals, acc_i.at[didx.at[0]], si).wait()
            return 0

        lax.fori_loop(0, kc // G, group, 0)

    @pl.when(cid == 0)
    def _():
        run(sid * KD0, KD0)

    @pl.when(cid == 1)
    def _():
        run(NS * KD0 + sid * KD1, KD1)

    plsc.subcore_barrier()
    for k in range(NZC):
        r0 = sid * RPT + k * CB
        pltpu.sync_copy(acc_o.at[pl.ds(r0, CB)], out_o.at[cid, pl.ds(r0, CB)])
        pltpu.sync_copy(acc_i.at[pl.ds(r0, CB)], out_i.at[cid, pl.ds(r0, CB)])


def _sc_degrees(src2, dst2):
    kfn = pl.kernel(
        _deg_body,
        out_type=(
            jax.ShapeDtypeStruct((NC, NP, 16), _f32),
            jax.ShapeDtypeStruct((NC, NP, 16), _f32),
        ),
        mesh=_sc_mesh(),
        compiler_params=pltpu.CompilerParams(use_tc_tiling_on_sc=False),
        scratch_types=[
            pltpu.VMEM((KD0, CB), jnp.int32),
            pltpu.VMEM((KD0, CB), jnp.int32),
            pltpu.VMEM((CB, 16), _f32),
            pltpu.VMEM_SHARED((NP, 16), _f32),
            pltpu.VMEM_SHARED((NP, 16), _f32),
            pltpu.SemaphoreType.DMA,
            pltpu.SemaphoreType.DMA,
        ],
    )
    return kfn(src2, dst2)


def _edge_body(table, src2, dst2, out, sidx, didx, rows0, rows1, acc,
               sem0, sem1):
    cid = lax.axis_index("c")
    sid = lax.axis_index("s")

    z16 = jnp.zeros((16,), _f32)

    def zrow(i, _):
        for c in range(D_HID // 16):
            rows0[i, pl.ds(c * 16, 16)] = z16
        return 0

    lax.fori_loop(0, CB, zrow, 0)
    for k in range(NZC):
        pltpu.sync_copy(rows0, acc.at[pl.ds(sid * RPT + k * CB, CB)])
    plsc.subcore_barrier()

    def run(base, kc):
        pltpu.sync_copy(src2.at[pl.ds(base, kc)], sidx.at[pl.ds(0, kc)])
        pltpu.sync_copy(dst2.at[pl.ds(base, kc)], didx.at[pl.ds(0, kc)])
        pltpu.async_copy(table.at[sidx.at[0]], rows0, sem0)
        pltpu.async_copy(table.at[sidx.at[1]], rows1, sem1)

        def step(g, _):
            j0 = 2 * g
            pltpu.make_async_copy(table.at[sidx.at[j0]], rows0, sem0).wait()
            pltpu.sync_copy(rows0, acc.at[didx.at[j0]], add=True)
            pltpu.async_copy(table.at[sidx.at[j0 + 2]], rows0, sem0)
            pltpu.make_async_copy(table.at[sidx.at[j0 + 1]], rows1,
                                  sem1).wait()
            pltpu.sync_copy(rows1, acc.at[didx.at[j0 + 1]], add=True)
            pltpu.async_copy(table.at[sidx.at[j0 + 3]], rows1, sem1)
            return 0

        lax.fori_loop(0, (kc - 2) // 2, step, 0)
        pltpu.make_async_copy(table.at[sidx.at[kc - 2]], rows0, sem0).wait()
        pltpu.sync_copy(rows0, acc.at[didx.at[kc - 2]], add=True)
        pltpu.make_async_copy(table.at[sidx.at[kc - 1]], rows1, sem1).wait()
        pltpu.sync_copy(rows1, acc.at[didx.at[kc - 1]], add=True)

    @pl.when(cid == 0)
    def _():
        run(sid * KE0, KE0)

    @pl.when(cid == 1)
    def _():
        run(NS * KE0 + sid * KE1, KE1)

    plsc.subcore_barrier()
    for k in range(NZC):
        r0 = sid * RPT + k * CB
        pltpu.sync_copy(acc.at[pl.ds(r0, CB)], out.at[cid, pl.ds(r0, CB)])


def _sc_edge(table, src2, dst2):
    kfn = pl.kernel(
        _edge_body,
        out_type=jax.ShapeDtypeStruct((NC, NP, D_HID), _f32),
        mesh=_sc_mesh(),
        compiler_params=pltpu.CompilerParams(use_tc_tiling_on_sc=False),
        scratch_types=[
            pltpu.VMEM((KE0, CB), jnp.int32),
            pltpu.VMEM((KE0, CB), jnp.int32),
            pltpu.VMEM((CB, D_HID), _f32),
            pltpu.VMEM((CB, D_HID), _f32),
            pltpu.VMEM_SHARED((NP, D_HID), _f32),
            pltpu.SemaphoreType.DMA,
            pltpu.SemaphoreType.DMA,
        ],
    )
    return kfn(table, src2, dst2)


def _tc_premix(feats, W0, do0, do1):
    def body(f, w, d0, d1, o):
        deg = d0[...][:N, 0] + d1[...][:N, 0]
        s = lax.rsqrt(jnp.maximum(deg, 1.0))
        o[0:N, :] = jnp.dot(f[...] * s[:, None], w[...],
                            preferred_element_type=_f32)
        o[N:NP, :] = jnp.zeros((NP - N, D_HID), _f32)

    return pl.pallas_call(
        body, out_shape=jax.ShapeDtypeStruct((NP, D_HID), _f32)
    )(feats, W0, do0, do1)


def _tc_mid(a0, a1, di0, di1, do0, do1, b0):
    def body(a0r, a1r, di0r, di1r, do0r, do1r, br, h_ref, t_ref):
        s_in = lax.rsqrt(jnp.maximum(di0r[...][:, 0] + di1r[...][:, 0], 1.0))
        s_out = lax.rsqrt(jnp.maximum(do0r[...][:, 0] + do1r[...][:, 0], 1.0))
        agg = a0r[...] + a1r[...]
        h = jnp.maximum(agg * s_in[:, None] + br[...], 0.0)
        h_ref[...] = h
        row = lax.broadcasted_iota(jnp.int32, (NP, 1), 0)
        t_ref[...] = jnp.where(row < N, h * s_out[:, None], 0.0)

    return pl.pallas_call(
        body,
        out_shape=(
            jax.ShapeDtypeStruct((NP, D_HID), _f32),
            jax.ShapeDtypeStruct((NP, D_HID), _f32),
        ),
    )(a0, a1, di0, di1, do0, do1, b0)


def _tc_out(a0, a1, di0, di1, W1, b1):
    def body(a0r, a1r, di0r, di1r, wr, br, o_ref):
        s_in = lax.rsqrt(jnp.maximum(di0r[...][:, 0] + di1r[...][:, 0], 1.0))
        agg = (a0r[...] + a1r[...]) * s_in[:, None]
        o_ref[...] = jnp.dot(agg, wr[...], preferred_element_type=_f32) + br[...]

    return pl.pallas_call(
        body, out_shape=jax.ShapeDtypeStruct((NP, D_OUT), _f32)
    )(a0, a1, di0, di1, W1, b1)


def kernel(feats, edge_index, W0, b0, W1, b1):
    src = edge_index[0]
    dst = edge_index[1]
    pad = jnp.full((EP - E,), N, jnp.int32)
    src2 = jnp.concatenate([src, pad]).reshape(NCHUNK, CB)
    dst2 = jnp.concatenate([dst, pad]).reshape(NCHUNK, CB)

    dpo, dpi = _sc_degrees(src2, dst2)
    do0, do1 = dpo[0], dpo[1]
    di0, di1 = dpi[0], dpi[1]

    x0 = _tc_premix(feats, W0, do0, do1)
    a0 = _sc_edge(x0, src2, dst2)
    hemb, t = _tc_mid(a0[0], a0[1], di0, di1, do0, do1,
                      b0.reshape(1, D_HID))
    a1 = _sc_edge(t, src2, dst2)
    out = _tc_out(a1[0], a1[1], di0, di1, W1, b1.reshape(1, D_OUT))
    return (hemb[:N], out[:N])

# --- scband reference (transcript-rebuilt; emitter-appended) ---
"""Pipeline reference for scband-gcn-19825569038523 (READ-ONLY COPY).

The authoritative reference and input builder live on the scoring server;
editing this copy changes nothing except your own understanding.
"""

import jax, jax.numpy as jnp
import numpy as np

N = 10000
E = 320000
D_IN = 128
D_HID = 64
D_OUT = 128


def setup_inputs(seed: int = 0) -> dict:
    key = jax.random.key(seed)
    k1, k2, k3, k4, k5, k6 = jax.random.split(key, 6)
    feats = jax.random.normal(k1, (N, D_IN), dtype=jnp.float32)
    edge_index = jax.random.randint(k2, (2, E), 0, N, dtype=jnp.int32)
    # GraphConv layer 0: in=128 -> hidden=64 (xavier-ish init)
    W0 = jax.random.normal(k3, (D_IN, D_HID), dtype=jnp.float32) * (1.0 / np.sqrt(D_IN))
    b0 = jnp.zeros((D_HID,), dtype=jnp.float32)
    # GraphConv layer 1: hidden=64 -> out=128
    W1 = jax.random.normal(k4, (D_HID, D_OUT), dtype=jnp.float32) * (1.0 / np.sqrt(D_HID))
    b1 = jnp.zeros((D_OUT,), dtype=jnp.float32)
    return {"feats": feats, "edge_index": edge_index, "W0": W0, "b0": b0, "W1": W1, "b1": b1}


def _graph_conv(h, src, dst, W, b, activation):
    # DGL GraphConv with norm='both':
    #   h' = D_in^{-1/2} * A * D_out^{-1/2} * h * W + b
    deg_out = jnp.clip(jnp.bincount(src, length=N), 1).astype(h.dtype)
    h = h * (deg_out ** -0.5)[:, None]
    h = h @ W
    msgs = jnp.take(h, src, axis=0)
    agg = jax.ops.segment_sum(msgs, dst, num_segments=N)
    deg_in = jnp.clip(jnp.bincount(dst, length=N), 1).astype(h.dtype)
    rst = agg * (deg_in ** -0.5)[:, None] + b
    if activation:
        rst = jax.nn.relu(rst)
    return rst


def reference(feats, edge_index, W0, b0, W1, b1):
    src = edge_index[0]
    dst = edge_index[1]
    # layer 0 (with ReLU activation, as in GraphConv(..., activation=ReLU))
    h = _graph_conv(feats, src, dst, W0, b0, True)
    # l=0 != num_layers-1: h_emb = h; no norm (norm_type=None); dropout p=0 is identity
    h_emb = h
    # layer 1 (no activation)
    h = _graph_conv(h, src, dst, W1, b1, False)
    return (h_emb, h)

if __name__ == "__main__":
    import jax
    _d = setup_inputs()
    print(jax.jit(kernel)(*tuple(_d.values())))

</pallas_src>

<mosaic_0001>
#map = affine_map<(d0, d1) -> (0, 0)>
#map1 = affine_map<(d0, d1) -> (0, 0, 0)>
module attributes {stable_mosaic.version = 14 : i64} {
  func.func @_deg_body(%arg0: i32, %arg1: i32, %arg2: memref<2560x128xi32, #tpu.memory_space<hbm>>, %arg3: memref<2560x128xi32, #tpu.memory_space<hbm>>, %arg4: memref<2x10240x16xf32, #tpu.memory_space<hbm>>, %arg5: memref<2x10240x16xf32, #tpu.memory_space<hbm>>, %arg6: memref<96x128xi32, #tpu.memory_space<vmem>>, %arg7: memref<96x128xi32, #tpu.memory_space<vmem>>, %arg8: memref<128x16xf32, #tpu.memory_space<vmem>>, %arg9: memref<10240x16xf32, #tpu.memory_space<vmem_shared>>, %arg10: memref<10240x16xf32, #tpu.memory_space<vmem_shared>>, %arg11: memref<!tpu.dma_semaphore, #tpu.memory_space<semaphore_mem>>, %arg12: memref<!tpu.dma_semaphore, #tpu.memory_space<semaphore_mem>>) attributes {dimension_semantics = [#tpu.dimension_semantics<core_parallel>, #tpu.dimension_semantics<subcore_parallel>], iteration_bounds = array<i64: 2, 16>, scalar_prefetch = 0 : i64, scratch_operands = 7 : i64, tpu.core_type = #tpu.core_type<sc_vector_subcore>, window_params = [{transform_indices = #map}, {transform_indices = #map}, {transform_indices = #map1}, {transform_indices = #map1}]} {
    %broadcast_in_dim3A = arith.constant 0.000000e+00 : f32
    %broadcast_in_dim3A_0 = vector.broadcast %broadcast_in_dim3A : f32 to vector<16xf32>
    %broadcast_in_dim3A_1 = arith.constant 1.000000e+00 : f32
    %broadcast_in_dim3A_2 = vector.broadcast %broadcast_in_dim3A_1 : f32 to vector<16xf32>
    %scan3A = arith.constant 0 : i32
    %scan3A_3 = arith.constant 0 : i32
    %scan3A_4 = arith.constant 128 : i32
    %scan3A_5 = arith.addi %scan3A_3, %scan3A_4 : i32
    %scan3A_6 = arith.constant 1 : i32
    %scan3A_7 = scf.for %scan3A_62 = %scan3A_3 to %scan3A_5 step %scan3A_6 iter_args(%scan3A_63 = %scan3A) -> (i32)  : i32 {
      %swap3A = arith.index_cast %scan3A_62 : i32 to index
      %swap3A_64 = arith.constant 0 : index
      %swap3A_65 = tpu.vector_load %arg8[%swap3A, %swap3A_64] {strides = array<i32>} : memref<128x16xf32, #tpu.memory_space<vmem>>, vector<1x16xf32>,
      %swap3A_66 = vector.shape_cast %swap3A_65 : vector<1x16xf32> to vector<16xf32>
      %swap3A_67 = vector.shape_cast %broadcast_in_dim3A_0 : vector<16xf32> to vector<1x16xf32>
      tpu.vector_store %arg8[%swap3A, %swap3A_64], %swap3A_67 {strides = array<i32>} : memref<128x16xf32, #tpu.memory_space<vmem>>, vector<1x16xf32>,
      %scan3A_68 = arith.constant 0 : i32
      scf.yield %scan3A_68 : i32
    }
    %scan3A_8 = arith.constant 128 : i32
    %mul3A = arith.constant 640 : i32
    %mul3A_9 = arith.muli %arg1, %mul3A : i32
    %add3A = arith.constant 0 : i32
    %add3A_10 = arith.addi %mul3A_9, %add3A : i32
    "tpu.region"() ({
      %run_scoped3A = tpu.sem_alloc : memref<!tpu.dma_semaphore, #tpu.memory_space<semaphore_mem>>
      %dma_start3A = arith.constant 0 : i32
      %dma_start3A_62 = tpu.memref_slice %arg9[%add3A_10, %dma_start3A] : memref<10240x16xf32, #tpu.memory_space<vmem_shared>> -> memref<128x16xf32, #tpu.memory_space<vmem_shared>>
      %dma_start3A_63 = arith.constant 0 : i32
      %dma_start3A_64 = tpu.memref_slice %arg9[%add3A_10, %dma_start3A_63] : memref<10240x16xf32, #tpu.memory_space<vmem_shared>> -> memref<128x16xf32, #tpu.memory_space<vmem_shared>>
      tpu.enqueue_dma source(%arg8 : memref<128x16xf32, #tpu.memory_space<vmem>>) target(%dma_start3A_64 : memref<128x16xf32, #tpu.memory_space<vmem_shared>>) target_semaphore(%run_scoped3A : memref<!tpu.dma_semaphore, #tpu.memory_space<semaphore_mem>>)
      %dma_wait3A = arith.constant 0 : i32
      %dma_wait3A_65 = tpu.memref_slice %arg9[%add3A_10, %dma_wait3A] : memref<10240x16xf32, #tpu.memory_space<vmem_shared>> -> memref<128x16xf32, #tpu.memory_space<vmem_shared>>
      %dma_wait3A_66 = arith.constant 0 : i32
      %dma_wait3A_67 = tpu.memref_slice %arg9[%add3A_10, %dma_wait3A_66] : memref<10240x16xf32, #tpu.memory_space<vmem_shared>> -> memref<128x16xf32, #tpu.memory_space<vmem_shared>>
      tpu.wait_dma2 semaphore(%run_scoped3A : memref<!tpu.dma_semaphore, #tpu.memory_space<semaphore_mem>>) src(%arg8 : memref<128x16xf32, #tpu.memory_space<vmem>>) dst(%dma_wait3A_67 : memref<128x16xf32, #tpu.memory_space<vmem_shared>>)
      tpu.yield
    }) : () -> ()
    "tpu.region"() ({
      %run_scoped3A = tpu.sem_alloc : memref<!tpu.dma_semaphore, #tpu.memory_space<semaphore_mem>>
      %dma_start3A = arith.constant 0 : i32
      %dma_start3A_62 = tpu.memref_slice %arg10[%add3A_10, %dma_start3A] : memref<10240x16xf32, #tpu.memory_space<vmem_shared>> -> memref<128x16xf32, #tpu.memory_space<vmem_shared>>
      %dma_start3A_63 = arith.constant 0 : i32
      %dma_start3A_64 = tpu.memref_slice %arg10[%add3A_10, %dma_start3A_63] : memref<10240x16xf32, #tpu.memory_space<vmem_shared>> -> memref<128x16xf32, #tpu.memory_space<vmem_shared>>
      tpu.enqueue_dma source(%arg8 : memref<128x16xf32, #tpu.memory_space<vmem>>) target(%dma_start3A_64 : memref<128x16xf32, #tpu.memory_space<vmem_shared>>) target_semaphore(%run_scoped3A : memref<!tpu.dma_semaphore, #tpu.memory_space<semaphore_mem>>)
      %dma_wait3A = arith.constant 0 : i32
      %dma_wait3A_65 = tpu.memref_slice %arg10[%add3A_10, %dma_wait3A] : memref<10240x16xf32, #tpu.memory_space<vmem_shared>> -> memref<128x16xf32, #tpu.memory_space<vmem_shared>>
      %dma_wait3A_66 = arith.constant 0 : i32
      %dma_wait3A_67 = tpu.memref_slice %arg10[%add3A_10, %dma_wait3A_66] : memref<10240x16xf32, #tpu.memory_space<vmem_shared>> -> memref<128x16xf32, #tpu.memory_space<vmem_shared>>
      tpu.wait_dma2 semaphore(%run_scoped3A : memref<!tpu.dma_semaphore, #tpu.memory_space<semaphore_mem>>) src(%arg8 : memref<128x16xf32, #tpu.memory_space<vmem>>) dst(%dma_wait3A_67 : memref<128x16xf32, #tpu.memory_space<vmem_shared>>)
      tpu.yield
    }) : () -> ()
    %mul3A_11 = arith.constant 640 : i32
    %mul3A_12 = arith.muli %arg1, %mul3A_11 : i32
    %add3A_13 = arith.constant 128 : i32
    %add3A_14 = arith.addi %mul3A_12, %add3A_13 : i32
    "tpu.region"() ({
      %run_scoped3A = tpu.sem_alloc : memref<!tpu.dma_semaphore, #tpu.memory_space<semaphore_mem>>
      %dma_start3A = arith.constant 0 : i32
      %dma_start3A_62 = tpu.memref_slice %arg9[%add3A_14, %dma_start3A] : memref<10240x16xf32, #tpu.memory_space<vmem_shared>> -> memref<128x16xf32, #tpu.memory_space<vmem_shared>>
      %dma_start3A_63 = arith.constant 0 : i32
      %dma_start3A_64 = tpu.memref_slice %arg9[%add3A_14, %dma_start3A_63] : memref<10240x16xf32, #tpu.memory_space<vmem_shared>> -> memref<128x16xf32, #tpu.memory_space<vmem_shared>>
      tpu.enqueue_dma source(%arg8 : memref<128x16xf32, #tpu.memory_space<vmem>>) target(%dma_start3A_64 : memref<128x16xf32, #tpu.memory_space<vmem_shared>>) target_semaphore(%run_scoped3A : memref<!tpu.dma_semaphore, #tpu.memory_space<semaphore_mem>>)
      %dma_wait3A = arith.constant 0 : i32
      %dma_wait3A_65 = tpu.memref_slice %arg9[%add3A_14, %dma_wait3A] : memref<10240x16xf32, #tpu.memory_space<vmem_shared>> -> memref<128x16xf32, #tpu.memory_space<vmem_shared>>
      %dma_wait3A_66 = arith.constant 0 : i32
      %dma_wait3A_67 = tpu.memref_slice %arg9[%add3A_14, %dma_wait3A_66] : memref<10240x16xf32, #tpu.memory_space<vmem_shared>> -> memref<128x16xf32, #tpu.memory_space<vmem_shared>>
      tpu.wait_dma2 semaphore(%run_scoped3A : memref<!tpu.dma_semaphore, #tpu.memory_space<semaphore_mem>>) src(%arg8 : memref<128x16xf32, #tpu.memory_space<vmem>>) dst(%dma_wait3A_67 : memref<128x16xf32, #tpu.memory_space<vmem_shared>>)
      tpu.yield
    }) : () -> ()
    "tpu.region"() ({
      %run_scoped3A = tpu.sem_alloc : memref<!tpu.dma_semaphore, #tpu.memory_space<semaphore_mem>>
      %dma_start3A = arith.constant 0 : i32
      %dma_start3A_62 = tpu.memref_slice %arg10[%add3A_14, %dma_start3A] : memref<10240x16xf32, #tpu.memory_space<vmem_shared>> -> memref<128x16xf32, #tpu.memory_space<vmem_shared>>
      %dma_start3A_63 = arith.constant 0 : i32
      %dma_start3A_64 = tpu.memref_slice %arg10[%add3A_14, %dma_start3A_63] : memref<10240x16xf32, #tpu.memory_space<vmem_shared>> -> memref<128x16xf32, #tpu.memory_space<vmem_shared>>
      tpu.enqueue_dma source(%arg8 : memref<128x16xf32, #tpu.memory_space<vmem>>) target(%dma_start3A_64 : memref<128x16xf32, #tpu.memory_space<vmem_shared>>) target_semaphore(%run_scoped3A : memref<!tpu.dma_semaphore, #tpu.memory_space<semaphore_mem>>)
      %dma_wait3A = arith.constant 0 : i32
      %dma_wait3A_65 = tpu.memref_slice %arg10[%add3A_14, %dma_wait3A] : memref<10240x16xf32, #tpu.memory_space<vmem_shared>> -> memref<128x16xf32, #tpu.memory_space<vmem_shared>>
      %dma_wait3A_66 = arith.constant 0 : i32
      %dma_wait3A_67 = tpu.memref_slice %arg10[%add3A_14, %dma_wait3A_66] : memref<10240x16xf32, #tpu.memory_space<vmem_shared>> -> memref<128x16xf32, #tpu.memory_space<vmem_shared>>
      tpu.wait_dma2 semaphore(%run_scoped3A : memref<!tpu.dma_semaphore, #tpu.memory_space<semaphore_mem>>) src(%arg8 : memref<128x16xf32, #tpu.memory_space<vmem>>) dst(%dma_wait3A_67 : memref<128x16xf32, #tpu.memory_space<vmem_shared>>)
      tpu.yield
    }) : () -> ()
    %mul3A_15 = arith.constant 640 : i32
    %mul3A_16 = arith.muli %arg1, %mul3A_15 : i32
    %add3A_17 = arith.constant 256 : i32
    %add3A_18 = arith.addi %mul3A_16, %add3A_17 : i32
    "tpu.region"() ({
      %run_scoped3A = tpu.sem_alloc : memref<!tpu.dma_semaphore, #tpu.memory_space<semaphore_mem>>
      %dma_start3A = arith.constant 0 : i32
      %dma_start3A_62 = tpu.memref_slice %arg9[%add3A_18, %dma_start3A] : memref<10240x16xf32, #tpu.memory_space<vmem_shared>> -> memref<128x16xf32, #tpu.memory_space<vmem_shared>>
      %dma_start3A_63 = arith.constant 0 : i32
      %dma_start3A_64 = tpu.memref_slice %arg9[%add3A_18, %dma_start3A_63] : memref<10240x16xf32, #tpu.memory_space<vmem_shared>> -> memref<128x16xf32, #tpu.memory_space<vmem_shared>>
      tpu.enqueue_dma source(%arg8 : memref<128x16xf32, #tpu.memory_space<vmem>>) target(%dma_start3A_64 : memref<128x16xf32, #tpu.memory_space<vmem_shared>>) target_semaphore(%run_scoped3A : memref<!tpu.dma_semaphore, #tpu.memory_space<semaphore_mem>>)
      %dma_wait3A = arith.constant 0 : i32
      %dma_wait3A_65 = tpu.memref_slice %arg9[%add3A_18, %dma_wait3A] : memref<10240x16xf32, #tpu.memory_space<vmem_shared>> -> memref<128x16xf32, #tpu.memory_space<vmem_shared>>
      %dma_wait3A_66 = arith.constant 0 : i32
      %dma_wait3A_67 = tpu.memref_slice %arg9[%add3A_18, %dma_wait3A_66] : memref<10240x16xf32, #tpu.memory_space<vmem_shared>> -> memref<128x16xf32, #tpu.memory_space<vmem_shared>>
      tpu.wait_dma2 semaphore(%run_scoped3A : memref<!tpu.dma_semaphore, #tpu.memory_space<semaphore_mem>>) src(%arg8 : memref<128x16xf32, #tpu.memory_space<vmem>>) dst(%dma_wait3A_67 : memref<128x16xf32, #tpu.memory_space<vmem_shared>>)
      tpu.yield
    }) : () -> ()
    "tpu.region"() ({
      %run_scoped3A = tpu.sem_alloc : memref<!tpu.dma_semaphore, #tpu.memory_space<semaphore_mem>>
      %dma_start3A = arith.constant 0 : i32
      %dma_start3A_62 = tpu.memref_slice %arg10[%add3A_18, %dma_start3A] : memref<10240x16xf32, #tpu.memory_space<vmem_shared>> -> memref<128x16xf32, #tpu.memory_space<vmem_shared>>
      %dma_start3A_63 = arith.constant 0 : i32
      %dma_start3A_64 = tpu.memref_slice %arg10[%add3A_18, %dma_start3A_63] : memref<10240x16xf32, #tpu.memory_space<vmem_shared>> -> memref<128x16xf32, #tpu.memory_space<vmem_shared>>
      tpu.enqueue_dma source(%arg8 : memref<128x16xf32, #tpu.memory_space<vmem>>) target(%dma_start3A_64 : memref<128x16xf32, #tpu.memory_space<vmem_shared>>) target_semaphore(%run_scoped3A : memref<!tpu.dma_semaphore, #tpu.memory_space<semaphore_mem>>)
      %dma_wait3A = arith.constant 0 : i32
      %dma_wait3A_65 = tpu.memref_slice %arg10[%add3A_18, %dma_wait3A] : memref<10240x16xf32, #tpu.memory_space<vmem_shared>> -> memref<128x16xf32, #tpu.memory_space<vmem_shared>>
      %dma_wait3A_66 = arith.constant 0 : i32
      %dma_wait3A_67 = tpu.memref_slice %arg10[%add3A_18, %dma_wait3A_66] : memref<10240x16xf32, #tpu.memory_space<vmem_shared>> -> memref<128x16xf32, #tpu.memory_space<vmem_shared>>
      tpu.wait_dma2 semaphore(%run_scoped3A : memref<!tpu.dma_semaphore, #tpu.memory_space<semaphore_mem>>) src(%arg8 : memref<128x16xf32, #tpu.memory_space<vmem>>) dst(%dma_wait3A_67 : memref<128x16xf32, #tpu.memory_space<vmem_shared>>)
      tpu.yield
    }) : () -> ()
    %mul3A_19 = arith.constant 640 : i32
    %mul3A_20 = arith.muli %arg1, %mul3A_19 : i32
    %add3A_21 = arith.constant 384 : i32
    %add3A_22 = arith.addi %mul3A_20, %add3A_21 : i32
    "tpu.region"() ({
      %run_scoped3A = tpu.sem_alloc : memref<!tpu.dma_semaphore, #tpu.memory_space<semaphore_mem>>
      %dma_start3A = arith.constant 0 : i32
      %dma_start3A_62 = tpu.memref_slice %arg9[%add3A_22, %dma_start3A] : memref<10240x16xf32, #tpu.memory_space<vmem_shared>> -> memref<128x16xf32, #tpu.memory_space<vmem_shared>>
      %dma_start3A_63 = arith.constant 0 : i32
      %dma_start3A_64 = tpu.memref_slice %arg9[%add3A_22, %dma_start3A_63] : memref<10240x16xf32, #tpu.memory_space<vmem_shared>> -> memref<128x16xf32, #tpu.memory_space<vmem_shared>>
      tpu.enqueue_dma source(%arg8 : memref<128x16xf32, #tpu.memory_space<vmem>>) target(%dma_start3A_64 : memref<128x16xf32, #tpu.memory_space<vmem_shared>>) target_semaphore(%run_scoped3A : memref<!tpu.dma_semaphore, #tpu.memory_space<semaphore_mem>>)
      %dma_wait3A = arith.constant 0 : i32
      %dma_wait3A_65 = tpu.memref_slice %arg9[%add3A_22, %dma_wait3A] : memref<10240x16xf32, #tpu.memory_space<vmem_shared>> -> memref<128x16xf32, #tpu.memory_space<vmem_shared>>
      %dma_wait3A_66 = arith.constant 0 : i32
      %dma_wait3A_67 = tpu.memref_slice %arg9[%add3A_22, %dma_wait3A_66] : memref<10240x16xf32, #tpu.memory_space<vmem_shared>> -> memref<128x16xf32, #tpu.memory_space<vmem_shared>>
      tpu.wait_dma2 semaphore(%run_scoped3A : memref<!tpu.dma_semaphore, #tpu.memory_space<semaphore_mem>>) src(%arg8 : memref<128x16xf32, #tpu.memory_space<vmem>>) dst(%dma_wait3A_67 : memref<128x16xf32, #tpu.memory_space<vmem_shared>>)
      tpu.yield
    }) : () -> ()
    "tpu.region"() ({
      %run_scoped3A = tpu.sem_alloc : memref<!tpu.dma_semaphore, #tpu.memory_space<semaphore_mem>>
      %dma_start3A = arith.constant 0 : i32
      %dma_start3A_62 = tpu.memref_slice %arg10[%add3A_22, %dma_start3A] : memref<10240x16xf32, #tpu.memory_space<vmem_shared>> -> memref<128x16xf32, #tpu.memory_space<vmem_shared>>
      %dma_start3A_63 = arith.constant 0 : i32
      %dma_start3A_64 = tpu.memref_slice %arg10[%add3A_22, %dma_start3A_63] : memref<10240x16xf32, #tpu.memory_space<vmem_shared>> -> memref<128x16xf32, #tpu.memory_space<vmem_shared>>
      tpu.enqueue_dma source(%arg8 : memref<128x16xf32, #tpu.memory_space<vmem>>) target(%dma_start3A_64 : memref<128x16xf32, #tpu.memory_space<vmem_shared>>) target_semaphore(%run_scoped3A : memref<!tpu.dma_semaphore, #tpu.memory_space<semaphore_mem>>)
      %dma_wait3A = arith.constant 0 : i32
      %dma_wait3A_65 = tpu.memref_slice %arg10[%add3A_22, %dma_wait3A] : memref<10240x16xf32, #tpu.memory_space<vmem_shared>> -> memref<128x16xf32, #tpu.memory_space<vmem_shared>>
      %dma_wait3A_66 = arith.constant 0 : i32
      %dma_wait3A_67 = tpu.memref_slice %arg10[%add3A_22, %dma_wait3A_66] : memref<10240x16xf32, #tpu.memory_space<vmem_shared>> -> memref<128x16xf32, #tpu.memory_space<vmem_shared>>
      tpu.wait_dma2 semaphore(%run_scoped3A : memref<!tpu.dma_semaphore, #tpu.memory_space<semaphore_mem>>) src(%arg8 : memref<128x16xf32, #tpu.memory_space<vmem>>) dst(%dma_wait3A_67 : memref<128x16xf32, #tpu.memory_space<vmem_shared>>)
      tpu.yield
    }) : () -> ()
    %mul3A_23 = arith.constant 640 : i32
    %mul3A_24 = arith.muli %arg1, %mul3A_23 : i32
    %add3A_25 = arith.constant 512 : i32
    %add3A_26 = arith.addi %mul3A_24, %add3A_25 : i32
    "tpu.region"() ({
      %run_scoped3A = tpu.sem_alloc : memref<!tpu.dma_semaphore, #tpu.memory_space<semaphore_mem>>
      %dma_start3A = arith.constant 0 : i32
      %dma_start3A_62 = tpu.memref_slice %arg9[%add3A_26, %dma_start3A] : memref<10240x16xf32, #tpu.memory_space<vmem_shared>> -> memref<128x16xf32, #tpu.memory_space<vmem_shared>>
      %dma_start3A_63 = arith.constant 0 : i32
      %dma_start3A_64 = tpu.memref_slice %arg9[%add3A_26, %dma_start3A_63] : memref<10240x16xf32, #tpu.memory_space<vmem_shared>> -> memref<128x16xf32, #tpu.memory_space<vmem_shared>>
      tpu.enqueue_dma source(%arg8 : memref<128x16xf32, #tpu.memory_space<vmem>>) target(%dma_start3A_64 : memref<128x16xf32, #tpu.memory_space<vmem_shared>>) target_semaphore(%run_scoped3A : memref<!tpu.dma_semaphore, #tpu.memory_space<semaphore_mem>>)
      %dma_wait3A = arith.constant 0 : i32
      %dma_wait3A_65 = tpu.memref_slice %arg9[%add3A_26, %dma_wait3A] : memref<10240x16xf32, #tpu.memory_space<vmem_shared>> -> memref<128x16xf32, #tpu.memory_space<vmem_shared>>
      %dma_wait3A_66 = arith.constant 0 : i32
      %dma_wait3A_67 = tpu.memref_slice %arg9[%add3A_26, %dma_wait3A_66] : memref<10240x16xf32, #tpu.memory_space<vmem_shared>> -> memref<128x16xf32, #tpu.memory_space<vmem_shared>>
      tpu.wait_dma2 semaphore(%run_scoped3A : memref<!tpu.dma_semaphore, #tpu.memory_space<semaphore_mem>>) src(%arg8 : memref<128x16xf32, #tpu.memory_space<vmem>>) dst(%dma_wait3A_67 : memref<128x16xf32, #tpu.memory_space<vmem_shared>>)
      tpu.yield
    }) : () -> ()
    "tpu.region"() ({
      %run_scoped3A = tpu.sem_alloc : memref<!tpu.dma_semaphore, #tpu.memory_space<semaphore_mem>>
      %dma_start3A = arith.constant 0 : i32
      %dma_start3A_62 = tpu.memref_slice %arg10[%add3A_26, %dma_start3A] : memref<10240x16xf32, #tpu.memory_space<vmem_shared>> -> memref<128x16xf32, #tpu.memory_space<vmem_shared>>
      %dma_start3A_63 = arith.constant 0 : i32
      %dma_start3A_64 = tpu.memref_slice %arg10[%add3A_26, %dma_start3A_63] : memref<10240x16xf32, #tpu.memory_space<vmem_shared>> -> memref<128x16xf32, #tpu.memory_space<vmem_shared>>
      tpu.enqueue_dma source(%arg8 : memref<128x16xf32, #tpu.memory_space<vmem>>) target(%dma_start3A_64 : memref<128x16xf32, #tpu.memory_space<vmem_shared>>) target_semaphore(%run_scoped3A : memref<!tpu.dma_semaphore, #tpu.memory_space<semaphore_mem>>)
      %dma_wait3A = arith.constant 0 : i32
      %dma_wait3A_65 = tpu.memref_slice %arg10[%add3A_26, %dma_wait3A] : memref<10240x16xf32, #tpu.memory_space<vmem_shared>> -> memref<128x16xf32, #tpu.memory_space<vmem_shared>>
      %dma_wait3A_66 = arith.constant 0 : i32
      %dma_wait3A_67 = tpu.memref_slice %arg10[%add3A_26, %dma_wait3A_66] : memref<10240x16xf32, #tpu.memory_space<vmem_shared>> -> memref<128x16xf32, #tpu.memory_space<vmem_shared>>
      tpu.wait_dma2 semaphore(%run_scoped3A : memref<!tpu.dma_semaphore, #tpu.memory_space<semaphore_mem>>) src(%arg8 : memref<128x16xf32, #tpu.memory_space<vmem>>) dst(%dma_wait3A_67 : memref<128x16xf32, #tpu.memory_space<vmem_shared>>)
      tpu.yield
    }) : () -> ()
    %scan3A_27 = arith.constant 0 : i32
    %scan3A_28 = arith.constant 0 : i32
    %scan3A_29 = arith.constant 128 : i32
    %scan3A_30 = arith.addi %scan3A_28, %scan3A_29 : i32
    %scan3A_31 = arith.constant 1 : i32
    %scan3A_32 = scf.for %scan3A_62 = %scan3A_28 to %scan3A_30 step %scan3A_31 iter_args(%scan3A_63 = %scan3A_27) -> (i32)  : i32 {
      %swap3A = arith.index_cast %scan3A_62 : i32 to index
      %swap3A_64 = arith.constant 0 : index
      %swap3A_65 = tpu.vector_load %arg8[%swap3A, %swap3A_64] {strides = array<i32>} : memref<128x16xf32, #tpu.memory_space<vmem>>, vector<1x16xf32>,
      %swap3A_66 = vector.shape_cast %swap3A_65 : vector<1x16xf32> to vector<16xf32>
      %swap3A_67 = vector.shape_cast %broadcast_in_dim3A_2 : vector<16xf32> to vector<1x16xf32>
      tpu.vector_store %arg8[%swap3A, %swap3A_64], %swap3A_67 {strides = array<i32>} : memref<128x16xf32, #tpu.memory_space<vmem>>, vector<1x16xf32>,
      %scan3A_68 = arith.constant 0 : i32
      scf.yield %scan3A_68 : i32
    }
    %scan3A_33 = arith.constant 128 : i32
    %barrier3A = arith.constant 0 : index
    tpu.barrier barrier_id(%barrier3A)
    %eq3A = arith.constant 0 : i32
    %eq3A_34 = arith.cmpi eq, %arg0, %eq3A : i32
    %convert_element_type3A = arith.extui %eq3A_34 : i1 to i32
    %cond3A = arith.constant 0 : i32
    %cond3A_35 = arith.cmpi ne, %convert_element_type3A, %cond3A : i32
    scf.if %cond3A_35 {
      %mul3A_62 = arith.constant 96 : i32
      %mul3A_63 = arith.muli %arg1, %mul3A_62 : i32
      "tpu.region"() ({
        %run_scoped3A = tpu.sem_alloc : memref<!tpu.dma_semaphore, #tpu.memory_space<semaphore_mem>>
        %dma_start3A = arith.constant 0 : i32
        %dma_start3A_71 = arith.constant 0 : i32
        %dma_start3A_72 = tpu.memref_slice %arg6[%dma_start3A, %dma_start3A_71] : memref<96x128xi32, #tpu.memory_space<vmem>> -> memref<96x128xi32, #tpu.memory_space<vmem>>
        %dma_start3A_73 = arith.constant 0 : i32
        %dma_start3A_74 = tpu.memref_slice %arg2[%mul3A_63, %dma_start3A_73] : memref<2560x128xi32, #tpu.memory_space<hbm>> -> memref<96x128xi32, #tpu.memory_space<hbm>>
        %dma_start3A_75 = arith.constant 0 : i32
        %dma_start3A_76 = arith.constant 0 : i32
        %dma_start3A_77 = tpu.memref_slice %arg6[%dma_start3A_75, %dma_start3A_76] : memref<96x128xi32, #tpu.memory_space<vmem>> -> memref<96x128xi32, #tpu.memory_space<vmem>>
        %dma_start3A_78 = arith.constant 0 : i32
        %dma_start3A_79 = tpu.memref_slice %arg2[%mul3A_63, %dma_start3A_78] : memref<2560x128xi32, #tpu.memory_space<hbm>> -> memref<96x128xi32, #tpu.memory_space<hbm>>
        tpu.enqueue_dma source(%dma_start3A_79 : memref<96x128xi32, #tpu.memory_space<hbm>>) target(%dma_start3A_77 : memref<96x128xi32, #tpu.memory_space<vmem>>) target_semaphore(%run_scoped3A : memref<!tpu.dma_semaphore, #tpu.memory_space<semaphore_mem>>)
        %dma_wait3A = arith.constant 0 : i32
        %dma_wait3A_80 = arith.constant 0 : i32
        %dma_wait3A_81 = tpu.memref_slice %arg6[%dma_wait3A, %dma_wait3A_80] : memref<96x128xi32, #tpu.memory_space<vmem>> -> memref<96x128xi32, #tpu.memory_space<vmem>>
        %dma_wait3A_82 = arith.constant 0 : i32
        %dma_wait3A_83 = tpu.memref_slice %arg2[%mul3A_63, %dma_wait3A_82] : memref<2560x128xi32, #tpu.memory_space<hbm>> -> memref<96x128xi32, #tpu.memory_space<hbm>>
        %dma_wait3A_84 = arith.constant 0 : i32
        %dma_wait3A_85 = arith.constant 0 : i32
        %dma_wait3A_86 = tpu.memref_slice %arg6[%dma_wait3A_84, %dma_wait3A_85] : memref<96x128xi32, #tpu.memory_space<vmem>> -> memref<96x128xi32, #tpu.memory_space<vmem>>
        %dma_wait3A_87 = arith.constant 0 : i32
        %dma_wait3A_88 = tpu.memref_slice %arg2[%mul3A_63, %dma_wait3A_87] : memref<2560x128xi32, #tpu.memory_space<hbm>> -> memref<96x128xi32, #tpu.memory_space<hbm>>
        tpu.wait_dma2 semaphore(%run_scoped3A : memref<!tpu.dma_semaphore, #tpu.memory_space<semaphore_mem>>) src(%dma_wait3A_88 : memref<96x128xi32, #tpu.memory_space<hbm>>) dst(%dma_wait3A_86 : memref<96x128xi32, #tpu.memory_space<vmem>>)
        tpu.yield
      }) : () -> ()
      "tpu.region"() ({
        %run_scoped3A = tpu.sem_alloc : memref<!tpu.dma_semaphore, #tpu.memory_space<semaphore_mem>>
        %dma_start3A = arith.constant 0 : i32
        %dma_start3A_71 = arith.constant 0 : i32
        %dma_start3A_72 = tpu.memref_slice %arg7[%dma_start3A, %dma_start3A_71] : memref<96x128xi32, #tpu.memory_space<vmem>> -> memref<96x128xi32, #tpu.memory_space<vmem>>
        %dma_start3A_73 = arith.constant 0 : i32
        %dma_start3A_74 = tpu.memref_slice %arg3[%mul3A_63, %dma_start3A_73] : memref<2560x128xi32, #tpu.memory_space<hbm>> -> memref<96x128xi32, #tpu.memory_space<hbm>>
        %dma_start3A_75 = arith.constant 0 : i32
        %dma_start3A_76 = arith.constant 0 : i32
        %dma_start3A_77 = tpu.memref_slice %arg7[%dma_start3A_75, %dma_start3A_76] : memref<96x128xi32, #tpu.memory_space<vmem>> -> memref<96x128xi32, #tpu.memory_space<vmem>>
        %dma_start3A_78 = arith.constant 0 : i32
        %dma_start3A_79 = tpu.memref_slice %arg3[%mul3A_63, %dma_start3A_78] : memref<2560x128xi32, #tpu.memory_space<hbm>> -> memref<96x128xi32, #tpu.memory_space<hbm>>
        tpu.enqueue_dma source(%dma_start3A_79 : memref<96x128xi32, #tpu.memory_space<hbm>>) target(%dma_start3A_77 : memref<96x128xi32, #tpu.memory_space<vmem>>) target_semaphore(%run_scoped3A : memref<!tpu.dma_semaphore, #tpu.memory_space<semaphore_mem>>)
        %dma_wait3A = arith.constant 0 : i32
        %dma_wait3A_80 = arith.constant 0 : i32
        %dma_wait3A_81 = tpu.memref_slice %arg7[%dma_wait3A, %dma_wait3A_80] : memref<96x128xi32, #tpu.memory_space<vmem>> -> memref<96x128xi32, #tpu.memory_space<vmem>>
        %dma_wait3A_82 = arith.constant 0 : i32
        %dma_wait3A_83 = tpu.memref_slice %arg3[%mul3A_63, %dma_wait3A_82] : memref<2560x128xi32, #tpu.memory_space<hbm>> -> memref<96x128xi32, #tpu.memory_space<hbm>>
        %dma_wait3A_84 = arith.constant 0 : i32
        %dma_wait3A_85 = arith.constant 0 : i32
        %dma_wait3A_86 = tpu.memref_slice %arg7[%dma_wait3A_84, %dma_wait3A_85] : memref<96x128xi32, #tpu.memory_space<vmem>> -> memref<96x128xi32, #tpu.memory_space<vmem>>
        %dma_wait3A_87 = arith.constant 0 : i32
        %dma_wait3A_88 = tpu.memref_slice %arg3[%mul3A_63, %dma_wait3A_87] : memref<2560x128xi32, #tpu.memory_space<hbm>> -> memref<96x128xi32, #tpu.memory_space<hbm>>
        tpu.wait_dma2 semaphore(%run_scoped3A : memref<!tpu.dma_semaphore, #tpu.memory_space<semaphore_mem>>) src(%dma_wait3A_88 : memref<96x128xi32, #tpu.memory_space<hbm>>) dst(%dma_wait3A_86 : memref<96x128xi32, #tpu.memory_space<vmem>>)
        tpu.yield
      }) : () -> ()
      %scan3A_64 = arith.constant 0 : i32
      %scan3A_65 = arith.constant 0 : i32
      %scan3A_66 = arith.constant 12 : i32
      %scan3A_67 = arith.addi %scan3A_65, %scan3A_66 : i32
      %scan3A_68 = arith.constant 1 : i32
      %scan3A_69 = scf.for %scan3A_71 = %scan3A_65 to %scan3A_67 step %scan3A_68 iter_args(%scan3A_72 = %scan3A_64) -> (i32)  : i32 {
        %mul3A_73 = arith.constant 8 : i32
        %mul3A_74 = arith.muli %scan3A_71, %mul3A_73 : i32
        %add3A_75 = arith.constant 0 : i32
        %add3A_76 = arith.addi %mul3A_74, %add3A_75 : i32
        %dma_start3A = arith.constant 0 : i32
        %dma_start3A_77 = tpu.memref_slice %arg6[%add3A_76, %dma_start3A] : memref<96x128xi32, #tpu.memory_space<vmem>> -> memref<1x128xi32, #tpu.memory_space<vmem>>
        %dma_start3A_78 = tpu.memref_squeeze %dma_start3A_77 : memref<1x128xi32, #tpu.memory_space<vmem>> -> memref<128xi32, #tpu.memory_space<vmem>>
        %dma_start3A_79 = arith.constant 0 : i32
        %dma_start3A_80 = arith.constant 0 : i32
        %dma_start3A_81 = tpu.memref_slice %arg9[%dma_start3A_79, %dma_start3A_80] : memref<10240x16xf32, #tpu.memory_space<vmem_shared>> -> memref<10240x16xf32, #tpu.memory_space<vmem_shared>>
        tpu.enqueue_indirect_dma source(%arg8 : memref<128x16xf32, #tpu.memory_space<vmem>>) target(%dma_start3A_81 : memref<10240x16xf32, #tpu.memory_space<vmem_shared>>) offsets(%dma_start3A_78 : memref<128xi32, #tpu.memory_space<vmem>>) semaphore(%arg11 : memref<!tpu.dma_semaphore, #tpu.memory_space<semaphore_mem>>) {add = true}
        %mul3A_82 = arith.constant 8 : i32
        %mul3A_83 = arith.muli %scan3A_71, %mul3A_82 : i32
        %add3A_84 = arith.constant 0 : i32
        %add3A_85 = arith.addi %mul3A_83, %add3A_84 : i32
        %dma_start3A_86 = arith.constant 0 : i32
        %dma_start3A_87 = tpu.memref_slice %arg7[%add3A_85, %dma_start3A_86] : memref<96x128xi32, #tpu.memory_space<vmem>> -> memref<1x128xi32, #tpu.memory_space<vmem>>
        %dma_start3A_88 = tpu.memref_squeeze %dma_start3A_87 : memref<1x128xi32, #tpu.memory_space<vmem>> -> memref<128xi32, #tpu.memory_space<vmem>>
        %dma_start3A_89 = arith.constant 0 : i32
        %dma_start3A_90 = arith.constant 0 : i32
        %dma_start3A_91 = tpu.memref_slice %arg10[%dma_start3A_89, %dma_start3A_90] : memref<10240x16xf32, #tpu.memory_space<vmem_shared>> -> memref<10240x16xf32, #tpu.memory_space<vmem_shared>>
        tpu.enqueue_indirect_dma source(%arg8 : memref<128x16xf32, #tpu.memory_space<vmem>>) target(%dma_start3A_91 : memref<10240x16xf32, #tpu.memory_space<vmem_shared>>) offsets(%dma_start3A_88 : memref<128xi32, #tpu.memory_space<vmem>>) semaphore(%arg12 : memref<!tpu.dma_semaphore, #tpu.memory_space<semaphore_mem>>) {add = true}
        %mul3A_92 = arith.constant 8 : i32
        %mul3A_93 = arith.muli %scan3A_71, %mul3A_92 : i32
        %add3A_94 = arith.constant 1 : i32
        %add3A_95 = arith.addi %mul3A_93, %add3A_94 : i32
        %dma_start3A_96 = arith.constant 0 : i32
        %dma_start3A_97 = tpu.memref_slice %arg6[%add3A_95, %dma_start3A_96] : memref<96x128xi32, #tpu.memory_space<vmem>> -> memref<1x128xi32, #tpu.memory_space<vmem>>
        %dma_start3A_98 = tpu.memref_squeeze %dma_start3A_97 : memref<1x128xi32, #tpu.memory_space<vmem>> -> memref<128xi32, #tpu.memory_space<vmem>>
        %dma_start3A_99 = arith.constant 0 : i32
        %dma_start3A_100 = arith.constant 0 : i32
        %dma_start3A_101 = tpu.memref_slice %arg9[%dma_start3A_99, %dma_start3A_100] : memref<10240x16xf32, #tpu.memory_space<vmem_shared>> -> memref<10240x16xf32, #tpu.memory_space<vmem_shared>>
        tpu.enqueue_indirect_dma source(%arg8 : memref<128x16xf32, #tpu.memory_space<vmem>>) target(%dma_start3A_101 : memref<10240x16xf32, #tpu.memory_space<vmem_shared>>) offsets(%dma_start3A_98 : memref<128xi32, #tpu.memory_space<vmem>>) semaphore(%arg11 : memref<!tpu.dma_semaphore, #tpu.memory_space<semaphore_mem>>) {add = true}
        %mul3A_102 = arith.constant 8 : i32
        %mul3A_103 = arith.muli %scan3A_71, %mul3A_102 : i32
        %add3A_104 = arith.constant 1 : i32
        %add3A_105 = arith.addi %mul3A_103, %add3A_104 : i32
        %dma_start3A_106 = arith.constant 0 : i32
        %dma_start3A_107 = tpu.memref_slice %arg7[%add3A_105, %dma_start3A_106] : memref<96x128xi32, #tpu.memory_space<vmem>> -> memref<1x128xi32, #tpu.memory_space<vmem>>
        %dma_start3A_108 = tpu.memref_squeeze %dma_start3A_107 : memref<1x128xi32, #tpu.memory_space<vmem>> -> memref<128xi32, #tpu.memory_space<vmem>>
        %dma_start3A_109 = arith.constant 0 : i32
        %dma_start3A_110 = arith.constant 0 : i32
        %dma_start3A_111 = tpu.memref_slice %arg10[%dma_start3A_109, %dma_start3A_110] : memref<10240x16xf32, #tpu.memory_space<vmem_shared>> -> memref<10240x16xf32, #tpu.memory_space<vmem_shared>>
        tpu.enqueue_indirect_dma source(%arg8 : memref<128x16xf32, #tpu.memory_space<vmem>>) target(%dma_start3A_111 : memref<10240x16xf32, #tpu.memory_space<vmem_shared>>) offsets(%dma_start3A_108 : memref<128xi32, #tpu.memory_space<vmem>>) semaphore(%arg12 : memref<!tpu.dma_semaphore, #tpu.memory_space<semaphore_mem>>) {add = true}
        %mul3A_112 = arith.constant 8 : i32
        %mul3A_113 = arith.muli %scan3A_71, %mul3A_112 : i32
        %add3A_114 = arith.constant 2 : i32
        %add3A_115 = arith.addi %mul3A_113, %add3A_114 : i32
        %dma_start3A_116 = arith.constant 0 : i32
        %dma_start3A_117 = tpu.memref_slice %arg6[%add3A_115, %dma_start3A_116] : memref<96x128xi32, #tpu.memory_space<vmem>> -> memref<1x128xi32, #tpu.memory_space<vmem>>
        %dma_start3A_118 = tpu.memref_squeeze %dma_start3A_117 : memref<1x128xi32, #tpu.memory_space<vmem>> -> memref<128xi32, #tpu.memory_space<vmem>>
        %dma_start3A_119 = arith.constant 0 : i32
        %dma_start3A_120 = arith.constant 0 : i32
        %dma_start3A_121 = tpu.memref_slice %arg9[%dma_start3A_119, %dma_start3A_120] : memref<10240x16xf32, #tpu.memory_space<vmem_shared>> -> memref<10240x16xf32, #tpu.memory_space<vmem_shared>>
        tpu.enqueue_indirect_dma source(%arg8 : memref<128x16xf32, #tpu.memory_space<vmem>>) target(%dma_start3A_121 : memref<10240x16xf32, #tpu.memory_space<vmem_shared>>) offsets(%dma_start3A_118 : memref<128xi32, #tpu.memory_space<vmem>>) semaphore(%arg11 : memref<!tpu.dma_semaphore, #tpu.memory_space<semaphore_mem>>) {add = true}
        %mul3A_122 = arith.constant 8 : i32
        %mul3A_123 = arith.muli %scan3A_71, %mul3A_122 : i32
        %add3A_124 = arith.constant 2 : i32
        %add3A_125 = arith.addi %mul3A_123, %add3A_124 : i32
        %dma_start3A_126 = arith.constant 0 : i32
        %dma_start3A_127 = tpu.memref_slice %arg7[%add3A_125, %dma_start3A_126] : memref<96x128xi32, #tpu.memory_space<vmem>> -> memref<1x128xi32, #tpu.memory_space<vmem>>
        %dma_start3A_128 = tpu.memref_squeeze %dma_start3A_127 : memref<1x128xi32, #tpu.memory_space<vmem>> -> memref<128xi32, #tpu.memory_space<vmem>>
        %dma_start3A_129 = arith.constant 0 : i32
        %dma_start3A_130 = arith.constant 0 : i32
        %dma_start3A_131 = tpu.memref_slice %arg10[%dma_start3A_129, %dma_start3A_130] : memref<10240x16xf32, #tpu.memory_space<vmem_shared>> -> memref<10240x16xf32, #tpu.memory_space<vmem_shared>>
        tpu.enqueue_indirect_dma source(%arg8 : memref<128x16xf32, #tpu.memory_space<vmem>>) target(%dma_start3A_131 : memref<10240x16xf32, #tpu.memory_space<vmem_shared>>) offsets(%dma_start3A_128 : memref<128xi32, #tpu.memory_space<vmem>>) semaphore(%arg12 : memref<!tpu.dma_semaphore, #tpu.memory_space<semaphore_mem>>) {add = true}
        %mul3A_132 = arith.constant 8 : i32
        %mul3A_133 = arith.muli %scan3A_71, %mul3A_132 : i32
        %add3A_134 = arith.constant 3 : i32
        %add3A_135 = arith.addi %mul3A_133, %add3A_134 : i32
        %dma_start3A_136 = arith.constant 0 : i32
        %dma_start3A_137 = tpu.memref_slice %arg6[%add3A_135, %dma_start3A_136] : memref<96x128xi32, #tpu.memory_space<vmem>> -> memref<1x128xi32, #tpu.memory_space<vmem>>
        %dma_start3A_138 = tpu.memref_squeeze %dma_start3A_137 : memref<1x128xi32, #tpu.memory_space<vmem>> -> memref<128xi32, #tpu.memory_space<vmem>>
        %dma_start3A_139 = arith.constant 0 : i32
        %dma_start3A_140 = arith.constant 0 : i32
        %dma_start3A_141 = tpu.memref_slice %arg9[%dma_start3A_139, %dma_start3A_140] : memref<10240x16xf32, #tpu.memory_space<vmem_shared>> -> memref<10240x16xf32, #tpu.memory_space<vmem_shared>>
        tpu.enqueue_indirect_dma source(%arg8 : memref<128x16xf32, #tpu.memory_space<vmem>>) target(%dma_start3A_141 : memref<10240x16xf32, #tpu.memory_space<vmem_shared>>) offsets(%dma_start3A_138 : memref<128xi32, #tpu.memory_space<vmem>>) semaphore(%arg11 : memref<!tpu.dma_semaphore, #tpu.memory_space<semaphore_mem>>) {add = true}
        %mul3A_142 = arith.constant 8 : i32
        %mul3A_143 = arith.muli %scan3A_71, %mul3A_142 : i32
        %add3A_144 = arith.constant 3 : i32
        %add3A_145 = arith.addi %mul3A_143, %add3A_144 : i32
        %dma_start3A_146 = arith.constant 0 : i32
        %dma_start3A_147 = tpu.memref_slice %arg7[%add3A_145, %dma_start3A_146] : memref<96x128xi32, #tpu.memory_space<vmem>> -> memref<1x128xi32, #tpu.memory_space<vmem>>
        %dma_start3A_148 = tpu.memref_squeeze %dma_start3A_147 : memref<1x128xi32, #tpu.memory_space<vmem>> -> memref<128xi32, #tpu.memory_space<vmem>>
        %dma_start3A_149 = arith.constant 0 : i32
        %dma_start3A_150 = arith.constant 0 : i32
        %dma_start3A_151 = tpu.memref_slice %arg10[%dma_start3A_149, %dma_start3A_150] : memref<10240x16xf32, #tpu.memory_space<vmem_shared>> -> memref<10240x16xf32, #tpu.memory_space<vmem_shared>>
        tpu.enqueue_indirect_dma source(%arg8 : memref<128x16xf32, #tpu.memory_space<vmem>>) target(%dma_start3A_151 : memref<10240x16xf32, #tpu.memory_space<vmem_shared>>) offsets(%dma_start3A_148 : memref<128xi32, #tpu.memory_space<vmem>>) semaphore(%arg12 : memref<!tpu.dma_semaphore, #tpu.memory_space<semaphore_mem>>) {add = true}
        %mul3A_152 = arith.constant 8 : i32
        %mul3A_153 = arith.muli %scan3A_71, %mul3A_152 : i32
        %add3A_154 = arith.constant 4 : i32
        %add3A_155 = arith.addi %mul3A_153, %add3A_154 : i32
        %dma_start3A_156 = arith.constant 0 : i32
        %dma_start3A_157 = tpu.memref_slice %arg6[%add3A_155, %dma_start3A_156] : memref<96x128xi32, #tpu.memory_space<vmem>> -> memref<1x128xi32, #tpu.memory_space<vmem>>
        %dma_start3A_158 = tpu.memref_squeeze %dma_start3A_157 : memref<1x128xi32, #tpu.memory_space<vmem>> -> memref<128xi32, #tpu.memory_space<vmem>>
        %dma_start3A_159 = arith.constant 0 : i32
        %dma_start3A_160 = arith.constant 0 : i32
        %dma_start3A_161 = tpu.memref_slice %arg9[%dma_start3A_159, %dma_start3A_160] : memref<10240x16xf32, #tpu.memory_space<vmem_shared>> -> memref<10240x16xf32, #tpu.memory_space<vmem_shared>>
        tpu.enqueue_indirect_dma source(%arg8 : memref<128x16xf32, #tpu.memory_space<vmem>>) target(%dma_start3A_161 : memref<10240x16xf32, #tpu.memory_space<vmem_shared>>) offsets(%dma_start3A_158 : memref<128xi32, #tpu.memory_space<vmem>>) semaphore(%arg11 : memref<!tpu.dma_semaphore, #tpu.memory_space<semaphore_mem>>) {add = true}
        %mul3A_162 = arith.constant 8 : i32
        %mul3A_163 = arith.muli %scan3A_71, %mul3A_162 : i32
        %add3A_164 = arith.constant 4 : i32
        %add3A_165 = arith.addi %mul3A_163, %add3A_164 : i32
        %dma_start3A_166 = arith.constant 0 : i32
        %dma_start3A_167 = tpu.memref_slice %arg7[%add3A_165, %dma_start3A_166] : memref<96x128xi32, #tpu.memory_space<vmem>> -> memref<1x128xi32, #tpu.memory_space<vmem>>
        %dma_start3A_168 = tpu.memref_squeeze %dma_start3A_167 : memref<1x128xi32, #tpu.memory_space<vmem>> -> memref<128xi32, #tpu.memory_space<vmem>>
        %dma_start3A_169 = arith.constant 0 : i32
        %dma_start3A_170 = arith.constant 0 : i32
        %dma_start3A_171 = tpu.memref_slice %arg10[%dma_start3A_169, %dma_start3A_170] : memref<10240x16xf32, #tpu.memory_space<vmem_shared>> -> memref<10240x16xf32, #tpu.memory_space<vmem_shared>>
        tpu.enqueue_indirect_dma source(%arg8 : memref<128x16xf32, #tpu.memory_space<vmem>>) target(%dma_start3A_171 : memref<10240x16xf32, #tpu.memory_space<vmem_shared>>) offsets(%dma_start3A_168 : memref<128xi32, #tpu.memory_space<vmem>>) semaphore(%arg12 : memref<!tpu.dma_semaphore, #tpu.memory_space<semaphore_mem>>) {add = true}
        %mul3A_172 = arith.constant 8 : i32
        %mul3A_173 = arith.muli %scan3A_71, %mul3A_172 : i32
        %add3A_174 = arith.constant 5 : i32
        %add3A_175 = arith.addi %mul3A_173, %add3A_174 : i32
        %dma_start3A_176 = arith.constant 0 : i32
        %dma_start3A_177 = tpu.memref_slice %arg6[%add3A_175, %dma_start3A_176] : memref<96x128xi32, #tpu.memory_space<vmem>> -> memref<1x128xi32, #tpu.memory_space<vmem>>
        %dma_start3A_178 = tpu.memref_squeeze %dma_start3A_177 : memref<1x128xi32, #tpu.memory_space<vmem>> -> memref<128xi32, #tpu.memory_space<vmem>>
        %dma_start3A_179 = arith.constant 0 : i32
        %dma_start3A_180 = arith.constant 0 : i32
        %dma_start3A_181 = tpu.memref_slice %arg9[%dma_start3A_179, %dma_start3A_180] : memref<10240x16xf32, #tpu.memory_space<vmem_shared>> -> memref<10240x16xf32, #tpu.memory_space<vmem_shared>>
        tpu.enqueue_indirect_dma source(%arg8 : memref<128x16xf32, #tpu.memory_space<vmem>>) target(%dma_start3A_181 : memref<10240x16xf32, #tpu.memory_space<vmem_shared>>) offsets(%dma_start3A_178 : memref<128xi32, #tpu.memory_space<vmem>>) semaphore(%arg11 : memref<!tpu.dma_semaphore, #tpu.memory_space<semaphore_mem>>) {add = true}
        %mul3A_182 = arith.constant 8 : i32
        %mul3A_183 = arith.muli %scan3A_71, %mul3A_182 : i32
        %add3A_184 = arith.constant 5 : i32
        %add3A_185 = arith.addi %mul3A_183, %add3A_184 : i32
        %dma_start3A_186 = arith.constant 0 : i32
        %dma_start3A_187 = tpu.memref_slice %arg7[%add3A_185, %dma_start3A_186] : memref<96x128xi32, #tpu.memory_space<vmem>> -> memref<1x128xi32, #tpu.memory_space<vmem>>
        %dma_start3A_188 = tpu.memref_squeeze %dma_start3A_187 : memref<1x128xi32, #tpu.memory_space<vmem>> -> memref<128xi32, #tpu.memory_space<vmem>>
        %dma_start3A_189 = arith.constant 0 : i32
        %dma_start3A_190 = arith.constant 0 : i32
        %dma_start3A_191 = tpu.memref_slice %arg10[%dma_start3A_189, %dma_start3A_190] : memref<10240x16xf32, #tpu.memory_space<vmem_shared>> -> memref<10240x16xf32, #tpu.memory_space<vmem_shared>>
        tpu.enqueue_indirect_dma source(%arg8 : memref<128x16xf32, #tpu.memory_space<vmem>>) target(%dma_start3A_191 : memref<10240x16xf32, #tpu.memory_space<vmem_shared>>) offsets(%dma_start3A_188 : memref<128xi32, #tpu.memory_space<vmem>>) semaphore(%arg12 : memref<!tpu.dma_semaphore, #tpu.memory_space<semaphore_mem>>) {add = true}
        %mul3A_192 = arith.constant 8 : i32
        %mul3A_193 = arith.muli %scan3A_71, %mul3A_192 : i32
        %add3A_194 = arith.constant 6 : i32
        %add3A_195 = arith.addi %mul3A_193, %add3A_194 : i32
        %dma_start3A_196 = arith.constant 0 : i32
        %dma_start3A_197 = tpu.memref_slice %arg6[%add3A_195, %dma_start3A_196] : memref<96x128xi32, #tpu.memory_space<vmem>> -> memref<1x128xi32, #tpu.memory_space<vmem>>
        %dma_start3A_198 = tpu.memref_squeeze %dma_start3A_197 : memref<1x128xi32, #tpu.memory_space<vmem>> -> memref<128xi32, #tpu.memory_space<vmem>>
        %dma_start3A_199 = arith.constant 0 : i32
        %dma_start3A_200 = arith.constant 0 : i32
        %dma_start3A_201 = tpu.memref_slice %arg9[%dma_start3A_199, %dma_start3A_200] : memref<10240x16xf32, #tpu.memory_space<vmem_shared>> -> memref<10240x16xf32, #tpu.memory_space<vmem_shared>>
        tpu.enqueue_indirect_dma source(%arg8 : memref<128x16xf32, #tpu.memory_space<vmem>>) target(%dma_start3A_201 : memref<10240x16xf32, #tpu.memory_space<vmem_shared>>) offsets(%dma_start3A_198 : memref<128xi32, #tpu.memory_space<vmem>>) semaphore(%arg11 : memref<!tpu.dma_semaphore, #tpu.memory_space<semaphore_mem>>) {add = true}
        %mul3A_202 = arith.constant 8 : i32
        %mul3A_203 = arith.muli %scan3A_71, %mul3A_202 : i32
        %add3A_204 = arith.constant 6 : i32
        %add3A_205 = arith.addi %mul3A_203, %add3A_204 : i32
        %dma_start3A_206 = arith.constant 0 : i32
        %dma_start3A_207 = tpu.memref_slice %arg7[%add3A_205, %dma_start3A_206] : memref<96x128xi32, #tpu.memory_space<vmem>> -> memref<1x128xi32, #tpu.memory_space<vmem>>
        %dma_start3A_208 = tpu.memref_squeeze %dma_start3A_207 : memref<1x128xi32, #tpu.memory_space<vmem>> -> memref<128xi32, #tpu.memory_space<vmem>>
        %dma_start3A_209 = arith.constant 0 : i32
        %dma_start3A_210 = arith.constant 0 : i32
        %dma_start3A_211 = tpu.memref_slice %arg10[%dma_start3A_209, %dma_start3A_210] : memref<10240x16xf32, #tpu.memory_space<vmem_shared>> -> memref<10240x16xf32, #tpu.memory_space<vmem_shared>>
        tpu.enqueue_indirect_dma source(%arg8 : memref<128x16xf32, #tpu.memory_space<vmem>>) target(%dma_start3A_211 : memref<10240x16xf32, #tpu.memory_space<vmem_shared>>) offsets(%dma_start3A_208 : memref<128xi32, #tpu.memory_space<vmem>>) semaphore(%arg12 : memref<!tpu.dma_semaphore, #tpu.memory_space<semaphore_mem>>) {add = true}
        %mul3A_212 = arith.constant 8 : i32
        %mul3A_213 = arith.muli %scan3A_71, %mul3A_212 : i32
        %add3A_214 = arith.constant 7 : i32
        %add3A_215 = arith.addi %mul3A_213, %add3A_214 : i32
        %dma_start3A_216 = arith.constant 0 : i32
        %dma_start3A_217 = tpu.memref_slice %arg6[%add3A_215, %dma_start3A_216] : memref<96x128xi32, #tpu.memory_space<vmem>> -> memref<1x128xi32, #tpu.memory_space<vmem>>
        %dma_start3A_218 = tpu.memref_squeeze %dma_start3A_217 : memref<1x128xi32, #tpu.memory_space<vmem>> -> memref<128xi32, #tpu.memory_space<vmem>>
        %dma_start3A_219 = arith.constant 0 : i32
        %dma_start3A_220 = arith.constant 0 : i32
        %dma_start3A_221 = tpu.memref_slice %arg9[%dma_start3A_219, %dma_start3A_220] : memref<10240x16xf32, #tpu.memory_space<vmem_shared>> -> memref<10240x16xf32, #tpu.memory_space<vmem_shared>>
        tpu.enqueue_indirect_dma source(%arg8 : memref<128x16xf32, #tpu.memory_space<vmem>>) target(%dma_start3A_221 : memref<10240x16xf32, #tpu.memory_space<vmem_shared>>) offsets(%dma_start3A_218 : memref<128xi32, #tpu.memory_space<vmem>>) semaphore(%arg11 : memref<!tpu.dma_semaphore, #tpu.memory_space<semaphore_mem>>) {add = true}
        %mul3A_222 = arith.constant 8 : i32
        %mul3A_223 = arith.muli %scan3A_71, %mul3A_222 : i32
        %add3A_224 = arith.constant 7 : i32
        %add3A_225 = arith.addi %mul3A_223, %add3A_224 : i32
        %dma_start3A_226 = arith.constant 0 : i32
        %dma_start3A_227 = tpu.memref_slice %arg7[%add3A_225, %dma_start3A_226] : memref<96x128xi32, #tpu.memory_space<vmem>> -> memref<1x128xi32, #tpu.memory_space<vmem>>
        %dma_start3A_228 = tpu.memref_squeeze %dma_start3A_227 : memref<1x128xi32, #tpu.memory_space<vmem>> -> memref<128xi32, #tpu.memory_space<vmem>>
        %dma_start3A_229 = arith.constant 0 : i32
        %dma_start3A_230 = arith.constant 0 : i32
        %dma_start3A_231 = tpu.memref_slice %arg10[%dma_start3A_229, %dma_start3A_230] : memref<10240x16xf32, #tpu.memory_space<vmem_shared>> -> memref<10240x16xf32, #tpu.memory_space<vmem_shared>>
        tpu.enqueue_indirect_dma source(%arg8 : memref<128x16xf32, #tpu.memory_space<vmem>>) target(%dma_start3A_231 : memref<10240x16xf32, #tpu.memory_space<vmem_shared>>) offsets(%dma_start3A_228 : memref<128xi32, #tpu.memory_space<vmem>>) semaphore(%arg12 : memref<!tpu.dma_semaphore, #tpu.memory_space<semaphore_mem>>) {add = true}
        %dma_wait3A = arith.constant 0 : i32
        %dma_wait3A_232 = arith.constant 0 : i32
        %dma_wait3A_233 = tpu.memref_slice %arg6[%dma_wait3A, %dma_wait3A_232] : memref<96x128xi32, #tpu.memory_space<vmem>> -> memref<1x128xi32, #tpu.memory_space<vmem>>
        %dma_wait3A_234 = tpu.memref_squeeze %dma_wait3A_233 : memref<1x128xi32, #tpu.memory_space<vmem>> -> memref<128xi32, #tpu.memory_space<vmem>>
        %dma_wait3A_235 = arith.constant 0 : i32
        %dma_wait3A_236 = arith.constant 0 : i32
        %dma_wait3A_237 = tpu.memref_slice %arg9[%dma_wait3A_235, %dma_wait3A_236] : memref<10240x16xf32, #tpu.memory_space<vmem_shared>> -> memref<10240x16xf32, #tpu.memory_space<vmem_shared>>
        tpu.wait_indirect_dma semaphore(%arg11 : memref<!tpu.dma_semaphore, #tpu.memory_space<semaphore_mem>>) src(%arg8 : memref<128x16xf32, #tpu.memory_space<vmem>>) dst(%dma_wait3A_237 : memref<10240x16xf32, #tpu.memory_space<vmem_shared>>)
        %dma_wait3A_238 = arith.constant 0 : i32
        %dma_wait3A_239 = arith.constant 0 : i32
        %dma_wait3A_240 = tpu.memref_slice %arg7[%dma_wait3A_238, %dma_wait3A_239] : memref<96x128xi32, #tpu.memory_space<vmem>> -> memref<1x128xi32, #tpu.memory_space<vmem>>
        %dma_wait3A_241 = tpu.memref_squeeze %dma_wait3A_240 : memref<1x128xi32, #tpu.memory_space<vmem>> -> memref<128xi32, #tpu.memory_space<vmem>>
        %dma_wait3A_242 = arith.constant 0 : i32
        %dma_wait3A_243 = arith.constant 0 : i32
        %dma_wait3A_244 = tpu.memref_slice %arg10[%dma_wait3A_242, %dma_wait3A_243] : memref<10240x16xf32, #tpu.memory_space<vmem_shared>> -> memref<10240x16xf32, #tpu.memory_space<vmem_shared>>
        tpu.wait_indirect_dma semaphore(%arg12 : memref<!tpu.dma_semaphore, #tpu.memory_space<semaphore_mem>>) src(%arg8 : memref<128x16xf32, #tpu.memory_space<vmem>>) dst(%dma_wait3A_244 : memref<10240x16xf32, #tpu.memory_space<vmem_shared>>)
        %dma_wait3A_245 = arith.constant 0 : i32
        %dma_wait3A_246 = arith.constant 0 : i32
        %dma_wait3A_247 = tpu.memref_slice %arg6[%dma_wait3A_245, %dma_wait3A_246] : memref<96x128xi32, #tpu.memory_space<vmem>> -> memref<1x128xi32, #tpu.memory_space<vmem>>
        %dma_wait3A_248 = tpu.memref_squeeze %dma_wait3A_247 : memref<1x128xi32, #tpu.memory_space<vmem>> -> memref<128xi32, #tpu.memory_space<vmem>>
        %dma_wait3A_249 = arith.constant 0 : i32
        %dma_wait3A_250 = arith.constant 0 : i32
        %dma_wait3A_251 = tpu.memref_slice %arg9[%dma_wait3A_249, %dma_wait3A_250] : memref<10240x16xf32, #tpu.memory_space<vmem_shared>> -> memref<10240x16xf32, #tpu.memory_space<vmem_shared>>
        tpu.wait_indirect_dma semaphore(%arg11 : memref<!tpu.dma_semaphore, #tpu.memory_space<semaphore_mem>>) src(%arg8 : memref<128x16xf32, #tpu.memory_space<vmem>>) dst(%dma_wait3A_251 : memref<10240x16xf32, #tpu.memory_space<vmem_shared>>)
        %dma_wait3A_252 = arith.constant 0 : i32
        %dma_wait3A_253 = arith.constant 0 : i32
        %dma_wait3A_254 = tpu.memref_slice %arg7[%dma_wait3A_252, %dma_wait3A_253] : memref<96x128xi32, #tpu.memory_space<vmem>> -> memref<1x128xi32, #tpu.memory_space<vmem>>
        %dma_wait3A_255 = tpu.memref_squeeze %dma_wait3A_254 : memref<1x128xi32, #tpu.memory_space<vmem>> -> memref<128xi32, #tpu.memory_space<vmem>>
        %dma_wait3A_256 = arith.constant 0 : i32
        %dma_wait3A_257 = arith.constant 0 : i32
        %dma_wait3A_258 = tpu.memref_slice %arg10[%dma_wait3A_256, %dma_wait3A_257] : memref<10240x16xf32, #tpu.memory_space<vmem_shared>> -> memref<10240x16xf32, #tpu.memory_space<vmem_shared>>
        tpu.wait_indirect_dma semaphore(%arg12 : memref<!tpu.dma_semaphore, #tpu.memory_space<semaphore_mem>>) src(%arg8 : memref<128x16xf32, #tpu.memory_space<vmem>>) dst(%dma_wait3A_258 : memref<10240x16xf32, #tpu.memory_space<vmem_shared>>)
        %dma_wait3A_259 = arith.constant 0 : i32
        %dma_wait3A_260 = arith.constant 0 : i32
        %dma_wait3A_261 = tpu.memref_slice %arg6[%dma_wait3A_259, %dma_wait3A_260] : memref<96x128xi32, #tpu.memory_space<vmem>> -> memref<1x128xi32, #tpu.memory_space<vmem>>
        %dma_wait3A_262 = tpu.memref_squeeze %dma_wait3A_261 : memref<1x128xi32, #tpu.memory_space<vmem>> -> memref<128xi32, #tpu.memory_space<vmem>>
        %dma_wait3A_263 = arith.constant 0 : i32
        %dma_wait3A_264 = arith.constant 0 : i32
        %dma_wait3A_265 = tpu.memref_slice %arg9[%dma_wait3A_263, %dma_wait3A_264] : memref<10240x16xf32, #tpu.memory_space<vmem_shared>> -> memref<10240x16xf32, #tpu.memory_space<vmem_shared>>
        tpu.wait_indirect_dma semaphore(%arg11 : memref<!tpu.dma_semaphore, #tpu.memory_space<semaphore_mem>>) src(%arg8 : memref<128x16xf32, #tpu.memory_space<vmem>>) dst(%dma_wait3A_265 : memref<10240x16xf32, #tpu.memory_space<vmem_shared>>)
        %dma_wait3A_266 = arith.constant 0 : i32
        %dma_wait3A_267 = arith.constant 0 : i32
        %dma_wait3A_268 = tpu.memref_slice %arg7[%dma_wait3A_266, %dma_wait3A_267] : memref<96x128xi32, #tpu.memory_space<vmem>> -> memref<1x128xi32, #tpu.memory_space<vmem>>
        %dma_wait3A_269 = tpu.memref_squeeze %dma_wait3A_268 : memref<1x128xi32, #tpu.memory_space<vmem>> -> memref<128xi32, #tpu.memory_space<vmem>>
        %dma_wait3A_270 = arith.constant 0 : i32
        %dma_wait3A_271 = arith.constant 0 : i32
        %dma_wait3A_272 = tpu.memref_slice %arg10[%dma_wait3A_270, %dma_wait3A_271] : memref<10240x16xf32, #tpu.memory_space<vmem_shared>> -> memref<10240x16xf32, #tpu.memory_space<vmem_shared>>
        tpu.wait_indirect_dma semaphore(%arg12 : memref<!tpu.dma_semaphore, #tpu.memory_space<semaphore_mem>>) src(%arg8 : memref<128x16xf32, #tpu.memory_space<vmem>>) dst(%dma_wait3A_272 : memref<10240x16xf32, #tpu.memory_space<vmem_shared>>)
        %dma_wait3A_273 = arith.constant 0 : i32
        %dma_wait3A_274 = arith.constant 0 : i32
        %dma_wait3A_275 = tpu.memref_slice %arg6[%dma_wait3A_273, %dma_wait3A_274] : memref<96x128xi32, #tpu.memory_space<vmem>> -> memref<1x128xi32, #tpu.memory_space<vmem>>
        %dma_wait3A_276 = tpu.memref_squeeze %dma_wait3A_275 : memref<1x128xi32, #tpu.memory_space<vmem>> -> memref<128xi32, #tpu.memory_space<vmem>>
        %dma_wait3A_277 = arith.constant 0 : i32
        %dma_wait3A_278 = arith.constant 0 : i32
        %dma_wait3A_279 = tpu.memref_slice %arg9[%dma_wait3A_277, %dma_wait3A_278] : memref<10240x16xf32, #tpu.memory_space<vmem_shared>> -> memref<10240x16xf32, #tpu.memory_space<vmem_shared>>
        tpu.wait_indirect_dma semaphore(%arg11 : memref<!tpu.dma_semaphore, #tpu.memory_space<semaphore_mem>>) src(%arg8 : memref<128x16xf32, #tpu.memory_space<vmem>>) dst(%dma_wait3A_279 : memref<10240x16xf32, #tpu.memory_space<vmem_shared>>)
        %dma_wait3A_280 = arith.constant 0 : i32
        %dma_wait3A_281 = arith.constant 0 : i32
        %dma_wait3A_282 = tpu.memref_slice %arg7[%dma_wait3A_280, %dma_wait3A_281] : memref<96x128xi32, #tpu.memory_space<vmem>> -> memref<1x128xi32, #tpu.memory_space<vmem>>
        %dma_wait3A_283 = tpu.memref_squeeze %dma_wait3A_282 : memref<1x128xi32, #tpu.memory_space<vmem>> -> memref<128xi32, #tpu.memory_space<vmem>>
        %dma_wait3A_284 = arith.constant 0 : i32
        %dma_wait3A_285 = arith.constant 0 : i32
        %dma_wait3A_286 = tpu.memref_slice %arg10[%dma_wait3A_284, %dma_wait3A_285] : memref<10240x16xf32, #tpu.memory_space<vmem_shared>> -> memref<10240x16xf32, #tpu.memory_space<vmem_shared>>
        tpu.wait_indirect_dma semaphore(%arg12 : memref<!tpu.dma_semaphore, #tpu.memory_space<semaphore_mem>>) src(%arg8 : memref<128x16xf32, #tpu.memory_space<vmem>>) dst(%dma_wait3A_286 : memref<10240x16xf32, #tpu.memory_space<vmem_shared>>)
        %dma_wait3A_287 = arith.constant 0 : i32
        %dma_wait3A_288 = arith.constant 0 : i32
        %dma_wait3A_289 = tpu.memref_slice %arg6[%dma_wait3A_287, %dma_wait3A_288] : memref<96x128xi32, #tpu.memory_space<vmem>> -> memref<1x128xi32, #tpu.memory_space<vmem>>
        %dma_wait3A_290 = tpu.memref_squeeze %dma_wait3A_289 : memref<1x128xi32, #tpu.memory_space<vmem>> -> memref<128xi32, #tpu.memory_space<vmem>>
        %dma_wait3A_291 = arith.constant 0 : i32
        %dma_wait3A_292 = arith.constant 0 : i32
        %dma_wait3A_293 = tpu.memref_slice %arg9[%dma_wait3A_291, %dma_wait3A_292] : memref<10240x16xf32, #tpu.memory_space<vmem_shared>> -> memref<10240x16xf32, #tpu.memory_space<vmem_shared>>
        tpu.wait_indirect_dma semaphore(%arg11 : memref<!tpu.dma_semaphore, #tpu.memory_space<semaphore_mem>>) src(%arg8 : memref<128x16xf32, #tpu.memory_space<vmem>>) dst(%dma_wait3A_293 : memref<10240x16xf32, #tpu.memory_space<vmem_shared>>)
        %dma_wait3A_294 = arith.constant 0 : i32
        %dma_wait3A_295 = arith.constant 0 : i32
        %dma_wait3A_296 = tpu.memref_slice %arg7[%dma_wait3A_294, %dma_wait3A_295] : memref<96x128xi32, #tpu.memory_space<vmem>> -> memref<1x128xi32, #tpu.memory_space<vmem>>
        %dma_wait3A_297 = tpu.memref_squeeze %dma_wait3A_296 : memref<1x128xi32, #tpu.memory_space<vmem>> -> memref<128xi32, #tpu.memory_space<vmem>>
        %dma_wait3A_298 = arith.constant 0 : i32
        %dma_wait3A_299 = arith.constant 0 : i32
        %dma_wait3A_300 = tpu.memref_slice %arg10[%dma_wait3A_298, %dma_wait3A_299] : memref<10240x16xf32, #tpu.memory_space<vmem_shared>> -> memref<10240x16xf32, #tpu.memory_space<vmem_shared>>
        tpu.wait_indirect_dma semaphore(%arg12 : memref<!tpu.dma_semaphore, #tpu.memory_space<semaphore_mem>>) src(%arg8 : memref<128x16xf32, #tpu.memory_space<vmem>>) dst(%dma_wait3A_300 : memref<10240x16xf32, #tpu.memory_space<vmem_shared>>)
        %dma_wait3A_301 = arith.constant 0 : i32
        %dma_wait3A_302 = arith.constant 0 : i32
        %dma_wait3A_303 = tpu.memref_slice %arg6[%dma_wait3A_301, %dma_wait3A_302] : memref<96x128xi32, #tpu.memory_space<vmem>> -> memref<1x128xi32, #tpu.memory_space<vmem>>
        %dma_wait3A_304 = tpu.memref_squeeze %dma_wait3A_303 : memref<1x128xi32, #tpu.memory_space<vmem>> -> memref<128xi32, #tpu.memory_space<vmem>>
        %dma_wait3A_305 = arith.constant 0 : i32
        %dma_wait3A_306 = arith.constant 0 : i32
        %dma_wait3A_307 = tpu.memref_slice %arg9[%dma_wait3A_305, %dma_wait3A_306] : memref<10240x16xf32, #tpu.memory_space<vmem_shared>> -> memref<10240x16xf32, #tpu.memory_space<vmem_shared>>
        tpu.wait_indirect_dma semaphore(%arg11 : memref<!tpu.dma_semaphore, #tpu.memory_space<semaphore_mem>>) src(%arg8 : memref<128x16xf32, #tpu.memory_space<vmem>>) dst(%dma_wait3A_307 : memref<10240x16xf32, #tpu.memory_space<vmem_shared>>)
        %dma_wait3A_308 = arith.constant 0 : i32
        %dma_wait3A_309 = arith.constant 0 : i32
        %dma_wait3A_310 = tpu.memref_slice %arg7[%dma_wait3A_308, %dma_wait3A_309] : memref<96x128xi32, #tpu.memory_space<vmem>> -> memref<1x128xi32, #tpu.memory_space<vmem>>
        %dma_wait3A_311 = tpu.memref_squeeze %dma_wait3A_310 : memref<1x128xi32, #tpu.memory_space<vmem>> -> memref<128xi32, #tpu.memory_space<vmem>>
        %dma_wait3A_312 = arith.constant 0 : i32
        %dma_wait3A_313 = arith.constant 0 : i32
        %dma_wait3A_314 = tpu.memref_slice %arg10[%dma_wait3A_312, %dma_wait3A_313] : memref<10240x16xf32, #tpu.memory_space<vmem_shared>> -> memref<10240x16xf32, #tpu.memory_space<vmem_shared>>
        tpu.wait_indirect_dma semaphore(%arg12 : memref<!tpu.dma_semaphore, #tpu.memory_space<semaphore_mem>>) src(%arg8 : memref<128x16xf32, #tpu.memory_space<vmem>>) dst(%dma_wait3A_314 : memref<10240x16xf32, #tpu.memory_space<vmem_shared>>)
        %dma_wait3A_315 = arith.constant 0 : i32
        %dma_wait3A_316 = arith.constant 0 : i32
        %dma_wait3A_317 = tpu.memref_slice %arg6[%dma_wait3A_315, %dma_wait3A_316] : memref<96x128xi32, #tpu.memory_space<vmem>> -> memref<1x128xi32, #tpu.memory_space<vmem>>
        %dma_wait3A_318 = tpu.memref_squeeze %dma_wait3A_317 : memref<1x128xi32, #tpu.memory_space<vmem>> -> memref<128xi32, #tpu.memory_space<vmem>>
        %dma_wait3A_319 = arith.constant 0 : i32
        %dma_wait3A_320 = arith.constant 0 : i32
        %dma_wait3A_321 = tpu.memref_slice %arg9[%dma_wait3A_319, %dma_wait3A_320] : memref<10240x16xf32, #tpu.memory_space<vmem_shared>> -> memref<10240x16xf32, #tpu.memory_space<vmem_shared>>
        tpu.wait_indirect_dma semaphore(%arg11 : memref<!tpu.dma_semaphore, #tpu.memory_space<semaphore_mem>>) src(%arg8 : memref<128x16xf32, #tpu.memory_space<vmem>>) dst(%dma_wait3A_321 : memref<10240x16xf32, #tpu.memory_space<vmem_shared>>)
        %dma_wait3A_322 = arith.constant 0 : i32
        %dma_wait3A_323 = arith.constant 0 : i32
        %dma_wait3A_324 = tpu.memref_slice %arg7[%dma_wait3A_322, %dma_wait3A_323] : memref<96x128xi32, #tpu.memory_space<vmem>> -> memref<1x128xi32, #tpu.memory_space<vmem>>
        %dma_wait3A_325 = tpu.memref_squeeze %dma_wait3A_324 : memref<1x128xi32, #tpu.memory_space<vmem>> -> memref<128xi32, #tpu.memory_space<vmem>>
        %dma_wait3A_326 = arith.constant 0 : i32
        %dma_wait3A_327 = arith.constant 0 : i32
        %dma_wait3A_328 = tpu.memref_slice %arg10[%dma_wait3A_326, %dma_wait3A_327] : memref<10240x16xf32, #tpu.memory_space<vmem_shared>> -> memref<10240x16xf32, #tpu.memory_space<vmem_shared>>
        tpu.wait_indirect_dma semaphore(%arg12 : memref<!tpu.dma_semaphore, #tpu.memory_space<semaphore_mem>>) src(%arg8 : memref<128x16xf32, #tpu.memory_space<vmem>>) dst(%dma_wait3A_328 : memref<10240x16xf32, #tpu.memory_space<vmem_shared>>)
        %dma_wait3A_329 = arith.constant 0 : i32
        %dma_wait3A_330 = arith.constant 0 : i32
        %dma_wait3A_331 = tpu.memref_slice %arg6[%dma_wait3A_329, %dma_wait3A_330] : memref<96x128xi32, #tpu.memory_space<vmem>> -> memref<1x128xi32, #tpu.memory_space<vmem>>
        %dma_wait3A_332 = tpu.memref_squeeze %dma_wait3A_331 : memref<1x128xi32, #tpu.memory_space<vmem>> -> memref<128xi32, #tpu.memory_space<vmem>>
        %dma_wait3A_333 = arith.constant 0 : i32
        %dma_wait3A_334 = arith.constant 0 : i32
        %dma_wait3A_335 = tpu.memref_slice %arg9[%dma_wait3A_333, %dma_wait3A_334] : memref<10240x16xf32, #tpu.memory_space<vmem_shared>> -> memref<10240x16xf32, #tpu.memory_space<vmem_shared>>
        tpu.wait_indirect_dma semaphore(%arg11 : memref<!tpu.dma_semaphore, #tpu.memory_space<semaphore_mem>>) src(%arg8 : memref<128x16xf32, #tpu.memory_space<vmem>>) dst(%dma_wait3A_335 : memref<10240x16xf32, #tpu.memory_space<vmem_shared>>)
        %dma_wait3A_336 = arith.constant 0 : i32
        %dma_wait3A_337 = arith.constant 0 : i32
        %dma_wait3A_338 = tpu.memref_slice %arg7[%dma_wait3A_336, %dma_wait3A_337] : memref<96x128xi32, #tpu.memory_space<vmem>> -> memref<1x128xi32, #tpu.memory_space<vmem>>
        %dma_wait3A_339 = tpu.memref_squeeze %dma_wait3A_338 : memref<1x128xi32, #tpu.memory_space<vmem>> -> memref<128xi32, #tpu.memory_space<vmem>>
        %dma_wait3A_340 = arith.constant 0 : i32
        %dma_wait3A_341 = arith.constant 0 : i32
        %dma_wait3A_342 = tpu.memref_slice %arg10[%dma_wait3A_340, %dma_wait3A_341] : memref<10240x16xf32, #tpu.memory_space<vmem_shared>> -> memref<10240x16xf32, #tpu.memory_space<vmem_shared>>
        tpu.wait_indirect_dma semaphore(%arg12 : memref<!tpu.dma_semaphore, #tpu.memory_space<semaphore_mem>>) src(%arg8 : memref<128x16xf32, #tpu.memory_space<vmem>>) dst(%dma_wait3A_342 : memref<10240x16xf32, #tpu.memory_space<vmem_shared>>)
        %scan3A_343 = arith.constant 0 : i32
        scf.yield %scan3A_343 : i32
      }
      %scan3A_70 = arith.constant 12 : i32
    } else {
    }
    %eq3A_36 = arith.constant 1 : i32
    %eq3A_37 = arith.cmpi eq, %arg0, %eq3A_36 : i32
    %convert_element_type3A_38 = arith.extui %eq3A_37 : i1 to i32
    %cond3A_39 = arith.constant 0 : i32
    %cond3A_40 = arith.cmpi ne, %convert_element_type3A_38, %cond3A_39 : i32
    scf.if %cond3A_40 {
      %mul3A_62 = arith.constant 64 : i32
      %mul3A_63 = arith.muli %arg1, %mul3A_62 : i32
      %add3A_64 = arith.constant 1536 : i32
      %add3A_65 = arith.addi %add3A_64, %mul3A_63 : i32
      "tpu.region"() ({
        %run_scoped3A = tpu.sem_alloc : memref<!tpu.dma_semaphore, #tpu.memory_space<semaphore_mem>>
        %dma_start3A = arith.constant 0 : i32
        %dma_start3A_73 = arith.constant 0 : i32
        %dma_start3A_74 = tpu.memref_slice %arg6[%dma_start3A, %dma_start3A_73] : memref<96x128xi32, #tpu.memory_space<vmem>> -> memref<64x128xi32, #tpu.memory_space<vmem>>
        %dma_start3A_75 = arith.constant 0 : i32
        %dma_start3A_76 = tpu.memref_slice %arg2[%add3A_65, %dma_start3A_75] : memref<2560x128xi32, #tpu.memory_space<hbm>> -> memref<64x128xi32, #tpu.memory_space<hbm>>
        %dma_start3A_77 = arith.constant 0 : i32
        %dma_start3A_78 = arith.constant 0 : i32
        %dma_start3A_79 = tpu.memref_slice %arg6[%dma_start3A_77, %dma_start3A_78] : memref<96x128xi32, #tpu.memory_space<vmem>> -> memref<64x128xi32, #tpu.memory_space<vmem>>
        %dma_start3A_80 = arith.constant 0 : i32
        %dma_start3A_81 = tpu.memref_slice %arg2[%add3A_65, %dma_start3A_80] : memref<2560x128xi32, #tpu.memory_space<hbm>> -> memref<64x128xi32, #tpu.memory_space<hbm>>
        tpu.enqueue_dma source(%dma_start3A_81 : memref<64x128xi32, #tpu.memory_space<hbm>>) target(%dma_start3A_79 : memref<64x128xi32, #tpu.memory_space<vmem>>) target_semaphore(%run_scoped3A : memref<!tpu.dma_semaphore, #tpu.memory_space<semaphore_mem>>)
        %dma_wait3A = arith.constant 0 : i32
        %dma_wait3A_82 = arith.constant 0 : i32
        %dma_wait3A_83 = tpu.memref_slice %arg6[%dma_wait3A, %dma_wait3A_82] : memref<96x128xi32, #tpu.memory_space<vmem>> -> memref<64x128xi32, #tpu.memory_space<vmem>>
        %dma_wait3A_84 = arith.constant 0 : i32
        %dma_wait3A_85 = tpu.memref_slice %arg2[%add3A_65, %dma_wait3A_84] : memref<2560x128xi32, #tpu.memory_space<hbm>> -> memref<64x128xi32, #tpu.memory_space<hbm>>
        %dma_wait3A_86 = arith.constant 0 : i32
        %dma_wait3A_87 = arith.constant 0 : i32
        %dma_wait3A_88 = tpu.memref_slice %arg6[%dma_wait3A_86, %dma_wait3A_87] : memref<96x128xi32, #tpu.memory_space<vmem>> -> memref<64x128xi32, #tpu.memory_space<vmem>>
        %dma_wait3A_89 = arith.constant 0 : i32
        %dma_wait3A_90 = tpu.memref_slice %arg2[%add3A_65, %dma_wait3A_89] : memref<2560x128xi32, #tpu.memory_space<hbm>> -> memref<64x128xi32, #tpu.memory_space<hbm>>
        tpu.wait_dma2 semaphore(%run_scoped3A : memref<!tpu.dma_semaphore, #tpu.memory_space<semaphore_mem>>) src(%dma_wait3A_90 : memref<64x128xi32, #tpu.memory_space<hbm>>) dst(%dma_wait3A_88 : memref<64x128xi32, #tpu.memory_space<vmem>>)
        tpu.yield
      }) : () -> ()
      "tpu.region"() ({
        %run_scoped3A = tpu.sem_alloc : memref<!tpu.dma_semaphore, #tpu.memory_space<semaphore_mem>>
        %dma_start3A = arith.constant 0 : i32
        %dma_start3A_73 = arith.constant 0 : i32
        %dma_start3A_74 = tpu.memref_slice %arg7[%dma_start3A, %dma_start3A_73] : memref<96x128xi32, #tpu.memory_space<vmem>> -> memref<64x128xi32, #tpu.memory_space<vmem>>
        %dma_start3A_75 = arith.constant 0 : i32
        %dma_start3A_76 = tpu.memref_slice %arg3[%add3A_65, %dma_start3A_75] : memref<2560x128xi32, #tpu.memory_space<hbm>> -> memref<64x128xi32, #tpu.memory_space<hbm>>
        %dma_start3A_77 = arith.constant 0 : i32
        %dma_start3A_78 = arith.constant 0 : i32
        %dma_start3A_79 = tpu.memref_slice %arg7[%dma_start3A_77, %dma_start3A_78] : memref<96x128xi32, #tpu.memory_space<vmem>> -> memref<64x128xi32, #tpu.memory_space<vmem>>
        %dma_start3A_80 = arith.constant 0 : i32
        %dma_start3A_81 = tpu.memref_slice %arg3[%add3A_65, %dma_start3A_80] : memref<2560x128xi32, #tpu.memory_space<hbm>> -> memref<64x128xi32, #tpu.memory_space<hbm>>
        tpu.enqueue_dma source(%dma_start3A_81 : memref<64x128xi32, #tpu.memory_space<hbm>>) target(%dma_start3A_79 : memref<64x128xi32, #tpu.memory_space<vmem>>) target_semaphore(%run_scoped3A : memref<!tpu.dma_semaphore, #tpu.memory_space<semaphore_mem>>)
        %dma_wait3A = arith.constant 0 : i32
        %dma_wait3A_82 = arith.constant 0 : i32
        %dma_wait3A_83 = tpu.memref_slice %arg7[%dma_wait3A, %dma_wait3A_82] : memref<96x128xi32, #tpu.memory_space<vmem>> -> memref<64x128xi32, #tpu.memory_space<vmem>>
        %dma_wait3A_84 = arith.constant 0 : i32
        %dma_wait3A_85 = tpu.memref_slice %arg3[%add3A_65, %dma_wait3A_84] : memref<2560x128xi32, #tpu.memory_space<hbm>> -> memref<64x128xi32, #tpu.memory_space<hbm>>
        %dma_wait3A_86 = arith.constant 0 : i32
        %dma_wait3A_87 = arith.constant 0 : i32
        %dma_wait3A_88 = tpu.memref_slice %arg7[%dma_wait3A_86, %dma_wait3A_87] : memref<96x128xi32, #tpu.memory_space<vmem>> -> memref<64x128xi32, #tpu.memory_space<vmem>>
        %dma_wait3A_89 = arith.constant 0 : i32
        %dma_wait3A_90 = tpu.memref_slice %arg3[%add3A_65, %dma_wait3A_89] : memref<2560x128xi32, #tpu.memory_space<hbm>> -> memref<64x128xi32, #tpu.memory_space<hbm>>
        tpu.wait_dma2 semaphore(%run_scoped3A : memref<!tpu.dma_semaphore, #tpu.memory_space<semaphore_mem>>) src(%dma_wait3A_90 : memref<64x128xi32, #tpu.memory_space<hbm>>) dst(%dma_wait3A_88 : memref<64x128xi32, #tpu.memory_space<vmem>>)
        tpu.yield
      }) : () -> ()
      %scan3A_66 = arith.constant 0 : i32
      %scan3A_67 = arith.constant 0 : i32
      %scan3A_68 = arith.constant 8 : i32
      %scan3A_69 = arith.addi %scan3A_67, %scan3A_68 : i32
      %scan3A_70 = arith.constant 1 : i32
      %scan3A_71 = scf.for %scan3A_73 = %scan3A_67 to %scan3A_69 step %scan3A_70 iter_args(%scan3A_74 = %scan3A_66) -> (i32)  : i32 {
        %mul3A_75 = arith.constant 8 : i32
        %mul3A_76 = arith.muli %scan3A_73, %mul3A_75 : i32
        %add3A_77 = arith.constant 0 : i32
        %add3A_78 = arith.addi %mul3A_76, %add3A_77 : i32
        %dma_start3A = arith.constant 0 : i32
        %dma_start3A_79 = tpu.memref_slice %arg6[%add3A_78, %dma_start3A] : memref<96x128xi32, #tpu.memory_space<vmem>> -> memref<1x128xi32, #tpu.memory_space<vmem>>
        %dma_start3A_80 = tpu.memref_squeeze %dma_start3A_79 : memref<1x128xi32, #tpu.memory_space<vmem>> -> memref<128xi32, #tpu.memory_space<vmem>>
        %dma_start3A_81 = arith.constant 0 : i32
        %dma_start3A_82 = arith.constant 0 : i32
        %dma_start3A_83 = tpu.memref_slice %arg9[%dma_start3A_81, %dma_start3A_82] : memref<10240x16xf32, #tpu.memory_space<vmem_shared>> -> memref<10240x16xf32, #tpu.memory_space<vmem_shared>>
        tpu.enqueue_indirect_dma source(%arg8 : memref<128x16xf32, #tpu.memory_space<vmem>>) target(%dma_start3A_83 : memref<10240x16xf32, #tpu.memory_space<vmem_shared>>) offsets(%dma_start3A_80 : memref<128xi32, #tpu.memory_space<vmem>>) semaphore(%arg11 : memref<!tpu.dma_semaphore, #tpu.memory_space<semaphore_mem>>) {add = true}
        %mul3A_84 = arith.constant 8 : i32
        %mul3A_85 = arith.muli %scan3A_73, %mul3A_84 : i32
        %add3A_86 = arith.constant 0 : i32
        %add3A_87 = arith.addi %mul3A_85, %add3A_86 : i32
        %dma_start3A_88 = arith.constant 0 : i32
        %dma_start3A_89 = tpu.memref_slice %arg7[%add3A_87, %dma_start3A_88] : memref<96x128xi32, #tpu.memory_space<vmem>> -> memref<1x128xi32, #tpu.memory_space<vmem>>
        %dma_start3A_90 = tpu.memref_squeeze %dma_start3A_89 : memref<1x128xi32, #tpu.memory_space<vmem>> -> memref<128xi32, #tpu.memory_space<vmem>>
        %dma_start3A_91 = arith.constant 0 : i32
        %dma_start3A_92 = arith.constant 0 : i32
        %dma_start3A_93 = tpu.memref_slice %arg10[%dma_start3A_91, %dma_start3A_92] : memref<10240x16xf32, #tpu.memory_space<vmem_shared>> -> memref<10240x16xf32, #tpu.memory_space<vmem_shared>>
        tpu.enqueue_indirect_dma source(%arg8 : memref<128x16xf32, #tpu.memory_space<vmem>>) target(%dma_start3A_93 : memref<10240x16xf32, #tpu.memory_space<vmem_shared>>) offsets(%dma_start3A_90 : memref<128xi32, #tpu.memory_space<vmem>>) semaphore(%arg12 : memref<!tpu.dma_semaphore, #tpu.memory_space<semaphore_mem>>) {add = true}
        %mul3A_94 = arith.constant 8 : i32
        %mul3A_95 = arith.muli %scan3A_73, %mul3A_94 : i32
        %add3A_96 = arith.constant 1 : i32
        %add3A_97 = arith.addi %mul3A_95, %add3A_96 : i32
        %dma_start3A_98 = arith.constant 0 : i32
        %dma_start3A_99 = tpu.memref_slice %arg6[%add3A_97, %dma_start3A_98] : memref<96x128xi32, #tpu.memory_space<vmem>> -> memref<1x128xi32, #tpu.memory_space<vmem>>
        %dma_start3A_100 = tpu.memref_squeeze %dma_start3A_99 : memref<1x128xi32, #tpu.memory_space<vmem>> -> memref<128xi32, #tpu.memory_space<vmem>>
        %dma_start3A_101 = arith.constant 0 : i32
        %dma_start3A_102 = arith.constant 0 : i32
        %dma_start3A_103 = tpu.memref_slice %arg9[%dma_start3A_101, %dma_start3A_102] : memref<10240x16xf32, #tpu.memory_space<vmem_shared>> -> memref<10240x16xf32, #tpu.memory_space<vmem_shared>>
        tpu.enqueue_indirect_dma source(%arg8 : memref<128x16xf32, #tpu.memory_space<vmem>>) target(%dma_start3A_103 : memref<10240x16xf32, #tpu.memory_space<vmem_shared>>) offsets(%dma_start3A_100 : memref<128xi32, #tpu.memory_space<vmem>>) semaphore(%arg11 : memref<!tpu.dma_semaphore, #tpu.memory_space<semaphore_mem>>) {add = true}
        %mul3A_104 = arith.constant 8 : i32
        %mul3A_105 = arith.muli %scan3A_73, %mul3A_104 : i32
        %add3A_106 = arith.constant 1 : i32
        %add3A_107 = arith.addi %mul3A_105, %add3A_106 : i32
        %dma_start3A_108 = arith.constant 0 : i32
        %dma_start3A_109 = tpu.memref_slice %arg7[%add3A_107, %dma_start3A_108] : memref<96x128xi32, #tpu.memory_space<vmem>> -> memref<1x128xi32, #tpu.memory_space<vmem>>
        %dma_start3A_110 = tpu.memref_squeeze %dma_start3A_109 : memref<1x128xi32, #tpu.memory_space<vmem>> -> memref<128xi32, #tpu.memory_space<vmem>>
        %dma_start3A_111 = arith.constant 0 : i32
        %dma_start3A_112 = arith.constant 0 : i32
        %dma_start3A_113 = tpu.memref_slice %arg10[%dma_start3A_111, %dma_start3A_112] : memref<10240x16xf32, #tpu.memory_space<vmem_shared>> -> memref<10240x16xf32, #tpu.memory_space<vmem_shared>>
        tpu.enqueue_indirect_dma source(%arg8 : memref<128x16xf32, #tpu.memory_space<vmem>>) target(%dma_start3A_113 : memref<10240x16xf32, #tpu.memory_space<vmem_shared>>) offsets(%dma_start3A_110 : memref<128xi32, #tpu.memory_space<vmem>>) semaphore(%arg12 : memref<!tpu.dma_semaphore, #tpu.memory_space<semaphore_mem>>) {add = true}
        %mul3A_114 = arith.constant 8 : i32
        %mul3A_115 = arith.muli %scan3A_73, %mul3A_114 : i32
        %add3A_116 = arith.constant 2 : i32
        %add3A_117 = arith.addi %mul3A_115, %add3A_116 : i32
        %dma_start3A_118 = arith.constant 0 : i32
        %dma_start3A_119 = tpu.memref_slice %arg6[%add3A_117, %dma_start3A_118] : memref<96x128xi32, #tpu.memory_space<vmem>> -> memref<1x128xi32, #tpu.memory_space<vmem>>
        %dma_start3A_120 = tpu.memref_squeeze %dma_start3A_119 : memref<1x128xi32, #tpu.memory_space<vmem>> -> memref<128xi32, #tpu.memory_space<vmem>>
        %dma_start3A_121 = arith.constant 0 : i32
        %dma_start3A_122 = arith.constant 0 : i32
        %dma_start3A_123 = tpu.memref_slice %arg9[%dma_start3A_121, %dma_start3A_122] : memref<10240x16xf32, #tpu.memory_space<vmem_shared>> -> memref<10240x16xf32, #tpu.memory_space<vmem_shared>>
        tpu.enqueue_indirect_dma source(%arg8 : memref<128x16xf32, #tpu.memory_space<vmem>>) target(%dma_start3A_123 : memref<10240x16xf32, #tpu.memory_space<vmem_shared>>) offsets(%dma_start3A_120 : memref<128xi32, #tpu.memory_space<vmem>>) semaphore(%arg11 : memref<!tpu.dma_semaphore, #tpu.memory_space<semaphore_mem>>) {add = true}
        %mul3A_124 = arith.constant 8 : i32
        %mul3A_125 = arith.muli %scan3A_73, %mul3A_124 : i32
        %add3A_126 = arith.constant 2 : i32
        %add3A_127 = arith.addi %mul3A_125, %add3A_126 : i32
        %dma_start3A_128 = arith.constant 0 : i32
        %dma_start3A_129 = tpu.memref_slice %arg7[%add3A_127, %dma_start3A_128] : memref<96x128xi32, #tpu.memory_space<vmem>> -> memref<1x128xi32, #tpu.memory_space<vmem>>
        %dma_start3A_130 = tpu.memref_squeeze %dma_start3A_129 : memref<1x128xi32, #tpu.memory_space<vmem>> -> memref<128xi32, #tpu.memory_space<vmem>>
        %dma_start3A_131 = arith.constant 0 : i32
        %dma_start3A_132 = arith.constant 0 : i32
        %dma_start3A_133 = tpu.memref_slice %arg10[%dma_start3A_131, %dma_start3A_132] : memref<10240x16xf32, #tpu.memory_space<vmem_shared>> -> memref<10240x16xf32, #tpu.memory_space<vmem_shared>>
        tpu.enqueue_indirect_dma source(%arg8 : memref<128x16xf32, #tpu.memory_space<vmem>>) target(%dma_start3A_133 : memref<10240x16xf32, #tpu.memory_space<vmem_shared>>) offsets(%dma_start3A_130 : memref<128xi32, #tpu.memory_space<vmem>>) semaphore(%arg12 : memref<!tpu.dma_semaphore, #tpu.memory_space<semaphore_mem>>) {add = true}
        %mul3A_134 = arith.constant 8 : i32
        %mul3A_135 = arith.muli %scan3A_73, %mul3A_134 : i32
        %add3A_136 = arith.constant 3 : i32
        %add3A_137 = arith.addi %mul3A_135, %add3A_136 : i32
        %dma_start3A_138 = arith.constant 0 : i32
        %dma_start3A_139 = tpu.memref_slice %arg6[%add3A_137, %dma_start3A_138] : memref<96x128xi32, #tpu.memory_space<vmem>> -> memref<1x128xi32, #tpu.memory_space<vmem>>
        %dma_start3A_140 = tpu.memref_squeeze %dma_start3A_139 : memref<1x128xi32, #tpu.memory_space<vmem>> -> memref<128xi32, #tpu.memory_space<vmem>>
        %dma_start3A_141 = arith.constant 0 : i32
        %dma_start3A_142 = arith.constant 0 : i32
        %dma_start3A_143 = tpu.memref_slice %arg9[%dma_start3A_141, %dma_start3A_142] : memref<10240x16xf32, #tpu.memory_space<vmem_shared>> -> memref<10240x16xf32, #tpu.memory_space<vmem_shared>>
        tpu.enqueue_indirect_dma source(%arg8 : memref<128x16xf32, #tpu.memory_space<vmem>>) target(%dma_start3A_143 : memref<10240x16xf32, #tpu.memory_space<vmem_shared>>) offsets(%dma_start3A_140 : memref<128xi32, #tpu.memory_space<vmem>>) semaphore(%arg11 : memref<!tpu.dma_semaphore, #tpu.memory_space<semaphore_mem>>) {add = true}
        %mul3A_144 = arith.constant 8 : i32
        %mul3A_145 = arith.muli %scan3A_73, %mul3A_144 : i32
        %add3A_146 = arith.constant 3 : i32
        %add3A_147 = arith.addi %mul3A_145, %add3A_146 : i32
        %dma_start3A_148 = arith.constant 0 : i32
        %dma_start3A_149 = tpu.memref_slice %arg7[%add3A_147, %dma_start3A_148] : memref<96x128xi32, #tpu.memory_space<vmem>> -> memref<1x128xi32, #tpu.memory_space<vmem>>
        %dma_start3A_150 = tpu.memref_squeeze %dma_start3A_149 : memref<1x128xi32, #tpu.memory_space<vmem>> -> memref<128xi32, #tpu.memory_space<vmem>>
        %dma_start3A_151 = arith.constant 0 : i32
        %dma_start3A_152 = arith.constant 0 : i32
        %dma_start3A_153 = tpu.memref_slice %arg10[%dma_start3A_151, %dma_start3A_152] : memref<10240x16xf32, #tpu.memory_space<vmem_shared>> -> memref<10240x16xf32, #tpu.memory_space<vmem_shared>>
        tpu.enqueue_indirect_dma source(%arg8 : memref<128x16xf32, #tpu.memory_space<vmem>>) target(%dma_start3A_153 : memref<10240x16xf32, #tpu.memory_space<vmem_shared>>) offsets(%dma_start3A_150 : memref<128xi32, #tpu.memory_space<vmem>>) semaphore(%arg12 : memref<!tpu.dma_semaphore, #tpu.memory_space<semaphore_mem>>) {add = true}
        %mul3A_154 = arith.constant 8 : i32
        %mul3A_155 = arith.muli %scan3A_73, %mul3A_154 : i32
        %add3A_156 = arith.constant 4 : i32
        %add3A_157 = arith.addi %mul3A_155, %add3A_156 : i32
        %dma_start3A_158 = arith.constant 0 : i32
        %dma_start3A_159 = tpu.memref_slice %arg6[%add3A_157, %dma_start3A_158] : memref<96x128xi32, #tpu.memory_space<vmem>> -> memref<1x128xi32, #tpu.memory_space<vmem>>
        %dma_start3A_160 = tpu.memref_squeeze %dma_start3A_159 : memref<1x128xi32, #tpu.memory_space<vmem>> -> memref<128xi32, #tpu.memory_space<vmem>>
        %dma_start3A_161 = arith.constant 0 : i32
        %dma_start3A_162 = arith.constant 0 : i32
        %dma_start3A_163 = tpu.memref_slice %arg9[%dma_start3A_161, %dma_start3A_162] : memref<10240x16xf32, #tpu.memory_space<vmem_shared>> -> memref<10240x16xf32, #tpu.memory_space<vmem_shared>>
        tpu.enqueue_indirect_dma source(%arg8 : memref<128x16xf32, #tpu.memory_space<vmem>>) target(%dma_start3A_163 : memref<10240x16xf32, #tpu.memory_space<vmem_shared>>) offsets(%dma_start3A_160 : memref<128xi32, #tpu.memory_space<vmem>>) semaphore(%arg11 : memref<!tpu.dma_semaphore, #tpu.memory_space<semaphore_mem>>) {add = true}
        %mul3A_164 = arith.constant 8 : i32
        %mul3A_165 = arith.muli %scan3A_73, %mul3A_164 : i32
        %add3A_166 = arith.constant 4 : i32
        %add3A_167 = arith.addi %mul3A_165, %add3A_166 : i32
        %dma_start3A_168 = arith.constant 0 : i32
        %dma_start3A_169 = tpu.memref_slice %arg7[%add3A_167, %dma_start3A_168] : memref<96x128xi32, #tpu.memory_space<vmem>> -> memref<1x128xi32, #tpu.memory_space<vmem>>
        %dma_start3A_170 = tpu.memref_squeeze %dma_start3A_169 : memref<1x128xi32, #tpu.memory_space<vmem>> -> memref<128xi32, #tpu.memory_space<vmem>>
        %dma_start3A_171 = arith.constant 0 : i32
        %dma_start3A_172 = arith.constant 0 : i32
        %dma_start3A_173 = tpu.memref_slice %arg10[%dma_start3A_171, %dma_start3A_172] : memref<10240x16xf32, #tpu.memory_space<vmem_shared>> -> memref<10240x16xf32, #tpu.memory_space<vmem_shared>>
        tpu.enqueue_indirect_dma source(%arg8 : memref<128x16xf32, #tpu.memory_space<vmem>>) target(%dma_start3A_173 : memref<10240x16xf32, #tpu.memory_space<vmem_shared>>) offsets(%dma_start3A_170 : memref<128xi32, #tpu.memory_space<vmem>>) semaphore(%arg12 : memref<!tpu.dma_semaphore, #tpu.memory_space<semaphore_mem>>) {add = true}
        %mul3A_174 = arith.constant 8 : i32
        %mul3A_175 = arith.muli %scan3A_73, %mul3A_174 : i32
        %add3A_176 = arith.constant 5 : i32
        %add3A_177 = arith.addi %mul3A_175, %add3A_176 : i32
        %dma_start3A_178 = arith.constant 0 : i32
        %dma_start3A_179 = tpu.memref_slice %arg6[%add3A_177, %dma_start3A_178] : memref<96x128xi32, #tpu.memory_space<vmem>> -> memref<1x128xi32, #tpu.memory_space<vmem>>
        %dma_start3A_180 = tpu.memref_squeeze %dma_start3A_179 : memref<1x128xi32, #tpu.memory_space<vmem>> -> memref<128xi32, #tpu.memory_space<vmem>>
        %dma_start3A_181 = arith.constant 0 : i32
        %dma_start3A_182 = arith.constant 0 : i32
        %dma_start3A_183 = tpu.memref_slice %arg9[%dma_start3A_181, %dma_start3A_182] : memref<10240x16xf32, #tpu.memory_space<vmem_shared>> -> memref<10240x16xf32, #tpu.memory_space<vmem_shared>>
        tpu.enqueue_indirect_dma source(%arg8 : memref<128x16xf32, #tpu.memory_space<vmem>>) target(%dma_start3A_183 : memref<10240x16xf32, #tpu.memory_space<vmem_shared>>) offsets(%dma_start3A_180 : memref<128xi32, #tpu.memory_space<vmem>>) semaphore(%arg11 : memref<!tpu.dma_semaphore, #tpu.memory_space<semaphore_mem>>) {add = true}
        %mul3A_184 = arith.constant 8 : i32
        %mul3A_185 = arith.muli %scan3A_73, %mul3A_184 : i32
        %add3A_186 = arith.constant 5 : i32
        %add3A_187 = arith.addi %mul3A_185, %add3A_186 : i32
        %dma_start3A_188 = arith.constant 0 : i32
        %dma_start3A_189 = tpu.memref_slice %arg7[%add3A_187, %dma_start3A_188] : memref<96x128xi32, #tpu.memory_space<vmem>> -> memref<1x128xi32, #tpu.memory_space<vmem>>
        %dma_start3A_190 = tpu.memref_squeeze %dma_start3A_189 : memref<1x128xi32, #tpu.memory_space<vmem>> -> memref<128xi32, #tpu.memory_space<vmem>>
        %dma_start3A_191 = arith.constant 0 : i32
        %dma_start3A_192 = arith.constant 0 : i32
        %dma_start3A_193 = tpu.memref_slice %arg10[%dma_start3A_191, %dma_start3A_192] : memref<10240x16xf32, #tpu.memory_space<vmem_shared>> -> memref<10240x16xf32, #tpu.memory_space<vmem_shared>>
        tpu.enqueue_indirect_dma source(%arg8 : memref<128x16xf32, #tpu.memory_space<vmem>>) target(%dma_start3A_193 : memref<10240x16xf32, #tpu.memory_space<vmem_shared>>) offsets(%dma_start3A_190 : memref<128xi32, #tpu.memory_space<vmem>>) semaphore(%arg12 : memref<!tpu.dma_semaphore, #tpu.memory_space<semaphore_mem>>) {add = true}
        %mul3A_194 = arith.constant 8 : i32
        %mul3A_195 = arith.muli %scan3A_73, %mul3A_194 : i32
        %add3A_196 = arith.constant 6 : i32
        %add3A_197 = arith.addi %mul3A_195, %add3A_196 : i32
        %dma_start3A_198 = arith.constant 0 : i32
        %dma_start3A_199 = tpu.memref_slice %arg6[%add3A_197, %dma_start3A_198] : memref<96x128xi32, #tpu.memory_space<vmem>> -> memref<1x128xi32, #tpu.memory_space<vmem>>
        %dma_start3A_200 = tpu.memref_squeeze %dma_start3A_199 : memref<1x128xi32, #tpu.memory_space<vmem>> -> memref<128xi32, #tpu.memory_space<vmem>>
        %dma_start3A_201 = arith.constant 0 : i32
        %dma_start3A_202 = arith.constant 0 : i32
        %dma_start3A_203 = tpu.memref_slice %arg9[%dma_start3A_201, %dma_start3A_202] : memref<10240x16xf32, #tpu.memory_space<vmem_shared>> -> memref<10240x16xf32, #tpu.memory_space<vmem_shared>>
        tpu.enqueue_indirect_dma source(%arg8 : memref<128x16xf32, #tpu.memory_space<vmem>>) target(%dma_start3A_203 : memref<10240x16xf32, #tpu.memory_space<vmem_shared>>) offsets(%dma_start3A_200 : memref<128xi32, #tpu.memory_space<vmem>>) semaphore(%arg11 : memref<!tpu.dma_semaphore, #tpu.memory_space<semaphore_mem>>) {add = true}
        %mul3A_204 = arith.constant 8 : i32
        %mul3A_205 = arith.muli %scan3A_73, %mul3A_204 : i32
        %add3A_206 = arith.constant 6 : i32
        %add3A_207 = arith.addi %mul3A_205, %add3A_206 : i32
        %dma_start3A_208 = arith.constant 0 : i32
        %dma_start3A_209 = tpu.memref_slice %arg7[%add3A_207, %dma_start3A_208] : memref<96x128xi32, #tpu.memory_space<vmem>> -> memref<1x128xi32, #tpu.memory_space<vmem>>
        %dma_start3A_210 = tpu.memref_squeeze %dma_start3A_209 : memref<1x128xi32, #tpu.memory_space<vmem>> -> memref<128xi32, #tpu.memory_space<vmem>>
        %dma_start3A_211 = arith.constant 0 : i32
        %dma_start3A_212 = arith.constant 0 : i32
        %dma_start3A_213 = tpu.memref_slice %arg10[%dma_start3A_211, %dma_start3A_212] : memref<10240x16xf32, #tpu.memory_space<vmem_shared>> -> memref<10240x16xf32, #tpu.memory_space<vmem_shared>>
        tpu.enqueue_indirect_dma source(%arg8 : memref<128x16xf32, #tpu.memory_space<vmem>>) target(%dma_start3A_213 : memref<10240x16xf32, #tpu.memory_space<vmem_shared>>) offsets(%dma_start3A_210 : memref<128xi32, #tpu.memory_space<vmem>>) semaphore(%arg12 : memref<!tpu.dma_semaphore, #tpu.memory_space<semaphore_mem>>) {add = true}
        %mul3A_214 = arith.constant 8 : i32
        %mul3A_215 = arith.muli %scan3A_73, %mul3A_214 : i32
        %add3A_216 = arith.constant 7 : i32
        %add3A_217 = arith.addi %mul3A_215, %add3A_216 : i32
        %dma_start3A_218 = arith.constant 0 : i32
        %dma_start3A_219 = tpu.memref_slice %arg6[%add3A_217, %dma_start3A_218] : memref<96x128xi32, #tpu.memory_space<vmem>> -> memref<1x128xi32, #tpu.memory_space<vmem>>
        %dma_start3A_220 = tpu.memref_squeeze %dma_start3A_219 : memref<1x128xi32, #tpu.memory_space<vmem>> -> memref<128xi32, #tpu.memory_space<vmem>>
        %dma_start3A_221 = arith.constant 0 : i32
        %dma_start3A_222 = arith.constant 0 : i32
        %dma_start3A_223 = tpu.memref_slice %arg9[%dma_start3A_221, %dma_start3A_222] : memref<10240x16xf32, #tpu.memory_space<vmem_shared>> -> memref<10240x16xf32, #tpu.memory_space<vmem_shared>>
        tpu.enqueue_indirect_dma source(%arg8 : memref<128x16xf32, #tpu.memory_space<vmem>>) target(%dma_start3A_223 : memref<10240x16xf32, #tpu.memory_space<vmem_shared>>) offsets(%dma_start3A_220 : memref<128xi32, #tpu.memory_space<vmem>>) semaphore(%arg11 : memref<!tpu.dma_semaphore, #tpu.memory_space<semaphore_mem>>) {add = true}
        %mul3A_224 = arith.constant 8 : i32
        %mul3A_225 = arith.muli %scan3A_73, %mul3A_224 : i32
        %add3A_226 = arith.constant 7 : i32
        %add3A_227 = arith.addi %mul3A_225, %add3A_226 : i32
        %dma_start3A_228 = arith.constant 0 : i32
        %dma_start3A_229 = tpu.memref_slice %arg7[%add3A_227, %dma_start3A_228] : memref<96x128xi32, #tpu.memory_space<vmem>> -> memref<1x128xi32, #tpu.memory_space<vmem>>
        %dma_start3A_230 = tpu.memref_squeeze %dma_start3A_229 : memref<1x128xi32, #tpu.memory_space<vmem>> -> memref<128xi32, #tpu.memory_space<vmem>>
        %dma_start3A_231 = arith.constant 0 : i32
        %dma_start3A_232 = arith.constant 0 : i32
        %dma_start3A_233 = tpu.memref_slice %arg10[%dma_start3A_231, %dma_start3A_232] : memref<10240x16xf32, #tpu.memory_space<vmem_shared>> -> memref<10240x16xf32, #tpu.memory_space<vmem_shared>>
        tpu.enqueue_indirect_dma source(%arg8 : memref<128x16xf32, #tpu.memory_space<vmem>>) target(%dma_start3A_233 : memref<10240x16xf32, #tpu.memory_space<vmem_shared>>) offsets(%dma_start3A_230 : memref<128xi32, #tpu.memory_space<vmem>>) semaphore(%arg12 : memref<!tpu.dma_semaphore, #tpu.memory_space<semaphore_mem>>) {add = true}
        %dma_wait3A = arith.constant 0 : i32
        %dma_wait3A_234 = arith.constant 0 : i32
        %dma_wait3A_235 = tpu.memref_slice %arg6[%dma_wait3A, %dma_wait3A_234] : memref<96x128xi32, #tpu.memory_space<vmem>> -> memref<1x128xi32, #tpu.memory_space<vmem>>
        %dma_wait3A_236 = tpu.memref_squeeze %dma_wait3A_235 : memref<1x128xi32, #tpu.memory_space<vmem>> -> memref<128xi32, #tpu.memory_space<vmem>>
        %dma_wait3A_237 = arith.constant 0 : i32
        %dma_wait3A_238 = arith.constant 0 : i32
        %dma_wait3A_239 = tpu.memref_slice %arg9[%dma_wait3A_237, %dma_wait3A_238] : memref<10240x16xf32, #tpu.memory_space<vmem_shared>> -> memref<10240x16xf32, #tpu.memory_space<vmem_shared>>
        tpu.wait_indirect_dma semaphore(%arg11 : memref<!tpu.dma_semaphore, #tpu.memory_space<semaphore_mem>>) src(%arg8 : memref<128x16xf32, #tpu.memory_space<vmem>>) dst(%dma_wait3A_239 : memref<10240x16xf32, #tpu.memory_space<vmem_shared>>)
        %dma_wait3A_240 = arith.constant 0 : i32
        %dma_wait3A_241 = arith.constant 0 : i32
        %dma_wait3A_242 = tpu.memref_slice %arg7[%dma_wait3A_240, %dma_wait3A_241] : memref<96x128xi32, #tpu.memory_space<vmem>> -> memref<1x128xi32, #tpu.memory_space<vmem>>
        %dma_wait3A_243 = tpu.memref_squeeze %dma_wait3A_242 : memref<1x128xi32, #tpu.memory_space<vmem>> -> memref<128xi32, #tpu.memory_space<vmem>>
        %dma_wait3A_244 = arith.constant 0 : i32
        %dma_wait3A_245 = arith.constant 0 : i32
        %dma_wait3A_246 = tpu.memref_slice %arg10[%dma_wait3A_244, %dma_wait3A_245] : memref<10240x16xf32, #tpu.memory_space<vmem_shared>> -> memref<10240x16xf32, #tpu.memory_space<vmem_shared>>
        tpu.wait_indirect_dma semaphore(%arg12 : memref<!tpu.dma_semaphore, #tpu.memory_space<semaphore_mem>>) src(%arg8 : memref<128x16xf32, #tpu.memory_space<vmem>>) dst(%dma_wait3A_246 : memref<10240x16xf32, #tpu.memory_space<vmem_shared>>)
        %dma_wait3A_247 = arith.constant 0 : i32
        %dma_wait3A_248 = arith.constant 0 : i32
        %dma_wait3A_249 = tpu.memref_slice %arg6[%dma_wait3A_247, %dma_wait3A_248] : memref<96x128xi32, #tpu.memory_space<vmem>> -> memref<1x128xi32, #tpu.memory_space<vmem>>
        %dma_wait3A_250 = tpu.memref_squeeze %dma_wait3A_249 : memref<1x128xi32, #tpu.memory_space<vmem>> -> memref<128xi32, #tpu.memory_space<vmem>>
        %dma_wait3A_251 = arith.constant 0 : i32
        %dma_wait3A_252 = arith.constant 0 : i32
        %dma_wait3A_253 = tpu.memref_slice %arg9[%dma_wait3A_251, %dma_wait3A_252] : memref<10240x16xf32, #tpu.memory_space<vmem_shared>> -> memref<10240x16xf32, #tpu.memory_space<vmem_shared>>
        tpu.wait_indirect_dma semaphore(%arg11 : memref<!tpu.dma_semaphore, #tpu.memory_space<semaphore_mem>>) src(%arg8 : memref<128x16xf32, #tpu.memory_space<vmem>>) dst(%dma_wait3A_253 : memref<10240x16xf32, #tpu.memory_space<vmem_shared>>)
        %dma_wait3A_254 = arith.constant 0 : i32
        %dma_wait3A_255 = arith.constant 0 : i32
        %dma_wait3A_256 = tpu.memref_slice %arg7[%dma_wait3A_254, %dma_wait3A_255] : memref<96x128xi32, #tpu.memory_space<vmem>> -> memref<1x128xi32, #tpu.memory_space<vmem>>
        %dma_wait3A_257 = tpu.memref_squeeze %dma_wait3A_256 : memref<1x128xi32, #tpu.memory_space<vmem>> -> memref<128xi32, #tpu.memory_space<vmem>>
        %dma_wait3A_258 = arith.constant 0 : i32
        %dma_wait3A_259 = arith.constant 0 : i32
        %dma_wait3A_260 = tpu.memref_slice %arg10[%dma_wait3A_258, %dma_wait3A_259] : memref<10240x16xf32, #tpu.memory_space<vmem_shared>> -> memref<10240x16xf32, #tpu.memory_space<vmem_shared>>
        tpu.wait_indirect_dma semaphore(%arg12 : memref<!tpu.dma_semaphore, #tpu.memory_space<semaphore_mem>>) src(%arg8 : memref<128x16xf32, #tpu.memory_space<vmem>>) dst(%dma_wait3A_260 : memref<10240x16xf32, #tpu.memory_space<vmem_shared>>)
        %dma_wait3A_261 = arith.constant 0 : i32
        %dma_wait3A_262 = arith.constant 0 : i32
        %dma_wait3A_263 = tpu.memref_slice %arg6[%dma_wait3A_261, %dma_wait3A_262] : memref<96x128xi32, #tpu.memory_space<vmem>> -> memref<1x128xi32, #tpu.memory_space<vmem>>
        %dma_wait3A_264 = tpu.memref_squeeze %dma_wait3A_263 : memref<1x128xi32, #tpu.memory_space<vmem>> -> memref<128xi32, #tpu.memory_space<vmem>>
        %dma_wait3A_265 = arith.constant 0 : i32
        %dma_wait3A_266 = arith.constant 0 : i32
        %dma_wait3A_267 = tpu.memref_slice %arg9[%dma_wait3A_265, %dma_wait3A_266] : memref<10240x16xf32, #tpu.memory_space<vmem_shared>> -> memref<10240x16xf32, #tpu.memory_space<vmem_shared>>
        tpu.wait_indirect_dma semaphore(%arg11 : memref<!tpu.dma_semaphore, #tpu.memory_space<semaphore_mem>>) src(%arg8 : memref<128x16xf32, #tpu.memory_space<vmem>>) dst(%dma_wait3A_267 : memref<10240x16xf32, #tpu.memory_space<vmem_shared>>)
        %dma_wait3A_268 = arith.constant 0 : i32
        %dma_wait3A_269 = arith.constant 0 : i32
        %dma_wait3A_270 = tpu.memref_slice %arg7[%dma_wait3A_268, %dma_wait3A_269] : memref<96x128xi32, #tpu.memory_space<vmem>> -> memref<1x128xi32, #tpu.memory_space<vmem>>
        %dma_wait3A_271 = tpu.memref_squeeze %dma_wait3A_270 : memref<1x128xi32, #tpu.memory_space<vmem>> -> memref<128xi32, #tpu.memory_space<vmem>>
        %dma_wait3A_272 = arith.constant 0 : i32
        %dma_wait3A_273 = arith.constant 0 : i32
        %dma_wait3A_274 = tpu.memref_slice %arg10[%dma_wait3A_272, %dma_wait3A_273] : memref<10240x16xf32, #tpu.memory_space<vmem_shared>> -> memref<10240x16xf32, #tpu.memory_space<vmem_shared>>
        tpu.wait_indirect_dma semaphore(%arg12 : memref<!tpu.dma_semaphore, #tpu.memory_space<semaphore_mem>>) src(%arg8 : memref<128x16xf32, #tpu.memory_space<vmem>>) dst(%dma_wait3A_274 : memref<10240x16xf32, #tpu.memory_space<vmem_shared>>)
        %dma_wait3A_275 = arith.constant 0 : i32
        %dma_wait3A_276 = arith.constant 0 : i32
        %dma_wait3A_277 = tpu.memref_slice %arg6[%dma_wait3A_275, %dma_wait3A_276] : memref<96x128xi32, #tpu.memory_space<vmem>> -> memref<1x128xi32, #tpu.memory_space<vmem>>
        %dma_wait3A_278 = tpu.memref_squeeze %dma_wait3A_277 : memref<1x128xi32, #tpu.memory_space<vmem>> -> memref<128xi32, #tpu.memory_space<vmem>>
        %dma_wait3A_279 = arith.constant 0 : i32
        %dma_wait3A_280 = arith.constant 0 : i32
        %dma_wait3A_281 = tpu.memref_slice %arg9[%dma_wait3A_279, %dma_wait3A_280] : memref<10240x16xf32, #tpu.memory_space<vmem_shared>> -> memref<10240x16xf32, #tpu.memory_space<vmem_shared>>
        tpu.wait_indirect_dma semaphore(%arg11 : memref<!tpu.dma_semaphore, #tpu.memory_space<semaphore_mem>>) src(%arg8 : memref<128x16xf32, #tpu.memory_space<vmem>>) dst(%dma_wait3A_281 : memref<10240x16xf32, #tpu.memory_space<vmem_shared>>)
        %dma_wait3A_282 = arith.constant 0 : i32
        %dma_wait3A_283 = arith.constant 0 : i32
        %dma_wait3A_284 = tpu.memref_slice %arg7[%dma_wait3A_282, %dma_wait3A_283] : memref<96x128xi32, #tpu.memory_space<vmem>> -> memref<1x128xi32, #tpu.memory_space<vmem>>
        %dma_wait3A_285 = tpu.memref_squeeze %dma_wait3A_284 : memref<1x128xi32, #tpu.memory_space<vmem>> -> memref<128xi32, #tpu.memory_space<vmem>>
        %dma_wait3A_286 = arith.constant 0 : i32
        %dma_wait3A_287 = arith.constant 0 : i32
        %dma_wait3A_288 = tpu.memref_slice %arg10[%dma_wait3A_286, %dma_wait3A_287] : memref<10240x16xf32, #tpu.memory_space<vmem_shared>> -> memref<10240x16xf32, #tpu.memory_space<vmem_shared>>
        tpu.wait_indirect_dma semaphore(%arg12 : memref<!tpu.dma_semaphore, #tpu.memory_space<semaphore_mem>>) src(%arg8 : memref<128x16xf32, #tpu.memory_space<vmem>>) dst(%dma_wait3A_288 : memref<10240x16xf32, #tpu.memory_space<vmem_shared>>)
        %dma_wait3A_289 = arith.constant 0 : i32
        %dma_wait3A_290 = arith.constant 0 : i32
        %dma_wait3A_291 = tpu.memref_slice %arg6[%dma_wait3A_289, %dma_wait3A_290] : memref<96x128xi32, #tpu.memory_space<vmem>> -> memref<1x128xi32, #tpu.memory_space<vmem>>
        %dma_wait3A_292 = tpu.memref_squeeze %dma_wait3A_291 : memref<1x128xi32, #tpu.memory_space<vmem>> -> memref<128xi32, #tpu.memory_space<vmem>>
        %dma_wait3A_293 = arith.constant 0 : i32
        %dma_wait3A_294 = arith.constant 0 : i32
        %dma_wait3A_295 = tpu.memref_slice %arg9[%dma_wait3A_293, %dma_wait3A_294] : memref<10240x16xf32, #tpu.memory_space<vmem_shared>> -> memref<10240x16xf32, #tpu.memory_space<vmem_shared>>
        tpu.wait_indirect_dma semaphore(%arg11 : memref<!tpu.dma_semaphore, #tpu.memory_space<semaphore_mem>>) src(%arg8 : memref<128x16xf32, #tpu.memory_space<vmem>>) dst(%dma_wait3A_295 : memref<10240x16xf32, #tpu.memory_space<vmem_shared>>)
        %dma_wait3A_296 = arith.constant 0 : i32
        %dma_wait3A_297 = arith.constant 0 : i32
        %dma_wait3A_298 = tpu.memref_slice %arg7[%dma_wait3A_296, %dma_wait3A_297] : memref<96x128xi32, #tpu.memory_space<vmem>> -> memref<1x128xi32, #tpu.memory_space<vmem>>
        %dma_wait3A_299 = tpu.memref_squeeze %dma_wait3A_298 : memref<1x128xi32, #tpu.memory_space<vmem>> -> memref<128xi32, #tpu.memory_space<vmem>>
        %dma_wait3A_300 = arith.constant 0 : i32
        %dma_wait3A_301 = arith.constant 0 : i32
        %dma_wait3A_302 = tpu.memref_slice %arg10[%dma_wait3A_300, %dma_wait3A_301] : memref<10240x16xf32, #tpu.memory_space<vmem_shared>> -> memref<10240x16xf32, #tpu.memory_space<vmem_shared>>
        tpu.wait_indirect_dma semaphore(%arg12 : memref<!tpu.dma_semaphore, #tpu.memory_space<semaphore_mem>>) src(%arg8 : memref<128x16xf32, #tpu.memory_space<vmem>>) dst(%dma_wait3A_302 : memref<10240x16xf32, #tpu.memory_space<vmem_shared>>)
        %dma_wait3A_303 = arith.constant 0 : i32
        %dma_wait3A_304 = arith.constant 0 : i32
        %dma_wait3A_305 = tpu.memref_slice %arg6[%dma_wait3A_303, %dma_wait3A_304] : memref<96x128xi32, #tpu.memory_space<vmem>> -> memref<1x128xi32, #tpu.memory_space<vmem>>
        %dma_wait3A_306 = tpu.memref_squeeze %dma_wait3A_305 : memref<1x128xi32, #tpu.memory_space<vmem>> -> memref<128xi32, #tpu.memory_space<vmem>>
        %dma_wait3A_307 = arith.constant 0 : i32
        %dma_wait3A_308 = arith.constant 0 : i32
        %dma_wait3A_309 = tpu.memref_slice %arg9[%dma_wait3A_307, %dma_wait3A_308] : memref<10240x16xf32, #tpu.memory_space<vmem_shared>> -> memref<10240x16xf32, #tpu.memory_space<vmem_shared>>
        tpu.wait_indirect_dma semaphore(%arg11 : memref<!tpu.dma_semaphore, #tpu.memory_space<semaphore_mem>>) src(%arg8 : memref<128x16xf32, #tpu.memory_space<vmem>>) dst(%dma_wait3A_309 : memref<10240x16xf32, #tpu.memory_space<vmem_shared>>)
        %dma_wait3A_310 = arith.constant 0 : i32
        %dma_wait3A_311 = arith.constant 0 : i32
        %dma_wait3A_312 = tpu.memref_slice %arg7[%dma_wait3A_310, %dma_wait3A_311] : memref<96x128xi32, #tpu.memory_space<vmem>> -> memref<1x128xi32, #tpu.memory_space<vmem>>
        %dma_wait3A_313 = tpu.memref_squeeze %dma_wait3A_312 : memref<1x128xi32, #tpu.memory_space<vmem>> -> memref<128xi32, #tpu.memory_space<vmem>>
        %dma_wait3A_314 = arith.constant 0 : i32
        %dma_wait3A_315 = arith.constant 0 : i32
        %dma_wait3A_316 = tpu.memref_slice %arg10[%dma_wait3A_314, %dma_wait3A_315] : memref<10240x16xf32, #tpu.memory_space<vmem_shared>> -> memref<10240x16xf32, #tpu.memory_space<vmem_shared>>
        tpu.wait_indirect_dma semaphore(%arg12 : memref<!tpu.dma_semaphore, #tpu.memory_space<semaphore_mem>>) src(%arg8 : memref<128x16xf32, #tpu.memory_space<vmem>>) dst(%dma_wait3A_316 : memref<10240x16xf32, #tpu.memory_space<vmem_shared>>)
        %dma_wait3A_317 = arith.constant 0 : i32
        %dma_wait3A_318 = arith.constant 0 : i32
        %dma_wait3A_319 = tpu.memref_slice %arg6[%dma_wait3A_317, %dma_wait3A_318] : memref<96x128xi32, #tpu.memory_space<vmem>> -> memref<1x128xi32, #tpu.memory_space<vmem>>
        %dma_wait3A_320 = tpu.memref_squeeze %dma_wait3A_319 : memref<1x128xi32, #tpu.memory_space<vmem>> -> memref<128xi32, #tpu.memory_space<vmem>>
        %dma_wait3A_321 = arith.constant 0 : i32
        %dma_wait3A_322 = arith.constant 0 : i32
        %dma_wait3A_323 = tpu.memref_slice %arg9[%dma_wait3A_321, %dma_wait3A_322] : memref<10240x16xf32, #tpu.memory_space<vmem_shared>> -> memref<10240x16xf32, #tpu.memory_space<vmem_shared>>
        tpu.wait_indirect_dma semaphore(%arg11 : memref<!tpu.dma_semaphore, #tpu.memory_space<semaphore_mem>>) src(%arg8 : memref<128x16xf32, #tpu.memory_space<vmem>>) dst(%dma_wait3A_323 : memref<10240x16xf32, #tpu.memory_space<vmem_shared>>)
        %dma_wait3A_324 = arith.constant 0 : i32
        %dma_wait3A_325 = arith.constant 0 : i32
        %dma_wait3A_326 = tpu.memref_slice %arg7[%dma_wait3A_324, %dma_wait3A_325] : memref<96x128xi32, #tpu.memory_space<vmem>> -> memref<1x128xi32, #tpu.memory_space<vmem>>
        %dma_wait3A_327 = tpu.memref_squeeze %dma_wait3A_326 : memref<1x128xi32, #tpu.memory_space<vmem>> -> memref<128xi32, #tpu.memory_space<vmem>>
        %dma_wait3A_328 = arith.constant 0 : i32
        %dma_wait3A_329 = arith.constant 0 : i32
        %dma_wait3A_330 = tpu.memref_slice %arg10[%dma_wait3A_328, %dma_wait3A_329] : memref<10240x16xf32, #tpu.memory_space<vmem_shared>> -> memref<10240x16xf32, #tpu.memory_space<vmem_shared>>
        tpu.wait_indirect_dma semaphore(%arg12 : memref<!tpu.dma_semaphore, #tpu.memory_space<semaphore_mem>>) src(%arg8 : memref<128x16xf32, #tpu.memory_space<vmem>>) dst(%dma_wait3A_330 : memref<10240x16xf32, #tpu.memory_space<vmem_shared>>)
        %dma_wait3A_331 = arith.constant 0 : i32
        %dma_wait3A_332 = arith.constant 0 : i32
        %dma_wait3A_333 = tpu.memref_slice %arg6[%dma_wait3A_331, %dma_wait3A_332] : memref<96x128xi32, #tpu.memory_space<vmem>> -> memref<1x128xi32, #tpu.memory_space<vmem>>
        %dma_wait3A_334 = tpu.memref_squeeze %dma_wait3A_333 : memref<1x128xi32, #tpu.memory_space<vmem>> -> memref<128xi32, #tpu.memory_space<vmem>>
        %dma_wait3A_335 = arith.constant 0 : i32
        %dma_wait3A_336 = arith.constant 0 : i32
        %dma_wait3A_337 = tpu.memref_slice %arg9[%dma_wait3A_335, %dma_wait3A_336] : memref<10240x16xf32, #tpu.memory_space<vmem_shared>> -> memref<10240x16xf32, #tpu.memory_space<vmem_shared>>
        tpu.wait_indirect_dma semaphore(%arg11 : memref<!tpu.dma_semaphore, #tpu.memory_space<semaphore_mem>>) src(%arg8 : memref<128x16xf32, #tpu.memory_space<vmem>>) dst(%dma_wait3A_337 : memref<10240x16xf32, #tpu.memory_space<vmem_shared>>)
        %dma_wait3A_338 = arith.constant 0 : i32
        %dma_wait3A_339 = arith.constant 0 : i32
        %dma_wait3A_340 = tpu.memref_slice %arg7[%dma_wait3A_338, %dma_wait3A_339] : memref<96x128xi32, #tpu.memory_space<vmem>> -> memref<1x128xi32, #tpu.memory_space<vmem>>
        %dma_wait3A_341 = tpu.memref_squeeze %dma_wait3A_340 : memref<1x128xi32, #tpu.memory_space<vmem>> -> memref<128xi32, #tpu.memory_space<vmem>>
        %dma_wait3A_342 = arith.constant 0 : i32
        %dma_wait3A_343 = arith.constant 0 : i32
        %dma_wait3A_344 = tpu.memref_slice %arg10[%dma_wait3A_342, %dma_wait3A_343] : memref<10240x16xf32, #tpu.memory_space<vmem_shared>> -> memref<10240x16xf32, #tpu.memory_space<vmem_shared>>
        tpu.wait_indirect_dma semaphore(%arg12 : memref<!tpu.dma_semaphore, #tpu.memory_space<semaphore_mem>>) src(%arg8 : memref<128x16xf32, #tpu.memory_space<vmem>>) dst(%dma_wait3A_344 : memref<10240x16xf32, #tpu.memory_space<vmem_shared>>)
        %scan3A_345 = arith.constant 0 : i32
        scf.yield %scan3A_345 : i32
      }
      %scan3A_72 = arith.constant 8 : i32
    } else {
    }
    %barrier3A_41 = arith.constant 0 : index
    tpu.barrier barrier_id(%barrier3A_41)
    %mul3A_42 = arith.constant 640 : i32
    %mul3A_43 = arith.muli %arg1, %mul3A_42 : i32
    %add3A_44 = arith.constant 0 : i32
    %add3A_45 = arith.addi %mul3A_43, %add3A_44 : i32
    "tpu.region"() ({
      %run_scoped3A = tpu.sem_alloc : memref<!tpu.dma_semaphore, #tpu.memory_space<semaphore_mem>>
      %dma_start3A = arith.constant 0 : i32
      %dma_start3A_62 = tpu.memref_slice %arg4[%arg0, %add3A_45, %dma_start3A] : memref<2x10240x16xf32, #tpu.memory_space<hbm>> -> memref<1x128x16xf32, #tpu.memory_space<hbm>>
      %dma_start3A_63 = tpu.memref_squeeze %dma_start3A_62 : memref<1x128x16xf32, #tpu.memory_space<hbm>> -> memref<128x16xf32, #tpu.memory_space<hbm>>
      %dma_start3A_64 = arith.constant 0 : i32
      %dma_start3A_65 = tpu.memref_slice %arg9[%add3A_45, %dma_start3A_64] : memref<10240x16xf32, #tpu.memory_space<vmem_shared>> -> memref<128x16xf32, #tpu.memory_space<vmem_shared>>
      tpu.enqueue_dma source(%dma_start3A_65 : memref<128x16xf32, #tpu.memory_space<vmem_shared>>) target(%dma_start3A_63 : memref<128x16xf32, #tpu.memory_space<hbm>>) target_semaphore(%run_scoped3A : memref<!tpu.dma_semaphore, #tpu.memory_space<semaphore_mem>>)
      %dma_wait3A = arith.constant 0 : i32
      %dma_wait3A_66 = tpu.memref_slice %arg4[%arg0, %add3A_45, %dma_wait3A] : memref<2x10240x16xf32, #tpu.memory_space<hbm>> -> memref<1x128x16xf32, #tpu.memory_space<hbm>>
      %dma_wait3A_67 = tpu.memref_squeeze %dma_wait3A_66 : memref<1x128x16xf32, #tpu.memory_space<hbm>> -> memref<128x16xf32, #tpu.memory_space<hbm>>
      %dma_wait3A_68 = arith.constant 0 : i32
      %dma_wait3A_69 = tpu.memref_slice %arg9[%add3A_45, %dma_wait3A_68] : memref<10240x16xf32, #tpu.memory_space<vmem_shared>> -> memref<128x16xf32, #tpu.memory_space<vmem_shared>>
      tpu.wait_dma2 semaphore(%run_scoped3A : memref<!tpu.dma_semaphore, #tpu.memory_space<semaphore_mem>>) src(%dma_wait3A_69 : memref<128x16xf32, #tpu.memory_space<vmem_shared>>) dst(%dma_wait3A_67 : memref<128x16xf32, #tpu.memory_space<hbm>>)
      tpu.yield
    }) : () -> ()
    "tpu.region"() ({
      %run_scoped3A = tpu.sem_alloc : memref<!tpu.dma_semaphore, #tpu.memory_space<semaphore_mem>>
      %dma_start3A = arith.constant 0 : i32
      %dma_start3A_62 = tpu.memref_slice %arg5[%arg0, %add3A_45, %dma_start3A] : memref<2x10240x16xf32, #tpu.memory_space<hbm>> -> memref<1x128x16xf32, #tpu.memory_space<hbm>>
      %dma_start3A_63 = tpu.memref_squeeze %dma_start3A_62 : memref<1x128x16xf32, #tpu.memory_space<hbm>> -> memref<128x16xf32, #tpu.memory_space<hbm>>
      %dma_start3A_64 = arith.constant 0 : i32
      %dma_start3A_65 = tpu.memref_slice %arg10[%add3A_45, %dma_start3A_64] : memref<10240x16xf32, #tpu.memory_space<vmem_shared>> -> memref<128x16xf32, #tpu.memory_space<vmem_shared>>
      tpu.enqueue_dma source(%dma_start3A_65 : memref<128x16xf32, #tpu.memory_space<vmem_shared>>) target(%dma_start3A_63 : memref<128x16xf32, #tpu.memory_space<hbm>>) target_semaphore(%run_scoped3A : memref<!tpu.dma_semaphore, #tpu.memory_space<semaphore_mem>>)
      %dma_wait3A = arith.constant 0 : i32
      %dma_wait3A_66 = tpu.memref_slice %arg5[%arg0, %add3A_45, %dma_wait3A] : memref<2x10240x16xf32, #tpu.memory_space<hbm>> -> memref<1x128x16xf32, #tpu.memory_space<hbm>>
      %dma_wait3A_67 = tpu.memref_squeeze %dma_wait3A_66 : memref<1x128x16xf32, #tpu.memory_space<hbm>> -> memref<128x16xf32, #tpu.memory_space<hbm>>
      %dma_wait3A_68 = arith.constant 0 : i32
      %dma_wait3A_69 = tpu.memref_slice %arg10[%add3A_45, %dma_wait3A_68] : memref<10240x16xf32, #tpu.memory_space<vmem_shared>> -> memref<128x16xf32, #tpu.memory_space<vmem_shared>>
      tpu.wait_dma2 semaphore(%run_scoped3A : memref<!tpu.dma_semaphore, #tpu.memory_space<semaphore_mem>>) src(%dma_wait3A_69 : memref<128x16xf32, #tpu.memory_space<vmem_shared>>) dst(%dma_wait3A_67 : memref<128x16xf32, #tpu.memory_space<hbm>>)
      tpu.yield
    }) : () -> ()
    %mul3A_46 = arith.constant 640 : i32
    %mul3A_47 = arith.muli %arg1, %mul3A_46 : i32
    %add3A_48 = arith.constant 128 : i32
    %add3A_49 = arith.addi %mul3A_47, %add3A_48 : i32
    "tpu.region"() ({
      %run_scoped3A = tpu.sem_alloc : memref<!tpu.dma_semaphore, #tpu.memory_space<semaphore_mem>>
      %dma_start3A = arith.constant 0 : i32
      %dma_start3A_62 = tpu.memref_slice %arg4[%arg0, %add3A_49, %dma_start3A] : memref<2x10240x16xf32, #tpu.memory_space<hbm>> -> memref<1x128x16xf32, #tpu.memory_space<hbm>>
      %dma_start3A_63 = tpu.memref_squeeze %dma_start3A_62 : memref<1x128x16xf32, #tpu.memory_space<hbm>> -> memref<128x16xf32, #tpu.memory_space<hbm>>
      %dma_start3A_64 = arith.constant 0 : i32
      %dma_start3A_65 = tpu.memref_slice %arg9[%add3A_49, %dma_start3A_64] : memref<10240x16xf32, #tpu.memory_space<vmem_shared>> -> memref<128x16xf32, #tpu.memory_space<vmem_shared>>
      tpu.enqueue_dma source(%dma_start3A_65 : memref<128x16xf32, #tpu.memory_space<vmem_shared>>) target(%dma_start3A_63 : memref<128x16xf32, #tpu.memory_space<hbm>>) target_semaphore(%run_scoped3A : memref<!tpu.dma_semaphore, #tpu.memory_space<semaphore_mem>>)
      %dma_wait3A = arith.constant 0 : i32
      %dma_wait3A_66 = tpu.memref_slice %arg4[%arg0, %add3A_49, %dma_wait3A] : memref<2x10240x16xf32, #tpu.memory_space<hbm>> -> memref<1x128x16xf32, #tpu.memory_space<hbm>>
      %dma_wait3A_67 = tpu.memref_squeeze %dma_wait3A_66 : memref<1x128x16xf32, #tpu.memory_space<hbm>> -> memref<128x16xf32, #tpu.memory_space<hbm>>
      %dma_wait3A_68 = arith.constant 0 : i32
      %dma_wait3A_69 = tpu.memref_slice %arg9[%add3A_49, %dma_wait3A_68] : memref<10240x16xf32, #tpu.memory_space<vmem_shared>> -> memref<128x16xf32, #tpu.memory_space<vmem_shared>>
      tpu.wait_dma2 semaphore(%run_scoped3A : memref<!tpu.dma_semaphore, #tpu.memory_space<semaphore_mem>>) src(%dma_wait3A_69 : memref<128x16xf32, #tpu.memory_space<vmem_shared>>) dst(%dma_wait3A_67 : memref<128x16xf32, #tpu.memory_space<hbm>>)
      tpu.yield
    }) : () -> ()
    "tpu.region"() ({
      %run_scoped3A = tpu.sem_alloc : memref<!tpu.dma_semaphore, #tpu.memory_space<semaphore_mem>>
      %dma_start3A = arith.constant 0 : i32
      %dma_start3A_62 = tpu.memref_slice %arg5[%arg0, %add3A_49, %dma_start3A] : memref<2x10240x16xf32, #tpu.memory_space<hbm>> -> memref<1x128x16xf32, #tpu.memory_space<hbm>>
      %dma_start3A_63 = tpu.memref_squeeze %dma_start3A_62 : memref<1x128x16xf32, #tpu.memory_space<hbm>> -> memref<128x16xf32, #tpu.memory_space<hbm>>
      %dma_start3A_64 = arith.constant 0 : i32
      %dma_start3A_65 = tpu.memref_slice %arg10[%add3A_49, %dma_start3A_64] : memref<10240x16xf32, #tpu.memory_space<vmem_shared>> -> memref<128x16xf32, #tpu.memory_space<vmem_shared>>
      tpu.enqueue_dma source(%dma_start3A_65 : memref<128x16xf32, #tpu.memory_space<vmem_shared>>) target(%dma_start3A_63 : memref<128x16xf32, #tpu.memory_space<hbm>>) target_semaphore(%run_scoped3A : memref<!tpu.dma_semaphore, #tpu.memory_space<semaphore_mem>>)
      %dma_wait3A = arith.constant 0 : i32
      %dma_wait3A_66 = tpu.memref_slice %arg5[%arg0, %add3A_49, %dma_wait3A] : memref<2x10240x16xf32, #tpu.memory_space<hbm>> -> memref<1x128x16xf32, #tpu.memory_space<hbm>>
      %dma_wait3A_67 = tpu.memref_squeeze %dma_wait3A_66 : memref<1x128x16xf32, #tpu.memory_space<hbm>> -> memref<128x16xf32, #tpu.memory_space<hbm>>
      %dma_wait3A_68 = arith.constant 0 : i32
      %dma_wait3A_69 = tpu.memref_slice %arg10[%add3A_49, %dma_wait3A_68] : memref<10240x16xf32, #tpu.memory_space<vmem_shared>> -> memref<128x16xf32, #tpu.memory_space<vmem_shared>>
      tpu.wait_dma2 semaphore(%run_scoped3A : memref<!tpu.dma_semaphore, #tpu.memory_space<semaphore_mem>>) src(%dma_wait3A_69 : memref<128x16xf32, #tpu.memory_space<vmem_shared>>) dst(%dma_wait3A_67 : memref<128x16xf32, #tpu.memory_space<hbm>>)
      tpu.yield
    }) : () -> ()
    %mul3A_50 = arith.constant 640 : i32
    %mul3A_51 = arith.muli %arg1, %mul3A_50 : i32
    %add3A_52 = arith.constant 256 : i32
    %add3A_53 = arith.addi %mul3A_51, %add3A_52 : i32
    "tpu.region"() ({
      %run_scoped3A = tpu.sem_alloc : memref<!tpu.dma_semaphore, #tpu.memory_space<semaphore_mem>>
      %dma_start3A = arith.constant 0 : i32
      %dma_start3A_62 = tpu.memref_slice %arg4[%arg0, %add3A_53, %dma_start3A] : memref<2x10240x16xf32, #tpu.memory_space<hbm>> -> memref<1x128x16xf32, #tpu.memory_space<hbm>>
      %dma_start3A_63 = tpu.memref_squeeze %dma_start3A_62 : memref<1x128x16xf32, #tpu.memory_space<hbm>> -> memref<128x16xf32, #tpu.memory_space<hbm>>
      %dma_start3A_64 = arith.constant 0 : i32
      %dma_start3A_65 = tpu.memref_slice %arg9[%add3A_53, %dma_start3A_64] : memref<10240x16xf32, #tpu.memory_space<vmem_shared>> -> memref<128x16xf32, #tpu.memory_space<vmem_shared>>
      tpu.enqueue_dma source(%dma_start3A_65 : memref<128x16xf32, #tpu.memory_space<vmem_shared>>) target(%dma_start3A_63 : memref<128x16xf32, #tpu.memory_space<hbm>>) target_semaphore(%run_scoped3A : memref<!tpu.dma_semaphore, #tpu.memory_space<semaphore_mem>>)
      %dma_wait3A = arith.constant 0 : i32
      %dma_wait3A_66 = tpu.memref_slice %arg4[%arg0, %add3A_53, %dma_wait3A] : memref<2x10240x16xf32, #tpu.memory_space<hbm>> -> memref<1x128x16xf32, #tpu.memory_space<hbm>>
      %dma_wait3A_67 = tpu.memref_squeeze %dma_wait3A_66 : memref<1x128x16xf32, #tpu.memory_space<hbm>> -> memref<128x16xf32, #tpu.memory_space<hbm>>
      %dma_wait3A_68 = arith.constant 0 : i32
      %dma_wait3A_69 = tpu.memref_slice %arg9[%add3A_53, %dma_wait3A_68] : memref<10240x16xf32, #tpu.memory_space<vmem_shared>> -> memref<128x16xf32, #tpu.memory_space<vmem_shared>>
      tpu.wait_dma2 semaphore(%run_scoped3A : memref<!tpu.dma_semaphore, #tpu.memory_space<semaphore_mem>>) src(%dma_wait3A_69 : memref<128x16xf32, #tpu.memory_space<vmem_shared>>) dst(%dma_wait3A_67 : memref<128x16xf32, #tpu.memory_space<hbm>>)
      tpu.yield
    }) : () -> ()
    "tpu.region"() ({
      %run_scoped3A = tpu.sem_alloc : memref<!tpu.dma_semaphore, #tpu.memory_space<semaphore_mem>>
      %dma_start3A = arith.constant 0 : i32
      %dma_start3A_62 = tpu.memref_slice %arg5[%arg0, %add3A_53, %dma_start3A] : memref<2x10240x16xf32, #tpu.memory_space<hbm>> -> memref<1x128x16xf32, #tpu.memory_space<hbm>>
      %dma_start3A_63 = tpu.memref_squeeze %dma_start3A_62 : memref<1x128x16xf32, #tpu.memory_space<hbm>> -> memref<128x16xf32, #tpu.memory_space<hbm>>
      %dma_start3A_64 = arith.constant 0 : i32
      %dma_start3A_65 = tpu.memref_slice %arg10[%add3A_53, %dma_start3A_64] : memref<10240x16xf32, #tpu.memory_space<vmem_shared>> -> memref<128x16xf32, #tpu.memory_space<vmem_shared>>
      tpu.enqueue_dma source(%dma_start3A_65 : memref<128x16xf32, #tpu.memory_space<vmem_shared>>) target(%dma_start3A_63 : memref<128x16xf32, #tpu.memory_space<hbm>>) target_semaphore(%run_scoped3A : memref<!tpu.dma_semaphore, #tpu.memory_space<semaphore_mem>>)
      %dma_wait3A = arith.constant 0 : i32
      %dma_wait3A_66 = tpu.memref_slice %arg5[%arg0, %add3A_53, %dma_wait3A] : memref<2x10240x16xf32, #tpu.memory_space<hbm>> -> memref<1x128x16xf32, #tpu.memory_space<hbm>>
      %dma_wait3A_67 = tpu.memref_squeeze %dma_wait3A_66 : memref<1x128x16xf32, #tpu.memory_space<hbm>> -> memref<128x16xf32, #tpu.memory_space<hbm>>
      %dma_wait3A_68 = arith.constant 0 : i32
      %dma_wait3A_69 = tpu.memref_slice %arg10[%add3A_53, %dma_wait3A_68] : memref<10240x16xf32, #tpu.memory_space<vmem_shared>> -> memref<128x16xf32, #tpu.memory_space<vmem_shared>>
      tpu.wait_dma2 semaphore(%run_scoped3A : memref<!tpu.dma_semaphore, #tpu.memory_space<semaphore_mem>>) src(%dma_wait3A_69 : memref<128x16xf32, #tpu.memory_space<vmem_shared>>) dst(%dma_wait3A_67 : memref<128x16xf32, #tpu.memory_space<hbm>>)
      tpu.yield
    }) : () -> ()
    %mul3A_54 = arith.constant 640 : i32
    %mul3A_55 = arith.muli %arg1, %mul3A_54 : i32
    %add3A_56 = arith.constant 384 : i32
    %add3A_57 = arith.addi %mul3A_55, %add3A_56 : i32
    "tpu.region"() ({
      %run_scoped3A = tpu.sem_alloc : memref<!tpu.dma_semaphore, #tpu.memory_space<semaphore_mem>>
      %dma_start3A = arith.constant 0 : i32
      %dma_start3A_62 = tpu.memref_slice %arg4[%arg0, %add3A_57, %dma_start3A] : memref<2x10240x16xf32, #tpu.memory_space<hbm>> -> memref<1x128x16xf32, #tpu.memory_space<hbm>>
      %dma_start3A_63 = tpu.memref_squeeze %dma_start3A_62 : memref<1x128x16xf32, #tpu.memory_space<hbm>> -> memref<128x16xf32, #tpu.memory_space<hbm>>
      %dma_start3A_64 = arith.constant 0 : i32
      %dma_start3A_65 = tpu.memref_slice %arg9[%add3A_57, %dma_start3A_64] : memref<10240x16xf32, #tpu.memory_space<vmem_shared>> -> memref<128x16xf32, #tpu.memory_space<vmem_shared>>
      tpu.enqueue_dma source(%dma_start3A_65 : memref<128x16xf32, #tpu.memory_space<vmem_shared>>) target(%dma_start3A_63 : memref<128x16xf32, #tpu.memory_space<hbm>>) target_semaphore(%run_scoped3A : memref<!tpu.dma_semaphore, #tpu.memory_space<semaphore_mem>>)
      %dma_wait3A = arith.constant 0 : i32
      %dma_wait3A_66 = tpu.memref_slice %arg4[%arg0, %add3A_57, %dma_wait3A] : memref<2x10240x16xf32, #tpu.memory_space<hbm>> -> memref<1x128x16xf32, #tpu.memory_space<hbm>>
      %dma_wait3A_67 = tpu.memref_squeeze %dma_wait3A_66 : memref<1x128x16xf32, #tpu.memory_space<hbm>> -> memref<128x16xf32, #tpu.memory_space<hbm>>
      %dma_wait3A_68 = arith.constant 0 : i32
      %dma_wait3A_69 = tpu.memref_slice %arg9[%add3A_57, %dma_wait3A_68] : memref<10240x16xf32, #tpu.memory_space<vmem_shared>> -> memref<128x16xf32, #tpu.memory_space<vmem_shared>>
      tpu.wait_dma2 semaphore(%run_scoped3A : memref<!tpu.dma_semaphore, #tpu.memory_space<semaphore_mem>>) src(%dma_wait3A_69 : memref<128x16xf32, #tpu.memory_space<vmem_shared>>) dst(%dma_wait3A_67 : memref<128x16xf32, #tpu.memory_space<hbm>>)
      tpu.yield
    }) : () -> ()
    "tpu.region"() ({
      %run_scoped3A = tpu.sem_alloc : memref<!tpu.dma_semaphore, #tpu.memory_space<semaphore_mem>>
      %dma_start3A = arith.constant 0 : i32
      %dma_start3A_62 = tpu.memref_slice %arg5[%arg0, %add3A_57, %dma_start3A] : memref<2x10240x16xf32, #tpu.memory_space<hbm>> -> memref<1x128x16xf32, #tpu.memory_space<hbm>>
      %dma_start3A_63 = tpu.memref_squeeze %dma_start3A_62 : memref<1x128x16xf32, #tpu.memory_space<hbm>> -> memref<128x16xf32, #tpu.memory_space<hbm>>
      %dma_start3A_64 = arith.constant 0 : i32
      %dma_start3A_65 = tpu.memref_slice %arg10[%add3A_57, %dma_start3A_64] : memref<10240x16xf32, #tpu.memory_space<vmem_shared>> -> memref<128x16xf32, #tpu.memory_space<vmem_shared>>
      tpu.enqueue_dma source(%dma_start3A_65 : memref<128x16xf32, #tpu.memory_space<vmem_shared>>) target(%dma_start3A_63 : memref<128x16xf32, #tpu.memory_space<hbm>>) target_semaphore(%run_scoped3A : memref<!tpu.dma_semaphore, #tpu.memory_space<semaphore_mem>>)
      %dma_wait3A = arith.constant 0 : i32
      %dma_wait3A_66 = tpu.memref_slice %arg5[%arg0, %add3A_57, %dma_wait3A] : memref<2x10240x16xf32, #tpu.memory_space<hbm>> -> memref<1x128x16xf32, #tpu.memory_space<hbm>>
      %dma_wait3A_67 = tpu.memref_squeeze %dma_wait3A_66 : memref<1x128x16xf32, #tpu.memory_space<hbm>> -> memref<128x16xf32, #tpu.memory_space<hbm>>
      %dma_wait3A_68 = arith.constant 0 : i32
      %dma_wait3A_69 = tpu.memref_slice %arg10[%add3A_57, %dma_wait3A_68] : memref<10240x16xf32, #tpu.memory_space<vmem_shared>> -> memref<128x16xf32, #tpu.memory_space<vmem_shared>>
      tpu.wait_dma2 semaphore(%run_scoped3A : memref<!tpu.dma_semaphore, #tpu.memory_space<semaphore_mem>>) src(%dma_wait3A_69 : memref<128x16xf32, #tpu.memory_space<vmem_shared>>) dst(%dma_wait3A_67 : memref<128x16xf32, #tpu.memory_space<hbm>>)
      tpu.yield
    }) : () -> ()
    %mul3A_58 = arith.constant 640 : i32
    %mul3A_59 = arith.muli %arg1, %mul3A_58 : i32
    %add3A_60 = arith.constant 512 : i32
    %add3A_61 = arith.addi %mul3A_59, %add3A_60 : i32
    "tpu.region"() ({
      %run_scoped3A = tpu.sem_alloc : memref<!tpu.dma_semaphore, #tpu.memory_space<semaphore_mem>>
      %dma_start3A = arith.constant 0 : i32
      %dma_start3A_62 = tpu.memref_slice %arg4[%arg0, %add3A_61, %dma_start3A] : memref<2x10240x16xf32, #tpu.memory_space<hbm>> -> memref<1x128x16xf32, #tpu.memory_space<hbm>>
      %dma_start3A_63 = tpu.memref_squeeze %dma_start3A_62 : memref<1x128x16xf32, #tpu.memory_space<hbm>> -> memref<128x16xf32, #tpu.memory_space<hbm>>
      %dma_start3A_64 = arith.constant 0 : i32
      %dma_start3A_65 = tpu.memref_slice %arg9[%add3A_61, %dma_start3A_64] : memref<10240x16xf32, #tpu.memory_space<vmem_shared>> -> memref<128x16xf32, #tpu.memory_space<vmem_shared>>
      tpu.enqueue_dma source(%dma_start3A_65 : memref<128x16xf32, #tpu.memory_space<vmem_shared>>) target(%dma_start3A_63 : memref<128x16xf32, #tpu.memory_space<hbm>>) target_semaphore(%run_scoped3A : memref<!tpu.dma_semaphore, #tpu.memory_space<semaphore_mem>>)
      %dma_wait3A = arith.constant 0 : i32
      %dma_wait3A_66 = tpu.memref_slice %arg4[%arg0, %add3A_61, %dma_wait3A] : memref<2x10240x16xf32, #tpu.memory_space<hbm>> -> memref<1x128x16xf32, #tpu.memory_space<hbm>>
      %dma_wait3A_67 = tpu.memref_squeeze %dma_wait3A_66 : memref<1x128x16xf32, #tpu.memory_space<hbm>> -> memref<128x16xf32, #tpu.memory_space<hbm>>
      %dma_wait3A_68 = arith.constant 0 : i32
      %dma_wait3A_69 = tpu.memref_slice %arg9[%add3A_61, %dma_wait3A_68] : memref<10240x16xf32, #tpu.memory_space<vmem_shared>> -> memref<128x16xf32, #tpu.memory_space<vmem_shared>>
      tpu.wait_dma2 semaphore(%run_scoped3A : memref<!tpu.dma_semaphore, #tpu.memory_space<semaphore_mem>>) src(%dma_wait3A_69 : memref<128x16xf32, #tpu.memory_space<vmem_shared>>) dst(%dma_wait3A_67 : memref<128x16xf32, #tpu.memory_space<hbm>>)
      tpu.yield
    }) : () -> ()
    "tpu.region"() ({
      %run_scoped3A = tpu.sem_alloc : memref<!tpu.dma_semaphore, #tpu.memory_space<semaphore_mem>>
      %dma_start3A = arith.constant 0 : i32
      %dma_start3A_62 = tpu.memref_slice %arg5[%arg0, %add3A_61, %dma_start3A] : memref<2x10240x16xf32, #tpu.memory_space<hbm>> -> memref<1x128x16xf32, #tpu.memory_space<hbm>>
      %dma_start3A_63 = tpu.memref_squeeze %dma_start3A_62 : memref<1x128x16xf32, #tpu.memory_space<hbm>> -> memref<128x16xf32, #tpu.memory_space<hbm>>
      %dma_start3A_64 = arith.constant 0 : i32
      %dma_start3A_65 = tpu.memref_slice %arg10[%add3A_61, %dma_start3A_64] : memref<10240x16xf32, #tpu.memory_space<vmem_shared>> -> memref<128x16xf32, #tpu.memory_space<vmem_shared>>
      tpu.enqueue_dma source(%dma_start3A_65 : memref<128x16xf32, #tpu.memory_space<vmem_shared>>) target(%dma_start3A_63 : memref<128x16xf32, #tpu.memory_space<hbm>>) target_semaphore(%run_scoped3A : memref<!tpu.dma_semaphore, #tpu.memory_space<semaphore_mem>>)
      %dma_wait3A = arith.constant 0 : i32
      %dma_wait3A_66 = tpu.memref_slice %arg5[%arg0, %add3A_61, %dma_wait3A] : memref<2x10240x16xf32, #tpu.memory_space<hbm>> -> memref<1x128x16xf32, #tpu.memory_space<hbm>>
      %dma_wait3A_67 = tpu.memref_squeeze %dma_wait3A_66 : memref<1x128x16xf32, #tpu.memory_space<hbm>> -> memref<128x16xf32, #tpu.memory_space<hbm>>
      %dma_wait3A_68 = arith.constant 0 : i32
      %dma_wait3A_69 = tpu.memref_slice %arg10[%add3A_61, %dma_wait3A_68] : memref<10240x16xf32, #tpu.memory_space<vmem_shared>> -> memref<128x16xf32, #tpu.memory_space<vmem_shared>>
      tpu.wait_dma2 semaphore(%run_scoped3A : memref<!tpu.dma_semaphore, #tpu.memory_space<semaphore_mem>>) src(%dma_wait3A_69 : memref<128x16xf32, #tpu.memory_space<vmem_shared>>) dst(%dma_wait3A_67 : memref<128x16xf32, #tpu.memory_space<hbm>>)
      tpu.yield
    }) : () -> ()
    return
  }
}

#map = affine_map<(d0, d1) -> (0, 0)>
#map1 = affine_map<(d0, d1) -> (0, 0, 0)>
module attributes {stable_mosaic.version = 14 : i64} {
  func.func @_edge_body(%arg0: i32, %arg1: i32, %arg2: memref<10240x64xf32, #tpu.memory_space<hbm>>, %arg3: memref<2560x128xi32, #tpu.memory_space<hbm>>, %arg4: memref<2560x128xi32, #tpu.memory_space<hbm>>, %arg5: memref<2x10240x64xf32, #tpu.memory_space<hbm>>, %arg6: memref<118x128xi32, #tpu.memory_space<vmem>>, %arg7: memref<118x128xi32, #tpu.memory_space<vmem>>, %arg8: memref<128x64xf32, #tpu.memory_space<vmem>>, %arg9: memref<128x64xf32, #tpu.memory_space<vmem>>, %arg10: memref<10240x64xf32, #tpu.memory_space<vmem_shared>>, %arg11: memref<!tpu.dma_semaphore, #tpu.memory_space<semaphore_mem>>, %arg12: memref<!tpu.dma_semaphore, #tpu.memory_space<semaphore_mem>>) attributes {dimension_semantics = [#tpu.dimension_semantics<core_parallel>, #tpu.dimension_semantics<subcore_parallel>], iteration_bounds = array<i64: 2, 16>, scalar_prefetch = 0 : i64, scratch_operands = 7 : i64, tpu.core_type = #tpu.core_type<sc_vector_subcore>, window_params = [{transform_indices = #map}, {transform_indices = #map}, {transform_indices = #map}, {transform_indices = #map1}]} {
    %broadcast_in_dim3A = arith.constant 0.000000e+00 : f32
    %broadcast_in_dim3A_0 = vector.broadcast %broadcast_in_dim3A : f32 to vector<16xf32>
    %scan3A = arith.constant 0 : i32
    %scan3A_1 = arith.constant 0 : i32
    %scan3A_2 = arith.constant 128 : i32
    %scan3A_3 = arith.addi %scan3A_1, %scan3A_2 : i32
    %scan3A_4 = arith.constant 1 : i32
    %scan3A_5 = scf.for %scan3A_53 = %scan3A_1 to %scan3A_3 step %scan3A_4 iter_args(%scan3A_54 = %scan3A) -> (i32)  : i32 {
      %swap3A = arith.index_cast %scan3A_53 : i32 to index
      %swap3A_55 = arith.constant 0 : index
      %swap3A_56 = tpu.vector_load %arg8[%swap3A, %swap3A_55] {strides = array<i32>} : memref<128x64xf32, #tpu.memory_space<vmem>>, vector<1x16xf32>,
      %swap3A_57 = vector.shape_cast %swap3A_56 : vector<1x16xf32> to vector<16xf32>
      %swap3A_58 = vector.shape_cast %broadcast_in_dim3A_0 : vector<16xf32> to vector<1x16xf32>
      tpu.vector_store %arg8[%swap3A, %swap3A_55], %swap3A_58 {strides = array<i32>} : memref<128x64xf32, #tpu.memory_space<vmem>>, vector<1x16xf32>,
      %swap3A_59 = arith.index_cast %scan3A_53 : i32 to index
      %swap3A_60 = arith.constant 16 : index
      %swap3A_61 = tpu.vector_load %arg8[%swap3A_59, %swap3A_60] {strides = array<i32>} : memref<128x64xf32, #tpu.memory_space<vmem>>, vector<1x16xf32>,
      %swap3A_62 = vector.shape_cast %swap3A_61 : vector<1x16xf32> to vector<16xf32>
      %swap3A_63 = vector.shape_cast %broadcast_in_dim3A_0 : vector<16xf32> to vector<1x16xf32>
      tpu.vector_store %arg8[%swap3A_59, %swap3A_60], %swap3A_63 {strides = array<i32>} : memref<128x64xf32, #tpu.memory_space<vmem>>, vector<1x16xf32>,
      %swap3A_64 = arith.index_cast %scan3A_53 : i32 to index
      %swap3A_65 = arith.constant 32 : index
      %swap3A_66 = tpu.vector_load %arg8[%swap3A_64, %swap3A_65] {strides = array<i32>} : memref<128x64xf32, #tpu.memory_space<vmem>>, vector<1x16xf32>,
      %swap3A_67 = vector.shape_cast %swap3A_66 : vector<1x16xf32> to vector<16xf32>
      %swap3A_68 = vector.shape_cast %broadcast_in_dim3A_0 : vector<16xf32> to vector<1x16xf32>
      tpu.vector_store %arg8[%swap3A_64, %swap3A_65], %swap3A_68 {strides = array<i32>} : memref<128x64xf32, #tpu.memory_space<vmem>>, vector<1x16xf32>,
      %swap3A_69 = arith.index_cast %scan3A_53 : i32 to index
      %swap3A_70 = arith.constant 48 : index
      %swap3A_71 = tpu.vector_load %arg8[%swap3A_69, %swap3A_70] {strides = array<i32>} : memref<128x64xf32, #tpu.memory_space<vmem>>, vector<1x16xf32>,
      %swap3A_72 = vector.shape_cast %swap3A_71 : vector<1x16xf32> to vector<16xf32>
      %swap3A_73 = vector.shape_cast %broadcast_in_dim3A_0 : vector<16xf32> to vector<1x16xf32>
      tpu.vector_store %arg8[%swap3A_69, %swap3A_70], %swap3A_73 {strides = array<i32>} : memref<128x64xf32, #tpu.memory_space<vmem>>, vector<1x16xf32>,
      %scan3A_74 = arith.constant 0 : i32
      scf.yield %scan3A_74 : i32
    }
    %scan3A_6 = arith.constant 128 : i32
    %mul3A = arith.constant 640 : i32
    %mul3A_7 = arith.muli %arg1, %mul3A : i32
    %add3A = arith.constant 0 : i32
    %add3A_8 = arith.addi %mul3A_7, %add3A : i32
    "tpu.region"() ({
      %run_scoped3A = tpu.sem_alloc : memref<!tpu.dma_semaphore, #tpu.memory_space<semaphore_mem>>
      %dma_start3A = arith.constant 0 : i32
      %dma_start3A_53 = tpu.memref_slice %arg10[%add3A_8, %dma_start3A] : memref<10240x64xf32, #tpu.memory_space<vmem_shared>> -> memref<128x64xf32, #tpu.memory_space<vmem_shared>>
      %dma_start3A_54 = arith.constant 0 : i32
      %dma_start3A_55 = tpu.memref_slice %arg10[%add3A_8, %dma_start3A_54] : memref<10240x64xf32, #tpu.memory_space<vmem_shared>> -> memref<128x64xf32, #tpu.memory_space<vmem_shared>>
      tpu.enqueue_dma source(%arg8 : memref<128x64xf32, #tpu.memory_space<vmem>>) target(%dma_start3A_55 : memref<128x64xf32, #tpu.memory_space<vmem_shared>>) target_semaphore(%run_scoped3A : memref<!tpu.dma_semaphore, #tpu.memory_space<semaphore_mem>>)
      %dma_wait3A = arith.constant 0 : i32
      %dma_wait3A_56 = tpu.memref_slice %arg10[%add3A_8, %dma_wait3A] : memref<10240x64xf32, #tpu.memory_space<vmem_shared>> -> memref<128x64xf32, #tpu.memory_space<vmem_shared>>
      %dma_wait3A_57 = arith.constant 0 : i32
      %dma_wait3A_58 = tpu.memref_slice %arg10[%add3A_8, %dma_wait3A_57] : memref<10240x64xf32, #tpu.memory_space<vmem_shared>> -> memref<128x64xf32, #tpu.memory_space<vmem_shared>>
      tpu.wait_dma2 semaphore(%run_scoped3A : memref<!tpu.dma_semaphore, #tpu.memory_space<semaphore_mem>>) src(%arg8 : memref<128x64xf32, #tpu.memory_space<vmem>>) dst(%dma_wait3A_58 : memref<128x64xf32, #tpu.memory_space<vmem_shared>>)
      tpu.yield
    }) : () -> ()
    %mul3A_9 = arith.constant 640 : i32
    %mul3A_10 = arith.muli %arg1, %mul3A_9 : i32
    %add3A_11 = arith.constant 128 : i32
    %add3A_12 = arith.addi %mul3A_10, %add3A_11 : i32
    "tpu.region"() ({
      %run_scoped3A = tpu.sem_alloc : memref<!tpu.dma_semaphore, #tpu.memory_space<semaphore_mem>>
      %dma_start3A = arith.constant 0 : i32
      %dma_start3A_53 = tpu.memref_slice %arg10[%add3A_12, %dma_start3A] : memref<10240x64xf32, #tpu.memory_space<vmem_shared>> -> memref<128x64xf32, #tpu.memory_space<vmem_shared>>
      %dma_start3A_54 = arith.constant 0 : i32
      %dma_start3A_55 = tpu.memref_slice %arg10[%add3A_12, %dma_start3A_54] : memref<10240x64xf32, #tpu.memory_space<vmem_shared>> -> memref<128x64xf32, #tpu.memory_space<vmem_shared>>
      tpu.enqueue_dma source(%arg8 : memref<128x64xf32, #tpu.memory_space<vmem>>) target(%dma_start3A_55 : memref<128x64xf32, #tpu.memory_space<vmem_shared>>) target_semaphore(%run_scoped3A : memref<!tpu.dma_semaphore, #tpu.memory_space<semaphore_mem>>)
      %dma_wait3A = arith.constant 0 : i32
      %dma_wait3A_56 = tpu.memref_slice %arg10[%add3A_12, %dma_wait3A] : memref<10240x64xf32, #tpu.memory_space<vmem_shared>> -> memref<128x64xf32, #tpu.memory_space<vmem_shared>>
      %dma_wait3A_57 = arith.constant 0 : i32
      %dma_wait3A_58 = tpu.memref_slice %arg10[%add3A_12, %dma_wait3A_57] : memref<10240x64xf32, #tpu.memory_space<vmem_shared>> -> memref<128x64xf32, #tpu.memory_space<vmem_shared>>
      tpu.wait_dma2 semaphore(%run_scoped3A : memref<!tpu.dma_semaphore, #tpu.memory_space<semaphore_mem>>) src(%arg8 : memref<128x64xf32, #tpu.memory_space<vmem>>) dst(%dma_wait3A_58 : memref<128x64xf32, #tpu.memory_space<vmem_shared>>)
      tpu.yield
    }) : () -> ()
    %mul3A_13 = arith.constant 640 : i32
    %mul3A_14 = arith.muli %arg1, %mul3A_13 : i32
    %add3A_15 = arith.constant 256 : i32
    %add3A_16 = arith.addi %mul3A_14, %add3A_15 : i32
    "tpu.region"() ({
      %run_scoped3A = tpu.sem_alloc : memref<!tpu.dma_semaphore, #tpu.memory_space<semaphore_mem>>
      %dma_start3A = arith.constant 0 : i32
      %dma_start3A_53 = tpu.memref_slice %arg10[%add3A_16, %dma_start3A] : memref<10240x64xf32, #tpu.memory_space<vmem_shared>> -> memref<128x64xf32, #tpu.memory_space<vmem_shared>>
      %dma_start3A_54 = arith.constant 0 : i32
      %dma_start3A_55 = tpu.memref_slice %arg10[%add3A_16, %dma_start3A_54] : memref<10240x64xf32, #tpu.memory_space<vmem_shared>> -> memref<128x64xf32, #tpu.memory_space<vmem_shared>>
      tpu.enqueue_dma source(%arg8 : memref<128x64xf32, #tpu.memory_space<vmem>>) target(%dma_start3A_55 : memref<128x64xf32, #tpu.memory_space<vmem_shared>>) target_semaphore(%run_scoped3A : memref<!tpu.dma_semaphore, #tpu.memory_space<semaphore_mem>>)
      %dma_wait3A = arith.constant 0 : i32
      %dma_wait3A_56 = tpu.memref_slice %arg10[%add3A_16, %dma_wait3A] : memref<10240x64xf32, #tpu.memory_space<vmem_shared>> -> memref<128x64xf32, #tpu.memory_space<vmem_shared>>
      %dma_wait3A_57 = arith.constant 0 : i32
      %dma_wait3A_58 = tpu.memref_slice %arg10[%add3A_16, %dma_wait3A_57] : memref<10240x64xf32, #tpu.memory_space<vmem_shared>> -> memref<128x64xf32, #tpu.memory_space<vmem_shared>>
      tpu.wait_dma2 semaphore(%run_scoped3A : memref<!tpu.dma_semaphore, #tpu.memory_space<semaphore_mem>>) src(%arg8 : memref<128x64xf32, #tpu.memory_space<vmem>>) dst(%dma_wait3A_58 : memref<128x64xf32, #tpu.memory_space<vmem_shared>>)
      tpu.yield
    }) : () -> ()
    %mul3A_17 = arith.constant 640 : i32
    %mul3A_18 = arith.muli %arg1, %mul3A_17 : i32
    %add3A_19 = arith.constant 384 : i32
    %add3A_20 = arith.addi %mul3A_18, %add3A_19 : i32
    "tpu.region"() ({
      %run_scoped3A = tpu.sem_alloc : memref<!tpu.dma_semaphore, #tpu.memory_space<semaphore_mem>>
      %dma_start3A = arith.constant 0 : i32
      %dma_start3A_53 = tpu.memref_slice %arg10[%add3A_20, %dma_start3A] : memref<10240x64xf32, #tpu.memory_space<vmem_shared>> -> memref<128x64xf32, #tpu.memory_space<vmem_shared>>
      %dma_start3A_54 = arith.constant 0 : i32
      %dma_start3A_55 = tpu.memref_slice %arg10[%add3A_20, %dma_start3A_54] : memref<10240x64xf32, #tpu.memory_space<vmem_shared>> -> memref<128x64xf32, #tpu.memory_space<vmem_shared>>
      tpu.enqueue_dma source(%arg8 : memref<128x64xf32, #tpu.memory_space<vmem>>) target(%dma_start3A_55 : memref<128x64xf32, #tpu.memory_space<vmem_shared>>) target_semaphore(%run_scoped3A : memref<!tpu.dma_semaphore, #tpu.memory_space<semaphore_mem>>)
      %dma_wait3A = arith.constant 0 : i32
      %dma_wait3A_56 = tpu.memref_slice %arg10[%add3A_20, %dma_wait3A] : memref<10240x64xf32, #tpu.memory_space<vmem_shared>> -> memref<128x64xf32, #tpu.memory_space<vmem_shared>>
      %dma_wait3A_57 = arith.constant 0 : i32
      %dma_wait3A_58 = tpu.memref_slice %arg10[%add3A_20, %dma_wait3A_57] : memref<10240x64xf32, #tpu.memory_space<vmem_shared>> -> memref<128x64xf32, #tpu.memory_space<vmem_shared>>
      tpu.wait_dma2 semaphore(%run_scoped3A : memref<!tpu.dma_semaphore, #tpu.memory_space<semaphore_mem>>) src(%arg8 : memref<128x64xf32, #tpu.memory_space<vmem>>) dst(%dma_wait3A_58 : memref<128x64xf32, #tpu.memory_space<vmem_shared>>)
      tpu.yield
    }) : () -> ()
    %mul3A_21 = arith.constant 640 : i32
    %mul3A_22 = arith.muli %arg1, %mul3A_21 : i32
    %add3A_23 = arith.constant 512 : i32
    %add3A_24 = arith.addi %mul3A_22, %add3A_23 : i32
    "tpu.region"() ({
      %run_scoped3A = tpu.sem_alloc : memref<!tpu.dma_semaphore, #tpu.memory_space<semaphore_mem>>
      %dma_start3A = arith.constant 0 : i32
      %dma_start3A_53 = tpu.memref_slice %arg10[%add3A_24, %dma_start3A] : memref<10240x64xf32, #tpu.memory_space<vmem_shared>> -> memref<128x64xf32, #tpu.memory_space<vmem_shared>>
      %dma_start3A_54 = arith.constant 0 : i32
      %dma_start3A_55 = tpu.memref_slice %arg10[%add3A_24, %dma_start3A_54] : memref<10240x64xf32, #tpu.memory_space<vmem_shared>> -> memref<128x64xf32, #tpu.memory_space<vmem_shared>>
      tpu.enqueue_dma source(%arg8 : memref<128x64xf32, #tpu.memory_space<vmem>>) target(%dma_start3A_55 : memref<128x64xf32, #tpu.memory_space<vmem_shared>>) target_semaphore(%run_scoped3A : memref<!tpu.dma_semaphore, #tpu.memory_space<semaphore_mem>>)
      %dma_wait3A = arith.constant 0 : i32
      %dma_wait3A_56 = tpu.memref_slice %arg10[%add3A_24, %dma_wait3A] : memref<10240x64xf32, #tpu.memory_space<vmem_shared>> -> memref<128x64xf32, #tpu.memory_space<vmem_shared>>
      %dma_wait3A_57 = arith.constant 0 : i32
      %dma_wait3A_58 = tpu.memref_slice %arg10[%add3A_24, %dma_wait3A_57] : memref<10240x64xf32, #tpu.memory_space<vmem_shared>> -> memref<128x64xf32, #tpu.memory_space<vmem_shared>>
      tpu.wait_dma2 semaphore(%run_scoped3A : memref<!tpu.dma_semaphore, #tpu.memory_space<semaphore_mem>>) src(%arg8 : memref<128x64xf32, #tpu.memory_space<vmem>>) dst(%dma_wait3A_58 : memref<128x64xf32, #tpu.memory_space<vmem_shared>>)
      tpu.yield
    }) : () -> ()
    %barrier3A = arith.constant 0 : index
    tpu.barrier barrier_id(%barrier3A)
    %eq3A = arith.constant 0 : i32
    %eq3A_25 = arith.cmpi eq, %arg0, %eq3A : i32
    %convert_element_type3A = arith.extui %eq3A_25 : i1 to i32
    %cond3A = arith.constant 0 : i32
    %cond3A_26 = arith.cmpi ne, %convert_element_type3A, %cond3A : i32
    scf.if %cond3A_26 {
      %mul3A_53 = arith.constant 118 : i32
      %mul3A_54 = arith.muli %arg1, %mul3A_53 : i32
      "tpu.region"() ({
        %run_scoped3A_89 = tpu.sem_alloc : memref<!tpu.dma_semaphore, #tpu.memory_space<semaphore_mem>>
        %dma_start3A_90 = arith.constant 0 : i32
        %dma_start3A_91 = arith.constant 0 : i32
        %dma_start3A_92 = tpu.memref_slice %arg6[%dma_start3A_90, %dma_start3A_91] : memref<118x128xi32, #tpu.memory_space<vmem>> -> memref<118x128xi32, #tpu.memory_space<vmem>>
        %dma_start3A_93 = arith.constant 0 : i32
        %dma_start3A_94 = tpu.memref_slice %arg3[%mul3A_54, %dma_start3A_93] : memref<2560x128xi32, #tpu.memory_space<hbm>> -> memref<118x128xi32, #tpu.memory_space<hbm>>
        %dma_start3A_95 = arith.constant 0 : i32
        %dma_start3A_96 = arith.constant 0 : i32
        %dma_start3A_97 = tpu.memref_slice %arg6[%dma_start3A_95, %dma_start3A_96] : memref<118x128xi32, #tpu.memory_space<vmem>> -> memref<118x128xi32, #tpu.memory_space<vmem>>
        %dma_start3A_98 = arith.constant 0 : i32
        %dma_start3A_99 = tpu.memref_slice %arg3[%mul3A_54, %dma_start3A_98] : memref<2560x128xi32, #tpu.memory_space<hbm>> -> memref<118x128xi32, #tpu.memory_space<hbm>>
        tpu.enqueue_dma source(%dma_start3A_99 : memref<118x128xi32, #tpu.memory_space<hbm>>) target(%dma_start3A_97 : memref<118x128xi32, #tpu.memory_space<vmem>>) target_semaphore(%run_scoped3A_89 : memref<!tpu.dma_semaphore, #tpu.memory_space<semaphore_mem>>)
        %dma_wait3A_100 = arith.constant 0 : i32
        %dma_wait3A_101 = arith.constant 0 : i32
        %dma_wait3A_102 = tpu.memref_slice %arg6[%dma_wait3A_100, %dma_wait3A_101] : memref<118x128xi32, #tpu.memory_space<vmem>> -> memref<118x128xi32, #tpu.memory_space<vmem>>
        %dma_wait3A_103 = arith.constant 0 : i32
        %dma_wait3A_104 = tpu.memref_slice %arg3[%mul3A_54, %dma_wait3A_103] : memref<2560x128xi32, #tpu.memory_space<hbm>> -> memref<118x128xi32, #tpu.memory_space<hbm>>
        %dma_wait3A_105 = arith.constant 0 : i32
        %dma_wait3A_106 = arith.constant 0 : i32
        %dma_wait3A_107 = tpu.memref_slice %arg6[%dma_wait3A_105, %dma_wait3A_106] : memref<118x128xi32, #tpu.memory_space<vmem>> -> memref<118x128xi32, #tpu.memory_space<vmem>>
        %dma_wait3A_108 = arith.constant 0 : i32
        %dma_wait3A_109 = tpu.memref_slice %arg3[%mul3A_54, %dma_wait3A_108] : memref<2560x128xi32, #tpu.memory_space<hbm>> -> memref<118x128xi32, #tpu.memory_space<hbm>>
        tpu.wait_dma2 semaphore(%run_scoped3A_89 : memref<!tpu.dma_semaphore, #tpu.memory_space<semaphore_mem>>) src(%dma_wait3A_109 : memref<118x128xi32, #tpu.memory_space<hbm>>) dst(%dma_wait3A_107 : memref<118x128xi32, #tpu.memory_space<vmem>>)
        tpu.yield
      }) : () -> ()
      "tpu.region"() ({
        %run_scoped3A_89 = tpu.sem_alloc : memref<!tpu.dma_semaphore, #tpu.memory_space<semaphore_mem>>
        %dma_start3A_90 = arith.constant 0 : i32
        %dma_start3A_91 = arith.constant 0 : i32
        %dma_start3A_92 = tpu.memref_slice %arg7[%dma_start3A_90, %dma_start3A_91] : memref<118x128xi32, #tpu.memory_space<vmem>> -> memref<118x128xi32, #tpu.memory_space<vmem>>
        %dma_start3A_93 = arith.constant 0 : i32
        %dma_start3A_94 = tpu.memref_slice %arg4[%mul3A_54, %dma_start3A_93] : memref<2560x128xi32, #tpu.memory_space<hbm>> -> memref<118x128xi32, #tpu.memory_space<hbm>>
        %dma_start3A_95 = arith.constant 0 : i32
        %dma_start3A_96 = arith.constant 0 : i32
        %dma_start3A_97 = tpu.memref_slice %arg7[%dma_start3A_95, %dma_start3A_96] : memref<118x128xi32, #tpu.memory_space<vmem>> -> memref<118x128xi32, #tpu.memory_space<vmem>>
        %dma_start3A_98 = arith.constant 0 : i32
        %dma_start3A_99 = tpu.memref_slice %arg4[%mul3A_54, %dma_start3A_98] : memref<2560x128xi32, #tpu.memory_space<hbm>> -> memref<118x128xi32, #tpu.memory_space<hbm>>
        tpu.enqueue_dma source(%dma_start3A_99 : memref<118x128xi32, #tpu.memory_space<hbm>>) target(%dma_start3A_97 : memref<118x128xi32, #tpu.memory_space<vmem>>) target_semaphore(%run_scoped3A_89 : memref<!tpu.dma_semaphore, #tpu.memory_space<semaphore_mem>>)
        %dma_wait3A_100 = arith.constant 0 : i32
        %dma_wait3A_101 = arith.constant 0 : i32
        %dma_wait3A_102 = tpu.memref_slice %arg7[%dma_wait3A_100, %dma_wait3A_101] : memref<118x128xi32, #tpu.memory_space<vmem>> -> memref<118x128xi32, #tpu.memory_space<vmem>>
        %dma_wait3A_103 = arith.constant 0 : i32
        %dma_wait3A_104 = tpu.memref_slice %arg4[%mul3A_54, %dma_wait3A_103] : memref<2560x128xi32, #tpu.memory_space<hbm>> -> memref<118x128xi32, #tpu.memory_space<hbm>>
        %dma_wait3A_105 = arith.constant 0 : i32
        %dma_wait3A_106 = arith.constant 0 : i32
        %dma_wait3A_107 = tpu.memref_slice %arg7[%dma_wait3A_105, %dma_wait3A_106] : memref<118x128xi32, #tpu.memory_space<vmem>> -> memref<118x128xi32, #tpu.memory_space<vmem>>
        %dma_wait3A_108 = arith.constant 0 : i32
        %dma_wait3A_109 = tpu.memref_slice %arg4[%mul3A_54, %dma_wait3A_108] : memref<2560x128xi32, #tpu.memory_space<hbm>> -> memref<118x128xi32, #tpu.memory_space<hbm>>
        tpu.wait_dma2 semaphore(%run_scoped3A_89 : memref<!tpu.dma_semaphore, #tpu.memory_space<semaphore_mem>>) src(%dma_wait3A_109 : memref<118x128xi32, #tpu.memory_space<hbm>>) dst(%dma_wait3A_107 : memref<118x128xi32, #tpu.memory_space<vmem>>)
        tpu.yield
      }) : () -> ()
      %dma_start3A = arith.constant 0 : i32
      %dma_start3A_55 = arith.constant 0 : i32
      %dma_start3A_56 = tpu.memref_slice %arg6[%dma_start3A, %dma_start3A_55] : memref<118x128xi32, #tpu.memory_space<vmem>> -> memref<1x128xi32, #tpu.memory_space<vmem>>
      %dma_start3A_57 = tpu.memref_squeeze %dma_start3A_56 : memref<1x128xi32, #tpu.memory_space<vmem>> -> memref<128xi32, #tpu.memory_space<vmem>>
      %dma_start3A_58 = arith.constant 0 : i32
      %dma_start3A_59 = arith.constant 0 : i32
      %dma_start3A_60 = tpu.memref_slice %arg2[%dma_start3A_58, %dma_start3A_59] : memref<10240x64xf32, #tpu.memory_space<hbm>> -> memref<10240x64xf32, #tpu.memory_space<hbm>>
      tpu.enqueue_indirect_dma source(%dma_start3A_60 : memref<10240x64xf32, #tpu.memory_space<hbm>>) target(%arg8 : memref<128x64xf32, #tpu.memory_space<vmem>>) offsets(%dma_start3A_57 : memref<128xi32, #tpu.memory_space<vmem>>) semaphore(%arg11 : memref<!tpu.dma_semaphore, #tpu.memory_space<semaphore_mem>>)
      %dma_start3A_61 = arith.constant 1 : i32
      %dma_start3A_62 = arith.constant 0 : i32
      %dma_start3A_63 = tpu.memref_slice %arg6[%dma_start3A_61, %dma_start3A_62] : memref<118x128xi32, #tpu.memory_space<vmem>> -> memref<1x128xi32, #tpu.memory_space<vmem>>
      %dma_start3A_64 = tpu.memref_squeeze %dma_start3A_63 : memref<1x128xi32, #tpu.memory_space<vmem>> -> memref<128xi32, #tpu.memory_space<vmem>>
      %dma_start3A_65 = arith.constant 0 : i32
      %dma_start3A_66 = arith.constant 0 : i32
      %dma_start3A_67 = tpu.memref_slice %arg2[%dma_start3A_65, %dma_start3A_66] : memref<10240x64xf32, #tpu.memory_space<hbm>> -> memref<10240x64xf32, #tpu.memory_space<hbm>>
      tpu.enqueue_indirect_dma source(%dma_start3A_67 : memref<10240x64xf32, #tpu.memory_space<hbm>>) target(%arg9 : memref<128x64xf32, #tpu.memory_space<vmem>>) offsets(%dma_start3A_64 : memref<128xi32, #tpu.memory_space<vmem>>) semaphore(%arg12 : memref<!tpu.dma_semaphore, #tpu.memory_space<semaphore_mem>>)
      %scan3A_68 = arith.constant 0 : i32
      %scan3A_69 = arith.constant 0 : i32
      %scan3A_70 = arith.constant 58 : i32
      %scan3A_71 = arith.addi %scan3A_69, %scan3A_70 : i32
      %scan3A_72 = arith.constant 1 : i32
      %scan3A_73 = scf.for %scan3A_89 = %scan3A_69 to %scan3A_71 step %scan3A_72 iter_args(%scan3A_90 = %scan3A_68) -> (i32)  : i32 {
        %mul3A_91 = arith.constant 2 : i32
        %mul3A_92 = arith.muli %mul3A_91, %scan3A_89 : i32
        %dma_wait3A_93 = arith.constant 0 : i32
        %dma_wait3A_94 = tpu.memref_slice %arg6[%mul3A_92, %dma_wait3A_93] : memref<118x128xi32, #tpu.memory_space<vmem>> -> memref<1x128xi32, #tpu.memory_space<vmem>>
        %dma_wait3A_95 = tpu.memref_squeeze %dma_wait3A_94 : memref<1x128xi32, #tpu.memory_space<vmem>> -> memref<128xi32, #tpu.memory_space<vmem>>
        %dma_wait3A_96 = arith.constant 0 : i32
        %dma_wait3A_97 = arith.constant 0 : i32
        %dma_wait3A_98 = tpu.memref_slice %arg2[%dma_wait3A_96, %dma_wait3A_97] : memref<10240x64xf32, #tpu.memory_space<hbm>> -> memref<10240x64xf32, #tpu.memory_space<hbm>>
        tpu.wait_indirect_dma semaphore(%arg11 : memref<!tpu.dma_semaphore, #tpu.memory_space<semaphore_mem>>) src(%dma_wait3A_98 : memref<10240x64xf32, #tpu.memory_space<hbm>>) dst(%arg8 : memref<128x64xf32, #tpu.memory_space<vmem>>)
        "tpu.region"() ({
          %run_scoped3A_126 = tpu.sem_alloc : memref<!tpu.dma_semaphore, #tpu.memory_space<semaphore_mem>>
          %dma_start3A_127 = arith.constant 0 : i32
          %dma_start3A_128 = tpu.memref_slice %arg7[%mul3A_92, %dma_start3A_127] : memref<118x128xi32, #tpu.memory_space<vmem>> -> memref<1x128xi32, #tpu.memory_space<vmem>>
          %dma_start3A_129 = tpu.memref_squeeze %dma_start3A_128 : memref<1x128xi32, #tpu.memory_space<vmem>> -> memref<128xi32, #tpu.memory_space<vmem>>
          %dma_start3A_130 = arith.constant 0 : i32
          %dma_start3A_131 = arith.constant 0 : i32
          %dma_start3A_132 = tpu.memref_slice %arg10[%dma_start3A_130, %dma_start3A_131] : memref<10240x64xf32, #tpu.memory_space<vmem_shared>> -> memref<10240x64xf32, #tpu.memory_space<vmem_shared>>
          tpu.enqueue_indirect_dma source(%arg8 : memref<128x64xf32, #tpu.memory_space<vmem>>) target(%dma_start3A_132 : memref<10240x64xf32, #tpu.memory_space<vmem_shared>>) offsets(%dma_start3A_129 : memref<128xi32, #tpu.memory_space<vmem>>) semaphore(%run_scoped3A_126 : memref<!tpu.dma_semaphore, #tpu.memory_space<semaphore_mem>>) {add = true}
          %dma_wait3A_133 = arith.constant 0 : i32
          %dma_wait3A_134 = tpu.memref_slice %arg7[%mul3A_92, %dma_wait3A_133] : memref<118x128xi32, #tpu.memory_space<vmem>> -> memref<1x128xi32, #tpu.memory_space<vmem>>
          %dma_wait3A_135 = tpu.memref_squeeze %dma_wait3A_134 : memref<1x128xi32, #tpu.memory_space<vmem>> -> memref<128xi32, #tpu.memory_space<vmem>>
          %dma_wait3A_136 = arith.constant 0 : i32
          %dma_wait3A_137 = arith.constant 0 : i32
          %dma_wait3A_138 = tpu.memref_slice %arg10[%dma_wait3A_136, %dma_wait3A_137] : memref<10240x64xf32, #tpu.memory_space<vmem_shared>> -> memref<10240x64xf32, #tpu.memory_space<vmem_shared>>
          tpu.wait_indirect_dma semaphore(%run_scoped3A_126 : memref<!tpu.dma_semaphore, #tpu.memory_space<semaphore_mem>>) src(%arg8 : memref<128x64xf32, #tpu.memory_space<vmem>>) dst(%dma_wait3A_138 : memref<10240x64xf32, #tpu.memory_space<vmem_shared>>)
          tpu.yield
        }) : () -> ()
        %add3A_99 = arith.constant 2 : i32
        %add3A_100 = arith.addi %mul3A_92, %add3A_99 : i32
        %dma_start3A_101 = arith.constant 0 : i32
        %dma_start3A_102 = tpu.memref_slice %arg6[%add3A_100, %dma_start3A_101] : memref<118x128xi32, #tpu.memory_space<vmem>> -> memref<1x128xi32, #tpu.memory_space<vmem>>
        %dma_start3A_103 = tpu.memref_squeeze %dma_start3A_102 : memref<1x128xi32, #tpu.memory_space<vmem>> -> memref<128xi32, #tpu.memory_space<vmem>>
        %dma_start3A_104 = arith.constant 0 : i32
        %dma_start3A_105 = arith.constant 0 : i32
        %dma_start3A_106 = tpu.memref_slice %arg2[%dma_start3A_104, %dma_start3A_105] : memref<10240x64xf32, #tpu.memory_space<hbm>> -> memref<10240x64xf32, #tpu.memory_space<hbm>>
        tpu.enqueue_indirect_dma source(%dma_start3A_106 : memref<10240x64xf32, #tpu.memory_space<hbm>>) target(%arg8 : memref<128x64xf32, #tpu.memory_space<vmem>>) offsets(%dma_start3A_103 : memref<128xi32, #tpu.memory_space<vmem>>) semaphore(%arg11 : memref<!tpu.dma_semaphore, #tpu.memory_space<semaphore_mem>>)
        %add3A_107 = arith.constant 1 : i32
        %add3A_108 = arith.addi %mul3A_92, %add3A_107 : i32
        %dma_wait3A_109 = arith.constant 0 : i32
        %dma_wait3A_110 = tpu.memref_slice %arg6[%add3A_108, %dma_wait3A_109] : memref<118x128xi32, #tpu.memory_space<vmem>> -> memref<1x128xi32, #tpu.memory_space<vmem>>
        %dma_wait3A_111 = tpu.memref_squeeze %dma_wait3A_110 : memref<1x128xi32, #tpu.memory_space<vmem>> -> memref<128xi32, #tpu.memory_space<vmem>>
        %dma_wait3A_112 = arith.constant 0 : i32
        %dma_wait3A_113 = arith.constant 0 : i32
        %dma_wait3A_114 = tpu.memref_slice %arg2[%dma_wait3A_112, %dma_wait3A_113] : memref<10240x64xf32, #tpu.memory_space<hbm>> -> memref<10240x64xf32, #tpu.memory_space<hbm>>
        tpu.wait_indirect_dma semaphore(%arg12 : memref<!tpu.dma_semaphore, #tpu.memory_space<semaphore_mem>>) src(%dma_wait3A_114 : memref<10240x64xf32, #tpu.memory_space<hbm>>) dst(%arg9 : memref<128x64xf32, #tpu.memory_space<vmem>>)
        %add3A_115 = arith.constant 1 : i32
        %add3A_116 = arith.addi %mul3A_92, %add3A_115 : i32
        "tpu.region"() ({
          %run_scoped3A_126 = tpu.sem_alloc : memref<!tpu.dma_semaphore, #tpu.memory_space<semaphore_mem>>
          %dma_start3A_127 = arith.constant 0 : i32
          %dma_start3A_128 = tpu.memref_slice %arg7[%add3A_116, %dma_start3A_127] : memref<118x128xi32, #tpu.memory_space<vmem>> -> memref<1x128xi32, #tpu.memory_space<vmem>>
          %dma_start3A_129 = tpu.memref_squeeze %dma_start3A_128 : memref<1x128xi32, #tpu.memory_space<vmem>> -> memref<128xi32, #tpu.memory_space<vmem>>
          %dma_start3A_130 = arith.constant 0 : i32
          %dma_start3A_131 = arith.constant 0 : i32
          %dma_start3A_132 = tpu.memref_slice %arg10[%dma_start3A_130, %dma_start3A_131] : memref<10240x64xf32, #tpu.memory_space<vmem_shared>> -> memref<10240x64xf32, #tpu.memory_space<vmem_shared>>
          tpu.enqueue_indirect_dma source(%arg9 : memref<128x64xf32, #tpu.memory_space<vmem>>) target(%dma_start3A_132 : memref<10240x64xf32, #tpu.memory_space<vmem_shared>>) offsets(%dma_start3A_129 : memref<128xi32, #tpu.memory_space<vmem>>) semaphore(%run_scoped3A_126 : memref<!tpu.dma_semaphore, #tpu.memory_space<semaphore_mem>>) {add = true}
          %dma_wait3A_133 = arith.constant 0 : i32
          %dma_wait3A_134 = tpu.memref_slice %arg7[%add3A_116, %dma_wait3A_133] : memref<118x128xi32, #tpu.memory_space<vmem>> -> memref<1x128xi32, #tpu.memory_space<vmem>>
          %dma_wait3A_135 = tpu.memref_squeeze %dma_wait3A_134 : memref<1x128xi32, #tpu.memory_space<vmem>> -> memref<128xi32, #tpu.memory_space<vmem>>
          %dma_wait3A_136 = arith.constant 0 : i32
          %dma_wait3A_137 = arith.constant 0 : i32
          %dma_wait3A_138 = tpu.memref_slice %arg10[%dma_wait3A_136, %dma_wait3A_137] : memref<10240x64xf32, #tpu.memory_space<vmem_shared>> -> memref<10240x64xf32, #tpu.memory_space<vmem_shared>>
          tpu.wait_indirect_dma semaphore(%run_scoped3A_126 : memref<!tpu.dma_semaphore, #tpu.memory_space<semaphore_mem>>) src(%arg9 : memref<128x64xf32, #tpu.memory_space<vmem>>) dst(%dma_wait3A_138 : memref<10240x64xf32, #tpu.memory_space<vmem_shared>>)
          tpu.yield
        }) : () -> ()
        %add3A_117 = arith.constant 3 : i32
        %add3A_118 = arith.addi %mul3A_92, %add3A_117 : i32
        %dma_start3A_119 = arith.constant 0 : i32
        %dma_start3A_120 = tpu.memref_slice %arg6[%add3A_118, %dma_start3A_119] : memref<118x128xi32, #tpu.memory_space<vmem>> -> memref<1x128xi32, #tpu.memory_space<vmem>>
        %dma_start3A_121 = tpu.memref_squeeze %dma_start3A_120 : memref<1x128xi32, #tpu.memory_space<vmem>> -> memref<128xi32, #tpu.memory_space<vmem>>
        %dma_start3A_122 = arith.constant 0 : i32
        %dma_start3A_123 = arith.constant 0 : i32
        %dma_start3A_124 = tpu.memref_slice %arg2[%dma_start3A_122, %dma_start3A_123] : memref<10240x64xf32, #tpu.memory_space<hbm>> -> memref<10240x64xf32, #tpu.memory_space<hbm>>
        tpu.enqueue_indirect_dma source(%dma_start3A_124 : memref<10240x64xf32, #tpu.memory_space<hbm>>) target(%arg9 : memref<128x64xf32, #tpu.memory_space<vmem>>) offsets(%dma_start3A_121 : memref<128xi32, #tpu.memory_space<vmem>>) semaphore(%arg12 : memref<!tpu.dma_semaphore, #tpu.memory_space<semaphore_mem>>)
        %scan3A_125 = arith.constant 0 : i32
        scf.yield %scan3A_125 : i32
      }
      %scan3A_74 = arith.constant 58 : i32
      %dma_wait3A = arith.constant 116 : i32
      %dma_wait3A_75 = arith.constant 0 : i32
      %dma_wait3A_76 = tpu.memref_slice %arg6[%dma_wait3A, %dma_wait3A_75] : memref<118x128xi32, #tpu.memory_space<vmem>> -> memref<1x128xi32, #tpu.memory_space<vmem>>
      %dma_wait3A_77 = tpu.memref_squeeze %dma_wait3A_76 : memref<1x128xi32, #tpu.memory_space<vmem>> -> memref<128xi32, #tpu.memory_space<vmem>>
      %dma_wait3A_78 = arith.constant 0 : i32
      %dma_wait3A_79 = arith.constant 0 : i32
      %dma_wait3A_80 = tpu.memref_slice %arg2[%dma_wait3A_78, %dma_wait3A_79] : memref<10240x64xf32, #tpu.memory_space<hbm>> -> memref<10240x64xf32, #tpu.memory_space<hbm>>
      tpu.wait_indirect_dma semaphore(%arg11 : memref<!tpu.dma_semaphore, #tpu.memory_space<semaphore_mem>>) src(%dma_wait3A_80 : memref<10240x64xf32, #tpu.memory_space<hbm>>) dst(%arg8 : memref<128x64xf32, #tpu.memory_space<vmem>>)
      %run_scoped3A = arith.constant 116 : i32
      "tpu.region"() ({
        %run_scoped3A_89 = tpu.sem_alloc : memref<!tpu.dma_semaphore, #tpu.memory_space<semaphore_mem>>
        %dma_start3A_90 = arith.constant 0 : i32
        %dma_start3A_91 = tpu.memref_slice %arg7[%run_scoped3A, %dma_start3A_90] : memref<118x128xi32, #tpu.memory_space<vmem>> -> memref<1x128xi32, #tpu.memory_space<vmem>>
        %dma_start3A_92 = tpu.memref_squeeze %dma_start3A_91 : memref<1x128xi32, #tpu.memory_space<vmem>> -> memref<128xi32, #tpu.memory_space<vmem>>
        %dma_start3A_93 = arith.constant 0 : i32
        %dma_start3A_94 = arith.constant 0 : i32
        %dma_start3A_95 = tpu.memref_slice %arg10[%dma_start3A_93, %dma_start3A_94] : memref<10240x64xf32, #tpu.memory_space<vmem_shared>> -> memref<10240x64xf32, #tpu.memory_space<vmem_shared>>
        tpu.enqueue_indirect_dma source(%arg8 : memref<128x64xf32, #tpu.memory_space<vmem>>) target(%dma_start3A_95 : memref<10240x64xf32, #tpu.memory_space<vmem_shared>>) offsets(%dma_start3A_92 : memref<128xi32, #tpu.memory_space<vmem>>) semaphore(%run_scoped3A_89 : memref<!tpu.dma_semaphore, #tpu.memory_space<semaphore_mem>>) {add = true}
        %dma_wait3A_96 = arith.constant 0 : i32
        %dma_wait3A_97 = tpu.memref_slice %arg7[%run_scoped3A, %dma_wait3A_96] : memref<118x128xi32, #tpu.memory_space<vmem>> -> memref<1x128xi32, #tpu.memory_space<vmem>>
        %dma_wait3A_98 = tpu.memref_squeeze %dma_wait3A_97 : memref<1x128xi32, #tpu.memory_space<vmem>> -> memref<128xi32, #tpu.memory_space<vmem>>
        %dma_wait3A_99 = arith.constant 0 : i32
        %dma_wait3A_100 = arith.constant 0 : i32
        %dma_wait3A_101 = tpu.memref_slice %arg10[%dma_wait3A_99, %dma_wait3A_100] : memref<10240x64xf32, #tpu.memory_space<vmem_shared>> -> memref<10240x64xf32, #tpu.memory_space<vmem_shared>>
        tpu.wait_indirect_dma semaphore(%run_scoped3A_89 : memref<!tpu.dma_semaphore, #tpu.memory_space<semaphore_mem>>) src(%arg8 : memref<128x64xf32, #tpu.memory_space<vmem>>) dst(%dma_wait3A_101 : memref<10240x64xf32, #tpu.memory_space<vmem_shared>>)
        tpu.yield
      }) : () -> ()
      %dma_wait3A_81 = arith.constant 117 : i32
      %dma_wait3A_82 = arith.constant 0 : i32
      %dma_wait3A_83 = tpu.memref_slice %arg6[%dma_wait3A_81, %dma_wait3A_82] : memref<118x128xi32, #tpu.memory_space<vmem>> -> memref<1x128xi32, #tpu.memory_space<vmem>>
      %dma_wait3A_84 = tpu.memref_squeeze %dma_wait3A_83 : memref<1x128xi32, #tpu.memory_space<vmem>> -> memref<128xi32, #tpu.memory_space<vmem>>
      %dma_wait3A_85 = arith.constant 0 : i32
      %dma_wait3A_86 = arith.constant 0 : i32
      %dma_wait3A_87 = tpu.memref_slice %arg2[%dma_wait3A_85, %dma_wait3A_86] : memref<10240x64xf32, #tpu.memory_space<hbm>> -> memref<10240x64xf32, #tpu.memory_space<hbm>>
      tpu.wait_indirect_dma semaphore(%arg12 : memref<!tpu.dma_semaphore, #tpu.memory_space<semaphore_mem>>) src(%dma_wait3A_87 : memref<10240x64xf32, #tpu.memory_space<hbm>>) dst(%arg9 : memref<128x64xf32, #tpu.memory_space<vmem>>)
      %run_scoped3A_88 = arith.constant 117 : i32
      "tpu.region"() ({
        %run_scoped3A_89 = tpu.sem_alloc : memref<!tpu.dma_semaphore, #tpu.memory_space<semaphore_mem>>
        %dma_start3A_90 = arith.constant 0 : i32
        %dma_start3A_91 = tpu.memref_slice %arg7[%run_scoped3A_88, %dma_start3A_90] : memref<118x128xi32, #tpu.memory_space<vmem>> -> memref<1x128xi32, #tpu.memory_space<vmem>>
        %dma_start3A_92 = tpu.memref_squeeze %dma_start3A_91 : memref<1x128xi32, #tpu.memory_space<vmem>> -> memref<128xi32, #tpu.memory_space<vmem>>
        %dma_start3A_93 = arith.constant 0 : i32
        %dma_start3A_94 = arith.constant 0 : i32
        %dma_start3A_95 = tpu.memref_slice %arg10[%dma_start3A_93, %dma_start3A_94] : memref<10240x64xf32, #tpu.memory_space<vmem_shared>> -> memref<10240x64xf32, #tpu.memory_space<vmem_shared>>
        tpu.enqueue_indirect_dma source(%arg9 : memref<128x64xf32, #tpu.memory_space<vmem>>) target(%dma_start3A_95 : memref<10240x64xf32, #tpu.memory_space<vmem_shared>>) offsets(%dma_start3A_92 : memref<128xi32, #tpu.memory_space<vmem>>) semaphore(%run_scoped3A_89 : memref<!tpu.dma_semaphore, #tpu.memory_space<semaphore_mem>>) {add = true}
        %dma_wait3A_96 = arith.constant 0 : i32
        %dma_wait3A_97 = tpu.memref_slice %arg7[%run_scoped3A_88, %dma_wait3A_96] : memref<118x128xi32, #tpu.memory_space<vmem>> -> memref<1x128xi32, #tpu.memory_space<vmem>>
        %dma_wait3A_98 = tpu.memref_squeeze %dma_wait3A_97 : memref<1x128xi32, #tpu.memory_space<vmem>> -> memref<128xi32, #tpu.memory_space<vmem>>
        %dma_wait3A_99 = arith.constant 0 : i32
        %dma_wait3A_100 = arith.constant 0 : i32
        %dma_wait3A_101 = tpu.memref_slice %arg10[%dma_wait3A_99, %dma_wait3A_100] : memref<10240x64xf32, #tpu.memory_space<vmem_shared>> -> memref<10240x64xf32, #tpu.memory_space<vmem_shared>>
        tpu.wait_indirect_dma semaphore(%run_scoped3A_89 : memref<!tpu.dma_semaphore, #tpu.memory_space<semaphore_mem>>) src(%arg9 : memref<128x64xf32, #tpu.memory_space<vmem>>) dst(%dma_wait3A_101 : memref<10240x64xf32, #tpu.memory_space<vmem_shared>>)
        tpu.yield
      }) : () -> ()
    } else {
    }
    %eq3A_27 = arith.constant 1 : i32
    %eq3A_28 = arith.cmpi eq, %arg0, %eq3A_27 : i32
    %convert_element_type3A_29 = arith.extui %eq3A_28 : i1 to i32
    %cond3A_30 = arith.constant 0 : i32
    %cond3A_31 = arith.cmpi ne, %convert_element_type3A_29, %cond3A_30 : i32
    scf.if %cond3A_31 {
      %mul3A_53 = arith.constant 42 : i32
      %mul3A_54 = arith.muli %arg1, %mul3A_53 : i32
      %add3A_55 = arith.constant 1888 : i32
      %add3A_56 = arith.addi %add3A_55, %mul3A_54 : i32
      "tpu.region"() ({
        %run_scoped3A_91 = tpu.sem_alloc : memref<!tpu.dma_semaphore, #tpu.memory_space<semaphore_mem>>
        %dma_start3A_92 = arith.constant 0 : i32
        %dma_start3A_93 = arith.constant 0 : i32
        %dma_start3A_94 = tpu.memref_slice %arg6[%dma_start3A_92, %dma_start3A_93] : memref<118x128xi32, #tpu.memory_space<vmem>> -> memref<42x128xi32, #tpu.memory_space<vmem>>
        %dma_start3A_95 = arith.constant 0 : i32
        %dma_start3A_96 = tpu.memref_slice %arg3[%add3A_56, %dma_start3A_95] : memref<2560x128xi32, #tpu.memory_space<hbm>> -> memref<42x128xi32, #tpu.memory_space<hbm>>
        %dma_start3A_97 = arith.constant 0 : i32
        %dma_start3A_98 = arith.constant 0 : i32
        %dma_start3A_99 = tpu.memref_slice %arg6[%dma_start3A_97, %dma_start3A_98] : memref<118x128xi32, #tpu.memory_space<vmem>> -> memref<42x128xi32, #tpu.memory_space<vmem>>
        %dma_start3A_100 = arith.constant 0 : i32
        %dma_start3A_101 = tpu.memref_slice %arg3[%add3A_56, %dma_start3A_100] : memref<2560x128xi32, #tpu.memory_space<hbm>> -> memref<42x128xi32, #tpu.memory_space<hbm>>
        tpu.enqueue_dma source(%dma_start3A_101 : memref<42x128xi32, #tpu.memory_space<hbm>>) target(%dma_start3A_99 : memref<42x128xi32, #tpu.memory_space<vmem>>) target_semaphore(%run_scoped3A_91 : memref<!tpu.dma_semaphore, #tpu.memory_space<semaphore_mem>>)
        %dma_wait3A_102 = arith.constant 0 : i32
        %dma_wait3A_103 = arith.constant 0 : i32
        %dma_wait3A_104 = tpu.memref_slice %arg6[%dma_wait3A_102, %dma_wait3A_103] : memref<118x128xi32, #tpu.memory_space<vmem>> -> memref<42x128xi32, #tpu.memory_space<vmem>>
        %dma_wait3A_105 = arith.constant 0 : i32
        %dma_wait3A_106 = tpu.memref_slice %arg3[%add3A_56, %dma_wait3A_105] : memref<2560x128xi32, #tpu.memory_space<hbm>> -> memref<42x128xi32, #tpu.memory_space<hbm>>
        %dma_wait3A_107 = arith.constant 0 : i32
        %dma_wait3A_108 = arith.constant 0 : i32
        %dma_wait3A_109 = tpu.memref_slice %arg6[%dma_wait3A_107, %dma_wait3A_108] : memref<118x128xi32, #tpu.memory_space<vmem>> -> memref<42x128xi32, #tpu.memory_space<vmem>>
        %dma_wait3A_110 = arith.constant 0 : i32
        %dma_wait3A_111 = tpu.memref_slice %arg3[%add3A_56, %dma_wait3A_110] : memref<2560x128xi32, #tpu.memory_space<hbm>> -> memref<42x128xi32, #tpu.memory_space<hbm>>
        tpu.wait_dma2 semaphore(%run_scoped3A_91 : memref<!tpu.dma_semaphore, #tpu.memory_space<semaphore_mem>>) src(%dma_wait3A_111 : memref<42x128xi32, #tpu.memory_space<hbm>>) dst(%dma_wait3A_109 : memref<42x128xi32, #tpu.memory_space<vmem>>)
        tpu.yield
      }) : () -> ()
      "tpu.region"() ({
        %run_scoped3A_91 = tpu.sem_alloc : memref<!tpu.dma_semaphore, #tpu.memory_space<semaphore_mem>>
        %dma_start3A_92 = arith.constant 0 : i32
        %dma_start3A_93 = arith.constant 0 : i32
        %dma_start3A_94 = tpu.memref_slice %arg7[%dma_start3A_92, %dma_start3A_93] : memref<118x128xi32, #tpu.memory_space<vmem>> -> memref<42x128xi32, #tpu.memory_space<vmem>>
        %dma_start3A_95 = arith.constant 0 : i32
        %dma_start3A_96 = tpu.memref_slice %arg4[%add3A_56, %dma_start3A_95] : memref<2560x128xi32, #tpu.memory_space<hbm>> -> memref<42x128xi32, #tpu.memory_space<hbm>>
        %dma_start3A_97 = arith.constant 0 : i32
        %dma_start3A_98 = arith.constant 0 : i32
        %dma_start3A_99 = tpu.memref_slice %arg7[%dma_start3A_97, %dma_start3A_98] : memref<118x128xi32, #tpu.memory_space<vmem>> -> memref<42x128xi32, #tpu.memory_space<vmem>>
        %dma_start3A_100 = arith.constant 0 : i32
        %dma_start3A_101 = tpu.memref_slice %arg4[%add3A_56, %dma_start3A_100] : memref<2560x128xi32, #tpu.memory_space<hbm>> -> memref<42x128xi32, #tpu.memory_space<hbm>>
        tpu.enqueue_dma source(%dma_start3A_101 : memref<42x128xi32, #tpu.memory_space<hbm>>) target(%dma_start3A_99 : memref<42x128xi32, #tpu.memory_space<vmem>>) target_semaphore(%run_scoped3A_91 : memref<!tpu.dma_semaphore, #tpu.memory_space<semaphore_mem>>)
        %dma_wait3A_102 = arith.constant 0 : i32
        %dma_wait3A_103 = arith.constant 0 : i32
        %dma_wait3A_104 = tpu.memref_slice %arg7[%dma_wait3A_102, %dma_wait3A_103] : memref<118x128xi32, #tpu.memory_space<vmem>> -> memref<42x128xi32, #tpu.memory_space<vmem>>
        %dma_wait3A_105 = arith.constant 0 : i32
        %dma_wait3A_106 = tpu.memref_slice %arg4[%add3A_56, %dma_wait3A_105] : memref<2560x128xi32, #tpu.memory_space<hbm>> -> memref<42x128xi32, #tpu.memory_space<hbm>>
        %dma_wait3A_107 = arith.constant 0 : i32
        %dma_wait3A_108 = arith.constant 0 : i32
        %dma_wait3A_109 = tpu.memref_slice %arg7[%dma_wait3A_107, %dma_wait3A_108] : memref<118x128xi32, #tpu.memory_space<vmem>> -> memref<42x128xi32, #tpu.memory_space<vmem>>
        %dma_wait3A_110 = arith.constant 0 : i32
        %dma_wait3A_111 = tpu.memref_slice %arg4[%add3A_56, %dma_wait3A_110] : memref<2560x128xi32, #tpu.memory_space<hbm>> -> memref<42x128xi32, #tpu.memory_space<hbm>>
        tpu.wait_dma2 semaphore(%run_scoped3A_91 : memref<!tpu.dma_semaphore, #tpu.memory_space<semaphore_mem>>) src(%dma_wait3A_111 : memref<42x128xi32, #tpu.memory_space<hbm>>) dst(%dma_wait3A_109 : memref<42x128xi32, #tpu.memory_space<vmem>>)
        tpu.yield
      }) : () -> ()
      %dma_start3A = arith.constant 0 : i32
      %dma_start3A_57 = arith.constant 0 : i32
      %dma_start3A_58 = tpu.memref_slice %arg6[%dma_start3A, %dma_start3A_57] : memref<118x128xi32, #tpu.memory_space<vmem>> -> memref<1x128xi32, #tpu.memory_space<vmem>>
      %dma_start3A_59 = tpu.memref_squeeze %dma_start3A_58 : memref<1x128xi32, #tpu.memory_space<vmem>> -> memref<128xi32, #tpu.memory_space<vmem>>
      %dma_start3A_60 = arith.constant 0 : i32
      %dma_start3A_61 = arith.constant 0 : i32
      %dma_start3A_62 = tpu.memref_slice %arg2[%dma_start3A_60, %dma_start3A_61] : memref<10240x64xf32, #tpu.memory_space<hbm>> -> memref<10240x64xf32, #tpu.memory_space<hbm>>
      tpu.enqueue_indirect_dma source(%dma_start3A_62 : memref<10240x64xf32, #tpu.memory_space<hbm>>) target(%arg8 : memref<128x64xf32, #tpu.memory_space<vmem>>) offsets(%dma_start3A_59 : memref<128xi32, #tpu.memory_space<vmem>>) semaphore(%arg11 : memref<!tpu.dma_semaphore, #tpu.memory_space<semaphore_mem>>)
      %dma_start3A_63 = arith.constant 1 : i32
      %dma_start3A_64 = arith.constant 0 : i32
      %dma_start3A_65 = tpu.memref_slice %arg6[%dma_start3A_63, %dma_start3A_64] : memref<118x128xi32, #tpu.memory_space<vmem>> -> memref<1x128xi32, #tpu.memory_space<vmem>>
      %dma_start3A_66 = tpu.memref_squeeze %dma_start3A_65 : memref<1x128xi32, #tpu.memory_space<vmem>> -> memref<128xi32, #tpu.memory_space<vmem>>
      %dma_start3A_67 = arith.constant 0 : i32
      %dma_start3A_68 = arith.constant 0 : i32
      %dma_start3A_69 = tpu.memref_slice %arg2[%dma_start3A_67, %dma_start3A_68] : memref<10240x64xf32, #tpu.memory_space<hbm>> -> memref<10240x64xf32, #tpu.memory_space<hbm>>
      tpu.enqueue_indirect_dma source(%dma_start3A_69 : memref<10240x64xf32, #tpu.memory_space<hbm>>) target(%arg9 : memref<128x64xf32, #tpu.memory_space<vmem>>) offsets(%dma_start3A_66 : memref<128xi32, #tpu.memory_space<vmem>>) semaphore(%arg12 : memref<!tpu.dma_semaphore, #tpu.memory_space<semaphore_mem>>)
      %scan3A_70 = arith.constant 0 : i32
      %scan3A_71 = arith.constant 0 : i32
      %scan3A_72 = arith.constant 20 : i32
      %scan3A_73 = arith.addi %scan3A_71, %scan3A_72 : i32
      %scan3A_74 = arith.constant 1 : i32
      %scan3A_75 = scf.for %scan3A_91 = %scan3A_71 to %scan3A_73 step %scan3A_74 iter_args(%scan3A_92 = %scan3A_70) -> (i32)  : i32 {
        %mul3A_93 = arith.constant 2 : i32
        %mul3A_94 = arith.muli %mul3A_93, %scan3A_91 : i32
        %dma_wait3A_95 = arith.constant 0 : i32
        %dma_wait3A_96 = tpu.memref_slice %arg6[%mul3A_94, %dma_wait3A_95] : memref<118x128xi32, #tpu.memory_space<vmem>> -> memref<1x128xi32, #tpu.memory_space<vmem>>
        %dma_wait3A_97 = tpu.memref_squeeze %dma_wait3A_96 : memref<1x128xi32, #tpu.memory_space<vmem>> -> memref<128xi32, #tpu.memory_space<vmem>>
        %dma_wait3A_98 = arith.constant 0 : i32
        %dma_wait3A_99 = arith.constant 0 : i32
        %dma_wait3A_100 = tpu.memref_slice %arg2[%dma_wait3A_98, %dma_wait3A_99] : memref<10240x64xf32, #tpu.memory_space<hbm>> -> memref<10240x64xf32, #tpu.memory_space<hbm>>
        tpu.wait_indirect_dma semaphore(%arg11 : memref<!tpu.dma_semaphore, #tpu.memory_space<semaphore_mem>>) src(%dma_wait3A_100 : memref<10240x64xf32, #tpu.memory_space<hbm>>) dst(%arg8 : memref<128x64xf32, #tpu.memory_space<vmem>>)
        "tpu.region"() ({
          %run_scoped3A_128 = tpu.sem_alloc : memref<!tpu.dma_semaphore, #tpu.memory_space<semaphore_mem>>
          %dma_start3A_129 = arith.constant 0 : i32
          %dma_start3A_130 = tpu.memref_slice %arg7[%mul3A_94, %dma_start3A_129] : memref<118x128xi32, #tpu.memory_space<vmem>> -> memref<1x128xi32, #tpu.memory_space<vmem>>
          %dma_start3A_131 = tpu.memref_squeeze %dma_start3A_130 : memref<1x128xi32, #tpu.memory_space<vmem>> -> memref<128xi32, #tpu.memory_space<vmem>>
          %dma_start3A_132 = arith.constant 0 : i32
          %dma_start3A_133 = arith.constant 0 : i32
          %dma_start3A_134 = tpu.memref_slice %arg10[%dma_start3A_132, %dma_start3A_133] : memref<10240x64xf32, #tpu.memory_space<vmem_shared>> -> memref<10240x64xf32, #tpu.memory_space<vmem_shared>>
          tpu.enqueue_indirect_dma source(%arg8 : memref<128x64xf32, #tpu.memory_space<vmem>>) target(%dma_start3A_134 : memref<10240x64xf32, #tpu.memory_space<vmem_shared>>) offsets(%dma_start3A_131 : memref<128xi32, #tpu.memory_space<vmem>>) semaphore(%run_scoped3A_128 : memref<!tpu.dma_semaphore, #tpu.memory_space<semaphore_mem>>) {add = true}
          %dma_wait3A_135 = arith.constant 0 : i32
          %dma_wait3A_136 = tpu.memref_slice %arg7[%mul3A_94, %dma_wait3A_135] : memref<118x128xi32, #tpu.memory_space<vmem>> -> memref<1x128xi32, #tpu.memory_space<vmem>>
          %dma_wait3A_137 = tpu.memref_squeeze %dma_wait3A_136 : memref<1x128xi32, #tpu.memory_space<vmem>> -> memref<128xi32, #tpu.memory_space<vmem>>
          %dma_wait3A_138 = arith.constant 0 : i32
          %dma_wait3A_139 = arith.constant 0 : i32
          %dma_wait3A_140 = tpu.memref_slice %arg10[%dma_wait3A_138, %dma_wait3A_139] : memref<10240x64xf32, #tpu.memory_space<vmem_shared>> -> memref<10240x64xf32, #tpu.memory_space<vmem_shared>>
          tpu.wait_indirect_dma semaphore(%run_scoped3A_128 : memref<!tpu.dma_semaphore, #tpu.memory_space<semaphore_mem>>) src(%arg8 : memref<128x64xf32, #tpu.memory_space<vmem>>) dst(%dma_wait3A_140 : memref<10240x64xf32, #tpu.memory_space<vmem_shared>>)
          tpu.yield
        }) : () -> ()
        %add3A_101 = arith.constant 2 : i32
        %add3A_102 = arith.addi %mul3A_94, %add3A_101 : i32
        %dma_start3A_103 = arith.constant 0 : i32
        %dma_start3A_104 = tpu.memref_slice %arg6[%add3A_102, %dma_start3A_103] : memref<118x128xi32, #tpu.memory_space<vmem>> -> memref<1x128xi32, #tpu.memory_space<vmem>>
        %dma_start3A_105 = tpu.memref_squeeze %dma_start3A_104 : memref<1x128xi32, #tpu.memory_space<vmem>> -> memref<128xi32, #tpu.memory_space<vmem>>
        %dma_start3A_106 = arith.constant 0 : i32
        %dma_start3A_107 = arith.constant 0 : i32
        %dma_start3A_108 = tpu.memref_slice %arg2[%dma_start3A_106, %dma_start3A_107] : memref<10240x64xf32, #tpu.memory_space<hbm>> -> memref<10240x64xf32, #tpu.memory_space<hbm>>
        tpu.enqueue_indirect_dma source(%dma_start3A_108 : memref<10240x64xf32, #tpu.memory_space<hbm>>) target(%arg8 : memref<128x64xf32, #tpu.memory_space<vmem>>) offsets(%dma_start3A_105 : memref<128xi32, #tpu.memory_space<vmem>>) semaphore(%arg11 : memref<!tpu.dma_semaphore, #tpu.memory_space<semaphore_mem>>)
        %add3A_109 = arith.constant 1 : i32
        %add3A_110 = arith.addi %mul3A_94, %add3A_109 : i32
        %dma_wait3A_111 = arith.constant 0 : i32
        %dma_wait3A_112 = tpu.memref_slice %arg6[%add3A_110, %dma_wait3A_111] : memref<118x128xi32, #tpu.memory_space<vmem>> -> memref<1x128xi32, #tpu.memory_space<vmem>>
        %dma_wait3A_113 = tpu.memref_squeeze %dma_wait3A_112 : memref<1x128xi32, #tpu.memory_space<vmem>> -> memref<128xi32, #tpu.memory_space<vmem>>
        %dma_wait3A_114 = arith.constant 0 : i32
        %dma_wait3A_115 = arith.constant 0 : i32
        %dma_wait3A_116 = tpu.memref_slice %arg2[%dma_wait3A_114, %dma_wait3A_115] : memref<10240x64xf32, #tpu.memory_space<hbm>> -> memref<10240x64xf32, #tpu.memory_space<hbm>>
        tpu.wait_indirect_dma semaphore(%arg12 : memref<!tpu.dma_semaphore, #tpu.memory_space<semaphore_mem>>) src(%dma_wait3A_116 : memref<10240x64xf32, #tpu.memory_space<hbm>>) dst(%arg9 : memref<128x64xf32, #tpu.memory_space<vmem>>)
        %add3A_117 = arith.constant 1 : i32
        %add3A_118 = arith.addi %mul3A_94, %add3A_117 : i32
        "tpu.region"() ({
          %run_scoped3A_128 = tpu.sem_alloc : memref<!tpu.dma_semaphore, #tpu.memory_space<semaphore_mem>>
          %dma_start3A_129 = arith.constant 0 : i32
          %dma_start3A_130 = tpu.memref_slice %arg7[%add3A_118, %dma_start3A_129] : memref<118x128xi32, #tpu.memory_space<vmem>> -> memref<1x128xi32, #tpu.memory_space<vmem>>
          %dma_start3A_131 = tpu.memref_squeeze %dma_start3A_130 : memref<1x128xi32, #tpu.memory_space<vmem>> -> memref<128xi32, #tpu.memory_space<vmem>>
          %dma_start3A_132 = arith.constant 0 : i32
          %dma_start3A_133 = arith.constant 0 : i32
          %dma_start3A_134 = tpu.memref_slice %arg10[%dma_start3A_132, %dma_start3A_133] : memref<10240x64xf32, #tpu.memory_space<vmem_shared>> -> memref<10240x64xf32, #tpu.memory_space<vmem_shared>>
          tpu.enqueue_indirect_dma source(%arg9 : memref<128x64xf32, #tpu.memory_space<vmem>>) target(%dma_start3A_134 : memref<10240x64xf32, #tpu.memory_space<vmem_shared>>) offsets(%dma_start3A_131 : memref<128xi32, #tpu.memory_space<vmem>>) semaphore(%run_scoped3A_128 : memref<!tpu.dma_semaphore, #tpu.memory_space<semaphore_mem>>) {add = true}
          %dma_wait3A_135 = arith.constant 0 : i32
          %dma_wait3A_136 = tpu.memref_slice %arg7[%add3A_118, %dma_wait3A_135] : memref<118x128xi32, #tpu.memory_space<vmem>> -> memref<1x128xi32, #tpu.memory_space<vmem>>
          %dma_wait3A_137 = tpu.memref_squeeze %dma_wait3A_136 : memref<1x128xi32, #tpu.memory_space<vmem>> -> memref<128xi32, #tpu.memory_space<vmem>>
          %dma_wait3A_138 = arith.constant 0 : i32
          %dma_wait3A_139 = arith.constant 0 : i32
          %dma_wait3A_140 = tpu.memref_slice %arg10[%dma_wait3A_138, %dma_wait3A_139] : memref<10240x64xf32, #tpu.memory_space<vmem_shared>> -> memref<10240x64xf32, #tpu.memory_space<vmem_shared>>
          tpu.wait_indirect_dma semaphore(%run_scoped3A_128 : memref<!tpu.dma_semaphore, #tpu.memory_space<semaphore_mem>>) src(%arg9 : memref<128x64xf32, #tpu.memory_space<vmem>>) dst(%dma_wait3A_140 : memref<10240x64xf32, #tpu.memory_space<vmem_shared>>)
          tpu.yield
        }) : () -> ()
        %add3A_119 = arith.constant 3 : i32
        %add3A_120 = arith.addi %mul3A_94, %add3A_119 : i32
        %dma_start3A_121 = arith.constant 0 : i32
        %dma_start3A_122 = tpu.memref_slice %arg6[%add3A_120, %dma_start3A_121] : memref<118x128xi32, #tpu.memory_space<vmem>> -> memref<1x128xi32, #tpu.memory_space<vmem>>
        %dma_start3A_123 = tpu.memref_squeeze %dma_start3A_122 : memref<1x128xi32, #tpu.memory_space<vmem>> -> memref<128xi32, #tpu.memory_space<vmem>>
        %dma_start3A_124 = arith.constant 0 : i32
        %dma_start3A_125 = arith.constant 0 : i32
        %dma_start3A_126 = tpu.memref_slice %arg2[%dma_start3A_124, %dma_start3A_125] : memref<10240x64xf32, #tpu.memory_space<hbm>> -> memref<10240x64xf32, #tpu.memory_space<hbm>>
        tpu.enqueue_indirect_dma source(%dma_start3A_126 : memref<10240x64xf32, #tpu.memory_space<hbm>>) target(%arg9 : memref<128x64xf32, #tpu.memory_space<vmem>>) offsets(%dma_start3A_123 : memref<128xi32, #tpu.memory_space<vmem>>) semaphore(%arg12 : memref<!tpu.dma_semaphore, #tpu.memory_space<semaphore_mem>>)
        %scan3A_127 = arith.constant 0 : i32
        scf.yield %scan3A_127 : i32
      }
      %scan3A_76 = arith.constant 20 : i32
      %dma_wait3A = arith.constant 40 : i32
      %dma_wait3A_77 = arith.constant 0 : i32
      %dma_wait3A_78 = tpu.memref_slice %arg6[%dma_wait3A, %dma_wait3A_77] : memref<118x128xi32, #tpu.memory_space<vmem>> -> memref<1x128xi32, #tpu.memory_space<vmem>>
      %dma_wait3A_79 = tpu.memref_squeeze %dma_wait3A_78 : memref<1x128xi32, #tpu.memory_space<vmem>> -> memref<128xi32, #tpu.memory_space<vmem>>
      %dma_wait3A_80 = arith.constant 0 : i32
      %dma_wait3A_81 = arith.constant 0 : i32
      %dma_wait3A_82 = tpu.memref_slice %arg2[%dma_wait3A_80, %dma_wait3A_81] : memref<10240x64xf32, #tpu.memory_space<hbm>> -> memref<10240x64xf32, #tpu.memory_space<hbm>>
      tpu.wait_indirect_dma semaphore(%arg11 : memref<!tpu.dma_semaphore, #tpu.memory_space<semaphore_mem>>) src(%dma_wait3A_82 : memref<10240x64xf32, #tpu.memory_space<hbm>>) dst(%arg8 : memref<128x64xf32, #tpu.memory_space<vmem>>)
      %run_scoped3A = arith.constant 40 : i32
      "tpu.region"() ({
        %run_scoped3A_91 = tpu.sem_alloc : memref<!tpu.dma_semaphore, #tpu.memory_space<semaphore_mem>>
        %dma_start3A_92 = arith.constant 0 : i32
        %dma_start3A_93 = tpu.memref_slice %arg7[%run_scoped3A, %dma_start3A_92] : memref<118x128xi32, #tpu.memory_space<vmem>> -> memref<1x128xi32, #tpu.memory_space<vmem>>
        %dma_start3A_94 = tpu.memref_squeeze %dma_start3A_93 : memref<1x128xi32, #tpu.memory_space<vmem>> -> memref<128xi32, #tpu.memory_space<vmem>>
        %dma_start3A_95 = arith.constant 0 : i32
        %dma_start3A_96 = arith.constant 0 : i32
        %dma_start3A_97 = tpu.memref_slice %arg10[%dma_start3A_95, %dma_start3A_96] : memref<10240x64xf32, #tpu.memory_space<vmem_shared>> -> memref<10240x64xf32, #tpu.memory_space<vmem_shared>>
        tpu.enqueue_indirect_dma source(%arg8 : memref<128x64xf32, #tpu.memory_space<vmem>>) target(%dma_start3A_97 : memref<10240x64xf32, #tpu.memory_space<vmem_shared>>) offsets(%dma_start3A_94 : memref<128xi32, #tpu.memory_space<vmem>>) semaphore(%run_scoped3A_91 : memref<!tpu.dma_semaphore, #tpu.memory_space<semaphore_mem>>) {add = true}
        %dma_wait3A_98 = arith.constant 0 : i32
        %dma_wait3A_99 = tpu.memref_slice %arg7[%run_scoped3A, %dma_wait3A_98] : memref<118x128xi32, #tpu.memory_space<vmem>> -> memref<1x128xi32, #tpu.memory_space<vmem>>
        %dma_wait3A_100 = tpu.memref_squeeze %dma_wait3A_99 : memref<1x128xi32, #tpu.memory_space<vmem>> -> memref<128xi32, #tpu.memory_space<vmem>>
        %dma_wait3A_101 = arith.constant 0 : i32
        %dma_wait3A_102 = arith.constant 0 : i32
        %dma_wait3A_103 = tpu.memref_slice %arg10[%dma_wait3A_101, %dma_wait3A_102] : memref<10240x64xf32, #tpu.memory_space<vmem_shared>> -> memref<10240x64xf32, #tpu.memory_space<vmem_shared>>
        tpu.wait_indirect_dma semaphore(%run_scoped3A_91 : memref<!tpu.dma_semaphore, #tpu.memory_space<semaphore_mem>>) src(%arg8 : memref<128x64xf32, #tpu.memory_space<vmem>>) dst(%dma_wait3A_103 : memref<10240x64xf32, #tpu.memory_space<vmem_shared>>)
        tpu.yield
      }) : () -> ()
      %dma_wait3A_83 = arith.constant 41 : i32
      %dma_wait3A_84 = arith.constant 0 : i32
      %dma_wait3A_85 = tpu.memref_slice %arg6[%dma_wait3A_83, %dma_wait3A_84] : memref<118x128xi32, #tpu.memory_space<vmem>> -> memref<1x128xi32, #tpu.memory_space<vmem>>
      %dma_wait3A_86 = tpu.memref_squeeze %dma_wait3A_85 : memref<1x128xi32, #tpu.memory_space<vmem>> -> memref<128xi32, #tpu.memory_space<vmem>>
      %dma_wait3A_87 = arith.constant 0 : i32
      %dma_wait3A_88 = arith.constant 0 : i32
      %dma_wait3A_89 = tpu.memref_slice %arg2[%dma_wait3A_87, %dma_wait3A_88] : memref<10240x64xf32, #tpu.memory_space<hbm>> -> memref<10240x64xf32, #tpu.memory_space<hbm>>
      tpu.wait_indirect_dma semaphore(%arg12 : memref<!tpu.dma_semaphore, #tpu.memory_space<semaphore_mem>>) src(%dma_wait3A_89 : memref<10240x64xf32, #tpu.memory_space<hbm>>) dst(%arg9 : memref<128x64xf32, #tpu.memory_space<vmem>>)
      %run_scoped3A_90 = arith.constant 41 : i32
      "tpu.region"() ({
        %run_scoped3A_91 = tpu.sem_alloc : memref<!tpu.dma_semaphore, #tpu.memory_space<semaphore_mem>>
        %dma_start3A_92 = arith.constant 0 : i32
        %dma_start3A_93 = tpu.memref_slice %arg7[%run_scoped3A_90, %dma_start3A_92] : memref<118x128xi32, #tpu.memory_space<vmem>> -> memref<1x128xi32, #tpu.memory_space<vmem>>
        %dma_start3A_94 = tpu.memref_squeeze %dma_start3A_93 : memref<1x128xi32, #tpu.memory_space<vmem>> -> memref<128xi32, #tpu.memory_space<vmem>>
        %dma_start3A_95 = arith.constant 0 : i32
        %dma_start3A_96 = arith.constant 0 : i32
        %dma_start3A_97 = tpu.memref_slice %arg10[%dma_start3A_95, %dma_start3A_96] : memref<10240x64xf32, #tpu.memory_space<vmem_shared>> -> memref<10240x64xf32, #tpu.memory_space<vmem_shared>>
        tpu.enqueue_indirect_dma source(%arg9 : memref<128x64xf32, #tpu.memory_space<vmem>>) target(%dma_start3A_97 : memref<10240x64xf32, #tpu.memory_space<vmem_shared>>) offsets(%dma_start3A_94 : memref<128xi32, #tpu.memory_space<vmem>>) semaphore(%run_scoped3A_91 : memref<!tpu.dma_semaphore, #tpu.memory_space<semaphore_mem>>) {add = true}
        %dma_wait3A_98 = arith.constant 0 : i32
        %dma_wait3A_99 = tpu.memref_slice %arg7[%run_scoped3A_90, %dma_wait3A_98] : memref<118x128xi32, #tpu.memory_space<vmem>> -> memref<1x128xi32, #tpu.memory_space<vmem>>
        %dma_wait3A_100 = tpu.memref_squeeze %dma_wait3A_99 : memref<1x128xi32, #tpu.memory_space<vmem>> -> memref<128xi32, #tpu.memory_space<vmem>>
        %dma_wait3A_101 = arith.constant 0 : i32
        %dma_wait3A_102 = arith.constant 0 : i32
        %dma_wait3A_103 = tpu.memref_slice %arg10[%dma_wait3A_101, %dma_wait3A_102] : memref<10240x64xf32, #tpu.memory_space<vmem_shared>> -> memref<10240x64xf32, #tpu.memory_space<vmem_shared>>
        tpu.wait_indirect_dma semaphore(%run_scoped3A_91 : memref<!tpu.dma_semaphore, #tpu.memory_space<semaphore_mem>>) src(%arg9 : memref<128x64xf32, #tpu.memory_space<vmem>>) dst(%dma_wait3A_103 : memref<10240x64xf32, #tpu.memory_space<vmem_shared>>)
        tpu.yield
      }) : () -> ()
    } else {
    }
    %barrier3A_32 = arith.constant 0 : index
    tpu.barrier barrier_id(%barrier3A_32)
    %mul3A_33 = arith.constant 640 : i32
    %mul3A_34 = arith.muli %arg1, %mul3A_33 : i32
    %add3A_35 = arith.constant 0 : i32
    %add3A_36 = arith.addi %mul3A_34, %add3A_35 : i32
    "tpu.region"() ({
      %run_scoped3A = tpu.sem_alloc : memref<!tpu.dma_semaphore, #tpu.memory_space<semaphore_mem>>
      %dma_start3A = arith.constant 0 : i32
      %dma_start3A_53 = tpu.memref_slice %arg5[%arg0, %add3A_36, %dma_start3A] : memref<2x10240x64xf32, #tpu.memory_space<hbm>> -> memref<1x128x64xf32, #tpu.memory_space<hbm>>
      %dma_start3A_54 = tpu.memref_squeeze %dma_start3A_53 : memref<1x128x64xf32, #tpu.memory_space<hbm>> -> memref<128x64xf32, #tpu.memory_space<hbm>>
      %dma_start3A_55 = arith.constant 0 : i32
      %dma_start3A_56 = tpu.memref_slice %arg10[%add3A_36, %dma_start3A_55] : memref<10240x64xf32, #tpu.memory_space<vmem_shared>> -> memref<128x64xf32, #tpu.memory_space<vmem_shared>>
      tpu.enqueue_dma source(%dma_start3A_56 : memref<128x64xf32, #tpu.memory_space<vmem_shared>>) target(%dma_start3A_54 : memref<128x64xf32, #tpu.memory_space<hbm>>) target_semaphore(%run_scoped3A : memref<!tpu.dma_semaphore, #tpu.memory_space<semaphore_mem>>)
      %dma_wait3A = arith.constant 0 : i32
      %dma_wait3A_57 = tpu.memref_slice %arg5[%arg0, %add3A_36, %dma_wait3A] : memref<2x10240x64xf32, #tpu.memory_space<hbm>> -> memref<1x128x64xf32, #tpu.memory_space<hbm>>
      %dma_wait3A_58 = tpu.memref_squeeze %dma_wait3A_57 : memref<1x128x64xf32, #tpu.memory_space<hbm>> -> memref<128x64xf32, #tpu.memory_space<hbm>>
      %dma_wait3A_59 = arith.constant 0 : i32
      %dma_wait3A_60 = tpu.memref_slice %arg10[%add3A_36, %dma_wait3A_59] : memref<10240x64xf32, #tpu.memory_space<vmem_shared>> -> memref<128x64xf32, #tpu.memory_space<vmem_shared>>
      tpu.wait_dma2 semaphore(%run_scoped3A : memref<!tpu.dma_semaphore, #tpu.memory_space<semaphore_mem>>) src(%dma_wait3A_60 : memref<128x64xf32, #tpu.memory_space<vmem_shared>>) dst(%dma_wait3A_58 : memref<128x64xf32, #tpu.memory_space<hbm>>)
      tpu.yield
    }) : () -> ()
    %mul3A_37 = arith.constant 640 : i32
    %mul3A_38 = arith.muli %arg1, %mul3A_37 : i32
    %add3A_39 = arith.constant 128 : i32
    %add3A_40 = arith.addi %mul3A_38, %add3A_39 : i32
    "tpu.region"() ({
      %run_scoped3A = tpu.sem_alloc : memref<!tpu.dma_semaphore, #tpu.memory_space<semaphore_mem>>
      %dma_start3A = arith.constant 0 : i32
      %dma_start3A_53 = tpu.memref_slice %arg5[%arg0, %add3A_40, %dma_start3A] : memref<2x10240x64xf32, #tpu.memory_space<hbm>> -> memref<1x128x64xf32, #tpu.memory_space<hbm>>
      %dma_start3A_54 = tpu.memref_squeeze %dma_start3A_53 : memref<1x128x64xf32, #tpu.memory_space<hbm>> -> memref<128x64xf32, #tpu.memory_space<hbm>>
      %dma_start3A_55 = arith.constant 0 : i32
      %dma_start3A_56 = tpu.memref_slice %arg10[%add3A_40, %dma_start3A_55] : memref<10240x64xf32, #tpu.memory_space<vmem_shared>> -> memref<128x64xf32, #tpu.memory_space<vmem_shared>>
      tpu.enqueue_dma source(%dma_start3A_56 : memref<128x64xf32, #tpu.memory_space<vmem_shared>>) target(%dma_start3A_54 : memref<128x64xf32, #tpu.memory_space<hbm>>) target_semaphore(%run_scoped3A : memref<!tpu.dma_semaphore, #tpu.memory_space<semaphore_mem>>)
      %dma_wait3A = arith.constant 0 : i32
      %dma_wait3A_57 = tpu.memref_slice %arg5[%arg0, %add3A_40, %dma_wait3A] : memref<2x10240x64xf32, #tpu.memory_space<hbm>> -> memref<1x128x64xf32, #tpu.memory_space<hbm>>
      %dma_wait3A_58 = tpu.memref_squeeze %dma_wait3A_57 : memref<1x128x64xf32, #tpu.memory_space<hbm>> -> memref<128x64xf32, #tpu.memory_space<hbm>>
      %dma_wait3A_59 = arith.constant 0 : i32
      %dma_wait3A_60 = tpu.memref_slice %arg10[%add3A_40, %dma_wait3A_59] : memref<10240x64xf32, #tpu.memory_space<vmem_shared>> -> memref<128x64xf32, #tpu.memory_space<vmem_shared>>
      tpu.wait_dma2 semaphore(%run_scoped3A : memref<!tpu.dma_semaphore, #tpu.memory_space<semaphore_mem>>) src(%dma_wait3A_60 : memref<128x64xf32, #tpu.memory_space<vmem_shared>>) dst(%dma_wait3A_58 : memref<128x64xf32, #tpu.memory_space<hbm>>)
      tpu.yield
    }) : () -> ()
    %mul3A_41 = arith.constant 640 : i32
    %mul3A_42 = arith.muli %arg1, %mul3A_41 : i32
    %add3A_43 = arith.constant 256 : i32
    %add3A_44 = arith.addi %mul3A_42, %add3A_43 : i32
    "tpu.region"() ({
      %run_scoped3A = tpu.sem_alloc : memref<!tpu.dma_semaphore, #tpu.memory_space<semaphore_mem>>
      %dma_start3A = arith.constant 0 : i32
      %dma_start3A_53 = tpu.memref_slice %arg5[%arg0, %add3A_44, %dma_start3A] : memref<2x10240x64xf32, #tpu.memory_space<hbm>> -> memref<1x128x64xf32, #tpu.memory_space<hbm>>
      %dma_start3A_54 = tpu.memref_squeeze %dma_start3A_53 : memref<1x128x64xf32, #tpu.memory_space<hbm>> -> memref<128x64xf32, #tpu.memory_space<hbm>>
      %dma_start3A_55 = arith.constant 0 : i32
      %dma_start3A_56 = tpu.memref_slice %arg10[%add3A_44, %dma_start3A_55] : memref<10240x64xf32, #tpu.memory_space<vmem_shared>> -> memref<128x64xf32, #tpu.memory_space<vmem_shared>>
      tpu.enqueue_dma source(%dma_start3A_56 : memref<128x64xf32, #tpu.memory_space<vmem_shared>>) target(%dma_start3A_54 : memref<128x64xf32, #tpu.memory_space<hbm>>) target_semaphore(%run_scoped3A : memref<!tpu.dma_semaphore, #tpu.memory_space<semaphore_mem>>)
      %dma_wait3A = arith.constant 0 : i32
      %dma_wait3A_57 = tpu.memref_slice %arg5[%arg0, %add3A_44, %dma_wait3A] : memref<2x10240x64xf32, #tpu.memory_space<hbm>> -> memref<1x128x64xf32, #tpu.memory_space<hbm>>
      %dma_wait3A_58 = tpu.memref_squeeze %dma_wait3A_57 : memref<1x128x64xf32, #tpu.memory_space<hbm>> -> memref<128x64xf32, #tpu.memory_space<hbm>>
      %dma_wait3A_59 = arith.constant 0 : i32
      %dma_wait3A_60 = tpu.memref_slice %arg10[%add3A_44, %dma_wait3A_59] : memref<10240x64xf32, #tpu.memory_space<vmem_shared>> -> memref<128x64xf32, #tpu.memory_space<vmem_shared>>
      tpu.wait_dma2 semaphore(%run_scoped3A : memref<!tpu.dma_semaphore, #tpu.memory_space<semaphore_mem>>) src(%dma_wait3A_60 : memref<128x64xf32, #tpu.memory_space<vmem_shared>>) dst(%dma_wait3A_58 : memref<128x64xf32, #tpu.memory_space<hbm>>)
      tpu.yield
    }) : () -> ()
    %mul3A_45 = arith.constant 640 : i32
    %mul3A_46 = arith.muli %arg1, %mul3A_45 : i32
    %add3A_47 = arith.constant 384 : i32
    %add3A_48 = arith.addi %mul3A_46, %add3A_47 : i32
    "tpu.region"() ({
      %run_scoped3A = tpu.sem_alloc : memref<!tpu.dma_semaphore, #tpu.memory_space<semaphore_mem>>
      %dma_start3A = arith.constant 0 : i32
      %dma_start3A_53 = tpu.memref_slice %arg5[%arg0, %add3A_48, %dma_start3A] : memref<2x10240x64xf32, #tpu.memory_space<hbm>> -> memref<1x128x64xf32, #tpu.memory_space<hbm>>
      %dma_start3A_54 = tpu.memref_squeeze %dma_start3A_53 : memref<1x128x64xf32, #tpu.memory_space<hbm>> -> memref<128x64xf32, #tpu.memory_space<hbm>>
      %dma_start3A_55 = arith.constant 0 : i32
      %dma_start3A_56 = tpu.memref_slice %arg10[%add3A_48, %dma_start3A_55] : memref<10240x64xf32, #tpu.memory_space<vmem_shared>> -> memref<128x64xf32, #tpu.memory_space<vmem_shared>>
      tpu.enqueue_dma source(%dma_start3A_56 : memref<128x64xf32, #tpu.memory_space<vmem_shared>>) target(%dma_start3A_54 : memref<128x64xf32, #tpu.memory_space<hbm>>) target_semaphore(%run_scoped3A : memref<!tpu.dma_semaphore, #tpu.memory_space<semaphore_mem>>)
      %dma_wait3A = arith.constant 0 : i32
      %dma_wait3A_57 = tpu.memref_slice %arg5[%arg0, %add3A_48, %dma_wait3A] : memref<2x10240x64xf32, #tpu.memory_space<hbm>> -> memref<1x128x64xf32, #tpu.memory_space<hbm>>
      %dma_wait3A_58 = tpu.memref_squeeze %dma_wait3A_57 : memref<1x128x64xf32, #tpu.memory_space<hbm>> -> memref<128x64xf32, #tpu.memory_space<hbm>>
      %dma_wait3A_59 = arith.constant 0 : i32
      %dma_wait3A_60 = tpu.memref_slice %arg10[%add3A_48, %dma_wait3A_59] : memref<10240x64xf32, #tpu.memory_space<vmem_shared>> -> memref<128x64xf32, #tpu.memory_space<vmem_shared>>
      tpu.wait_dma2 semaphore(%run_scoped3A : memref<!tpu.dma_semaphore, #tpu.memory_space<semaphore_mem>>) src(%dma_wait3A_60 : memref<128x64xf32, #tpu.memory_space<vmem_shared>>) dst(%dma_wait3A_58 : memref<128x64xf32, #tpu.memory_space<hbm>>)
      tpu.yield
    }) : () -> ()
    %mul3A_49 = arith.constant 640 : i32
    %mul3A_50 = arith.muli %arg1, %mul3A_49 : i32
    %add3A_51 = arith.constant 512 : i32
    %add3A_52 = arith.addi %mul3A_50, %add3A_51 : i32
    "tpu.region"() ({
      %run_scoped3A = tpu.sem_alloc : memref<!tpu.dma_semaphore, #tpu.memory_space<semaphore_mem>>
      %dma_start3A = arith.constant 0 : i32
      %dma_start3A_53 = tpu.memref_slice %arg5[%arg0, %add3A_52, %dma_start3A] : memref<2x10240x64xf32, #tpu.memory_space<hbm>> -> memref<1x128x64xf32, #tpu.memory_space<hbm>>
      %dma_start3A_54 = tpu.memref_squeeze %dma_start3A_53 : memref<1x128x64xf32, #tpu.memory_space<hbm>> -> memref<128x64xf32, #tpu.memory_space<hbm>>
      %dma_start3A_55 = arith.constant 0 : i32
      %dma_start3A_56 = tpu.memref_slice %arg10[%add3A_52, %dma_start3A_55] : memref<10240x64xf32, #tpu.memory_space<vmem_shared>> -> memref<128x64xf32, #tpu.memory_space<vmem_shared>>
      tpu.enqueue_dma source(%dma_start3A_56 : memref<128x64xf32, #tpu.memory_space<vmem_shared>>) target(%dma_start3A_54 : memref<128x64xf32, #tpu.memory_space<hbm>>) target_semaphore(%run_scoped3A : memref<!tpu.dma_semaphore, #tpu.memory_space<semaphore_mem>>)
      %dma_wait3A = arith.constant 0 : i32
      %dma_wait3A_57 = tpu.memref_slice %arg5[%arg0, %add3A_52, %dma_wait3A] : memref<2x10240x64xf32, #tpu.memory_space<hbm>> -> memref<1x128x64xf32, #tpu.memory_space<hbm>>
      %dma_wait3A_58 = tpu.memref_squeeze %dma_wait3A_57 : memref<1x128x64xf32, #tpu.memory_space<hbm>> -> memref<128x64xf32, #tpu.memory_space<hbm>>
      %dma_wait3A_59 = arith.constant 0 : i32
      %dma_wait3A_60 = tpu.memref_slice %arg10[%add3A_52, %dma_wait3A_59] : memref<10240x64xf32, #tpu.memory_space<vmem_shared>> -> memref<128x64xf32, #tpu.memory_space<vmem_shared>>
      tpu.wait_dma2 semaphore(%run_scoped3A : memref<!tpu.dma_semaphore, #tpu.memory_space<semaphore_mem>>) src(%dma_wait3A_60 : memref<128x64xf32, #tpu.memory_space<vmem_shared>>) dst(%dma_wait3A_58 : memref<128x64xf32, #tpu.memory_space<hbm>>)
      tpu.yield
    }) : () -> ()
    return
  }
}

#map = affine_map<(d0, d1) -> (0, 0)>
#map1 = affine_map<(d0, d1) -> (0, 0, 0)>
module attributes {stable_mosaic.version = 14 : i64} {
  func.func @_edge_body(%arg0: i32, %arg1: i32, %arg2: memref<10240x64xf32, #tpu.memory_space<hbm>>, %arg3: memref<2560x128xi32, #tpu.memory_space<hbm>>, %arg4: memref<2560x128xi32, #tpu.memory_space<hbm>>, %arg5: memref<2x10240x64xf32, #tpu.memory_space<hbm>>, %arg6: memref<118x128xi32, #tpu.memory_space<vmem>>, %arg7: memref<118x128xi32, #tpu.memory_space<vmem>>, %arg8: memref<128x64xf32, #tpu.memory_space<vmem>>, %arg9: memref<128x64xf32, #tpu.memory_space<vmem>>, %arg10: memref<10240x64xf32, #tpu.memory_space<vmem_shared>>, %arg11: memref<!tpu.dma_semaphore, #tpu.memory_space<semaphore_mem>>, %arg12: memref<!tpu.dma_semaphore, #tpu.memory_space<semaphore_mem>>) attributes {dimension_semantics = [#tpu.dimension_semantics<core_parallel>, #tpu.dimension_semantics<subcore_parallel>], iteration_bounds = array<i64: 2, 16>, scalar_prefetch = 0 : i64, scratch_operands = 7 : i64, tpu.core_type = #tpu.core_type<sc_vector_subcore>, window_params = [{transform_indices = #map}, {transform_indices = #map}, {transform_indices = #map}, {transform_indices = #map1}]} {
    %broadcast_in_dim3A = arith.constant 0.000000e+00 : f32
    %broadcast_in_dim3A_0 = vector.broadcast %broadcast_in_dim3A : f32 to vector<16xf32>
    %scan3A = arith.constant 0 : i32
    %scan3A_1 = arith.constant 0 : i32
    %scan3A_2 = arith.constant 128 : i32
    %scan3A_3 = arith.addi %scan3A_1, %scan3A_2 : i32
    %scan3A_4 = arith.constant 1 : i32
    %scan3A_5 = scf.for %scan3A_53 = %scan3A_1 to %scan3A_3 step %scan3A_4 iter_args(%scan3A_54 = %scan3A) -> (i32)  : i32 {
      %swap3A = arith.index_cast %scan3A_53 : i32 to index
      %swap3A_55 = arith.constant 0 : index
      %swap3A_56 = tpu.vector_load %arg8[%swap3A, %swap3A_55] {strides = array<i32>} : memref<128x64xf32, #tpu.memory_space<vmem>>, vector<1x16xf32>,
      %swap3A_57 = vector.shape_cast %swap3A_56 : vector<1x16xf32> to vector<16xf32>
      %swap3A_58 = vector.shape_cast %broadcast_in_dim3A_0 : vector<16xf32> to vector<1x16xf32>
      tpu.vector_store %arg8[%swap3A, %swap3A_55], %swap3A_58 {strides = array<i32>} : memref<128x64xf32, #tpu.memory_space<vmem>>, vector<1x16xf32>,
      %swap3A_59 = arith.index_cast %scan3A_53 : i32 to index
      %swap3A_60 = arith.constant 16 : index
      %swap3A_61 = tpu.vector_load %arg8[%swap3A_59, %swap3A_60] {strides = array<i32>} : memref<128x64xf32, #tpu.memory_space<vmem>>, vector<1x16xf32>,
      %swap3A_62 = vector.shape_cast %swap3A_61 : vector<1x16xf32> to vector<16xf32>
      %swap3A_63 = vector.shape_cast %broadcast_in_dim3A_0 : vector<16xf32> to vector<1x16xf32>
      tpu.vector_store %arg8[%swap3A_59, %swap3A_60], %swap3A_63 {strides = array<i32>} : memref<128x64xf32, #tpu.memory_space<vmem>>, vector<1x16xf32>,
      %swap3A_64 = arith.index_cast %scan3A_53 : i32 to index
      %swap3A_65 = arith.constant 32 : index
      %swap3A_66 = tpu.vector_load %arg8[%swap3A_64, %swap3A_65] {strides = array<i32>} : memref<128x64xf32, #tpu.memory_space<vmem>>, vector<1x16xf32>,
      %swap3A_67 = vector.shape_cast %swap3A_66 : vector<1x16xf32> to vector<16xf32>
      %swap3A_68 = vector.shape_cast %broadcast_in_dim3A_0 : vector<16xf32> to vector<1x16xf32>
      tpu.vector_store %arg8[%swap3A_64, %swap3A_65], %swap3A_68 {strides = array<i32>} : memref<128x64xf32, #tpu.memory_space<vmem>>, vector<1x16xf32>,
      %swap3A_69 = arith.index_cast %scan3A_53 : i32 to index
      %swap3A_70 = arith.constant 48 : index
      %swap3A_71 = tpu.vector_load %arg8[%swap3A_69, %swap3A_70] {strides = array<i32>} : memref<128x64xf32, #tpu.memory_space<vmem>>, vector<1x16xf32>,
      %swap3A_72 = vector.shape_cast %swap3A_71 : vector<1x16xf32> to vector<16xf32>
      %swap3A_73 = vector.shape_cast %broadcast_in_dim3A_0 : vector<16xf32> to vector<1x16xf32>
      tpu.vector_store %arg8[%swap3A_69, %swap3A_70], %swap3A_73 {strides = array<i32>} : memref<128x64xf32, #tpu.memory_space<vmem>>, vector<1x16xf32>,
      %scan3A_74 = arith.constant 0 : i32
      scf.yield %scan3A_74 : i32
    }
    %scan3A_6 = arith.constant 128 : i32
    %mul3A = arith.constant 640 : i32
    %mul3A_7 = arith.muli %arg1, %mul3A : i32
    %add3A = arith.constant 0 : i32
    %add3A_8 = arith.addi %mul3A_7, %add3A : i32
    "tpu.region"() ({
      %run_scoped3A = tpu.sem_alloc : memref<!tpu.dma_semaphore, #tpu.memory_space<semaphore_mem>>
      %dma_start3A = arith.constant 0 : i32
      %dma_start3A_53 = tpu.memref_slice %arg10[%add3A_8, %dma_start3A] : memref<10240x64xf32, #tpu.memory_space<vmem_shared>> -> memref<128x64xf32, #tpu.memory_space<vmem_shared>>
      %dma_start3A_54 = arith.constant 0 : i32
      %dma_start3A_55 = tpu.memref_slice %arg10[%add3A_8, %dma_start3A_54] : memref<10240x64xf32, #tpu.memory_space<vmem_shared>> -> memref<128x64xf32, #tpu.memory_space<vmem_shared>>
      tpu.enqueue_dma source(%arg8 : memref<128x64xf32, #tpu.memory_space<vmem>>) target(%dma_start3A_55 : memref<128x64xf32, #tpu.memory_space<vmem_shared>>) target_semaphore(%run_scoped3A : memref<!tpu.dma_semaphore, #tpu.memory_space<semaphore_mem>>)
      %dma_wait3A = arith.constant 0 : i32
      %dma_wait3A_56 = tpu.memref_slice %arg10[%add3A_8, %dma_wait3A] : memref<10240x64xf32, #tpu.memory_space<vmem_shared>> -> memref<128x64xf32, #tpu.memory_space<vmem_shared>>
      %dma_wait3A_57 = arith.constant 0 : i32
      %dma_wait3A_58 = tpu.memref_slice %arg10[%add3A_8, %dma_wait3A_57] : memref<10240x64xf32, #tpu.memory_space<vmem_shared>> -> memref<128x64xf32, #tpu.memory_space<vmem_shared>>
      tpu.wait_dma2 semaphore(%run_scoped3A : memref<!tpu.dma_semaphore, #tpu.memory_space<semaphore_mem>>) src(%arg8 : memref<128x64xf32, #tpu.memory_space<vmem>>) dst(%dma_wait3A_58 : memref<128x64xf32, #tpu.memory_space<vmem_shared>>)
      tpu.yield
    }) : () -> ()
    %mul3A_9 = arith.constant 640 : i32
    %mul3A_10 = arith.muli %arg1, %mul3A_9 : i32
    %add3A_11 = arith.constant 128 : i32
    %add3A_12 = arith.addi %mul3A_10, %add3A_11 : i32
    "tpu.region"() ({
      %run_scoped3A = tpu.sem_alloc : memref<!tpu.dma_semaphore, #tpu.memory_space<semaphore_mem>>
      %dma_start3A = arith.constant 0 : i32
      %dma_start3A_53 = tpu.memref_slice %arg10[%add3A_12, %dma_start3A] : memref<10240x64xf32, #tpu.memory_space<vmem_shared>> -> memref<128x64xf32, #tpu.memory_space<vmem_shared>>
      %dma_start3A_54 = arith.constant 0 : i32
      %dma_start3A_55 = tpu.memref_slice %arg10[%add3A_12, %dma_start3A_54] : memref<10240x64xf32, #tpu.memory_space<vmem_shared>> -> memref<128x64xf32, #tpu.memory_space<vmem_shared>>
      tpu.enqueue_dma source(%arg8 : memref<128x64xf32, #tpu.memory_space<vmem>>) target(%dma_start3A_55 : memref<128x64xf32, #tpu.memory_space<vmem_shared>>) target_semaphore(%run_scoped3A : memref<!tpu.dma_semaphore, #tpu.memory_space<semaphore_mem>>)
      %dma_wait3A = arith.constant 0 : i32
      %dma_wait3A_56 = tpu.memref_slice %arg10[%add3A_12, %dma_wait3A] : memref<10240x64xf32, #tpu.memory_space<vmem_shared>> -> memref<128x64xf32, #tpu.memory_space<vmem_shared>>
      %dma_wait3A_57 = arith.constant 0 : i32
      %dma_wait3A_58 = tpu.memref_slice %arg10[%add3A_12, %dma_wait3A_57] : memref<10240x64xf32, #tpu.memory_space<vmem_shared>> -> memref<128x64xf32, #tpu.memory_space<vmem_shared>>
      tpu.wait_dma2 semaphore(%run_scoped3A : memref<!tpu.dma_semaphore, #tpu.memory_space<semaphore_mem>>) src(%arg8 : memref<128x64xf32, #tpu.memory_space<vmem>>) dst(%dma_wait3A_58 : memref<128x64xf32, #tpu.memory_space<vmem_shared>>)
      tpu.yield
    }) : () -> ()
    %mul3A_13 = arith.constant 640 : i32
    %mul3A_14 = arith.muli %arg1, %mul3A_13 : i32
    %add3A_15 = arith.constant 256 : i32
    %add3A_16 = arith.addi %mul3A_14, %add3A_15 : i32
    "tpu.region"() ({
      %run_scoped3A = tpu.sem_alloc : memref<!tpu.dma_semaphore, #tpu.memory_space<semaphore_mem>>
      %dma_start3A = arith.constant 0 : i32
      %dma_start3A_53 = tpu.memref_slice %arg10[%add3A_16, %dma_start3A] : memref<10240x64xf32, #tpu.memory_space<vmem_shared>> -> memref<128x64xf32, #tpu.memory_space<vmem_shared>>
      %dma_start3A_54 = arith.constant 0 : i32
      %dma_start3A_55 = tpu.memref_slice %arg10[%add3A_16, %dma_start3A_54] : memref<10240x64xf32, #tpu.memory_space<vmem_shared>> -> memref<128x64xf32, #tpu.memory_space<vmem_shared>>
      tpu.enqueue_dma source(%arg8 : memref<128x64xf32, #tpu.memory_space<vmem>>) target(%dma_start3A_55 : memref<128x64xf32, #tpu.memory_space<vmem_shared>>) target_semaphore(%run_scoped3A : memref<!tpu.dma_semaphore, #tpu.memory_space<semaphore_mem>>)
      %dma_wait3A = arith.constant 0 : i32
      %dma_wait3A_56 = tpu.memref_slice %arg10[%add3A_16, %dma_wait3A] : memref<10240x64xf32, #tpu.memory_space<vmem_shared>> -> memref<128x64xf32, #tpu.memory_space<vmem_shared>>
      %dma_wait3A_57 = arith.constant 0 : i32
      %dma_wait3A_58 = tpu.memref_slice %arg10[%add3A_16, %dma_wait3A_57] : memref<10240x64xf32, #tpu.memory_space<vmem_shared>> -> memref<128x64xf32, #tpu.memory_space<vmem_shared>>
      tpu.wait_dma2 semaphore(%run_scoped3A : memref<!tpu.dma_semaphore, #tpu.memory_space<semaphore_mem>>) src(%arg8 : memref<128x64xf32, #tpu.memory_space<vmem>>) dst(%dma_wait3A_58 : memref<128x64xf32, #tpu.memory_space<vmem_shared>>)
      tpu.yield
    }) : () -> ()
    %mul3A_17 = arith.constant 640 : i32
    %mul3A_18 = arith.muli %arg1, %mul3A_17 : i32
    %add3A_19 = arith.constant 384 : i32
    %add3A_20 = arith.addi %mul3A_18, %add3A_19 : i32
    "tpu.region"() ({
      %run_scoped3A = tpu.sem_alloc : memref<!tpu.dma_semaphore, #tpu.memory_space<semaphore_mem>>
      %dma_start3A = arith.constant 0 : i32
      %dma_start3A_53 = tpu.memref_slice %arg10[%add3A_20, %dma_start3A] : memref<10240x64xf32, #tpu.memory_space<vmem_shared>> -> memref<128x64xf32, #tpu.memory_space<vmem_shared>>
      %dma_start3A_54 = arith.constant 0 : i32
      %dma_start3A_55 = tpu.memref_slice %arg10[%add3A_20, %dma_start3A_54] : memref<10240x64xf32, #tpu.memory_space<vmem_shared>> -> memref<128x64xf32, #tpu.memory_space<vmem_shared>>
      tpu.enqueue_dma source(%arg8 : memref<128x64xf32, #tpu.memory_space<vmem>>) target(%dma_start3A_55 : memref<128x64xf32, #tpu.memory_space<vmem_shared>>) target_semaphore(%run_scoped3A : memref<!tpu.dma_semaphore, #tpu.memory_space<semaphore_mem>>)
      %dma_wait3A = arith.constant 0 : i32
      %dma_wait3A_56 = tpu.memref_slice %arg10[%add3A_20, %dma_wait3A] : memref<10240x64xf32, #tpu.memory_space<vmem_shared>> -> memref<128x64xf32, #tpu.memory_space<vmem_shared>>
      %dma_wait3A_57 = arith.constant 0 : i32
      %dma_wait3A_58 = tpu.memref_slice %arg10[%add3A_20, %dma_wait3A_57] : memref<10240x64xf32, #tpu.memory_space<vmem_shared>> -> memref<128x64xf32, #tpu.memory_space<vmem_shared>>
      tpu.wait_dma2 semaphore(%run_scoped3A : memref<!tpu.dma_semaphore, #tpu.memory_space<semaphore_mem>>) src(%arg8 : memref<128x64xf32, #tpu.memory_space<vmem>>) dst(%dma_wait3A_58 : memref<128x64xf32, #tpu.memory_space<vmem_shared>>)
      tpu.yield
    }) : () -> ()
    %mul3A_21 = arith.constant 640 : i32
    %mul3A_22 = arith.muli %arg1, %mul3A_21 : i32
    %add3A_23 = arith.constant 512 : i32
    %add3A_24 = arith.addi %mul3A_22, %add3A_23 : i32
    "tpu.region"() ({
      %run_scoped3A = tpu.sem_alloc : memref<!tpu.dma_semaphore, #tpu.memory_space<semaphore_mem>>
      %dma_start3A = arith.constant 0 : i32
      %dma_start3A_53 = tpu.memref_slice %arg10[%add3A_24, %dma_start3A] : memref<10240x64xf32, #tpu.memory_space<vmem_shared>> -> memref<128x64xf32, #tpu.memory_space<vmem_shared>>
      %dma_start3A_54 = arith.constant 0 : i32
      %dma_start3A_55 = tpu.memref_slice %arg10[%add3A_24, %dma_start3A_54] : memref<10240x64xf32, #tpu.memory_space<vmem_shared>> -> memref<128x64xf32, #tpu.memory_space<vmem_shared>>
      tpu.enqueue_dma source(%arg8 : memref<128x64xf32, #tpu.memory_space<vmem>>) target(%dma_start3A_55 : memref<128x64xf32, #tpu.memory_space<vmem_shared>>) target_semaphore(%run_scoped3A : memref<!tpu.dma_semaphore, #tpu.memory_space<semaphore_mem>>)
      %dma_wait3A = arith.constant 0 : i32
      %dma_wait3A_56 = tpu.memref_slice %arg10[%add3A_24, %dma_wait3A] : memref<10240x64xf32, #tpu.memory_space<vmem_shared>> -> memref<128x64xf32, #tpu.memory_space<vmem_shared>>
      %dma_wait3A_57 = arith.constant 0 : i32
      %dma_wait3A_58 = tpu.memref_slice %arg10[%add3A_24, %dma_wait3A_57] : memref<10240x64xf32, #tpu.memory_space<vmem_shared>> -> memref<128x64xf32, #tpu.memory_space<vmem_shared>>
      tpu.wait_dma2 semaphore(%run_scoped3A : memref<!tpu.dma_semaphore, #tpu.memory_space<semaphore_mem>>) src(%arg8 : memref<128x64xf32, #tpu.memory_space<vmem>>) dst(%dma_wait3A_58 : memref<128x64xf32, #tpu.memory_space<vmem_shared>>)
      tpu.yield
    }) : () -> ()
    %barrier3A = arith.constant 0 : index
    tpu.barrier barrier_id(%barrier3A)
    %eq3A = arith.constant 0 : i32
    %eq3A_25 = arith.cmpi eq, %arg0, %eq3A : i32
    %convert_element_type3A = arith.extui %eq3A_25 : i1 to i32
    %cond3A = arith.constant 0 : i32
    %cond3A_26 = arith.cmpi ne, %convert_element_type3A, %cond3A : i32
    scf.if %cond3A_26 {
      %mul3A_53 = arith.constant 118 : i32
      %mul3A_54 = arith.muli %arg1, %mul3A_53 : i32
      "tpu.region"() ({
        %run_scoped3A_89 = tpu.sem_alloc : memref<!tpu.dma_semaphore, #tpu.memory_space<semaphore_mem>>
        %dma_start3A_90 = arith.constant 0 : i32
        %dma_start3A_91 = arith.constant 0 : i32
        %dma_start3A_92 = tpu.memref_slice %arg6[%dma_start3A_90, %dma_start3A_91] : memref<118x128xi32, #tpu.memory_space<vmem>> -> memref<118x128xi32, #tpu.memory_space<vmem>>
        %dma_start3A_93 = arith.constant 0 : i32
        %dma_start3A_94 = tpu.memref_slice %arg3[%mul3A_54, %dma_start3A_93] : memref<2560x128xi32, #tpu.memory_space<hbm>> -> memref<118x128xi32, #tpu.memory_space<hbm>>
        %dma_start3A_95 = arith.constant 0 : i32
        %dma_start3A_96 = arith.constant 0 : i32
        %dma_start3A_97 = tpu.memref_slice %arg6[%dma_start3A_95, %dma_start3A_96] : memref<118x128xi32, #tpu.memory_space<vmem>> -> memref<118x128xi32, #tpu.memory_space<vmem>>
        %dma_start3A_98 = arith.constant 0 : i32
        %dma_start3A_99 = tpu.memref_slice %arg3[%mul3A_54, %dma_start3A_98] : memref<2560x128xi32, #tpu.memory_space<hbm>> -> memref<118x128xi32, #tpu.memory_space<hbm>>
        tpu.enqueue_dma source(%dma_start3A_99 : memref<118x128xi32, #tpu.memory_space<hbm>>) target(%dma_start3A_97 : memref<118x128xi32, #tpu.memory_space<vmem>>) target_semaphore(%run_scoped3A_89 : memref<!tpu.dma_semaphore, #tpu.memory_space<semaphore_mem>>)
        %dma_wait3A_100 = arith.constant 0 : i32
        %dma_wait3A_101 = arith.constant 0 : i32
        %dma_wait3A_102 = tpu.memref_slice %arg6[%dma_wait3A_100, %dma_wait3A_101] : memref<118x128xi32, #tpu.memory_space<vmem>> -> memref<118x128xi32, #tpu.memory_space<vmem>>
        %dma_wait3A_103 = arith.constant 0 : i32
        %dma_wait3A_104 = tpu.memref_slice %arg3[%mul3A_54, %dma_wait3A_103] : memref<2560x128xi32, #tpu.memory_space<hbm>> -> memref<118x128xi32, #tpu.memory_space<hbm>>
        %dma_wait3A_105 = arith.constant 0 : i32
        %dma_wait3A_106 = arith.constant 0 : i32
        %dma_wait3A_107 = tpu.memref_slice %arg6[%dma_wait3A_105, %dma_wait3A_106] : memref<118x128xi32, #tpu.memory_space<vmem>> -> memref<118x128xi32, #tpu.memory_space<vmem>>
        %dma_wait3A_108 = arith.constant 0 : i32
        %dma_wait3A_109 = tpu.memref_slice %arg3[%mul3A_54, %dma_wait3A_108] : memref<2560x128xi32, #tpu.memory_space<hbm>> -> memref<118x128xi32, #tpu.memory_space<hbm>>
        tpu.wait_dma2 semaphore(%run_scoped3A_89 : memref<!tpu.dma_semaphore, #tpu.memory_space<semaphore_mem>>) src(%dma_wait3A_109 : memref<118x128xi32, #tpu.memory_space<hbm>>) dst(%dma_wait3A_107 : memref<118x128xi32, #tpu.memory_space<vmem>>)
        tpu.yield
      }) : () -> ()
      "tpu.region"() ({
        %run_scoped3A_89 = tpu.sem_alloc : memref<!tpu.dma_semaphore, #tpu.memory_space<semaphore_mem>>
        %dma_start3A_90 = arith.constant 0 : i32
        %dma_start3A_91 = arith.constant 0 : i32
        %dma_start3A_92 = tpu.memref_slice %arg7[%dma_start3A_90, %dma_start3A_91] : memref<118x128xi32, #tpu.memory_space<vmem>> -> memref<118x128xi32, #tpu.memory_space<vmem>>
        %dma_start3A_93 = arith.constant 0 : i32
        %dma_start3A_94 = tpu.memref_slice %arg4[%mul3A_54, %dma_start3A_93] : memref<2560x128xi32, #tpu.memory_space<hbm>> -> memref<118x128xi32, #tpu.memory_space<hbm>>
        %dma_start3A_95 = arith.constant 0 : i32
        %dma_start3A_96 = arith.constant 0 : i32
        %dma_start3A_97 = tpu.memref_slice %arg7[%dma_start3A_95, %dma_start3A_96] : memref<118x128xi32, #tpu.memory_space<vmem>> -> memref<118x128xi32, #tpu.memory_space<vmem>>
        %dma_start3A_98 = arith.constant 0 : i32
        %dma_start3A_99 = tpu.memref_slice %arg4[%mul3A_54, %dma_start3A_98] : memref<2560x128xi32, #tpu.memory_space<hbm>> -> memref<118x128xi32, #tpu.memory_space<hbm>>
        tpu.enqueue_dma source(%dma_start3A_99 : memref<118x128xi32, #tpu.memory_space<hbm>>) target(%dma_start3A_97 : memref<118x128xi32, #tpu.memory_space<vmem>>) target_semaphore(%run_scoped3A_89 : memref<!tpu.dma_semaphore, #tpu.memory_space<semaphore_mem>>)
        %dma_wait3A_100 = arith.constant 0 : i32
        %dma_wait3A_101 = arith.constant 0 : i32
        %dma_wait3A_102 = tpu.memref_slice %arg7[%dma_wait3A_100, %dma_wait3A_101] : memref<118x128xi32, #tpu.memory_space<vmem>> -> memref<118x128xi32, #tpu.memory_space<vmem>>
        %dma_wait3A_103 = arith.constant 0 : i32
        %dma_wait3A_104 = tpu.memref_slice %arg4[%mul3A_54, %dma_wait3A_103] : memref<2560x128xi32, #tpu.memory_space<hbm>> -> memref<118x128xi32, #tpu.memory_space<hbm>>
        %dma_wait3A_105 = arith.constant 0 : i32
        %dma_wait3A_106 = arith.constant 0 : i32
        %dma_wait3A_107 = tpu.memref_slice %arg7[%dma_wait3A_105, %dma_wait3A_106] : memref<118x128xi32, #tpu.memory_space<vmem>> -> memref<118x128xi32, #tpu.memory_space<vmem>>
        %dma_wait3A_108 = arith.constant 0 : i32
        %dma_wait3A_109 = tpu.memref_slice %arg4[%mul3A_54, %dma_wait3A_108] : memref<2560x128xi32, #tpu.memory_space<hbm>> -> memref<118x128xi32, #tpu.memory_space<hbm>>
        tpu.wait_dma2 semaphore(%run_scoped3A_89 : memref<!tpu.dma_semaphore, #tpu.memory_space<semaphore_mem>>) src(%dma_wait3A_109 : memref<118x128xi32, #tpu.memory_space<hbm>>) dst(%dma_wait3A_107 : memref<118x128xi32, #tpu.memory_space<vmem>>)
        tpu.yield
      }) : () -> ()
      %dma_start3A = arith.constant 0 : i32
      %dma_start3A_55 = arith.constant 0 : i32
      %dma_start3A_56 = tpu.memref_slice %arg6[%dma_start3A, %dma_start3A_55] : memref<118x128xi32, #tpu.memory_space<vmem>> -> memref<1x128xi32, #tpu.memory_space<vmem>>
      %dma_start3A_57 = tpu.memref_squeeze %dma_start3A_56 : memref<1x128xi32, #tpu.memory_space<vmem>> -> memref<128xi32, #tpu.memory_space<vmem>>
      %dma_start3A_58 = arith.constant 0 : i32
      %dma_start3A_59 = arith.constant 0 : i32
      %dma_start3A_60 = tpu.memref_slice %arg2[%dma_start3A_58, %dma_start3A_59] : memref<10240x64xf32, #tpu.memory_space<hbm>> -> memref<10240x64xf32, #tpu.memory_space<hbm>>
      tpu.enqueue_indirect_dma source(%dma_start3A_60 : memref<10240x64xf32, #tpu.memory_space<hbm>>) target(%arg8 : memref<128x64xf32, #tpu.memory_space<vmem>>) offsets(%dma_start3A_57 : memref<128xi32, #tpu.memory_space<vmem>>) semaphore(%arg11 : memref<!tpu.dma_semaphore, #tpu.memory_space<semaphore_mem>>)
      %dma_start3A_61 = arith.constant 1 : i32
      %dma_start3A_62 = arith.constant 0 : i32
      %dma_start3A_63 = tpu.memref_slice %arg6[%dma_start3A_61, %dma_start3A_62] : memref<118x128xi32, #tpu.memory_space<vmem>> -> memref<1x128xi32, #tpu.memory_space<vmem>>
      %dma_start3A_64 = tpu.memref_squeeze %dma_start3A_63 : memref<1x128xi32, #tpu.memory_space<vmem>> -> memref<128xi32, #tpu.memory_space<vmem>>
      %dma_start3A_65 = arith.constant 0 : i32
      %dma_start3A_66 = arith.constant 0 : i32
      %dma_start3A_67 = tpu.memref_slice %arg2[%dma_start3A_65, %dma_start3A_66] : memref<10240x64xf32, #tpu.memory_space<hbm>> -> memref<10240x64xf32, #tpu.memory_space<hbm>>
      tpu.enqueue_indirect_dma source(%dma_start3A_67 : memref<10240x64xf32, #tpu.memory_space<hbm>>) target(%arg9 : memref<128x64xf32, #tpu.memory_space<vmem>>) offsets(%dma_start3A_64 : memref<128xi32, #tpu.memory_space<vmem>>) semaphore(%arg12 : memref<!tpu.dma_semaphore, #tpu.memory_space<semaphore_mem>>)
      %scan3A_68 = arith.constant 0 : i32
      %scan3A_69 = arith.constant 0 : i32
      %scan3A_70 = arith.constant 58 : i32
      %scan3A_71 = arith.addi %scan3A_69, %scan3A_70 : i32
      %scan3A_72 = arith.constant 1 : i32
      %scan3A_73 = scf.for %scan3A_89 = %scan3A_69 to %scan3A_71 step %scan3A_72 iter_args(%scan3A_90 = %scan3A_68) -> (i32)  : i32 {
        %mul3A_91 = arith.constant 2 : i32
        %mul3A_92 = arith.muli %mul3A_91, %scan3A_89 : i32
        %dma_wait3A_93 = arith.constant 0 : i32
        %dma_wait3A_94 = tpu.memref_slice %arg6[%mul3A_92, %dma_wait3A_93] : memref<118x128xi32, #tpu.memory_space<vmem>> -> memref<1x128xi32, #tpu.memory_space<vmem>>
        %dma_wait3A_95 = tpu.memref_squeeze %dma_wait3A_94 : memref<1x128xi32, #tpu.memory_space<vmem>> -> memref<128xi32, #tpu.memory_space<vmem>>
        %dma_wait3A_96 = arith.constant 0 : i32
        %dma_wait3A_97 = arith.constant 0 : i32
        %dma_wait3A_98 = tpu.memref_slice %arg2[%dma_wait3A_96, %dma_wait3A_97] : memref<10240x64xf32, #tpu.memory_space<hbm>> -> memref<10240x64xf32, #tpu.memory_space<hbm>>
        tpu.wait_indirect_dma semaphore(%arg11 : memref<!tpu.dma_semaphore, #tpu.memory_space<semaphore_mem>>) src(%dma_wait3A_98 : memref<10240x64xf32, #tpu.memory_space<hbm>>) dst(%arg8 : memref<128x64xf32, #tpu.memory_space<vmem>>)
        "tpu.region"() ({
          %run_scoped3A_126 = tpu.sem_alloc : memref<!tpu.dma_semaphore, #tpu.memory_space<semaphore_mem>>
          %dma_start3A_127 = arith.constant 0 : i32
          %dma_start3A_128 = tpu.memref_slice %arg7[%mul3A_92, %dma_start3A_127] : memref<118x128xi32, #tpu.memory_space<vmem>> -> memref<1x128xi32, #tpu.memory_space<vmem>>
          %dma_start3A_129 = tpu.memref_squeeze %dma_start3A_128 : memref<1x128xi32, #tpu.memory_space<vmem>> -> memref<128xi32, #tpu.memory_space<vmem>>
          %dma_start3A_130 = arith.constant 0 : i32
          %dma_start3A_131 = arith.constant 0 : i32
          %dma_start3A_132 = tpu.memref_slice %arg10[%dma_start3A_130, %dma_start3A_131] : memref<10240x64xf32, #tpu.memory_space<vmem_shared>> -> memref<10240x64xf32, #tpu.memory_space<vmem_shared>>
          tpu.enqueue_indirect_dma source(%arg8 : memref<128x64xf32, #tpu.memory_space<vmem>>) target(%dma_start3A_132 : memref<10240x64xf32, #tpu.memory_space<vmem_shared>>) offsets(%dma_start3A_129 : memref<128xi32, #tpu.memory_space<vmem>>) semaphore(%run_scoped3A_126 : memref<!tpu.dma_semaphore, #tpu.memory_space<semaphore_mem>>) {add = true}
          %dma_wait3A_133 = arith.constant 0 : i32
          %dma_wait3A_134 = tpu.memref_slice %arg7[%mul3A_92, %dma_wait3A_133] : memref<118x128xi32, #tpu.memory_space<vmem>> -> memref<1x128xi32, #tpu.memory_space<vmem>>
          %dma_wait3A_135 = tpu.memref_squeeze %dma_wait3A_134 : memref<1x128xi32, #tpu.memory_space<vmem>> -> memref<128xi32, #tpu.memory_space<vmem>>
          %dma_wait3A_136 = arith.constant 0 : i32
          %dma_wait3A_137 = arith.constant 0 : i32
          %dma_wait3A_138 = tpu.memref_slice %arg10[%dma_wait3A_136, %dma_wait3A_137] : memref<10240x64xf32, #tpu.memory_space<vmem_shared>> -> memref<10240x64xf32, #tpu.memory_space<vmem_shared>>
          tpu.wait_indirect_dma semaphore(%run_scoped3A_126 : memref<!tpu.dma_semaphore, #tpu.memory_space<semaphore_mem>>) src(%arg8 : memref<128x64xf32, #tpu.memory_space<vmem>>) dst(%dma_wait3A_138 : memref<10240x64xf32, #tpu.memory_space<vmem_shared>>)
          tpu.yield
        }) : () -> ()
        %add3A_99 = arith.constant 2 : i32
        %add3A_100 = arith.addi %mul3A_92, %add3A_99 : i32
        %dma_start3A_101 = arith.constant 0 : i32
        %dma_start3A_102 = tpu.memref_slice %arg6[%add3A_100, %dma_start3A_101] : memref<118x128xi32, #tpu.memory_space<vmem>> -> memref<1x128xi32, #tpu.memory_space<vmem>>
        %dma_start3A_103 = tpu.memref_squeeze %dma_start3A_102 : memref<1x128xi32, #tpu.memory_space<vmem>> -> memref<128xi32, #tpu.memory_space<vmem>>
        %dma_start3A_104 = arith.constant 0 : i32
        %dma_start3A_105 = arith.constant 0 : i32
        %dma_start3A_106 = tpu.memref_slice %arg2[%dma_start3A_104, %dma_start3A_105] : memref<10240x64xf32, #tpu.memory_space<hbm>> -> memref<10240x64xf32, #tpu.memory_space<hbm>>
        tpu.enqueue_indirect_dma source(%dma_start3A_106 : memref<10240x64xf32, #tpu.memory_space<hbm>>) target(%arg8 : memref<128x64xf32, #tpu.memory_space<vmem>>) offsets(%dma_start3A_103 : memref<128xi32, #tpu.memory_space<vmem>>) semaphore(%arg11 : memref<!tpu.dma_semaphore, #tpu.memory_space<semaphore_mem>>)
        %add3A_107 = arith.constant 1 : i32
        %add3A_108 = arith.addi %mul3A_92, %add3A_107 : i32
        %dma_wait3A_109 = arith.constant 0 : i32
        %dma_wait3A_110 = tpu.memref_slice %arg6[%add3A_108, %dma_wait3A_109] : memref<118x128xi32, #tpu.memory_space<vmem>> -> memref<1x128xi32, #tpu.memory_space<vmem>>
        %dma_wait3A_111 = tpu.memref_squeeze %dma_wait3A_110 : memref<1x128xi32, #tpu.memory_space<vmem>> -> memref<128xi32, #tpu.memory_space<vmem>>
        %dma_wait3A_112 = arith.constant 0 : i32
        %dma_wait3A_113 = arith.constant 0 : i32
        %dma_wait3A_114 = tpu.memref_slice %arg2[%dma_wait3A_112, %dma_wait3A_113] : memref<10240x64xf32, #tpu.memory_space<hbm>> -> memref<10240x64xf32, #tpu.memory_space<hbm>>
        tpu.wait_indirect_dma semaphore(%arg12 : memref<!tpu.dma_semaphore, #tpu.memory_space<semaphore_mem>>) src(%dma_wait3A_114 : memref<10240x64xf32, #tpu.memory_space<hbm>>) dst(%arg9 : memref<128x64xf32, #tpu.memory_space<vmem>>)
        %add3A_115 = arith.constant 1 : i32
        %add3A_116 = arith.addi %mul3A_92, %add3A_115 : i32
        "tpu.region"() ({
          %run_scoped3A_126 = tpu.sem_alloc : memref<!tpu.dma_semaphore, #tpu.memory_space<semaphore_mem>>
          %dma_start3A_127 = arith.constant 0 : i32
          %dma_start3A_128 = tpu.memref_slice %arg7[%add3A_116, %dma_start3A_127] : memref<118x128xi32, #tpu.memory_space<vmem>> -> memref<1x128xi32, #tpu.memory_space<vmem>>
          %dma_start3A_129 = tpu.memref_squeeze %dma_start3A_128 : memref<1x128xi32, #tpu.memory_space<vmem>> -> memref<128xi32, #tpu.memory_space<vmem>>
          %dma_start3A_130 = arith.constant 0 : i32
          %dma_start3A_131 = arith.constant 0 : i32
          %dma_start3A_132 = tpu.memref_slice %arg10[%dma_start3A_130, %dma_start3A_131] : memref<10240x64xf32, #tpu.memory_space<vmem_shared>> -> memref<10240x64xf32, #tpu.memory_space<vmem_shared>>
          tpu.enqueue_indirect_dma source(%arg9 : memref<128x64xf32, #tpu.memory_space<vmem>>) target(%dma_start3A_132 : memref<10240x64xf32, #tpu.memory_space<vmem_shared>>) offsets(%dma_start3A_129 : memref<128xi32, #tpu.memory_space<vmem>>) semaphore(%run_scoped3A_126 : memref<!tpu.dma_semaphore, #tpu.memory_space<semaphore_mem>>) {add = true}
          %dma_wait3A_133 = arith.constant 0 : i32
          %dma_wait3A_134 = tpu.memref_slice %arg7[%add3A_116, %dma_wait3A_133] : memref<118x128xi32, #tpu.memory_space<vmem>> -> memref<1x128xi32, #tpu.memory_space<vmem>>
          %dma_wait3A_135 = tpu.memref_squeeze %dma_wait3A_134 : memref<1x128xi32, #tpu.memory_space<vmem>> -> memref<128xi32, #tpu.memory_space<vmem>>
          %dma_wait3A_136 = arith.constant 0 : i32
          %dma_wait3A_137 = arith.constant 0 : i32
          %dma_wait3A_138 = tpu.memref_slice %arg10[%dma_wait3A_136, %dma_wait3A_137] : memref<10240x64xf32, #tpu.memory_space<vmem_shared>> -> memref<10240x64xf32, #tpu.memory_space<vmem_shared>>
          tpu.wait_indirect_dma semaphore(%run_scoped3A_126 : memref<!tpu.dma_semaphore, #tpu.memory_space<semaphore_mem>>) src(%arg9 : memref<128x64xf32, #tpu.memory_space<vmem>>) dst(%dma_wait3A_138 : memref<10240x64xf32, #tpu.memory_space<vmem_shared>>)
          tpu.yield
        }) : () -> ()
        %add3A_117 = arith.constant 3 : i32
        %add3A_118 = arith.addi %mul3A_92, %add3A_117 : i32
        %dma_start3A_119 = arith.constant 0 : i32
        %dma_start3A_120 = tpu.memref_slice %arg6[%add3A_118, %dma_start3A_119] : memref<118x128xi32, #tpu.memory_space<vmem>> -> memref<1x128xi32, #tpu.memory_space<vmem>>
        %dma_start3A_121 = tpu.memref_squeeze %dma_start3A_120 : memref<1x128xi32, #tpu.memory_space<vmem>> -> memref<128xi32, #tpu.memory_space<vmem>>
        %dma_start3A_122 = arith.constant 0 : i32
        %dma_start3A_123 = arith.constant 0 : i32
        %dma_start3A_124 = tpu.memref_slice %arg2[%dma_start3A_122, %dma_start3A_123] : memref<10240x64xf32, #tpu.memory_space<hbm>> -> memref<10240x64xf32, #tpu.memory_space<hbm>>
        tpu.enqueue_indirect_dma source(%dma_start3A_124 : memref<10240x64xf32, #tpu.memory_space<hbm>>) target(%arg9 : memref<128x64xf32, #tpu.memory_space<vmem>>) offsets(%dma_start3A_121 : memref<128xi32, #tpu.memory_space<vmem>>) semaphore(%arg12 : memref<!tpu.dma_semaphore, #tpu.memory_space<semaphore_mem>>)
        %scan3A_125 = arith.constant 0 : i32
        scf.yield %scan3A_125 : i32
      }
      %scan3A_74 = arith.constant 58 : i32
      %dma_wait3A = arith.constant 116 : i32
      %dma_wait3A_75 = arith.constant 0 : i32
      %dma_wait3A_76 = tpu.memref_slice %arg6[%dma_wait3A, %dma_wait3A_75] : memref<118x128xi32, #tpu.memory_space<vmem>> -> memref<1x128xi32, #tpu.memory_space<vmem>>
      %dma_wait3A_77 = tpu.memref_squeeze %dma_wait3A_76 : memref<1x128xi32, #tpu.memory_space<vmem>> -> memref<128xi32, #tpu.memory_space<vmem>>
      %dma_wait3A_78 = arith.constant 0 : i32
      %dma_wait3A_79 = arith.constant 0 : i32
      %dma_wait3A_80 = tpu.memref_slice %arg2[%dma_wait3A_78, %dma_wait3A_79] : memref<10240x64xf32, #tpu.memory_space<hbm>> -> memref<10240x64xf32, #tpu.memory_space<hbm>>
      tpu.wait_indirect_dma semaphore(%arg11 : memref<!tpu.dma_semaphore, #tpu.memory_space<semaphore_mem>>) src(%dma_wait3A_80 : memref<10240x64xf32, #tpu.memory_space<hbm>>) dst(%arg8 : memref<128x64xf32, #tpu.memory_space<vmem>>)
      %run_scoped3A = arith.constant 116 : i32
      "tpu.region"() ({
        %run_scoped3A_89 = tpu.sem_alloc : memref<!tpu.dma_semaphore, #tpu.memory_space<semaphore_mem>>
        %dma_start3A_90 = arith.constant 0 : i32
        %dma_start3A_91 = tpu.memref_slice %arg7[%run_scoped3A, %dma_start3A_90] : memref<118x128xi32, #tpu.memory_space<vmem>> -> memref<1x128xi32, #tpu.memory_space<vmem>>
        %dma_start3A_92 = tpu.memref_squeeze %dma_start3A_91 : memref<1x128xi32, #tpu.memory_space<vmem>> -> memref<128xi32, #tpu.memory_space<vmem>>
        %dma_start3A_93 = arith.constant 0 : i32
        %dma_start3A_94 = arith.constant 0 : i32
        %dma_start3A_95 = tpu.memref_slice %arg10[%dma_start3A_93, %dma_start3A_94] : memref<10240x64xf32, #tpu.memory_space<vmem_shared>> -> memref<10240x64xf32, #tpu.memory_space<vmem_shared>>
        tpu.enqueue_indirect_dma source(%arg8 : memref<128x64xf32, #tpu.memory_space<vmem>>) target(%dma_start3A_95 : memref<10240x64xf32, #tpu.memory_space<vmem_shared>>) offsets(%dma_start3A_92 : memref<128xi32, #tpu.memory_space<vmem>>) semaphore(%run_scoped3A_89 : memref<!tpu.dma_semaphore, #tpu.memory_space<semaphore_mem>>) {add = true}
        %dma_wait3A_96 = arith.constant 0 : i32
        %dma_wait3A_97 = tpu.memref_slice %arg7[%run_scoped3A, %dma_wait3A_96] : memref<118x128xi32, #tpu.memory_space<vmem>> -> memref<1x128xi32, #tpu.memory_space<vmem>>
        %dma_wait3A_98 = tpu.memref_squeeze %dma_wait3A_97 : memref<1x128xi32, #tpu.memory_space<vmem>> -> memref<128xi32, #tpu.memory_space<vmem>>
        %dma_wait3A_99 = arith.constant 0 : i32
        %dma_wait3A_100 = arith.constant 0 : i32
        %dma_wait3A_101 = tpu.memref_slice %arg10[%dma_wait3A_99, %dma_wait3A_100] : memref<10240x64xf32, #tpu.memory_space<vmem_shared>> -> memref<10240x64xf32, #tpu.memory_space<vmem_shared>>
        tpu.wait_indirect_dma semaphore(%run_scoped3A_89 : memref<!tpu.dma_semaphore, #tpu.memory_space<semaphore_mem>>) src(%arg8 : memref<128x64xf32, #tpu.memory_space<vmem>>) dst(%dma_wait3A_101 : memref<10240x64xf32, #tpu.memory_space<vmem_shared>>)
        tpu.yield
      }) : () -> ()
      %dma_wait3A_81 = arith.constant 117 : i32
      %dma_wait3A_82 = arith.constant 0 : i32
      %dma_wait3A_83 = tpu.memref_slice %arg6[%dma_wait3A_81, %dma_wait3A_82] : memref<118x128xi32, #tpu.memory_space<vmem>> -> memref<1x128xi32, #tpu.memory_space<vmem>>
      %dma_wait3A_84 = tpu.memref_squeeze %dma_wait3A_83 : memref<1x128xi32, #tpu.memory_space<vmem>> -> memref<128xi32, #tpu.memory_space<vmem>>
      %dma_wait3A_85 = arith.constant 0 : i32
      %dma_wait3A_86 = arith.constant 0 : i32
      %dma_wait3A_87 = tpu.memref_slice %arg2[%dma_wait3A_85, %dma_wait3A_86] : memref<10240x64xf32, #tpu.memory_space<hbm>> -> memref<10240x64xf32, #tpu.memory_space<hbm>>
      tpu.wait_indirect_dma semaphore(%arg12 : memref<!tpu.dma_semaphore, #tpu.memory_space<semaphore_mem>>) src(%dma_wait3A_87 : memref<10240x64xf32, #tpu.memory_space<hbm>>) dst(%arg9 : memref<128x64xf32, #tpu.memory_space<vmem>>)
      %run_scoped3A_88 = arith.constant 117 : i32
      "tpu.region"() ({
        %run_scoped3A_89 = tpu.sem_alloc : memref<!tpu.dma_semaphore, #tpu.memory_space<semaphore_mem>>
        %dma_start3A_90 = arith.constant 0 : i32
        %dma_start3A_91 = tpu.memref_slice %arg7[%run_scoped3A_88, %dma_start3A_90] : memref<118x128xi32, #tpu.memory_space<vmem>> -> memref<1x128xi32, #tpu.memory_space<vmem>>
        %dma_start3A_92 = tpu.memref_squeeze %dma_start3A_91 : memref<1x128xi32, #tpu.memory_space<vmem>> -> memref<128xi32, #tpu.memory_space<vmem>>
        %dma_start3A_93 = arith.constant 0 : i32
        %dma_start3A_94 = arith.constant 0 : i32
        %dma_start3A_95 = tpu.memref_slice %arg10[%dma_start3A_93, %dma_start3A_94] : memref<10240x64xf32, #tpu.memory_space<vmem_shared>> -> memref<10240x64xf32, #tpu.memory_space<vmem_shared>>
        tpu.enqueue_indirect_dma source(%arg9 : memref<128x64xf32, #tpu.memory_space<vmem>>) target(%dma_start3A_95 : memref<10240x64xf32, #tpu.memory_space<vmem_shared>>) offsets(%dma_start3A_92 : memref<128xi32, #tpu.memory_space<vmem>>) semaphore(%run_scoped3A_89 : memref<!tpu.dma_semaphore, #tpu.memory_space<semaphore_mem>>) {add = true}
        %dma_wait3A_96 = arith.constant 0 : i32
        %dma_wait3A_97 = tpu.memref_slice %arg7[%run_scoped3A_88, %dma_wait3A_96] : memref<118x128xi32, #tpu.memory_space<vmem>> -> memref<1x128xi32, #tpu.memory_space<vmem>>
        %dma_wait3A_98 = tpu.memref_squeeze %dma_wait3A_97 : memref<1x128xi32, #tpu.memory_space<vmem>> -> memref<128xi32, #tpu.memory_space<vmem>>
        %dma_wait3A_99 = arith.constant 0 : i32
        %dma_wait3A_100 = arith.constant 0 : i32
        %dma_wait3A_101 = tpu.memref_slice %arg10[%dma_wait3A_99, %dma_wait3A_100] : memref<10240x64xf32, #tpu.memory_space<vmem_shared>> -> memref<10240x64xf32, #tpu.memory_space<vmem_shared>>
        tpu.wait_indirect_dma semaphore(%run_scoped3A_89 : memref<!tpu.dma_semaphore, #tpu.memory_space<semaphore_mem>>) src(%arg9 : memref<128x64xf32, #tpu.memory_space<vmem>>) dst(%dma_wait3A_101 : memref<10240x64xf32, #tpu.memory_space<vmem_shared>>)
        tpu.yield
      }) : () -> ()
    } else {
    }
    %eq3A_27 = arith.constant 1 : i32
    %eq3A_28 = arith.cmpi eq, %arg0, %eq3A_27 : i32
    %convert_element_type3A_29 = arith.extui %eq3A_28 : i1 to i32
    %cond3A_30 = arith.constant 0 : i32
    %cond3A_31 = arith.cmpi ne, %convert_element_type3A_29, %cond3A_30 : i32
    scf.if %cond3A_31 {
      %mul3A_53 = arith.constant 42 : i32
      %mul3A_54 = arith.muli %arg1, %mul3A_53 : i32
      %add3A_55 = arith.constant 1888 : i32
      %add3A_56 = arith.addi %add3A_55, %mul3A_54 : i32
      "tpu.region"() ({
        %run_scoped3A_91 = tpu.sem_alloc : memref<!tpu.dma_semaphore, #tpu.memory_space<semaphore_mem>>
        %dma_start3A_92 = arith.constant 0 : i32
        %dma_start3A_93 = arith.constant 0 : i32
        %dma_start3A_94 = tpu.memref_slice %arg6[%dma_start3A_92, %dma_start3A_93] : memref<118x128xi32, #tpu.memory_space<vmem>> -> memref<42x128xi32, #tpu.memory_space<vmem>>
        %dma_start3A_95 = arith.constant 0 : i32
        %dma_start3A_96 = tpu.memref_slice %arg3[%add3A_56, %dma_start3A_95] : memref<2560x128xi32, #tpu.memory_space<hbm>> -> memref<42x128xi32, #tpu.memory_space<hbm>>
        %dma_start3A_97 = arith.constant 0 : i32
        %dma_start3A_98 = arith.constant 0 : i32
        %dma_start3A_99 = tpu.memref_slice %arg6[%dma_start3A_97, %dma_start3A_98] : memref<118x128xi32, #tpu.memory_space<vmem>> -> memref<42x128xi32, #tpu.memory_space<vmem>>
        %dma_start3A_100 = arith.constant 0 : i32
        %dma_start3A_101 = tpu.memref_slice %arg3[%add3A_56, %dma_start3A_100] : memref<2560x128xi32, #tpu.memory_space<hbm>> -> memref<42x128xi32, #tpu.memory_space<hbm>>
        tpu.enqueue_dma source(%dma_start3A_101 : memref<42x128xi32, #tpu.memory_space<hbm>>) target(%dma_start3A_99 : memref<42x128xi32, #tpu.memory_space<vmem>>) target_semaphore(%run_scoped3A_91 : memref<!tpu.dma_semaphore, #tpu.memory_space<semaphore_mem>>)
        %dma_wait3A_102 = arith.constant 0 : i32
        %dma_wait3A_103 = arith.constant 0 : i32
        %dma_wait3A_104 = tpu.memref_slice %arg6[%dma_wait3A_102, %dma_wait3A_103] : memref<118x128xi32, #tpu.memory_space<vmem>> -> memref<42x128xi32, #tpu.memory_space<vmem>>
        %dma_wait3A_105 = arith.constant 0 : i32
        %dma_wait3A_106 = tpu.memref_slice %arg3[%add3A_56, %dma_wait3A_105] : memref<2560x128xi32, #tpu.memory_space<hbm>> -> memref<42x128xi32, #tpu.memory_space<hbm>>
        %dma_wait3A_107 = arith.constant 0 : i32
        %dma_wait3A_108 = arith.constant 0 : i32
        %dma_wait3A_109 = tpu.memref_slice %arg6[%dma_wait3A_107, %dma_wait3A_108] : memref<118x128xi32, #tpu.memory_space<vmem>> -> memref<42x128xi32, #tpu.memory_space<vmem>>
        %dma_wait3A_110 = arith.constant 0 : i32
        %dma_wait3A_111 = tpu.memref_slice %arg3[%add3A_56, %dma_wait3A_110] : memref<2560x128xi32, #tpu.memory_space<hbm>> -> memref<42x128xi32, #tpu.memory_space<hbm>>
        tpu.wait_dma2 semaphore(%run_scoped3A_91 : memref<!tpu.dma_semaphore, #tpu.memory_space<semaphore_mem>>) src(%dma_wait3A_111 : memref<42x128xi32, #tpu.memory_space<hbm>>) dst(%dma_wait3A_109 : memref<42x128xi32, #tpu.memory_space<vmem>>)
        tpu.yield
      }) : () -> ()
      "tpu.region"() ({
        %run_scoped3A_91 = tpu.sem_alloc : memref<!tpu.dma_semaphore, #tpu.memory_space<semaphore_mem>>
        %dma_start3A_92 = arith.constant 0 : i32
        %dma_start3A_93 = arith.constant 0 : i32
        %dma_start3A_94 = tpu.memref_slice %arg7[%dma_start3A_92, %dma_start3A_93] : memref<118x128xi32, #tpu.memory_space<vmem>> -> memref<42x128xi32, #tpu.memory_space<vmem>>
        %dma_start3A_95 = arith.constant 0 : i32
        %dma_start3A_96 = tpu.memref_slice %arg4[%add3A_56, %dma_start3A_95] : memref<2560x128xi32, #tpu.memory_space<hbm>> -> memref<42x128xi32, #tpu.memory_space<hbm>>
        %dma_start3A_97 = arith.constant 0 : i32
        %dma_start3A_98 = arith.constant 0 : i32
        %dma_start3A_99 = tpu.memref_slice %arg7[%dma_start3A_97, %dma_start3A_98] : memref<118x128xi32, #tpu.memory_space<vmem>> -> memref<42x128xi32, #tpu.memory_space<vmem>>
        %dma_start3A_100 = arith.constant 0 : i32
        %dma_start3A_101 = tpu.memref_slice %arg4[%add3A_56, %dma_start3A_100] : memref<2560x128xi32, #tpu.memory_space<hbm>> -> memref<42x128xi32, #tpu.memory_space<hbm>>
        tpu.enqueue_dma source(%dma_start3A_101 : memref<42x128xi32, #tpu.memory_space<hbm>>) target(%dma_start3A_99 : memref<42x128xi32, #tpu.memory_space<vmem>>) target_semaphore(%run_scoped3A_91 : memref<!tpu.dma_semaphore, #tpu.memory_space<semaphore_mem>>)
        %dma_wait3A_102 = arith.constant 0 : i32
        %dma_wait3A_103 = arith.constant 0 : i32
        %dma_wait3A_104 = tpu.memref_slice %arg7[%dma_wait3A_102, %dma_wait3A_103] : memref<118x128xi32, #tpu.memory_space<vmem>> -> memref<42x128xi32, #tpu.memory_space<vmem>>
        %dma_wait3A_105 = arith.constant 0 : i32
        %dma_wait3A_106 = tpu.memref_slice %arg4[%add3A_56, %dma_wait3A_105] : memref<2560x128xi32, #tpu.memory_space<hbm>> -> memref<42x128xi32, #tpu.memory_space<hbm>>
        %dma_wait3A_107 = arith.constant 0 : i32
        %dma_wait3A_108 = arith.constant 0 : i32
        %dma_wait3A_109 = tpu.memref_slice %arg7[%dma_wait3A_107, %dma_wait3A_108] : memref<118x128xi32, #tpu.memory_space<vmem>> -> memref<42x128xi32, #tpu.memory_space<vmem>>
        %dma_wait3A_110 = arith.constant 0 : i32
        %dma_wait3A_111 = tpu.memref_slice %arg4[%add3A_56, %dma_wait3A_110] : memref<2560x128xi32, #tpu.memory_space<hbm>> -> memref<42x128xi32, #tpu.memory_space<hbm>>
        tpu.wait_dma2 semaphore(%run_scoped3A_91 : memref<!tpu.dma_semaphore, #tpu.memory_space<semaphore_mem>>) src(%dma_wait3A_111 : memref<42x128xi32, #tpu.memory_space<hbm>>) dst(%dma_wait3A_109 : memref<42x128xi32, #tpu.memory_space<vmem>>)
        tpu.yield
      }) : () -> ()
      %dma_start3A = arith.constant 0 : i32
      %dma_start3A_57 = arith.constant 0 : i32
      %dma_start3A_58 = tpu.memref_slice %arg6[%dma_start3A, %dma_start3A_57] : memref<118x128xi32, #tpu.memory_space<vmem>> -> memref<1x128xi32, #tpu.memory_space<vmem>>
      %dma_start3A_59 = tpu.memref_squeeze %dma_start3A_58 : memref<1x128xi32, #tpu.memory_space<vmem>> -> memref<128xi32, #tpu.memory_space<vmem>>
      %dma_start3A_60 = arith.constant 0 : i32
      %dma_start3A_61 = arith.constant 0 : i32
      %dma_start3A_62 = tpu.memref_slice %arg2[%dma_start3A_60, %dma_start3A_61] : memref<10240x64xf32, #tpu.memory_space<hbm>> -> memref<10240x64xf32, #tpu.memory_space<hbm>>
      tpu.enqueue_indirect_dma source(%dma_start3A_62 : memref<10240x64xf32, #tpu.memory_space<hbm>>) target(%arg8 : memref<128x64xf32, #tpu.memory_space<vmem>>) offsets(%dma_start3A_59 : memref<128xi32, #tpu.memory_space<vmem>>) semaphore(%arg11 : memref<!tpu.dma_semaphore, #tpu.memory_space<semaphore_mem>>)
      %dma_start3A_63 = arith.constant 1 : i32
      %dma_start3A_64 = arith.constant 0 : i32
      %dma_start3A_65 = tpu.memref_slice %arg6[%dma_start3A_63, %dma_start3A_64] : memref<118x128xi32, #tpu.memory_space<vmem>> -> memref<1x128xi32, #tpu.memory_space<vmem>>
      %dma_start3A_66 = tpu.memref_squeeze %dma_start3A_65 : memref<1x128xi32, #tpu.memory_space<vmem>> -> memref<128xi32, #tpu.memory_space<vmem>>
      %dma_start3A_67 = arith.constant 0 : i32
      %dma_start3A_68 = arith.constant 0 : i32
      %dma_start3A_69 = tpu.memref_slice %arg2[%dma_start3A_67, %dma_start3A_68] : memref<10240x64xf32, #tpu.memory_space<hbm>> -> memref<10240x64xf32, #tpu.memory_space<hbm>>
      tpu.enqueue_indirect_dma source(%dma_start3A_69 : memref<10240x64xf32, #tpu.memory_space<hbm>>) target(%arg9 : memref<128x64xf32, #tpu.memory_space<vmem>>) offsets(%dma_start3A_66 : memref<128xi32, #tpu.memory_space<vmem>>) semaphore(%arg12 : memref<!tpu.dma_semaphore, #tpu.memory_space<semaphore_mem>>)
      %scan3A_70 = arith.constant 0 : i32
      %scan3A_71 = arith.constant 0 : i32
      %scan3A_72 = arith.constant 20 : i32
      %scan3A_73 = arith.addi %scan3A_71, %scan3A_72 : i32
      %scan3A_74 = arith.constant 1 : i32
      %scan3A_75 = scf.for %scan3A_91 = %scan3A_71 to %scan3A_73 step %scan3A_74 iter_args(%scan3A_92 = %scan3A_70) -> (i32)  : i32 {
        %mul3A_93 = arith.constant 2 : i32
        %mul3A_94 = arith.muli %mul3A_93, %scan3A_91 : i32
        %dma_wait3A_95 = arith.constant 0 : i32
        %dma_wait3A_96 = tpu.memref_slice %arg6[%mul3A_94, %dma_wait3A_95] : memref<118x128xi32, #tpu.memory_space<vmem>> -> memref<1x128xi32, #tpu.memory_space<vmem>>
        %dma_wait3A_97 = tpu.memref_squeeze %dma_wait3A_96 : memref<1x128xi32, #tpu.memory_space<vmem>> -> memref<128xi32, #tpu.memory_space<vmem>>
        %dma_wait3A_98 = arith.constant 0 : i32
        %dma_wait3A_99 = arith.constant 0 : i32
        %dma_wait3A_100 = tpu.memref_slice %arg2[%dma_wait3A_98, %dma_wait3A_99] : memref<10240x64xf32, #tpu.memory_space<hbm>> -> memref<10240x64xf32, #tpu.memory_space<hbm>>
        tpu.wait_indirect_dma semaphore(%arg11 : memref<!tpu.dma_semaphore, #tpu.memory_space<semaphore_mem>>) src(%dma_wait3A_100 : memref<10240x64xf32, #tpu.memory_space<hbm>>) dst(%arg8 : memref<128x64xf32, #tpu.memory_space<vmem>>)
        "tpu.region"() ({
          %run_scoped3A_128 = tpu.sem_alloc : memref<!tpu.dma_semaphore, #tpu.memory_space<semaphore_mem>>
          %dma_start3A_129 = arith.constant 0 : i32
          %dma_start3A_130 = tpu.memref_slice %arg7[%mul3A_94, %dma_start3A_129] : memref<118x128xi32, #tpu.memory_space<vmem>> -> memref<1x128xi32, #tpu.memory_space<vmem>>
          %dma_start3A_131 = tpu.memref_squeeze %dma_start3A_130 : memref<1x128xi32, #tpu.memory_space<vmem>> -> memref<128xi32, #tpu.memory_space<vmem>>
          %dma_start3A_132 = arith.constant 0 : i32
          %dma_start3A_133 = arith.constant 0 : i32
          %dma_start3A_134 = tpu.memref_slice %arg10[%dma_start3A_132, %dma_start3A_133] : memref<10240x64xf32, #tpu.memory_space<vmem_shared>> -> memref<10240x64xf32, #tpu.memory_space<vmem_shared>>
          tpu.enqueue_indirect_dma source(%arg8 : memref<128x64xf32, #tpu.memory_space<vmem>>) target(%dma_start3A_134 : memref<10240x64xf32, #tpu.memory_space<vmem_shared>>) offsets(%dma_start3A_131 : memref<128xi32, #tpu.memory_space<vmem>>) semaphore(%run_scoped3A_128 : memref<!tpu.dma_semaphore, #tpu.memory_space<semaphore_mem>>) {add = true}
          %dma_wait3A_135 = arith.constant 0 : i32
          %dma_wait3A_136 = tpu.memref_slice %arg7[%mul3A_94, %dma_wait3A_135] : memref<118x128xi32, #tpu.memory_space<vmem>> -> memref<1x128xi32, #tpu.memory_space<vmem>>
          %dma_wait3A_137 = tpu.memref_squeeze %dma_wait3A_136 : memref<1x128xi32, #tpu.memory_space<vmem>> -> memref<128xi32, #tpu.memory_space<vmem>>
          %dma_wait3A_138 = arith.constant 0 : i32
          %dma_wait3A_139 = arith.constant 0 : i32
          %dma_wait3A_140 = tpu.memref_slice %arg10[%dma_wait3A_138, %dma_wait3A_139] : memref<10240x64xf32, #tpu.memory_space<vmem_shared>> -> memref<10240x64xf32, #tpu.memory_space<vmem_shared>>
          tpu.wait_indirect_dma semaphore(%run_scoped3A_128 : memref<!tpu.dma_semaphore, #tpu.memory_space<semaphore_mem>>) src(%arg8 : memref<128x64xf32, #tpu.memory_space<vmem>>) dst(%dma_wait3A_140 : memref<10240x64xf32, #tpu.memory_space<vmem_shared>>)
          tpu.yield
        }) : () -> ()
        %add3A_101 = arith.constant 2 : i32
        %add3A_102 = arith.addi %mul3A_94, %add3A_101 : i32
        %dma_start3A_103 = arith.constant 0 : i32
        %dma_start3A_104 = tpu.memref_slice %arg6[%add3A_102, %dma_start3A_103] : memref<118x128xi32, #tpu.memory_space<vmem>> -> memref<1x128xi32, #tpu.memory_space<vmem>>
        %dma_start3A_105 = tpu.memref_squeeze %dma_start3A_104 : memref<1x128xi32, #tpu.memory_space<vmem>> -> memref<128xi32, #tpu.memory_space<vmem>>
        %dma_start3A_106 = arith.constant 0 : i32
        %dma_start3A_107 = arith.constant 0 : i32
        %dma_start3A_108 = tpu.memref_slice %arg2[%dma_start3A_106, %dma_start3A_107] : memref<10240x64xf32, #tpu.memory_space<hbm>> -> memref<10240x64xf32, #tpu.memory_space<hbm>>
        tpu.enqueue_indirect_dma source(%dma_start3A_108 : memref<10240x64xf32, #tpu.memory_space<hbm>>) target(%arg8 : memref<128x64xf32, #tpu.memory_space<vmem>>) offsets(%dma_start3A_105 : memref<128xi32, #tpu.memory_space<vmem>>) semaphore(%arg11 : memref<!tpu.dma_semaphore, #tpu.memory_space<semaphore_mem>>)
        %add3A_109 = arith.constant 1 : i32
        %add3A_110 = arith.addi %mul3A_94, %add3A_109 : i32
        %dma_wait3A_111 = arith.constant 0 : i32
        %dma_wait3A_112 = tpu.memref_slice %arg6[%add3A_110, %dma_wait3A_111] : memref<118x128xi32, #tpu.memory_space<vmem>> -> memref<1x128xi32, #tpu.memory_space<vmem>>
        %dma_wait3A_113 = tpu.memref_squeeze %dma_wait3A_112 : memref<1x128xi32, #tpu.memory_space<vmem>> -> memref<128xi32, #tpu.memory_space<vmem>>
        %dma_wait3A_114 = arith.constant 0 : i32
        %dma_wait3A_115 = arith.constant 0 : i32
        %dma_wait3A_116 = tpu.memref_slice %arg2[%dma_wait3A_114, %dma_wait3A_115] : memref<10240x64xf32, #tpu.memory_space<hbm>> -> memref<10240x64xf32, #tpu.memory_space<hbm>>
        tpu.wait_indirect_dma semaphore(%arg12 : memref<!tpu.dma_semaphore, #tpu.memory_space<semaphore_mem>>) src(%dma_wait3A_116 : memref<10240x64xf32, #tpu.memory_space<hbm>>) dst(%arg9 : memref<128x64xf32, #tpu.memory_space<vmem>>)
        %add3A_117 = arith.constant 1 : i32
        %add3A_118 = arith.addi %mul3A_94, %add3A_117 : i32
        "tpu.region"() ({
          %run_scoped3A_128 = tpu.sem_alloc : memref<!tpu.dma_semaphore, #tpu.memory_space<semaphore_mem>>
          %dma_start3A_129 = arith.constant 0 : i32
          %dma_start3A_130 = tpu.memref_slice %arg7[%add3A_118, %dma_start3A_129] : memref<118x128xi32, #tpu.memory_space<vmem>> -> memref<1x128xi32, #tpu.memory_space<vmem>>
          %dma_start3A_131 = tpu.memref_squeeze %dma_start3A_130 : memref<1x128xi32, #tpu.memory_space<vmem>> -> memref<128xi32, #tpu.memory_space<vmem>>
          %dma_start3A_132 = arith.constant 0 : i32
          %dma_start3A_133 = arith.constant 0 : i32
          %dma_start3A_134 = tpu.memref_slice %arg10[%dma_start3A_132, %dma_start3A_133] : memref<10240x64xf32, #tpu.memory_space<vmem_shared>> -> memref<10240x64xf32, #tpu.memory_space<vmem_shared>>
          tpu.enqueue_indirect_dma source(%arg9 : memref<128x64xf32, #tpu.memory_space<vmem>>) target(%dma_start3A_134 : memref<10240x64xf32, #tpu.memory_space<vmem_shared>>) offsets(%dma_start3A_131 : memref<128xi32, #tpu.memory_space<vmem>>) semaphore(%run_scoped3A_128 : memref<!tpu.dma_semaphore, #tpu.memory_space<semaphore_mem>>) {add = true}
          %dma_wait3A_135 = arith.constant 0 : i32
          %dma_wait3A_136 = tpu.memref_slice %arg7[%add3A_118, %dma_wait3A_135] : memref<118x128xi32, #tpu.memory_space<vmem>> -> memref<1x128xi32, #tpu.memory_space<vmem>>
          %dma_wait3A_137 = tpu.memref_squeeze %dma_wait3A_136 : memref<1x128xi32, #tpu.memory_space<vmem>> -> memref<128xi32, #tpu.memory_space<vmem>>
          %dma_wait3A_138 = arith.constant 0 : i32
          %dma_wait3A_139 = arith.constant 0 : i32
          %dma_wait3A_140 = tpu.memref_slice %arg10[%dma_wait3A_138, %dma_wait3A_139] : memref<10240x64xf32, #tpu.memory_space<vmem_shared>> -> memref<10240x64xf32, #tpu.memory_space<vmem_shared>>
          tpu.wait_indirect_dma semaphore(%run_scoped3A_128 : memref<!tpu.dma_semaphore, #tpu.memory_space<semaphore_mem>>) src(%arg9 : memref<128x64xf32, #tpu.memory_space<vmem>>) dst(%dma_wait3A_140 : memref<10240x64xf32, #tpu.memory_space<vmem_shared>>)
          tpu.yield
        }) : () -> ()
        %add3A_119 = arith.constant 3 : i32
        %add3A_120 = arith.addi %mul3A_94, %add3A_119 : i32
        %dma_start3A_121 = arith.constant 0 : i32
        %dma_start3A_122 = tpu.memref_slice %arg6[%add3A_120, %dma_start3A_121] : memref<118x128xi32, #tpu.memory_space<vmem>> -> memref<1x128xi32, #tpu.memory_space<vmem>>
        %dma_start3A_123 = tpu.memref_squeeze %dma_start3A_122 : memref<1x128xi32, #tpu.memory_space<vmem>> -> memref<128xi32, #tpu.memory_space<vmem>>
        %dma_start3A_124 = arith.constant 0 : i32
        %dma_start3A_125 = arith.constant 0 : i32
        %dma_start3A_126 = tpu.memref_slice %arg2[%dma_start3A_124, %dma_start3A_125] : memref<10240x64xf32, #tpu.memory_space<hbm>> -> memref<10240x64xf32, #tpu.memory_space<hbm>>
        tpu.enqueue_indirect_dma source(%dma_start3A_126 : memref<10240x64xf32, #tpu.memory_space<hbm>>) target(%arg9 : memref<128x64xf32, #tpu.memory_space<vmem>>) offsets(%dma_start3A_123 : memref<128xi32, #tpu.memory_space<vmem>>) semaphore(%arg12 : memref<!tpu.dma_semaphore, #tpu.memory_space<semaphore_mem>>)
        %scan3A_127 = arith.constant 0 : i32
        scf.yield %scan3A_127 : i32
      }
      %scan3A_76 = arith.constant 20 : i32
      %dma_wait3A = arith.constant 40 : i32
      %dma_wait3A_77 = arith.constant 0 : i32
      %dma_wait3A_78 = tpu.memref_slice %arg6[%dma_wait3A, %dma_wait3A_77] : memref<118x128xi32, #tpu.memory_space<vmem>> -> memref<1x128xi32, #tpu.memory_space<vmem>>
      %dma_wait3A_79 = tpu.memref_squeeze %dma_wait3A_78 : memref<1x128xi32, #tpu.memory_space<vmem>> -> memref<128xi32, #tpu.memory_space<vmem>>
      %dma_wait3A_80 = arith.constant 0 : i32
      %dma_wait3A_81 = arith.constant 0 : i32
      %dma_wait3A_82 = tpu.memref_slice %arg2[%dma_wait3A_80, %dma_wait3A_81] : memref<10240x64xf32, #tpu.memory_space<hbm>> -> memref<10240x64xf32, #tpu.memory_space<hbm>>
      tpu.wait_indirect_dma semaphore(%arg11 : memref<!tpu.dma_semaphore, #tpu.memory_space<semaphore_mem>>) src(%dma_wait3A_82 : memref<10240x64xf32, #tpu.memory_space<hbm>>) dst(%arg8 : memref<128x64xf32, #tpu.memory_space<vmem>>)
      %run_scoped3A = arith.constant 40 : i32
      "tpu.region"() ({
        %run_scoped3A_91 = tpu.sem_alloc : memref<!tpu.dma_semaphore, #tpu.memory_space<semaphore_mem>>
        %dma_start3A_92 = arith.constant 0 : i32
        %dma_start3A_93 = tpu.memref_slice %arg7[%run_scoped3A, %dma_start3A_92] : memref<118x128xi32, #tpu.memory_space<vmem>> -> memref<1x128xi32, #tpu.memory_space<vmem>>
        %dma_start3A_94 = tpu.memref_squeeze %dma_start3A_93 : memref<1x128xi32, #tpu.memory_space<vmem>> -> memref<128xi32, #tpu.memory_space<vmem>>
        %dma_start3A_95 = arith.constant 0 : i32
        %dma_start3A_96 = arith.constant 0 : i32
        %dma_start3A_97 = tpu.memref_slice %arg10[%dma_start3A_95, %dma_start3A_96] : memref<10240x64xf32, #tpu.memory_space<vmem_shared>> -> memref<10240x64xf32, #tpu.memory_space<vmem_shared>>
        tpu.enqueue_indirect_dma source(%arg8 : memref<128x64xf32, #tpu.memory_space<vmem>>) target(%dma_start3A_97 : memref<10240x64xf32, #tpu.memory_space<vmem_shared>>) offsets(%dma_start3A_94 : memref<128xi32, #tpu.memory_space<vmem>>) semaphore(%run_scoped3A_91 : memref<!tpu.dma_semaphore, #tpu.memory_space<semaphore_mem>>) {add = true}
        %dma_wait3A_98 = arith.constant 0 : i32
        %dma_wait3A_99 = tpu.memref_slice %arg7[%run_scoped3A, %dma_wait3A_98] : memref<118x128xi32, #tpu.memory_space<vmem>> -> memref<1x128xi32, #tpu.memory_space<vmem>>
        %dma_wait3A_100 = tpu.memref_squeeze %dma_wait3A_99 : memref<1x128xi32, #tpu.memory_space<vmem>> -> memref<128xi32, #tpu.memory_space<vmem>>
        %dma_wait3A_101 = arith.constant 0 : i32
        %dma_wait3A_102 = arith.constant 0 : i32
        %dma_wait3A_103 = tpu.memref_slice %arg10[%dma_wait3A_101, %dma_wait3A_102] : memref<10240x64xf32, #tpu.memory_space<vmem_shared>> -> memref<10240x64xf32, #tpu.memory_space<vmem_shared>>
        tpu.wait_indirect_dma semaphore(%run_scoped3A_91 : memref<!tpu.dma_semaphore, #tpu.memory_space<semaphore_mem>>) src(%arg8 : memref<128x64xf32, #tpu.memory_space<vmem>>) dst(%dma_wait3A_103 : memref<10240x64xf32, #tpu.memory_space<vmem_shared>>)
        tpu.yield
      }) : () -> ()
      %dma_wait3A_83 = arith.constant 41 : i32
      %dma_wait3A_84 = arith.constant 0 : i32
      %dma_wait3A_85 = tpu.memref_slice %arg6[%dma_wait3A_83, %dma_wait3A_84] : memref<118x128xi32, #tpu.memory_space<vmem>> -> memref<1x128xi32, #tpu.memory_space<vmem>>
      %dma_wait3A_86 = tpu.memref_squeeze %dma_wait3A_85 : memref<1x128xi32, #tpu.memory_space<vmem>> -> memref<128xi32, #tpu.memory_space<vmem>>
      %dma_wait3A_87 = arith.constant 0 : i32
      %dma_wait3A_88 = arith.constant 0 : i32
      %dma_wait3A_89 = tpu.memref_slice %arg2[%dma_wait3A_87, %dma_wait3A_88] : memref<10240x64xf32, #tpu.memory_space<hbm>> -> memref<10240x64xf32, #tpu.memory_space<hbm>>
      tpu.wait_indirect_dma semaphore(%arg12 : memref<!tpu.dma_semaphore, #tpu.memory_space<semaphore_mem>>) src(%dma_wait3A_89 : memref<10240x64xf32, #tpu.memory_space<hbm>>) dst(%arg9 : memref<128x64xf32, #tpu.memory_space<vmem>>)
      %run_scoped3A_90 = arith.constant 41 : i32
      "tpu.region"() ({
        %run_scoped3A_91 = tpu.sem_alloc : memref<!tpu.dma_semaphore, #tpu.memory_space<semaphore_mem>>
        %dma_start3A_92 = arith.constant 0 : i32
        %dma_start3A_93 = tpu.memref_slice %arg7[%run_scoped3A_90, %dma_start3A_92] : memref<118x128xi32, #tpu.memory_space<vmem>> -> memref<1x128xi32, #tpu.memory_space<vmem>>
        %dma_start3A_94 = tpu.memref_squeeze %dma_start3A_93 : memref<1x128xi32, #tpu.memory_space<vmem>> -> memref<128xi32, #tpu.memory_space<vmem>>
        %dma_start3A_95 = arith.constant 0 : i32
        %dma_start3A_96 = arith.constant 0 : i32
        %dma_start3A_97 = tpu.memref_slice %arg10[%dma_start3A_95, %dma_start3A_96] : memref<10240x64xf32, #tpu.memory_space<vmem_shared>> -> memref<10240x64xf32, #tpu.memory_space<vmem_shared>>
        tpu.enqueue_indirect_dma source(%arg9 : memref<128x64xf32, #tpu.memory_space<vmem>>) target(%dma_start3A_97 : memref<10240x64xf32, #tpu.memory_space<vmem_shared>>) offsets(%dma_start3A_94 : memref<128xi32, #tpu.memory_space<vmem>>) semaphore(%run_scoped3A_91 : memref<!tpu.dma_semaphore, #tpu.memory_space<semaphore_mem>>) {add = true}
        %dma_wait3A_98 = arith.constant 0 : i32
        %dma_wait3A_99 = tpu.memref_slice %arg7[%run_scoped3A_90, %dma_wait3A_98] : memref<118x128xi32, #tpu.memory_space<vmem>> -> memref<1x128xi32, #tpu.memory_space<vmem>>
        %dma_wait3A_100 = tpu.memref_squeeze %dma_wait3A_99 : memref<1x128xi32, #tpu.memory_space<vmem>> -> memref<128xi32, #tpu.memory_space<vmem>>
        %dma_wait3A_101 = arith.constant 0 : i32
        %dma_wait3A_102 = arith.constant 0 : i32
        %dma_wait3A_103 = tpu.memref_slice %arg10[%dma_wait3A_101, %dma_wait3A_102] : memref<10240x64xf32, #tpu.memory_space<vmem_shared>> -> memref<10240x64xf32, #tpu.memory_space<vmem_shared>>
        tpu.wait_indirect_dma semaphore(%run_scoped3A_91 : memref<!tpu.dma_semaphore, #tpu.memory_space<semaphore_mem>>) src(%arg9 : memref<128x64xf32, #tpu.memory_space<vmem>>) dst(%dma_wait3A_103 : memref<10240x64xf32, #tpu.memory_space<vmem_shared>>)
        tpu.yield
      }) : () -> ()
    } else {
    }
    %barrier3A_32 = arith.constant 0 : index
    tpu.barrier barrier_id(%barrier3A_32)
    %mul3A_33 = arith.constant 640 : i32
    %mul3A_34 = arith.muli %arg1, %mul3A_33 : i32
    %add3A_35 = arith.constant 0 : i32
    %add3A_36 = arith.addi %mul3A_34, %add3A_35 : i32
    "tpu.region"() ({
      %run_scoped3A = tpu.sem_alloc : memref<!tpu.dma_semaphore, #tpu.memory_space<semaphore_mem>>
      %dma_start3A = arith.constant 0 : i32
      %dma_start3A_53 = tpu.memref_slice %arg5[%arg0, %add3A_36, %dma_start3A] : memref<2x10240x64xf32, #tpu.memory_space<hbm>> -> memref<1x128x64xf32, #tpu.memory_space<hbm>>
      %dma_start3A_54 = tpu.memref_squeeze %dma_start3A_53 : memref<1x128x64xf32, #tpu.memory_space<hbm>> -> memref<128x64xf32, #tpu.memory_space<hbm>>
      %dma_start3A_55 = arith.constant 0 : i32
      %dma_start3A_56 = tpu.memref_slice %arg10[%add3A_36, %dma_start3A_55] : memref<10240x64xf32, #tpu.memory_space<vmem_shared>> -> memref<128x64xf32, #tpu.memory_space<vmem_shared>>
      tpu.enqueue_dma source(%dma_start3A_56 : memref<128x64xf32, #tpu.memory_space<vmem_shared>>) target(%dma_start3A_54 : memref<128x64xf32, #tpu.memory_space<hbm>>) target_semaphore(%run_scoped3A : memref<!tpu.dma_semaphore, #tpu.memory_space<semaphore_mem>>)
      %dma_wait3A = arith.constant 0 : i32
      %dma_wait3A_57 = tpu.memref_slice %arg5[%arg0, %add3A_36, %dma_wait3A] : memref<2x10240x64xf32, #tpu.memory_space<hbm>> -> memref<1x128x64xf32, #tpu.memory_space<hbm>>
      %dma_wait3A_58 = tpu.memref_squeeze %dma_wait3A_57 : memref<1x128x64xf32, #tpu.memory_space<hbm>> -> memref<128x64xf32, #tpu.memory_space<hbm>>
      %dma_wait3A_59 = arith.constant 0 : i32
      %dma_wait3A_60 = tpu.memref_slice %arg10[%add3A_36, %dma_wait3A_59] : memref<10240x64xf32, #tpu.memory_space<vmem_shared>> -> memref<128x64xf32, #tpu.memory_space<vmem_shared>>
      tpu.wait_dma2 semaphore(%run_scoped3A : memref<!tpu.dma_semaphore, #tpu.memory_space<semaphore_mem>>) src(%dma_wait3A_60 : memref<128x64xf32, #tpu.memory_space<vmem_shared>>) dst(%dma_wait3A_58 : memref<128x64xf32, #tpu.memory_space<hbm>>)
      tpu.yield
    }) : () -> ()
    %mul3A_37 = arith.constant 640 : i32
    %mul3A_38 = arith.muli %arg1, %mul3A_37 : i32
    %add3A_39 = arith.constant 128 : i32
    %add3A_40 = arith.addi %mul3A_38, %add3A_39 : i32
    "tpu.region"() ({
      %run_scoped3A = tpu.sem_alloc : memref<!tpu.dma_semaphore, #tpu.memory_space<semaphore_mem>>
      %dma_start3A = arith.constant 0 : i32
      %dma_start3A_53 = tpu.memref_slice %arg5[%arg0, %add3A_40, %dma_start3A] : memref<2x10240x64xf32, #tpu.memory_space<hbm>> -> memref<1x128x64xf32, #tpu.memory_space<hbm>>
      %dma_start3A_54 = tpu.memref_squeeze %dma_start3A_53 : memref<1x128x64xf32, #tpu.memory_space<hbm>> -> memref<128x64xf32, #tpu.memory_space<hbm>>
      %dma_start3A_55 = arith.constant 0 : i32
      %dma_start3A_56 = tpu.memref_slice %arg10[%add3A_40, %dma_start3A_55] : memref<10240x64xf32, #tpu.memory_space<vmem_shared>> -> memref<128x64xf32, #tpu.memory_space<vmem_shared>>
      tpu.enqueue_dma source(%dma_start3A_56 : memref<128x64xf32, #tpu.memory_space<vmem_shared>>) target(%dma_start3A_54 : memref<128x64xf32, #tpu.memory_space<hbm>>) target_semaphore(%run_scoped3A : memref<!tpu.dma_semaphore, #tpu.memory_space<semaphore_mem>>)
      %dma_wait3A = arith.constant 0 : i32
      %dma_wait3A_57 = tpu.memref_slice %arg5[%arg0, %add3A_40, %dma_wait3A] : memref<2x10240x64xf32, #tpu.memory_space<hbm>> -> memref<1x128x64xf32, #tpu.memory_space<hbm>>
      %dma_wait3A_58 = tpu.memref_squeeze %dma_wait3A_57 : memref<1x128x64xf32, #tpu.memory_space<hbm>> -> memref<128x64xf32, #tpu.memory_space<hbm>>
      %dma_wait3A_59 = arith.constant 0 : i32
      %dma_wait3A_60 = tpu.memref_slice %arg10[%add3A_40, %dma_wait3A_59] : memref<10240x64xf32, #tpu.memory_space<vmem_shared>> -> memref<128x64xf32, #tpu.memory_space<vmem_shared>>
      tpu.wait_dma2 semaphore(%run_scoped3A : memref<!tpu.dma_semaphore, #tpu.memory_space<semaphore_mem>>) src(%dma_wait3A_60 : memref<128x64xf32, #tpu.memory_space<vmem_shared>>) dst(%dma_wait3A_58 : memref<128x64xf32, #tpu.memory_space<hbm>>)
      tpu.yield
    }) : () -> ()
    %mul3A_41 = arith.constant 640 : i32
    %mul3A_42 = arith.muli %arg1, %mul3A_41 : i32
    %add3A_43 = arith.constant 256 : i32
    %add3A_44 = arith.addi %mul3A_42, %add3A_43 : i32
    "tpu.region"() ({
      %run_scoped3A = tpu.sem_alloc : memref<!tpu.dma_semaphore, #tpu.memory_space<semaphore_mem>>
      %dma_start3A = arith.constant 0 : i32
      %dma_start3A_53 = tpu.memref_slice %arg5[%arg0, %add3A_44, %dma_start3A] : memref<2x10240x64xf32, #tpu.memory_space<hbm>> -> memref<1x128x64xf32, #tpu.memory_space<hbm>>
      %dma_start3A_54 = tpu.memref_squeeze %dma_start3A_53 : memref<1x128x64xf32, #tpu.memory_space<hbm>> -> memref<128x64xf32, #tpu.memory_space<hbm>>
      %dma_start3A_55 = arith.constant 0 : i32
      %dma_start3A_56 = tpu.memref_slice %arg10[%add3A_44, %dma_start3A_55] : memref<10240x64xf32, #tpu.memory_space<vmem_shared>> -> memref<128x64xf32, #tpu.memory_space<vmem_shared>>
      tpu.enqueue_dma source(%dma_start3A_56 : memref<128x64xf32, #tpu.memory_space<vmem_shared>>) target(%dma_start3A_54 : memref<128x64xf32, #tpu.memory_space<hbm>>) target_semaphore(%run_scoped3A : memref<!tpu.dma_semaphore, #tpu.memory_space<semaphore_mem>>)
      %dma_wait3A = arith.constant 0 : i32
      %dma_wait3A_57 = tpu.memref_slice %arg5[%arg0, %add3A_44, %dma_wait3A] : memref<2x10240x64xf32, #tpu.memory_space<hbm>> -> memref<1x128x64xf32, #tpu.memory_space<hbm>>
      %dma_wait3A_58 = tpu.memref_squeeze %dma_wait3A_57 : memref<1x128x64xf32, #tpu.memory_space<hbm>> -> memref<128x64xf32, #tpu.memory_space<hbm>>
      %dma_wait3A_59 = arith.constant 0 : i32
      %dma_wait3A_60 = tpu.memref_slice %arg10[%add3A_44, %dma_wait3A_59] : memref<10240x64xf32, #tpu.memory_space<vmem_shared>> -> memref<128x64xf32, #tpu.memory_space<vmem_shared>>
      tpu.wait_dma2 semaphore(%run_scoped3A : memref<!tpu.dma_semaphore, #tpu.memory_space<semaphore_mem>>) src(%dma_wait3A_60 : memref<128x64xf32, #tpu.memory_space<vmem_shared>>) dst(%dma_wait3A_58 : memref<128x64xf32, #tpu.memory_space<hbm>>)
      tpu.yield
    }) : () -> ()
    %mul3A_45 = arith.constant 640 : i32
    %mul3A_46 = arith.muli %arg1, %mul3A_45 : i32
    %add3A_47 = arith.constant 384 : i32
    %add3A_48 = arith.addi %mul3A_46, %add3A_47 : i32
    "tpu.region"() ({
      %run_scoped3A = tpu.sem_alloc : memref<!tpu.dma_semaphore, #tpu.memory_space<semaphore_mem>>
      %dma_start3A = arith.constant 0 : i32
      %dma_start3A_53 = tpu.memref_slice %arg5[%arg0, %add3A_48, %dma_start3A] : memref<2x10240x64xf32, #tpu.memory_space<hbm>> -> memref<1x128x64xf32, #tpu.memory_space<hbm>>
      %dma_start3A_54 = tpu.memref_squeeze %dma_start3A_53 : memref<1x128x64xf32, #tpu.memory_space<hbm>> -> memref<128x64xf32, #tpu.memory_space<hbm>>
      %dma_start3A_55 = arith.constant 0 : i32
      %dma_start3A_56 = tpu.memref_slice %arg10[%add3A_48, %dma_start3A_55] : memref<10240x64xf32, #tpu.memory_space<vmem_shared>> -> memref<128x64xf32, #tpu.memory_space<vmem_shared>>
      tpu.enqueue_dma source(%dma_start3A_56 : memref<128x64xf32, #tpu.memory_space<vmem_shared>>) target(%dma_start3A_54 : memref<128x64xf32, #tpu.memory_space<hbm>>) target_semaphore(%run_scoped3A : memref<!tpu.dma_semaphore, #tpu.memory_space<semaphore_mem>>)
      %dma_wait3A = arith.constant 0 : i32
      %dma_wait3A_57 = tpu.memref_slice %arg5[%arg0, %add3A_48, %dma_wait3A] : memref<2x10240x64xf32, #tpu.memory_space<hbm>> -> memref<1x128x64xf32, #tpu.memory_space<hbm>>
      %dma_wait3A_58 = tpu.memref_squeeze %dma_wait3A_57 : memref<1x128x64xf32, #tpu.memory_space<hbm>> -> memref<128x64xf32, #tpu.memory_space<hbm>>
      %dma_wait3A_59 = arith.constant 0 : i32
      %dma_wait3A_60 = tpu.memref_slice %arg10[%add3A_48, %dma_wait3A_59] : memref<10240x64xf32, #tpu.memory_space<vmem_shared>> -> memref<128x64xf32, #tpu.memory_space<vmem_shared>>
      tpu.wait_dma2 semaphore(%run_scoped3A : memref<!tpu.dma_semaphore, #tpu.memory_space<semaphore_mem>>) src(%dma_wait3A_60 : memref<128x64xf32, #tpu.memory_space<vmem_shared>>) dst(%dma_wait3A_58 : memref<128x64xf32, #tpu.memory_space<hbm>>)
      tpu.yield
    }) : () -> ()
    %mul3A_49 = arith.constant 640 : i32
    %mul3A_50 = arith.muli %arg1, %mul3A_49 : i32
    %add3A_51 = arith.constant 512 : i32
    %add3A_52 = arith.addi %mul3A_50, %add3A_51 : i32
    "tpu.region"() ({
      %run_scoped3A = tpu.sem_alloc : memref<!tpu.dma_semaphore, #tpu.memory_space<semaphore_mem>>
      %dma_start3A = arith.constant 0 : i32
      %dma_start3A_53 = tpu.memref_slice %arg5[%arg0, %add3A_52, %dma_start3A] : memref<2x10240x64xf32, #tpu.memory_space<hbm>> -> memref<1x128x64xf32, #tpu.memory_space<hbm>>
      %dma_start3A_54 = tpu.memref_squeeze %dma_start3A_53 : memref<1x128x64xf32, #tpu.memory_space<hbm>> -> memref<128x64xf32, #tpu.memory_space<hbm>>
      %dma_start3A_55 = arith.constant 0 : i32
      %dma_start3A_56 = tpu.memref_slice %arg10[%add3A_52, %dma_start3A_55] : memref<10240x64xf32, #tpu.memory_space<vmem_shared>> -> memref<128x64xf32, #tpu.memory_space<vmem_shared>>
      tpu.enqueue_dma source(%dma_start3A_56 : memref<128x64xf32, #tpu.memory_space<vmem_shared>>) target(%dma_start3A_54 : memref<128x64xf32, #tpu.memory_space<hbm>>) target_semaphore(%run_scoped3A : memref<!tpu.dma_semaphore, #tpu.memory_space<semaphore_mem>>)
      %dma_wait3A = arith.constant 0 : i32
      %dma_wait3A_57 = tpu.memref_slice %arg5[%arg0, %add3A_52, %dma_wait3A] : memref<2x10240x64xf32, #tpu.memory_space<hbm>> -> memref<1x128x64xf32, #tpu.memory_space<hbm>>
      %dma_wait3A_58 = tpu.memref_squeeze %dma_wait3A_57 : memref<1x128x64xf32, #tpu.memory_space<hbm>> -> memref<128x64xf32, #tpu.memory_space<hbm>>
      %dma_wait3A_59 = arith.constant 0 : i32
      %dma_wait3A_60 = tpu.memref_slice %arg10[%add3A_52, %dma_wait3A_59] : memref<10240x64xf32, #tpu.memory_space<vmem_shared>> -> memref<128x64xf32, #tpu.memory_space<vmem_shared>>
      tpu.wait_dma2 semaphore(%run_scoped3A : memref<!tpu.dma_semaphore, #tpu.memory_space<semaphore_mem>>) src(%dma_wait3A_60 : memref<128x64xf32, #tpu.memory_space<vmem_shared>>) dst(%dma_wait3A_58 : memref<128x64xf32, #tpu.memory_space<hbm>>)
      tpu.yield
    }) : () -> ()
    return
  }
}

module attributes {stable_mosaic.version = 14 : i64} {
  func.func @body(%arg0: memref<10000x128xf32, #tpu.memory_space<vmem>>, %arg1: memref<128x64xf32, #tpu.memory_space<vmem>>, %arg2: memref<10240x16xf32, #tpu.memory_space<vmem>>, %arg3: memref<10240x16xf32, #tpu.memory_space<vmem>>, %arg4: memref<10240x64xf32, #tpu.memory_space<vmem>>) attributes {dimension_semantics = [], scalar_prefetch = 0 : i64, scratch_operands = 0 : i64, tpu.core_type = #tpu.core_type<tc>} {
    %get3A = arith.constant 0 : index
    %get3A_0 = arith.constant 0 : index
    %get3A_1 = vector.load %arg2[%get3A, %get3A_0] : memref<10240x16xf32, #tpu.memory_space<vmem>>, vector<10240x16xf32>
    %slice3A = vector.extract_strided_slice %get3A_1 {offsets = [0, 0], sizes = [10000, 1], strides = [1, 1]} : vector<10240x16xf32> to vector<10000x1xf32>
    %squeeze3A = vector.shape_cast %slice3A : vector<10000x1xf32> to vector<10000xf32>
    %get3A_2 = arith.constant 0 : index
    %get3A_3 = arith.constant 0 : index
    %get3A_4 = vector.load %arg3[%get3A_2, %get3A_3] : memref<10240x16xf32, #tpu.memory_space<vmem>>, vector<10240x16xf32>
    %slice3A_5 = vector.extract_strided_slice %get3A_4 {offsets = [0, 0], sizes = [10000, 1], strides = [1, 1]} : vector<10240x16xf32> to vector<10000x1xf32>
    %squeeze3A_6 = vector.shape_cast %slice3A_5 : vector<10000x1xf32> to vector<10000xf32>
    %add3A = arith.addf %squeeze3A, %squeeze3A_6 : vector<10000xf32>
    %max3A = arith.constant 1.000000e+00 : f32
    %max3A_7 = vector.broadcast %max3A : f32 to vector<10000xf32>
    %max3A_8 = arith.maximumf %add3A, %max3A_7 : vector<10000xf32>
    %rsqrt3A = math.rsqrt %max3A_8 : vector<10000xf32>
    %get3A_9 = arith.constant 0 : index
    %get3A_10 = arith.constant 0 : index
    %get3A_11 = vector.load %arg0[%get3A_9, %get3A_10] : memref<10000x128xf32, #tpu.memory_space<vmem>>, vector<10000x128xf32>
    %broadcast_in_dim3A = vector.shape_cast %rsqrt3A : vector<10000xf32> to vector<10000x1xf32>
    %mul3A = vector.broadcast %broadcast_in_dim3A : vector<10000x1xf32> to vector<10000x128xf32>
    %mul3A_12 = arith.mulf %get3A_11, %mul3A : vector<10000x128xf32>
    %get3A_13 = arith.constant 0 : index
    %get3A_14 = arith.constant 0 : index
    %get3A_15 = vector.load %arg1[%get3A_13, %get3A_14] : memref<128x64xf32, #tpu.memory_space<vmem>>, vector<128x64xf32>
    %dot_general3A = arith.constant dense<0.000000e+00> : vector<10000x64xf32>
    %dot_general3A_16 = tpu.matmul %mul3A_12, %get3A_15, %dot_general3A {dimension_numbers = #tpu.dot_dimension_numbers<[1], [0], [0], [1], [0, 0, 1, 1], [], []>, transpose_lhs_hint = false} : vector<10000x128xf32>, vector<128x64xf32>, vector<10000x64xf32> -> vector<10000x64xf32>
    %swap3A = arith.constant 0 : index
    %swap3A_17 = arith.constant 0 : index
    %swap3A_18 = vector.load %arg4[%swap3A, %swap3A_17] : memref<10240x64xf32, #tpu.memory_space<vmem>>, vector<10000x64xf32>
    tpu.vector_store %arg4[%swap3A, %swap3A_17], %dot_general3A_16 {strides = array<i32>} : memref<10240x64xf32, #tpu.memory_space<vmem>>, vector<10000x64xf32>,
    %broadcast_in_dim3A_19 = arith.constant 0.000000e+00 : f32
    %broadcast_in_dim3A_20 = vector.broadcast %broadcast_in_dim3A_19 : f32 to vector<240x64xf32>
    %swap3A_21 = arith.constant 10000 : index
    %swap3A_22 = arith.constant 0 : index
    %swap3A_23 = vector.load %arg4[%swap3A_21, %swap3A_22] : memref<10240x64xf32, #tpu.memory_space<vmem>>, vector<240x64xf32>
    tpu.vector_store %arg4[%swap3A_21, %swap3A_22], %broadcast_in_dim3A_20 {strides = array<i32>} : memref<10240x64xf32, #tpu.memory_space<vmem>>, vector<240x64xf32>,
    return
  }
}

module attributes {stable_mosaic.version = 14 : i64} {
  func.func @body(%arg0: memref<10240x64xf32, #tpu.memory_space<vmem>>, %arg1: memref<10240x64xf32, #tpu.memory_space<vmem>>, %arg2: memref<10240x16xf32, #tpu.memory_space<vmem>>, %arg3: memref<10240x16xf32, #tpu.memory_space<vmem>>, %arg4: memref<10240x16xf32, #tpu.memory_space<vmem>>, %arg5: memref<10240x16xf32, #tpu.memory_space<vmem>>, %arg6: memref<1x64xf32, #tpu.memory_space<vmem>>, %arg7: memref<10240x64xf32, #tpu.memory_space<vmem>>, %arg8: memref<10240x64xf32, #tpu.memory_space<vmem>>) attributes {dimension_semantics = [], scalar_prefetch = 0 : i64, scratch_operands = 0 : i64, tpu.core_type = #tpu.core_type<tc>} {
    %get3A = arith.constant 0 : index
    %get3A_0 = arith.constant 0 : index
    %get3A_1 = vector.load %arg2[%get3A, %get3A_0] : memref<10240x16xf32, #tpu.memory_space<vmem>>, vector<10240x16xf32>
    %slice3A = vector.extract_strided_slice %get3A_1 {offsets = [0, 0], sizes = [10240, 1], strides = [1, 1]} : vector<10240x16xf32> to vector<10240x1xf32>
    %squeeze3A = vector.shape_cast %slice3A : vector<10240x1xf32> to vector<10240xf32>
    %get3A_2 = arith.constant 0 : index
    %get3A_3 = arith.constant 0 : index
    %get3A_4 = vector.load %arg3[%get3A_2, %get3A_3] : memref<10240x16xf32, #tpu.memory_space<vmem>>, vector<10240x16xf32>
    %slice3A_5 = vector.extract_strided_slice %get3A_4 {offsets = [0, 0], sizes = [10240, 1], strides = [1, 1]} : vector<10240x16xf32> to vector<10240x1xf32>
    %squeeze3A_6 = vector.shape_cast %slice3A_5 : vector<10240x1xf32> to vector<10240xf32>
    %add3A = arith.addf %squeeze3A, %squeeze3A_6 : vector<10240xf32>
    %max3A = arith.constant 1.000000e+00 : f32
    %max3A_7 = vector.broadcast %max3A : f32 to vector<10240xf32>
    %max3A_8 = arith.maximumf %add3A, %max3A_7 : vector<10240xf32>
    %rsqrt3A = math.rsqrt %max3A_8 : vector<10240xf32>
    %get3A_9 = arith.constant 0 : index
    %get3A_10 = arith.constant 0 : index
    %get3A_11 = vector.load %arg4[%get3A_9, %get3A_10] : memref<10240x16xf32, #tpu.memory_space<vmem>>, vector<10240x16xf32>
    %slice3A_12 = vector.extract_strided_slice %get3A_11 {offsets = [0, 0], sizes = [10240, 1], strides = [1, 1]} : vector<10240x16xf32> to vector<10240x1xf32>
    %squeeze3A_13 = vector.shape_cast %slice3A_12 : vector<10240x1xf32> to vector<10240xf32>
    %get3A_14 = arith.constant 0 : index
    %get3A_15 = arith.constant 0 : index
    %get3A_16 = vector.load %arg5[%get3A_14, %get3A_15] : memref<10240x16xf32, #tpu.memory_space<vmem>>, vector<10240x16xf32>
    %slice3A_17 = vector.extract_strided_slice %get3A_16 {offsets = [0, 0], sizes = [10240, 1], strides = [1, 1]} : vector<10240x16xf32> to vector<10240x1xf32>
    %squeeze3A_18 = vector.shape_cast %slice3A_17 : vector<10240x1xf32> to vector<10240xf32>
    %add3A_19 = arith.addf %squeeze3A_13, %squeeze3A_18 : vector<10240xf32>
    %max3A_20 = arith.constant 1.000000e+00 : f32
    %max3A_21 = vector.broadcast %max3A_20 : f32 to vector<10240xf32>
    %max3A_22 = arith.maximumf %add3A_19, %max3A_21 : vector<10240xf32>
    %rsqrt3A_23 = math.rsqrt %max3A_22 : vector<10240xf32>
    %get3A_24 = arith.constant 0 : index
    %get3A_25 = arith.constant 0 : index
    %get3A_26 = vector.load %arg0[%get3A_24, %get3A_25] : memref<10240x64xf32, #tpu.memory_space<vmem>>, vector<10240x64xf32>
    %get3A_27 = arith.constant 0 : index
    %get3A_28 = arith.constant 0 : index
    %get3A_29 = vector.load %arg1[%get3A_27, %get3A_28] : memref<10240x64xf32, #tpu.memory_space<vmem>>, vector<10240x64xf32>
    %add3A_30 = arith.addf %get3A_26, %get3A_29 : vector<10240x64xf32>
    %broadcast_in_dim3A = vector.shape_cast %rsqrt3A : vector<10240xf32> to vector<10240x1xf32>
    %mul3A = vector.broadcast %broadcast_in_dim3A : vector<10240x1xf32> to vector<10240x64xf32>
    %mul3A_31 = arith.mulf %add3A_30, %mul3A : vector<10240x64xf32>
    %get3A_32 = arith.constant 0 : index
    %get3A_33 = arith.constant 0 : index
    %get3A_34 = vector.load %arg6[%get3A_32, %get3A_33] : memref<1x64xf32, #tpu.memory_space<vmem>>, vector<1x64xf32>
    %add3A_35 = vector.broadcast %get3A_34 : vector<1x64xf32> to vector<10240x64xf32>
    %add3A_36 = arith.addf %mul3A_31, %add3A_35 : vector<10240x64xf32>
    %max3A_37 = arith.constant 0.000000e+00 : f32
    %max3A_38 = vector.broadcast %max3A_37 : f32 to vector<10240x64xf32>
    %max3A_39 = arith.maximumf %add3A_36, %max3A_38 : vector<10240x64xf32>
    %swap3A = arith.constant 0 : index
    %swap3A_40 = arith.constant 0 : index
    %swap3A_41 = vector.load %arg7[%swap3A, %swap3A_40] : memref<10240x64xf32, #tpu.memory_space<vmem>>, vector<10240x64xf32>
    tpu.vector_store %arg7[%swap3A, %swap3A_40], %max3A_39 {strides = array<i32>} : memref<10240x64xf32, #tpu.memory_space<vmem>>, vector<10240x64xf32>,
    %iota3A = tpu.iota {dimensions = array<i32: 0>} : vector<10240x1xi32>
    %lt3A = arith.constant 10000 : i32
    %lt3A_42 = vector.broadcast %lt3A : i32 to vector<10240x1xi32>
    %lt3A_43 = arith.cmpi slt, %iota3A, %lt3A_42 : vector<10240x1xi32>
    %broadcast_in_dim3A_44 = vector.shape_cast %rsqrt3A_23 : vector<10240xf32> to vector<10240x1xf32>
    %mul3A_45 = vector.broadcast %broadcast_in_dim3A_44 : vector<10240x1xf32> to vector<10240x64xf32>
    %mul3A_46 = arith.mulf %max3A_39, %mul3A_45 : vector<10240x64xf32>
    %jit3A = arith.constant 0.000000e+00 : f32
    %broadcast_in_dim3A_47 = vector.shape_cast %lt3A_43 : vector<10240x1xi1> to vector<10240x1xi1>
    %broadcast_in_dim3A_48 = vector.broadcast %broadcast_in_dim3A_47 : vector<10240x1xi1> to vector<10240x64xi1>
    %broadcast_in_dim3A_49 = vector.broadcast %jit3A : f32 to vector<10240x64xf32>
    %select_n3A = arith.select %broadcast_in_dim3A_48, %mul3A_46, %broadcast_in_dim3A_49 : vector<10240x64xi1>, vector<10240x64xf32>
    %swap3A_50 = arith.constant 0 : index
    %swap3A_51 = arith.constant 0 : index
    %swap3A_52 = vector.load %arg8[%swap3A_50, %swap3A_51] : memref<10240x64xf32, #tpu.memory_space<vmem>>, vector<10240x64xf32>
    tpu.vector_store %arg8[%swap3A_50, %swap3A_51], %select_n3A {strides = array<i32>} : memref<10240x64xf32, #tpu.memory_space<vmem>>, vector<10240x64xf32>,
    return
  }
}

module attributes {stable_mosaic.version = 14 : i64} {
  func.func @body(%arg0: memref<10240x64xf32, #tpu.memory_space<vmem>>, %arg1: memref<10240x64xf32, #tpu.memory_space<vmem>>, %arg2: memref<10240x16xf32, #tpu.memory_space<vmem>>, %arg3: memref<10240x16xf32, #tpu.memory_space<vmem>>, %arg4: memref<64x128xf32, #tpu.memory_space<vmem>>, %arg5: memref<1x128xf32, #tpu.memory_space<vmem>>, %arg6: memref<10240x128xf32, #tpu.memory_space<vmem>>) attributes {dimension_semantics = [], scalar_prefetch = 0 : i64, scratch_operands = 0 : i64, tpu.core_type = #tpu.core_type<tc>} {
    %get3A = arith.constant 0 : index
    %get3A_0 = arith.constant 0 : index
    %get3A_1 = vector.load %arg2[%get3A, %get3A_0] : memref<10240x16xf32, #tpu.memory_space<vmem>>, vector<10240x16xf32>
    %slice3A = vector.extract_strided_slice %get3A_1 {offsets = [0, 0], sizes = [10240, 1], strides = [1, 1]} : vector<10240x16xf32> to vector<10240x1xf32>
    %squeeze3A = vector.shape_cast %slice3A : vector<10240x1xf32> to vector<10240xf32>
    %get3A_2 = arith.constant 0 : index
    %get3A_3 = arith.constant 0 : index
    %get3A_4 = vector.load %arg3[%get3A_2, %get3A_3] : memref<10240x16xf32, #tpu.memory_space<vmem>>, vector<10240x16xf32>
    %slice3A_5 = vector.extract_strided_slice %get3A_4 {offsets = [0, 0], sizes = [10240, 1], strides = [1, 1]} : vector<10240x16xf32> to vector<10240x1xf32>
    %squeeze3A_6 = vector.shape_cast %slice3A_5 : vector<10240x1xf32> to vector<10240xf32>
    %add3A = arith.addf %squeeze3A, %squeeze3A_6 : vector<10240xf32>
    %max3A = arith.constant 1.000000e+00 : f32
    %max3A_7 = vector.broadcast %max3A : f32 to vector<10240xf32>
    %max3A_8 = arith.maximumf %add3A, %max3A_7 : vector<10240xf32>
    %rsqrt3A = math.rsqrt %max3A_8 : vector<10240xf32>
    %get3A_9 = arith.constant 0 : index
    %get3A_10 = arith.constant 0 : index
    %get3A_11 = vector.load %arg0[%get3A_9, %get3A_10] : memref<10240x64xf32, #tpu.memory_space<vmem>>, vector<10240x64xf32>
    %get3A_12 = arith.constant 0 : index
    %get3A_13 = arith.constant 0 : index
    %get3A_14 = vector.load %arg1[%get3A_12, %get3A_13] : memref<10240x64xf32, #tpu.memory_space<vmem>>, vector<10240x64xf32>
    %add3A_15 = arith.addf %get3A_11, %get3A_14 : vector<10240x64xf32>
    %broadcast_in_dim3A = vector.shape_cast %rsqrt3A : vector<10240xf32> to vector<10240x1xf32>
    %mul3A = vector.broadcast %broadcast_in_dim3A : vector<10240x1xf32> to vector<10240x64xf32>
    %mul3A_16 = arith.mulf %add3A_15, %mul3A : vector<10240x64xf32>
    %get3A_17 = arith.constant 0 : index
    %get3A_18 = arith.constant 0 : index
    %get3A_19 = vector.load %arg4[%get3A_17, %get3A_18] : memref<64x128xf32, #tpu.memory_space<vmem>>, vector<64x128xf32>
    %dot_general3A = arith.constant dense<0.000000e+00> : vector<10240x128xf32>
    %dot_general3A_20 = tpu.matmul %mul3A_16, %get3A_19, %dot_general3A {dimension_numbers = #tpu.dot_dimension_numbers<[1], [0], [0], [1], [0, 0, 1, 1], [], []>, transpose_lhs_hint = false} : vector<10240x64xf32>, vector<64x128xf32>, vector<10240x128xf32> -> vector<10240x128xf32>
    %get3A_21 = arith.constant 0 : index
    %get3A_22 = arith.constant 0 : index
    %get3A_23 = vector.load %arg5[%get3A_21, %get3A_22] : memref<1x128xf32, #tpu.memory_space<vmem>>, vector<1x128xf32>
    %add3A_24 = vector.broadcast %get3A_23 : vector<1x128xf32> to vector<10240x128xf32>
    %add3A_25 = arith.addf %dot_general3A_20, %add3A_24 : vector<10240x128xf32>
    %swap3A = arith.constant 0 : index
    %swap3A_26 = arith.constant 0 : index
    %swap3A_27 = vector.load %arg6[%swap3A, %swap3A_26] : memref<10240x128xf32, #tpu.memory_space<vmem>>, vector<10240x128xf32>
    tpu.vector_store %arg6[%swap3A, %swap3A_26], %add3A_25 {strides = array<i32>} : memref<10240x128xf32, #tpu.memory_space<vmem>>, vector<10240x128xf32>,
    return
  }
}

</mosaic_0001>

<sc_bundles>
// kernel: kernel.11.cloned.1.call-start
scs
__scs_entry_jumppad:
0x0: {  	(pc) =	sbr.rel $0x88, $3  }
0x1: {  	(tag) =	ssettag $0x0;
	lr =	simm.s32 $0x1  }
0x2: {  	[smem:$0x3F9B] =	sst lr;
	_ =	strace $0xD0000000  }
0x3: {  	_ = 	snop  }
0x4: {  	_ = 	snop  }
0x5: {  	_ = 	snop  }
0x6: {  	_ = 	snop  }
0x7: {  	_ = 	snop  }
__scs_overlays_trampoline_lowered:
0x8: {  	[smem:$0x3FAA] =	sst s0  }
0x9: {  	[smem:$0x3FAB] =	sst s1  }
0xa: {  	[smem:$0x3FAC] =	sst s2  }
0xb: {  	[smem:$0x3FAD] =	sst s3  }
0xc: {  	[smem:$0x3FAE] =	sst s4  }
0xd: {  	[smem:$0x3FAF] =	sst s5  }
0xe: {  	[smem:$0x3FB0] =	sst s6  }
0xf: {  	[smem:$0x3FB1] =	sst s7  }
0x10: {  	[smem:$0x3FB2] =	sst s8  }
0x11: {  	[smem:$0x3FB3] =	sst s9;
	s0 =	simm.s32 @!p0 $0x0  }
0x12: {  	s1 =	sld [smem:$0x3F99];
	s0 =	simm.s32 @p0 $0x1  }
0x13: {  	[smem:$0x3FB4] =	sst s0;
	s0 =	simm.s32 @!p1 $0x0  }
0x14: {  	s2 =	sld [smem:$0x3F98];
	s0 =	simm.s32 @p1 $0x1  }
0x15: {  	[smem:$0x3FB5] =	sst s0;
	s0 =	simm.s32 @!p2 $0x0  }
0x16: {  	s3 =	sld [smem:$0x3FDB];
	s0 =	simm.s32 @p2 $0x1  }
0x17: {  	s4 =	simm.s32 $0x1BF5;
	[smem:$0x3FB7] =	sst s0  }
0x18: {  	s0 =	sld [smem:$0x3F9A];
	_ =	swait.ge [sflag:s4], $0x0  }
0x19: {  	s7 =	sld [smem:$0x3F9B]  }
0x1a: {  	s8 =	sadd.s32 $0xFFFFE003, lr  }
0x1b: {  	s9 =	sadd.s32 $0xFFFFFEF7, lr;
	s5 =	simm.s32 $0xFFFFFFFF;
	p2 =	slt.u32 s8, $0xFFFFF086  }
0x1c: {  	p1 =	slt.u32 s9, $0xF7A;
	s5 =	simm.s32 @!p2 $0x0  }
0x1d: {  	s5 =	simm.s32 @p1 $0x1;
	p0 =	seq.s32 s7, s2  }
0x1e: {  	s7 =	smul.u32 @!p0 $0xF7A, s2;
	p2 =	seq.s32 @!p0 s5, $0x0  }
0x1f: {  	s9 =	smul.u32 $0xF7A, s1;
	s8 =	simm.s32 @!p0 $0x1BF5;
	p2 =	por !p2, p0  }
0x20: {  	[sflag:s8] =	ssyncset.s32 @!p0 $0xFFFFF086;
	s6 =	sadd.s32 @!p0 s3, s7;
	s7 =	simm.s32 @!p0 $0x108  }
0x21: {  	s3 =	sadd.s32 s3, s9;
	s6 =	sadd.s32 @!p0 $0x88, s6;
	s7 =	simm.s32 @p2 $0x1082  }
0x22: {  	[simem:s7], [sflag:s8] =	dma.local @!p0 [hbm:s6], $0xF7A  }
0x23: {  	s9 =	sor.u32 $0xD0000000, s2;
	s6 =	simm.s32 $0x108;
	_ =	swait.ge @!p0 [sflag:s8], $0x0  }
0x24: {  	s3 =	sadd.s32 $0x88, s3;
	s6 =	simm.s32 @!p1 $0x1082;
	[sflag:s4] =	ssyncset.s32 $0xFFFFF086  }
0x25: {  	[simem:s6], [sflag:s4] =	dma.local [hbm:s3], $0xF7A  }
0x26: {  	[smem:$0x3F9B] =	sst s1;
	(tag) =	ssettag s2;
	_ =	strace s9  }
0x27: {  	s1 =	sld [smem:$0x3FAB]  }
0x28: {  	s2 =	sld [smem:$0x3FAC]  }
0x29: {  	s4 =	sld [smem:$0x3FAE]  }
0x2a: {  	p0 =	seq.s32 s5, $0x0;
	s5 =	sld [smem:$0x3FAF]  }
0x2b: {  	s6 =	sld [smem:$0x3FB0]  }
0x2c: {  	s7 =	sld [smem:$0x3FB1]  }
0x2d: {  	s3 =	simm.s32 $0x108;
	s8 =	sld [smem:$0x3FB2]  }
0x2e: {  	s3 =	simm.s32 @!p0 $0x1082;
	s9 =	sld [smem:$0x3FB3]  }
0x2f: {  	lr =	sadd.s32 s0, s3;
	s0 =	sld [smem:$0x3FAA]  }
0x30: {  	s3 =	sld [smem:$0x3FAD]  }
0x31: {  	[smem:$0x3FB6] =	sst s10  }
0x32: {  	s10 =	sld [smem:$0x3FB4];
	_ =	sdelay $0x3  }
0x33: {  	p0 =	seq.s32 s10, $0x1;
	s10 =	sld [smem:$0x3FB6];
	_ =	sdelay $0x3  }
0x34: {  	[smem:$0x3FB6] =	sst s10  }
0x35: {  	s10 =	sld [smem:$0x3FB5];
	_ =	sdelay $0x3  }
0x36: {  	p1 =	seq.s32 s10, $0x1;
	s10 =	sld [smem:$0x3FB6];
	_ =	sdelay $0x3  }
0x37: {  	[smem:$0x3FB6] =	sst s10  }
0x38: {  	s10 =	sld [smem:$0x3FB7]  }
0x39: {  	_ = 	snop;
	(pc) =	sbr.ind lr, $3  }
0x3a: {  	_ = 	snop  }
0x3b: {  	_ = 	snop  }
0x3c: {  	p2 =	seq.s32 s10, $0x1;
	s10 =	sld [smem:$0x3FB6]  }
0x3d: {  	_ =	shalt  }
0x3e: {  	_ =	shalt  }
0x3f: {  	_ =	shalt  }
0x40: {  	_ =	shalt  }
0x41: {  	_ =	shalt  }
0x42: {  	_ =	shalt  }
0x43: {  	_ =	shalt  }
0x44: {  	_ =	shalt  }
0x45: {  	_ =	shalt  }
0x46: {  	_ =	shalt  }
0x47: {  	_ =	shalt  }
0x48: {  	_ =	shalt  }
0x49: {  	_ =	shalt  }
0x4a: {  	_ =	shalt  }
0x4b: {  	_ =	shalt  }
0x4c: {  	_ =	shalt  }
0x4d: {  	_ =	shalt  }
0x4e: {  	_ =	shalt  }
0x4f: {  	_ =	shalt  }
0x50: {  	_ =	shalt  }
0x51: {  	_ =	shalt  }
0x52: {  	_ =	shalt  }
0x53: {  	_ =	shalt  }
0x54: {  	_ =	shalt  }
0x55: {  	_ =	shalt  }
0x56: {  	_ =	shalt  }
0x57: {  	_ =	shalt  }
0x58: {  	_ =	shalt  }
0x59: {  	_ =	shalt  }
0x5a: {  	_ =	shalt  }
0x5b: {  	_ =	shalt  }
0x5c: {  	_ =	shalt  }
0x5d: {  	_ =	shalt  }
0x5e: {  	_ =	shalt  }
0x5f: {  	_ =	shalt  }
0x60: {  	_ =	shalt  }
0x61: {  	_ =	shalt  }
0x62: {  	_ =	shalt  }
0x63: {  	_ =	shalt  }
0x64: {  	_ =	shalt  }
0x65: {  	_ =	shalt  }
0x66: {  	_ =	shalt  }
0x67: {  	_ =	shalt  }
0x68: {  	_ =	shalt  }
0x69: {  	_ =	shalt  }
0x6a: {  	_ =	shalt  }
0x6b: {  	_ =	shalt  }
0x6c: {  	_ =	shalt  }
0x6d: {  	_ =	shalt  }
0x6e: {  	_ =	shalt  }
0x6f: {  	_ =	shalt  }
0x70: {  	_ =	shalt  }
0x71: {  	_ =	shalt  }
0x72: {  	_ =	shalt  }
0x73: {  	_ =	shalt  }
0x74: {  	_ =	shalt  }
0x75: {  	_ =	shalt  }
0x76: {  	_ =	shalt  }
0x77: {  	_ =	shalt  }
0x78: {  	_ =	shalt  }
0x79: {  	_ =	shalt  }
0x7a: {  	_ =	shalt  }
0x7b: {  	_ =	shalt  }
0x7c: {  	_ =	shalt  }
0x7d: {  	_ =	shalt  }
0x7e: {  	_ =	shalt  }
0x7f: {  	_ =	shalt  }
0x80: {  	_ =	shalt  }
0x81: {  	_ =	shalt  }
0x82: {  	_ =	shalt  }
0x83: {  	_ =	shalt  }
0x84: {  	_ =	shalt  }
0x85: {  	_ =	shalt  }
0x86: {  	_ =	shalt  }
0x87: {  	_ =	shalt  }
.Lfunc_end0:
.L_simem_size_0:
called_computation.1_lowered:
.L_overlay_start_0:
0x88: {  	s2 =	sld [smem:$0x3FD9]  }
0x89: {  	s3 =	sld [smem:$0x3FFE];
	_ =	sdelay $0x1  }
0x8a: {  	s1 =	srdreg.scid  }
0x8b: {  	s0 =	sand.u32 $0x1, s1  }
0x8c: {  	s14 =	sshll.u32 s0, $0xA;
	s2 =	sadd.s32 s3, s2  }
0x8d: {  	s2 =	sadd.s32 s2, s14  }
0x8e: {  	[smem:$0x3FC2] =	sst s2  }
0x8f: {  	_ = 	snop  }
0x90: {  	s2 =	sld [smem:$0x3FD0];
	_ =	sdelay $0x2  }
0x91: {  	s15 =	simm.s32 $0xA;
	s4 =	simm.s32 $0x10  }
0x92: {  	[smem:s4], [sflag:s15] =	dma.local [hbm:s2], $0x1  }
0x93: {  	_ =	swait.eq [sflag:s15], $0x1  }
0x94: {  	[sflag:s15] =	ssyncset.done $0x0  }
0x95: {  	[sflag:s15] =	ssyncadd.s32 $0xFFFFFFFF  }
0x96: {  	s16 =	sld [smem:$0x11];
	(tm) =	ssettm $0x1  }
0x97: {  	s17 =	sld [smem:$0x3FFB];
	_ =	sdelay $0x3  }
0x98: {  	_ =	strace s17  }
0x99: {  	s3 =	sld [smem:$0x3FFC];
	_ =	sdelay $0x3  }
0x9a: {  	_ =	strace s3  }
0x9b: {  	s3 =	sld [smem:$0x3FFD];
	_ =	sdelay $0x3  }
0x9c: {  	_ =	strace s3  }
0x9d: {  	_ =	strace $0x8FFFFFFF  }
0x9e: {  	s18 =	sld [smem:$0x3FDB];
	_ =	sdelay $0x1  }
0x9f: {  	s19 =	simm.s32 $_scs_section_size  }
0xa0: {  	s5 =	simm.s32 $_size__tile_overlayer_lowered;
	s6 =	simm.s32 $_tile_overlayer_lowered  }
0xa1: {  	s22 =	simm.s32 $0x1BFF;
	s21 =	sshll.u32 s6, $0x1;
	s3 =	sadd.s32 s19, s18  }
0xa2: {  	s7 =	simm.s32 $0x0;
	s20 =	sshll.u32 s5, $0x1;
	s5 =	sadd.s32 s21, s3  }
0xa3: {  	[timem:s7], [sflag:s22] =	dma.local [hbm:s5], s20  }
0xa4: {  	_ =	swait.ge [sflag:s22], s20  }
0xa5: {  	s4 =	ssub.s32 $0x0, s20;
	[sflag:s22] =	ssyncset.done $0x0  }
0xa6: {  	[sflag:s22] =	ssyncadd.s32 s4;
	_ =	sdelay $0x1  }
0xa7: {  	s23 =	simm.s32 $0x1B8B  }
0xa8: {  	_ =	swait.ge [sflag:s23], $0x1  }
0xa9: {  	[sflag:s23] =	ssyncset.done $0x0  }
0xaa: {  	s25 =	simm.s32 $0x1B8E;
	s24 =	sld [smem:$0x3FFE];
	[sflag:s23] =	ssyncadd.s32 $0xFFFFFFFF  }
0xab: {  	s26 =	simm.s32 $execute0_lowered;
	[smem:$0x3FD2] =	sst s25  }
0xac: {  	s5 =	sshll.u32 s26, $0x1;
	_ =	strace $0x80000049;
	[dreg:$0x1] =	wrdreg $0xFFFFFFFF  }
0xad: {  	s28 =	simm.s32 $_size_execute0_lowered;
	s3 =	sadd.s32 s3, s5;
	[dreg:$0x0] =	wrdreg $0x0  }
0xae: {  	s5 =	sshll.u32 s28, $0x1;
	[dreg:$0x2] =	wrdreg s3  }
0xaf: {  	[dreg:$0x3] =	wrdreg s5  }
0xb0: {  	[dreg:$0x4] =	wrdreg $0xC0  }
0xb1: {  	_ =	task [dreg:s7], $0x5FFFF  }
0xb2: {  	[dreg:$0x1] =	wrdreg $0xFFFFFFFF  }
0xb3: {  	[dreg:$0x0] =	wrdreg $0x60  }
0xb4: {  	[dreg:$0x2] =	wrdreg s16  }
0xb5: {  	[dreg:$0x3] =	wrdreg s24  }
0xb6: {  	[dreg:$0x4] =	wrdreg $0xB6000  }
0xb7: {  	[dreg:$0x5] =	wrdreg $0x9  }
0xb8: {  	_ =	task.clear_ibuf [dreg:s7], $0x6FFFF;
	_ =	strace $0x90000049  }
0xb9: {  	s29 =	simm.s32 $0x9;
	_ =	strace $0x8000004B  }
0xba: {  	_ =	swait.ge [sflag:s29], $0x1  }
0xbb: {  	[sflag:s29] =	ssyncadd.s32 $0xFFFFFFFF  }
0xbc: {  	_ =	strace $0x9000004B  }
0xbd: {  	_ =	sfence  }
0xbe: {  	s30 =	sld [smem:$0x0];
	_ =	sdelay $0x2  }
0xbf: {  	s31 =	sshll.u32 s1, $0xD;
	s1 =	sshrl.u32 s1, $0x2  }
0xc0: {  	s3 =	sand.u32 $0x4000, s31;
	s1 =	sadd.s32 s1, s30  }
0xc1: {  	s0 =	sor.u32 s3, s0;
	s1 =	sshll.u32 s1, $0x11  }
0xc2: {  	s0 =	sor.u32 s1, s0  }
0xc3: {  	s0 =	sadd.s32 $0x8F2B, s0  }
0xc4: {  	[sflag:s0] =	ssyncadd.remote.s32 $0x1  }
0xc5: {  	_ =	sfence.sel $0xFFFF  }
0xc6: {  	[dreg:$0x0] =	wrdreg $0xFFFFFFFF;
	(pc) =	sbr.abs _section_cstart, $3  }
0xc7: {  	[dreg:$0x1] =	wrdreg $0xFFFFFFFF  }
0xc8: {  	_ =	task.clear_ibuf [dreg:s7], $0x2FFFF;
	_ =	strace $0x9FFFFFFF  }
0xc9: {  	(tm) =	ssettm $0x7FFFFFFF  }
tec
execute0_lowered:
.L_overlay_start_1:
0x0: {  	(tag) =	ssettag $0x1  }
0x1: {  	s1 =	rddreg [dreg:$0x0]  }
0x2: {  	s5 =	rddreg [dreg:$0x1]  }
0x3: {  	s2 =	rddreg [dreg:$0x2]  }
0x4: {  	s0 =	rddreg [dreg:$0x3];
	s3 =	simm.s32 $0x0;
	s4 =	srdreg.scid  }
0x5: {  	s24 =	simm.s32 $0x9600;
	s25 =	simm.s32 $0x1;
	s26 =	simm.s32 $0x2  }
0x6: {  	[smem:$0x7FF] =	sst s3;
	s10 =	sand.u32 $0x1, s4;
	s4 =	stileid.u32  }
0x7: {  	s12 =	sadd.s32 $0xCE00, s5;
	s14 =	sadd.s32 $0x2E00, s5;
	s13 =	smul.u32 $0xA000, s4  }
0x8: {  	s18 =	sadd.s32 $0xB6E00, s5;
	s6 =	ssub.s32 $0x2, s10;
	s11 =	smul.u32 $0x760, s4  }
0x9: {  	_ =	strace $0x8000004A;
	s21 =	smul.u32 $0x1500, s4;
	s7 =	sshrl.u32 s6, $0x1  }
0xa: {  	s22 =	smul.u32 $0xA0000, s10;
	p0 =	seq.s32 s10, $0x1;
	s19 =	ssub.s32 s6, s7  }
0xb: {  	s5 =	sadd.s32 s13, s2;
	s15 =	sadd.s32 $0x2000, s13;
	s16 =	sadd.s32 $0x4000, s13  }
0xc: {  	s17 =	sadd.s32 $0x6000, s13;
	s20 =	sadd.s32 $0x8000, s13;
	s10 =	sadd.s32 s12, s11  }
0xd: {  	s21 =	sshrl.u32 s21, $0x3;
	s11 =	sadd.s32 s14, s11;
	s13 =	sadd.s32 s13, s22  }
0xe: {  	s6 =	sadd.s32 s15, s2;
	s7 =	sadd.s32 s16, s2;
	s8 =	sadd.s32 s17, s2  }
0xf: {  	s9 =	sadd.s32 s20, s2;
	s21 =	sadd.s32 $0x7600, s21;
	s23 =	sshrl.u32 s13, $0x3  }
0x10: {  	s15 =	sadd.s32 s22, s15;
	s16 =	sadd.s32 s22, s16;
	s17 =	sadd.s32 s22, s17  }
0x11: {  	s20 =	sadd.s32 s22, s20;
	s19 =	smax.u32 s19, $0x1;
	s22 =	simm.s32 $0x3B00  }
.Ltmp0:
0x12: {  	s12 =	sadd.s32 s12, s21;
	s13 =	sadd.s32 s14, s21;
	(pc) =	sbr.rel .LBB2_1-.Ltmp0, $4  }
0x13: {  	s14 =	sadd.s32 s18, s23;
	s15 =	sshrl.u32 s15, $0x3;
	s16 =	sshrl.u32 s16, $0x3  }
0x14: {  	s17 =	sshrl.u32 s17, $0x3;
	s20 =	sshrl.u32 s20, $0x3;
	s21 =	simm.s32 $0x3  }
0x15: {  	s23 =	simm.s32 $0x80;
	s15 =	sadd.s32 s18, s15;
	s16 =	sadd.s32 s18, s16  }
0x16: {  	v0 =	vimm.f32 $0.0e+00;
	s17 =	sadd.s32 s18, s17;
	s18 =	sadd.s32 s18, s20;
	s20 =	simm.s32 $0x7600  }
.LBB2_6:
0x17: {  	[tilespmem:s24], [sflag:$0x2] =	stream.indirect.gather [hbm4b:s1+s23], $0x40, s29, s23, $0xb8;
	[tilespmem:$0x15600] =	vst v63  }
0x18: {  	s28 =	simm.s32 $0x7580;
	s29 =	simm.s32 $0x7500  }
.LBB2_10:
0x19: {  	_ =	swait.ge [sflag:s25], $0x2000  }
0x1a: {  	[sflag:s25] =	ssyncset.done $0x0  }
0x1b: {  	[sflag:s25] =	ssyncadd.s32 $0xFFFFE000  }
0x1c: {  	[spmem:s2] =	stream.indirect.scatter.add.f32 [tilespmem:s20], [sflag:$0x3], $0x40, s29, s23, $0xb8;
	[tilespmem:$0x15600] =	vst v63  }
0x1d: {  	_ =	swait.ge [sflag:s21], $0x2000  }
0x1e: {  	[sflag:s21] =	ssyncset.done $0x0  }
0x1f: {  	[sflag:s21] =	ssyncadd.s32 $0xFFFFE000  }
0x20: {  	_ =	swait.ge [sflag:s26], $0x2000  }
0x21: {  	[sflag:s26] =	ssyncset.done $0x0  }
0x22: {  	[sflag:s26] =	ssyncadd.s32 $0xFFFFE000  }
0x23: {  	[spmem:s2] =	stream.indirect.scatter.add.f32 [tilespmem:s24], [sflag:$0x3], $0x40, s28, s23, $0xb8;
	[tilespmem:$0x15600] =	vst v63  }
0x24: {  	_ =	swait.ge [sflag:s21], $0x2000  }
0x25: {  	[sflag:s21] =	ssyncset.done $0x0  }
0x26: {  	s30 =	sshll.u32 s4, $0x6;
	[sflag:s21] =	ssyncadd.s32 $0xFFFFE000  }
0x27: {  	s31 =	sshrl.u32 s5, $0x3;
	s28 =	sor.u32 $0x1C03, s30;
	[bflag:$0x0] =	sbarrier.arrive $0xFFFF  }
0x28: {  	[hbm:s14], [sflag:s28] =	dma.local [spmem:s31], $0x400  }
0x29: {  	_ =	swait.ge [sflag:s21], $0x400  }
0x2a: {  	[sflag:s21] =	ssyncset.done $0x0  }
0x2b: {  	s30 =	sshrl.u32 s6, $0x3;
	[sflag:s21] =	ssyncadd.s32 $0xFFFFFC00  }
0x2c: {  	[hbm:s15], [sflag:s28] =	dma.local [spmem:s30], $0x400  }
0x2d: {  	_ =	swait.ge [sflag:s21], $0x400  }
0x2e: {  	[sflag:s21] =	ssyncset.done $0x0  }
0x2f: {  	s31 =	sshrl.u32 s7, $0x3;
	[sflag:s21] =	ssyncadd.s32 $0xFFFFFC00  }
0x30: {  	[hbm:s16], [sflag:s28] =	dma.local [spmem:s31], $0x400  }
0x31: {  	_ =	swait.ge [sflag:s21], $0x400  }
0x32: {  	[sflag:s21] =	ssyncset.done $0x0  }
0x33: {  	s30 =	sshrl.u32 s8, $0x3;
	[sflag:s21] =	ssyncadd.s32 $0xFFFFFC00  }
0x34: {  	[hbm:s17], [sflag:s28] =	dma.local [spmem:s30], $0x400  }
0x35: {  	s3 =	sadd.s32 $0x1, s3;
	_ =	swait.ge [sflag:s21], $0x400  }
0x36: {  	p1 =	sne.s32 s3, s19;
	[sflag:s21] =	ssyncset.done $0x0  }
.Ltmp1:
0x37: {  	s31 =	sshrl.u32 s9, $0x3;
	[sflag:s21] =	ssyncadd.s32 $0xFFFFFC00;
	(pc) =	sbr.rel @!p1 .LBB2_11-.Ltmp1, $4  }
0x38: {  	[hbm:s18], [sflag:s28] =	dma.local [spmem:s31], $0x400  }
0x39: {  	_ =	swait.ge [sflag:s21], $0x400  }
0x3a: {  	[sflag:s21] =	ssyncset.done $0x0  }
0x3b: {  	[sflag:s21] =	ssyncadd.s32 $0xFFFFFC00  }
.LBB2_1:
0x3c: {  	s29 =	simm.s32 $0x100;
	s28 =	simm.s32 $0x0  }
.LBB2_2:
0x3d: {  	p1 =	sne.s32 s29, $0x7F00;
	[tilespmem:s28+$0x7630] =	vst v0;
	s30 =	smov.u32 s29;
	s29 =	sadd.s32 $0x100, s29  }
.Ltmp2:
0x3e: {  	[tilespmem:s28+$0x7620] =	vst v0;
	(pc) =	sbr.rel @p1 .LBB2_2-.Ltmp2, $3  }
0x3f: {  	[tilespmem:s28+$0x7600] =	vst v0  }
0x40: {  	[tilespmem:s28+$0x7610] =	vst v0;
	_ =	sdelay $0x1  }
0x41: {  	s28 =	sshra.s32 s30, $0x2  }
0x42: {  	[tilespmem:s28+$0x7630] =	vst v0  }
0x43: {  	[tilespmem:s28+$0x7620] =	vst v0  }
0x44: {  	[tilespmem:s28+$0x7600] =	vst v0  }
0x45: {  	[tilespmem:s28+$0x7610] =	vst v0  }
0x46: {  	[spmem:s5] =	stream.linear.scatter [tilespmem:s20], [sflag:$0x3], $0x2000, $0x38;
	[tilespmem:$0x15600] =	vst v63  }
0x47: {  	_ =	swait.ge [sflag:s21], $0x2000  }
0x48: {  	[sflag:s21] =	ssyncset.done $0x0  }
0x49: {  	[sflag:s21] =	ssyncadd.s32 $0xFFFFE000  }
0x4a: {  	[spmem:s6] =	stream.linear.scatter [tilespmem:s20], [sflag:$0x3], $0x2000, $0x38;
	[tilespmem:$0x15600] =	vst v63  }
0x4b: {  	_ =	swait.ge [sflag:s21], $0x2000  }
0x4c: {  	[sflag:s21] =	ssyncset.done $0x0  }
0x4d: {  	[sflag:s21] =	ssyncadd.s32 $0xFFFFE000  }
0x4e: {  	[spmem:s7] =	stream.linear.scatter [tilespmem:s20], [sflag:$0x3], $0x2000, $0x38;
	[tilespmem:$0x15600] =	vst v63  }
0x4f: {  	_ =	swait.ge [sflag:s21], $0x2000  }
0x50: {  	[sflag:s21] =	ssyncset.done $0x0  }
0x51: {  	[sflag:s21] =	ssyncadd.s32 $0xFFFFE000  }
0x52: {  	[spmem:s8] =	stream.linear.scatter [tilespmem:s20], [sflag:$0x3], $0x2000, $0x38;
	[tilespmem:$0x15600] =	vst v63  }
0x53: {  	_ =	swait.ge [sflag:s21], $0x2000  }
0x54: {  	[sflag:s21] =	ssyncset.done $0x0  }
0x55: {  	[sflag:s21] =	ssyncadd.s32 $0xFFFFE000  }
0x56: {  	[spmem:s9] =	stream.linear.scatter [tilespmem:s20], [sflag:$0x3], $0x2000, $0x38;
	[tilespmem:$0x15600] =	vst v63  }
.Ltmp3:
0x57: {  	_ =	swait.ge [sflag:s21], $0x2000;
	(pc) =	sbr.rel @!p0 .LBB2_4-.Ltmp3, $4  }
0x58: {  	[sflag:s21] =	ssyncset.done $0x0  }
0x59: {  	[sflag:s21] =	ssyncadd.s32 $0xFFFFE000  }
0x5a: {  	[bflag:$0x0] =	sbarrier.arrive $0xFFFF  }
0x5b: {  	s28 =	simm.s32 $0x0  }
0x5c: {  	[tilespmem:s28], [sflag:$0x3] =	stream.linear.gather [hbm4b:s12+s28], $0x1500, $0x38;
	[tilespmem:$0x15600] =	vst v63  }
0x5d: {  	_ =	swait.ge [sflag:s21], $0x1500  }
0x5e: {  	[sflag:s21] =	ssyncset.done $0x0  }
0x5f: {  	[sflag:s21] =	ssyncadd.s32 $0xFFFFEB00  }
0x60: {  	[tilespmem:s22], [sflag:$0x3] =	stream.linear.gather [hbm4b:s13+s28], $0x1500, $0x38;
	[tilespmem:$0x15600] =	vst v63  }
0x61: {  	_ =	swait.ge [sflag:s21], $0x1500  }
0x62: {  	[sflag:s21] =	ssyncset.done $0x0  }
0x63: {  	[sflag:s21] =	ssyncadd.s32 $0xFFFFEB00  }
0x64: {  	[tilespmem:s20], [sflag:$0x1] =	stream.indirect.gather [hbm4b:s1+s23], $0x40, s28, s23, $0xb8;
	[tilespmem:$0x15600] =	vst v63  }
0x65: {  	_ = 	snop  }
0x66: {  	[tilespmem:s24], [sflag:$0x2] =	stream.indirect.gather [hbm4b:s1+s23], $0x40, s23, s23, $0xb8;
	[tilespmem:$0x15600] =	vst v63  }
0x67: {  	_ =	swait.ge [sflag:s25], $0x2000  }
0x68: {  	[sflag:s25] =	ssyncset.done $0x0  }
0x69: {  	s28 =	simm.s32 $0x3B00;
	[sflag:s25] =	ssyncadd.s32 $0xFFFFE000  }
0x6a: {  	[spmem:s2] =	stream.indirect.scatter.add.f32 [tilespmem:s20], [sflag:$0x3], $0x40, s28, s23, $0xb8;
	[tilespmem:$0x15600] =	vst v63  }
0x6b: {  	_ =	swait.ge [sflag:s21], $0x2000  }
0x6c: {  	[sflag:s21] =	ssyncset.done $0x0  }
0x6d: {  	s28 =	simm.s32 $0x100;
	[sflag:s21] =	ssyncadd.s32 $0xFFFFE000  }
0x6e: {  	[tilespmem:s20], [sflag:$0x1] =	stream.indirect.gather [hbm4b:s1+s23], $0x40, s28, s23, $0xb8;
	[tilespmem:$0x15600] =	vst v63  }
0x6f: {  	_ =	swait.ge [sflag:s26], $0x2000  }
0x70: {  	[sflag:s26] =	ssyncset.done $0x0  }
0x71: {  	s28 =	simm.s32 $0x3B80;
	[sflag:s26] =	ssyncadd.s32 $0xFFFFE000  }
0x72: {  	[spmem:s2] =	stream.indirect.scatter.add.f32 [tilespmem:s24], [sflag:$0x3], $0x40, s28, s23, $0xb8;
	[tilespmem:$0x15600] =	vst v63  }
0x73: {  	_ =	swait.ge [sflag:s21], $0x2000  }
0x74: {  	[sflag:s21] =	ssyncset.done $0x0  }
0x75: {  	s29 =	simm.s32 $0x180;
	s28 =	simm.s32 $0x400;
	[sflag:s21] =	ssyncadd.s32 $0xFFFFE000  }
.LBB2_8:
0x76: {  	[tilespmem:s24], [sflag:$0x2] =	stream.indirect.gather [hbm4b:s1+s23], $0x40, s29, s23, $0xb8;
	[tilespmem:$0x15600] =	vst v63  }
0x77: {  	s29 =	smov.u32 s28  }
0x78: {  	p1 =	sne.s32 s28, $0x4C00;
	s28 =	sadd.s32 $0x400, s28;
	_ =	swait.ge [sflag:s25], $0x2000  }
0x79: {  	s29 =	sshra.s32 s29, $0x2;
	[sflag:s25] =	ssyncset.done $0x0  }
0x7a: {  	s30 =	sadd.s32 $0x3B00, s29;
	[sflag:s25] =	ssyncadd.s32 $0xFFFFE000  }
0x7b: {  	[spmem:s2] =	stream.indirect.scatter.add.f32 [tilespmem:s20], [sflag:$0x3], $0x40, s30, s23, $0xb8;
	[tilespmem:$0x15600] =	vst v63  }
0x7c: {  	_ =	swait.ge [sflag:s21], $0x2000  }
0x7d: {  	[sflag:s21] =	ssyncset.done $0x0  }
0x7e: {  	s30 =	sadd.s32 $0x100, s29;
	[sflag:s21] =	ssyncadd.s32 $0xFFFFE000  }
0x7f: {  	[tilespmem:s20], [sflag:$0x1] =	stream.indirect.gather [hbm4b:s1+s23], $0x40, s30, s23, $0xb8;
	[tilespmem:$0x15600] =	vst v63  }
0x80: {  	_ =	swait.ge [sflag:s26], $0x2000  }
0x81: {  	[sflag:s26] =	ssyncset.done $0x0  }
.Ltmp4:
0x82: {  	s30 =	sadd.s32 $0x3B80, s29;
	[sflag:s26] =	ssyncadd.s32 $0xFFFFE000;
	(pc) =	sbr.rel @p1 .LBB2_8-.Ltmp4, $4  }
0x83: {  	[spmem:s2] =	stream.indirect.scatter.add.f32 [tilespmem:s24], [sflag:$0x3], $0x40, s30, s23, $0xb8;
	[tilespmem:$0x15600] =	vst v63  }
0x84: {  	_ =	swait.ge [sflag:s21], $0x2000  }
0x85: {  	[sflag:s21] =	ssyncset.done $0x0  }
0x86: {  	s29 =	sadd.s32 $0x180, s29;
	[sflag:s21] =	ssyncadd.s32 $0xFFFFE000  }
.Ltmp5:
0x87: {  	(pc) =	sbr.rel .LBB2_10-.Ltmp5, $3  }
0x88: {  	_ =	sdelay $0x1  }
0x89: {  	[tilespmem:s24], [sflag:$0x2] =	stream.indirect.gather [hbm4b:s1+s23], $0x40, s29, s23, $0xb8;
	[tilespmem:$0x15600] =	vst v63  }
0x8a: {  	s28 =	simm.s32 $0x4F80;
	s29 =	simm.s32 $0x4F00  }
.LBB2_4:
0x8b: {  	[tilespmem:s28], [sflag:$0x3] =	stream.linear.gather [hbm4b:s10+s28], $0x3B00, $0x38;
	[tilespmem:$0x15600] =	vst v63  }
0x8c: {  	_ =	swait.ge [sflag:s21], $0x3B00  }
0x8d: {  	[sflag:s21] =	ssyncset.done $0x0  }
0x8e: {  	[sflag:s21] =	ssyncadd.s32 $0xFFFFC500  }
0x8f: {  	[tilespmem:s22], [sflag:$0x3] =	stream.linear.gather [hbm4b:s11+s28], $0x3B00, $0x38;
	[tilespmem:$0x15600] =	vst v63  }
0x90: {  	_ =	swait.ge [sflag:s21], $0x3B00  }
0x91: {  	[sflag:s21] =	ssyncset.done $0x0  }
0x92: {  	[sflag:s21] =	ssyncadd.s32 $0xFFFFC500  }
0x93: {  	[tilespmem:s20], [sflag:$0x1] =	stream.indirect.gather [hbm4b:s1+s23], $0x40, s28, s23, $0xb8;
	[tilespmem:$0x15600] =	vst v63  }
0x94: {  	_ = 	snop  }
0x95: {  	[tilespmem:s24], [sflag:$0x2] =	stream.indirect.gather [hbm4b:s1+s23], $0x40, s23, s23, $0xb8;
	[tilespmem:$0x15600] =	vst v63  }
0x96: {  	_ =	swait.ge [sflag:s25], $0x2000  }
0x97: {  	[sflag:s25] =	ssyncset.done $0x0  }
0x98: {  	s28 =	simm.s32 $0x3B00;
	[sflag:s25] =	ssyncadd.s32 $0xFFFFE000  }
0x99: {  	[spmem:s2] =	stream.indirect.scatter.add.f32 [tilespmem:s20], [sflag:$0x3], $0x40, s28, s23, $0xb8;
	[tilespmem:$0x15600] =	vst v63  }
0x9a: {  	_ =	swait.ge [sflag:s21], $0x2000  }
0x9b: {  	[sflag:s21] =	ssyncset.done $0x0  }
0x9c: {  	s28 =	simm.s32 $0x100;
	[sflag:s21] =	ssyncadd.s32 $0xFFFFE000  }
0x9d: {  	[tilespmem:s20], [sflag:$0x1] =	stream.indirect.gather [hbm4b:s1+s23], $0x40, s28, s23, $0xb8;
	[tilespmem:$0x15600] =	vst v63  }
0x9e: {  	_ =	swait.ge [sflag:s26], $0x2000  }
0x9f: {  	p1 =	por $0x0, $0x0;
	[sflag:s26] =	ssyncset.done $0x0  }
.Ltmp6:
0xa0: {  	s28 =	simm.s32 $0x3B80;
	[sflag:s26] =	ssyncadd.s32 $0xFFFFE000;
	(pc) =	sbr.rel @p1 .LBB2_6-.Ltmp6, $4  }
0xa1: {  	[spmem:s2] =	stream.indirect.scatter.add.f32 [tilespmem:s24], [sflag:$0x3], $0x40, s28, s23, $0xb8;
	[tilespmem:$0x15600] =	vst v63  }
0xa2: {  	_ =	swait.ge [sflag:s21], $0x2000  }
0xa3: {  	[sflag:s21] =	ssyncset.done $0x0  }
0xa4: {  	s29 =	simm.s32 $0x180;
	s28 =	simm.s32 $0x400;
	[sflag:s21] =	ssyncadd.s32 $0xFFFFE000  }
.LBB2_5:
0xa5: {  	[tilespmem:s24], [sflag:$0x2] =	stream.indirect.gather [hbm4b:s1+s23], $0x40, s29, s23, $0xb8;
	[tilespmem:$0x15600] =	vst v63  }
0xa6: {  	s29 =	smov.u32 s28  }
0xa7: {  	p1 =	seq.s32 s28, $0xE400;
	s28 =	sadd.s32 $0x400, s28;
	_ =	swait.ge [sflag:s25], $0x2000  }
0xa8: {  	s29 =	sshra.s32 s29, $0x2;
	[sflag:s25] =	ssyncset.done $0x0  }
0xa9: {  	s30 =	sadd.s32 $0x3B00, s29;
	[sflag:s25] =	ssyncadd.s32 $0xFFFFE000  }
0xaa: {  	[spmem:s2] =	stream.indirect.scatter.add.f32 [tilespmem:s20], [sflag:$0x3], $0x40, s30, s23, $0xb8;
	[tilespmem:$0x15600] =	vst v63  }
0xab: {  	_ =	swait.ge [sflag:s21], $0x2000  }
0xac: {  	[sflag:s21] =	ssyncset.done $0x0  }
0xad: {  	s30 =	sadd.s32 $0x100, s29;
	[sflag:s21] =	ssyncadd.s32 $0xFFFFE000  }
0xae: {  	[tilespmem:s20], [sflag:$0x1] =	stream.indirect.gather [hbm4b:s1+s23], $0x40, s30, s23, $0xb8;
	[tilespmem:$0x15600] =	vst v63  }
0xaf: {  	_ =	swait.ge [sflag:s26], $0x2000  }
0xb0: {  	[sflag:s26] =	ssyncset.done $0x0  }
.Ltmp7:
0xb1: {  	s30 =	sadd.s32 $0x3B80, s29;
	[sflag:s26] =	ssyncadd.s32 $0xFFFFE000;
	(pc) =	sbr.rel @!p1 .LBB2_5-.Ltmp7, $4  }
0xb2: {  	[spmem:s2] =	stream.indirect.scatter.add.f32 [tilespmem:s24], [sflag:$0x3], $0x40, s30, s23, $0xb8;
	[tilespmem:$0x15600] =	vst v63  }
0xb3: {  	_ =	swait.ge [sflag:s21], $0x2000  }
0xb4: {  	[sflag:s21] =	ssyncset.done $0x0  }
0xb5: {  	s29 =	sadd.s32 $0x180, s29;
	[sflag:s21] =	ssyncadd.s32 $0xFFFFE000  }
.Ltmp8:
0xb6: {  	_ = 	snop;
	(pc) =	sbr.rel .LBB2_6-.Ltmp8, $1  }
0xb7: {  	_ =	sdelay $0x3  }
.LBB2_11:
0xb8: {  	_ =	sfence.sel $0x180000  }
0xb9: {  	[bflag:$0x0] =	sbarrier.arrive $0xFFFF  }
0xba: {  	p0 =	sne.s32 s4, $0x0;
	_ =	strace $0x9000004A  }
0xbb: {  	s0 =	sadd.s32 @!p0 $0x100000, s0;
	[bflag:$0x2] =	sbarrier.arrive $0xFFFF  }
0xbc: {  	[sflag:s0] =	ssyncadd.tile.s32 @!p0 $0x1;
	_ =	shalt  }
.Lfunc_end2:
_tile_overlayer_lowered:
.L_overlay_start_2:
0xbd: {  	(tag) =	ssettag $0x2  }
0xbe: {  	s0 =	rddreg [dreg:$0x0];
	s2 =	stileid.u32  }
0xbf: {  	s1 =	rddreg [dreg:$0x1];
	p0 =	sne.s32 s2, $0x0  }
0xc0: {  	s3 =	rddreg [dreg:$0x2];
	[bflag:$0x3] =	sbarrier.arrive $0xFFFF;
	s2 =	simm.s32 @!p0 $0x1C03  }
0xc1: {  	[timem:s3], [sflag:s2] =	dma.local @!p0 [hbm:s0], s1  }
0xc2: {  	s0 =	simm.s32 @!p0 $0x3  }
0xc3: {  	_ =	swait.ge @!p0 [sflag:s0], s1  }
0xc4: {  	s1 =	ssub.s32 @!p0 $0x0, s1;
	[sflag:s0] =	ssyncset.done @!p0 $0x0  }
0xc5: {  	[sflag:s0] =	ssyncadd.s32 @!p0 s1  }
0xc6: {  	[bflag:$0x3] =	sbarrier.arrive $0xFFFF  }
0xc7: {  	_ =	shalt  }

// kernel: kernel.14.cloned.1.call-start
scs
__scs_entry_jumppad:
0x0: {  	(pc) =	sbr.rel $0x88, $3  }
0x1: {  	(tag) =	ssettag $0x0;
	lr =	simm.s32 $0x1  }
0x2: {  	[smem:$0x3F9B] =	sst lr;
	_ =	strace $0xD0000000  }
0x3: {  	_ = 	snop  }
0x4: {  	_ = 	snop  }
0x5: {  	_ = 	snop  }
0x6: {  	_ = 	snop  }
0x7: {  	_ = 	snop  }
__scs_overlays_trampoline_lowered:
0x8: {  	[smem:$0x3FAA] =	sst s0  }
0x9: {  	[smem:$0x3FAB] =	sst s1  }
0xa: {  	[smem:$0x3FAC] =	sst s2  }
0xb: {  	[smem:$0x3FAD] =	sst s3  }
0xc: {  	[smem:$0x3FAE] =	sst s4  }
0xd: {  	[smem:$0x3FAF] =	sst s5  }
0xe: {  	[smem:$0x3FB0] =	sst s6  }
0xf: {  	[smem:$0x3FB1] =	sst s7  }
0x10: {  	[smem:$0x3FB2] =	sst s8  }
0x11: {  	[smem:$0x3FB3] =	sst s9;
	s0 =	simm.s32 @!p0 $0x0  }
0x12: {  	s1 =	sld [smem:$0x3F99];
	s0 =	simm.s32 @p0 $0x1  }
0x13: {  	[smem:$0x3FB4] =	sst s0;
	s0 =	simm.s32 @!p1 $0x0  }
0x14: {  	s2 =	sld [smem:$0x3F98];
	s0 =	simm.s32 @p1 $0x1  }
0x15: {  	[smem:$0x3FB5] =	sst s0;
	s0 =	simm.s32 @!p2 $0x0  }
0x16: {  	s3 =	sld [smem:$0x3FDB];
	s0 =	simm.s32 @p2 $0x1  }
0x17: {  	s4 =	simm.s32 $0x1BF5;
	[smem:$0x3FB7] =	sst s0  }
0x18: {  	s0 =	sld [smem:$0x3F9A];
	_ =	swait.ge [sflag:s4], $0x0  }
0x19: {  	s7 =	sld [smem:$0x3F9B]  }
0x1a: {  	s8 =	sadd.s32 $0xFFFFE003, lr  }
0x1b: {  	s9 =	sadd.s32 $0xFFFFFEF7, lr;
	s5 =	simm.s32 $0xFFFFFFFF;
	p2 =	slt.u32 s8, $0xFFFFF086  }
0x1c: {  	p1 =	slt.u32 s9, $0xF7A;
	s5 =	simm.s32 @!p2 $0x0  }
0x1d: {  	s5 =	simm.s32 @p1 $0x1;
	p0 =	seq.s32 s7, s2  }
0x1e: {  	s7 =	smul.u32 @!p0 $0xF7A, s2;
	p2 =	seq.s32 @!p0 s5, $0x0  }
0x1f: {  	s9 =	smul.u32 $0xF7A, s1;
	s8 =	simm.s32 @!p0 $0x1BF5;
	p2 =	por !p2, p0  }
0x20: {  	[sflag:s8] =	ssyncset.s32 @!p0 $0xFFFFF086;
	s6 =	sadd.s32 @!p0 s3, s7;
	s7 =	simm.s32 @!p0 $0x108  }
0x21: {  	s3 =	sadd.s32 s3, s9;
	s6 =	sadd.s32 @!p0 $0x88, s6;
	s7 =	simm.s32 @p2 $0x1082  }
0x22: {  	[simem:s7], [sflag:s8] =	dma.local @!p0 [hbm:s6], $0xF7A  }
0x23: {  	s9 =	sor.u32 $0xD0000000, s2;
	s6 =	simm.s32 $0x108;
	_ =	swait.ge @!p0 [sflag:s8], $0x0  }
0x24: {  	s3 =	sadd.s32 $0x88, s3;
	s6 =	simm.s32 @!p1 $0x1082;
	[sflag:s4] =	ssyncset.s32 $0xFFFFF086  }
0x25: {  	[simem:s6], [sflag:s4] =	dma.local [hbm:s3], $0xF7A  }
0x26: {  	[smem:$0x3F9B] =	sst s1;
	(tag) =	ssettag s2;
	_ =	strace s9  }
0x27: {  	s1 =	sld [smem:$0x3FAB]  }
0x28: {  	s2 =	sld [smem:$0x3FAC]  }
0x29: {  	s4 =	sld [smem:$0x3FAE]  }
0x2a: {  	p0 =	seq.s32 s5, $0x0;
	s5 =	sld [smem:$0x3FAF]  }
0x2b: {  	s6 =	sld [smem:$0x3FB0]  }
0x2c: {  	s7 =	sld [smem:$0x3FB1]  }
0x2d: {  	s3 =	simm.s32 $0x108;
	s8 =	sld [smem:$0x3FB2]  }
0x2e: {  	s3 =	simm.s32 @!p0 $0x1082;
	s9 =	sld [smem:$0x3FB3]  }
0x2f: {  	lr =	sadd.s32 s0, s3;
	s0 =	sld [smem:$0x3FAA]  }
0x30: {  	s3 =	sld [smem:$0x3FAD]  }
0x31: {  	[smem:$0x3FB6] =	sst s10  }
0x32: {  	s10 =	sld [smem:$0x3FB4];
	_ =	sdelay $0x3  }
0x33: {  	p0 =	seq.s32 s10, $0x1;
	s10 =	sld [smem:$0x3FB6];
	_ =	sdelay $0x3  }
0x34: {  	[smem:$0x3FB6] =	sst s10  }
0x35: {  	s10 =	sld [smem:$0x3FB5];
	_ =	sdelay $0x3  }
0x36: {  	p1 =	seq.s32 s10, $0x1;
	s10 =	sld [smem:$0x3FB6];
	_ =	sdelay $0x3  }
0x37: {  	[smem:$0x3FB6] =	sst s10  }
0x38: {  	s10 =	sld [smem:$0x3FB7]  }
0x39: {  	_ = 	snop;
	(pc) =	sbr.ind lr, $3  }
0x3a: {  	_ = 	snop  }
0x3b: {  	_ = 	snop  }
0x3c: {  	p2 =	seq.s32 s10, $0x1;
	s10 =	sld [smem:$0x3FB6]  }
0x3d: {  	_ =	shalt  }
0x3e: {  	_ =	shalt  }
0x3f: {  	_ =	shalt  }
0x40: {  	_ =	shalt  }
0x41: {  	_ =	shalt  }
0x42: {  	_ =	shalt  }
0x43: {  	_ =	shalt  }
0x44: {  	_ =	shalt  }
0x45: {  	_ =	shalt  }
0x46: {  	_ =	shalt  }
0x47: {  	_ =	shalt  }
0x48: {  	_ =	shalt  }
0x49: {  	_ =	shalt  }
0x4a: {  	_ =	shalt  }
0x4b: {  	_ =	shalt  }
0x4c: {  	_ =	shalt  }
0x4d: {  	_ =	shalt  }
0x4e: {  	_ =	shalt  }
0x4f: {  	_ =	shalt  }
0x50: {  	_ =	shalt  }
0x51: {  	_ =	shalt  }
0x52: {  	_ =	shalt  }
0x53: {  	_ =	shalt  }
0x54: {  	_ =	shalt  }
0x55: {  	_ =	shalt  }
0x56: {  	_ =	shalt  }
0x57: {  	_ =	shalt  }
0x58: {  	_ =	shalt  }
0x59: {  	_ =	shalt  }
0x5a: {  	_ =	shalt  }
0x5b: {  	_ =	shalt  }
0x5c: {  	_ =	shalt  }
0x5d: {  	_ =	shalt  }
0x5e: {  	_ =	shalt  }
0x5f: {  	_ =	shalt  }
0x60: {  	_ =	shalt  }
0x61: {  	_ =	shalt  }
0x62: {  	_ =	shalt  }
0x63: {  	_ =	shalt  }
0x64: {  	_ =	shalt  }
0x65: {  	_ =	shalt  }
0x66: {  	_ =	shalt  }
0x67: {  	_ =	shalt  }
0x68: {  	_ =	shalt  }
0x69: {  	_ =	shalt  }
0x6a: {  	_ =	shalt  }
0x6b: {  	_ =	shalt  }
0x6c: {  	_ =	shalt  }
0x6d: {  	_ =	shalt  }
0x6e: {  	_ =	shalt  }
0x6f: {  	_ =	shalt  }
0x70: {  	_ =	shalt  }
0x71: {  	_ =	shalt  }
0x72: {  	_ =	shalt  }
0x73: {  	_ =	shalt  }
0x74: {  	_ =	shalt  }
0x75: {  	_ =	shalt  }
0x76: {  	_ =	shalt  }
0x77: {  	_ =	shalt  }
0x78: {  	_ =	shalt  }
0x79: {  	_ =	shalt  }
0x7a: {  	_ =	shalt  }
0x7b: {  	_ =	shalt  }
0x7c: {  	_ =	shalt  }
0x7d: {  	_ =	shalt  }
0x7e: {  	_ =	shalt  }
0x7f: {  	_ =	shalt  }
0x80: {  	_ =	shalt  }
0x81: {  	_ =	shalt  }
0x82: {  	_ =	shalt  }
0x83: {  	_ =	shalt  }
0x84: {  	_ =	shalt  }
0x85: {  	_ =	shalt  }
0x86: {  	_ =	shalt  }
0x87: {  	_ =	shalt  }
.Lfunc_end0:
.L_simem_size_0:
called_computation.2_lowered:
.L_overlay_start_0:
0x88: {  	s2 =	sld [smem:$0x3FD9]  }
0x89: {  	s3 =	sld [smem:$0x3FFE];
	_ =	sdelay $0x1  }
0x8a: {  	s1 =	srdreg.scid  }
0x8b: {  	s0 =	sand.u32 $0x1, s1  }
0x8c: {  	s14 =	sshll.u32 s0, $0xA;
	s2 =	sadd.s32 s3, s2  }
0x8d: {  	s2 =	sadd.s32 s2, s14  }
0x8e: {  	[smem:$0x3FC2] =	sst s2  }
0x8f: {  	_ = 	snop  }
0x90: {  	s2 =	sld [smem:$0x3FD0];
	_ =	sdelay $0x2  }
0x91: {  	s15 =	simm.s32 $0xA;
	s4 =	simm.s32 $0x10  }
0x92: {  	[smem:s4], [sflag:s15] =	dma.local [hbm:s2], $0x1  }
0x93: {  	_ =	swait.eq [sflag:s15], $0x1  }
0x94: {  	[sflag:s15] =	ssyncset.done $0x0  }
0x95: {  	[sflag:s15] =	ssyncadd.s32 $0xFFFFFFFF  }
0x96: {  	s16 =	sld [smem:$0x11];
	(tm) =	ssettm $0x1  }
0x97: {  	s17 =	sld [smem:$0x3FFB];
	_ =	sdelay $0x3  }
0x98: {  	_ =	strace s17  }
0x99: {  	s3 =	sld [smem:$0x3FFC];
	_ =	sdelay $0x3  }
0x9a: {  	_ =	strace s3  }
0x9b: {  	s3 =	sld [smem:$0x3FFD];
	_ =	sdelay $0x3  }
0x9c: {  	_ =	strace s3  }
0x9d: {  	_ =	strace $0x8FFFFFFF  }
0x9e: {  	s18 =	sld [smem:$0x3FDB];
	_ =	sdelay $0x1  }
0x9f: {  	s19 =	simm.s32 $_scs_section_size  }
0xa0: {  	s5 =	simm.s32 $_size__tile_overlayer_lowered;
	s6 =	simm.s32 $_tile_overlayer_lowered  }
0xa1: {  	s22 =	simm.s32 $0x1BFF;
	s21 =	sshll.u32 s6, $0x1;
	s3 =	sadd.s32 s19, s18  }
0xa2: {  	s7 =	simm.s32 $0x0;
	s20 =	sshll.u32 s5, $0x1;
	s5 =	sadd.s32 s21, s3  }
0xa3: {  	[timem:s7], [sflag:s22] =	dma.local [hbm:s5], s20  }
0xa4: {  	_ =	swait.ge [sflag:s22], s20  }
0xa5: {  	s4 =	ssub.s32 $0x0, s20;
	[sflag:s22] =	ssyncset.done $0x0  }
0xa6: {  	[sflag:s22] =	ssyncadd.s32 s4;
	_ =	sdelay $0x1  }
0xa7: {  	s23 =	simm.s32 $0x1B8B  }
0xa8: {  	_ =	swait.ge [sflag:s23], $0x1  }
0xa9: {  	[sflag:s23] =	ssyncset.done $0x0  }
0xaa: {  	s25 =	simm.s32 $0x1B8E;
	s24 =	sld [smem:$0x3FFE];
	[sflag:s23] =	ssyncadd.s32 $0xFFFFFFFF  }
0xab: {  	s26 =	simm.s32 $execute0_lowered;
	[smem:$0x3FD2] =	sst s25  }
0xac: {  	s5 =	sshll.u32 s26, $0x1;
	_ =	strace $0x8000004C;
	[dreg:$0x1] =	wrdreg $0xFFFFFFFF  }
0xad: {  	s28 =	simm.s32 $_size_execute0_lowered;
	s3 =	sadd.s32 s3, s5;
	[dreg:$0x0] =	wrdreg $0x0  }
0xae: {  	s5 =	sshll.u32 s28, $0x1;
	[dreg:$0x2] =	wrdreg s3  }
0xaf: {  	[dreg:$0x3] =	wrdreg s5  }
0xb0: {  	[dreg:$0x4] =	wrdreg $0xC0  }
0xb1: {  	_ =	task [dreg:s7], $0x5FFFF  }
0xb2: {  	[dreg:$0x1] =	wrdreg $0xFFFFFFFF  }
0xb3: {  	[dreg:$0x0] =	wrdreg $0x60  }
0xb4: {  	[dreg:$0x2] =	wrdreg s16  }
0xb5: {  	[dreg:$0x3] =	wrdreg s24  }
0xb6: {  	[dreg:$0x4] =	wrdreg $0xB6000  }
0xb7: {  	[dreg:$0x5] =	wrdreg $0x9  }
0xb8: {  	_ =	task.clear_ibuf [dreg:s7], $0x6FFFF;
	_ =	strace $0x9000004C  }
0xb9: {  	s29 =	simm.s32 $0x9;
	_ =	strace $0x8000004E  }
0xba: {  	_ =	swait.ge [sflag:s29], $0x1  }
0xbb: {  	[sflag:s29] =	ssyncadd.s32 $0xFFFFFFFF  }
0xbc: {  	_ =	strace $0x9000004E  }
0xbd: {  	_ =	sfence  }
0xbe: {  	s30 =	sld [smem:$0x0];
	_ =	sdelay $0x2  }
0xbf: {  	s31 =	sshll.u32 s1, $0xD;
	s1 =	sshrl.u32 s1, $0x2  }
0xc0: {  	s3 =	sand.u32 $0x4000, s31;
	s1 =	sadd.s32 s1, s30  }
0xc1: {  	s0 =	sor.u32 s3, s0;
	s1 =	sshll.u32 s1, $0x11  }
0xc2: {  	s0 =	sor.u32 s1, s0  }
0xc3: {  	s0 =	sadd.s32 $0x8F2B, s0  }
0xc4: {  	[sflag:s0] =	ssyncadd.remote.s32 $0x1  }
0xc5: {  	_ =	sfence.sel $0xFFFF  }
0xc6: {  	[dreg:$0x0] =	wrdreg $0xFFFFFFFF;
	(pc) =	sbr.abs _section_cstart, $3  }
0xc7: {  	[dreg:$0x1] =	wrdreg $0xFFFFFFFF  }
0xc8: {  	_ =	task.clear_ibuf [dreg:s7], $0x2FFFF;
	_ =	strace $0x9FFFFFFF  }
0xc9: {  	(tm) =	ssettm $0x7FFFFFFF  }
tec
execute0_lowered:
.L_overlay_start_1:
0x0: {  	(tag) =	ssettag $0x1  }
0x1: {  	s1 =	rddreg [dreg:$0x0]  }
0x2: {  	s5 =	rddreg [dreg:$0x1]  }
0x3: {  	s2 =	rddreg [dreg:$0x2]  }
0x4: {  	s0 =	rddreg [dreg:$0x3];
	s3 =	simm.s32 $0x0;
	s4 =	srdreg.scid  }
0x5: {  	s24 =	simm.s32 $0x9600;
	s25 =	simm.s32 $0x1;
	s26 =	simm.s32 $0x2  }
0x6: {  	[smem:$0x7FF] =	sst s3;
	s10 =	sand.u32 $0x1, s4;
	s4 =	stileid.u32  }
0x7: {  	s12 =	sadd.s32 $0xCE00, s5;
	s14 =	sadd.s32 $0x2E00, s5;
	s13 =	smul.u32 $0xA000, s4  }
0x8: {  	s18 =	sadd.s32 $0x16E00, s5;
	s6 =	ssub.s32 $0x2, s10;
	s11 =	smul.u32 $0x760, s4  }
0x9: {  	_ =	strace $0x8000004D;
	s21 =	smul.u32 $0x1500, s4;
	s7 =	sshrl.u32 s6, $0x1  }
0xa: {  	s22 =	smul.u32 $0xA0000, s10;
	p0 =	seq.s32 s10, $0x1;
	s19 =	ssub.s32 s6, s7  }
0xb: {  	s5 =	sadd.s32 s13, s2;
	s15 =	sadd.s32 $0x2000, s13;
	s16 =	sadd.s32 $0x4000, s13  }
0xc: {  	s17 =	sadd.s32 $0x6000, s13;
	s20 =	sadd.s32 $0x8000, s13;
	s10 =	sadd.s32 s12, s11  }
0xd: {  	s21 =	sshrl.u32 s21, $0x3;
	s11 =	sadd.s32 s14, s11;
	s13 =	sadd.s32 s13, s22  }
0xe: {  	s6 =	sadd.s32 s15, s2;
	s7 =	sadd.s32 s16, s2;
	s8 =	sadd.s32 s17, s2  }
0xf: {  	s9 =	sadd.s32 s20, s2;
	s21 =	sadd.s32 $0x7600, s21;
	s23 =	sshrl.u32 s13, $0x3  }
0x10: {  	s15 =	sadd.s32 s22, s15;
	s16 =	sadd.s32 s22, s16;
	s17 =	sadd.s32 s22, s17  }
0x11: {  	s20 =	sadd.s32 s22, s20;
	s19 =	smax.u32 s19, $0x1;
	s22 =	simm.s32 $0x3B00  }
.Ltmp0:
0x12: {  	s12 =	sadd.s32 s12, s21;
	s13 =	sadd.s32 s14, s21;
	(pc) =	sbr.rel .LBB2_1-.Ltmp0, $4  }
0x13: {  	s14 =	sadd.s32 s18, s23;
	s15 =	sshrl.u32 s15, $0x3;
	s16 =	sshrl.u32 s16, $0x3  }
0x14: {  	s17 =	sshrl.u32 s17, $0x3;
	s20 =	sshrl.u32 s20, $0x3;
	s21 =	simm.s32 $0x3  }
0x15: {  	s23 =	simm.s32 $0x80;
	s15 =	sadd.s32 s18, s15;
	s16 =	sadd.s32 s18, s16  }
0x16: {  	v0 =	vimm.f32 $0.0e+00;
	s17 =	sadd.s32 s18, s17;
	s18 =	sadd.s32 s18, s20;
	s20 =	simm.s32 $0x7600  }
.LBB2_6:
0x17: {  	[tilespmem:s24], [sflag:$0x2] =	stream.indirect.gather [hbm4b:s1+s23], $0x40, s29, s23, $0xb8;
	[tilespmem:$0x15600] =	vst v63  }
0x18: {  	s28 =	simm.s32 $0x7580;
	s29 =	simm.s32 $0x7500  }
.LBB2_10:
0x19: {  	_ =	swait.ge [sflag:s25], $0x2000  }
0x1a: {  	[sflag:s25] =	ssyncset.done $0x0  }
0x1b: {  	[sflag:s25] =	ssyncadd.s32 $0xFFFFE000  }
0x1c: {  	[spmem:s2] =	stream.indirect.scatter.add.f32 [tilespmem:s20], [sflag:$0x3], $0x40, s29, s23, $0xb8;
	[tilespmem:$0x15600] =	vst v63  }
0x1d: {  	_ =	swait.ge [sflag:s21], $0x2000  }
0x1e: {  	[sflag:s21] =	ssyncset.done $0x0  }
0x1f: {  	[sflag:s21] =	ssyncadd.s32 $0xFFFFE000  }
0x20: {  	_ =	swait.ge [sflag:s26], $0x2000  }
0x21: {  	[sflag:s26] =	ssyncset.done $0x0  }
0x22: {  	[sflag:s26] =	ssyncadd.s32 $0xFFFFE000  }
0x23: {  	[spmem:s2] =	stream.indirect.scatter.add.f32 [tilespmem:s24], [sflag:$0x3], $0x40, s28, s23, $0xb8;
	[tilespmem:$0x15600] =	vst v63  }
0x24: {  	_ =	swait.ge [sflag:s21], $0x2000  }
0x25: {  	[sflag:s21] =	ssyncset.done $0x0  }
0x26: {  	s30 =	sshll.u32 s4, $0x6;
	[sflag:s21] =	ssyncadd.s32 $0xFFFFE000  }
0x27: {  	s31 =	sshrl.u32 s5, $0x3;
	s28 =	sor.u32 $0x1C03, s30;
	[bflag:$0x0] =	sbarrier.arrive $0xFFFF  }
0x28: {  	[hbm:s14], [sflag:s28] =	dma.local [spmem:s31], $0x400  }
0x29: {  	_ =	swait.ge [sflag:s21], $0x400  }
0x2a: {  	[sflag:s21] =	ssyncset.done $0x0  }
0x2b: {  	s30 =	sshrl.u32 s6, $0x3;
	[sflag:s21] =	ssyncadd.s32 $0xFFFFFC00  }
0x2c: {  	[hbm:s15], [sflag:s28] =	dma.local [spmem:s30], $0x400  }
0x2d: {  	_ =	swait.ge [sflag:s21], $0x400  }
0x2e: {  	[sflag:s21] =	ssyncset.done $0x0  }
0x2f: {  	s31 =	sshrl.u32 s7, $0x3;
	[sflag:s21] =	ssyncadd.s32 $0xFFFFFC00  }
0x30: {  	[hbm:s16], [sflag:s28] =	dma.local [spmem:s31], $0x400  }
0x31: {  	_ =	swait.ge [sflag:s21], $0x400  }
0x32: {  	[sflag:s21] =	ssyncset.done $0x0  }
0x33: {  	s30 =	sshrl.u32 s8, $0x3;
	[sflag:s21] =	ssyncadd.s32 $0xFFFFFC00  }
0x34: {  	[hbm:s17], [sflag:s28] =	dma.local [spmem:s30], $0x400  }
0x35: {  	s3 =	sadd.s32 $0x1, s3;
	_ =	swait.ge [sflag:s21], $0x400  }
0x36: {  	p1 =	sne.s32 s3, s19;
	[sflag:s21] =	ssyncset.done $0x0  }
.Ltmp1:
0x37: {  	s31 =	sshrl.u32 s9, $0x3;
	[sflag:s21] =	ssyncadd.s32 $0xFFFFFC00;
	(pc) =	sbr.rel @!p1 .LBB2_11-.Ltmp1, $4  }
0x38: {  	[hbm:s18], [sflag:s28] =	dma.local [spmem:s31], $0x400  }
0x39: {  	_ =	swait.ge [sflag:s21], $0x400  }
0x3a: {  	[sflag:s21] =	ssyncset.done $0x0  }
0x3b: {  	[sflag:s21] =	ssyncadd.s32 $0xFFFFFC00  }
.LBB2_1:
0x3c: {  	s29 =	simm.s32 $0x100;
	s28 =	simm.s32 $0x0  }
.LBB2_2:
0x3d: {  	p1 =	sne.s32 s29, $0x7F00;
	[tilespmem:s28+$0x7630] =	vst v0;
	s30 =	smov.u32 s29;
	s29 =	sadd.s32 $0x100, s29  }
.Ltmp2:
0x3e: {  	[tilespmem:s28+$0x7620] =	vst v0;
	(pc) =	sbr.rel @p1 .LBB2_2-.Ltmp2, $3  }
0x3f: {  	[tilespmem:s28+$0x7600] =	vst v0  }
0x40: {  	[tilespmem:s28+$0x7610] =	vst v0;
	_ =	sdelay $0x1  }
0x41: {  	s28 =	sshra.s32 s30, $0x2  }
0x42: {  	[tilespmem:s28+$0x7630] =	vst v0  }
0x43: {  	[tilespmem:s28+$0x7620] =	vst v0  }
0x44: {  	[tilespmem:s28+$0x7600] =	vst v0  }
0x45: {  	[tilespmem:s28+$0x7610] =	vst v0  }
0x46: {  	[spmem:s5] =	stream.linear.scatter [tilespmem:s20], [sflag:$0x3], $0x2000, $0x38;
	[tilespmem:$0x15600] =	vst v63  }
0x47: {  	_ =	swait.ge [sflag:s21], $0x2000  }
0x48: {  	[sflag:s21] =	ssyncset.done $0x0  }
0x49: {  	[sflag:s21] =	ssyncadd.s32 $0xFFFFE000  }
0x4a: {  	[spmem:s6] =	stream.linear.scatter [tilespmem:s20], [sflag:$0x3], $0x2000, $0x38;
	[tilespmem:$0x15600] =	vst v63  }
0x4b: {  	_ =	swait.ge [sflag:s21], $0x2000  }
0x4c: {  	[sflag:s21] =	ssyncset.done $0x0  }
0x4d: {  	[sflag:s21] =	ssyncadd.s32 $0xFFFFE000  }
0x4e: {  	[spmem:s7] =	stream.linear.scatter [tilespmem:s20], [sflag:$0x3], $0x2000, $0x38;
	[tilespmem:$0x15600] =	vst v63  }
0x4f: {  	_ =	swait.ge [sflag:s21], $0x2000  }
0x50: {  	[sflag:s21] =	ssyncset.done $0x0  }
0x51: {  	[sflag:s21] =	ssyncadd.s32 $0xFFFFE000  }
0x52: {  	[spmem:s8] =	stream.linear.scatter [tilespmem:s20], [sflag:$0x3], $0x2000, $0x38;
	[tilespmem:$0x15600] =	vst v63  }
0x53: {  	_ =	swait.ge [sflag:s21], $0x2000  }
0x54: {  	[sflag:s21] =	ssyncset.done $0x0  }
0x55: {  	[sflag:s21] =	ssyncadd.s32 $0xFFFFE000  }
0x56: {  	[spmem:s9] =	stream.linear.scatter [tilespmem:s20], [sflag:$0x3], $0x2000, $0x38;
	[tilespmem:$0x15600] =	vst v63  }
.Ltmp3:
0x57: {  	_ =	swait.ge [sflag:s21], $0x2000;
	(pc) =	sbr.rel @!p0 .LBB2_4-.Ltmp3, $4  }
0x58: {  	[sflag:s21] =	ssyncset.done $0x0  }
0x59: {  	[sflag:s21] =	ssyncadd.s32 $0xFFFFE000  }
0x5a: {  	[bflag:$0x0] =	sbarrier.arrive $0xFFFF  }
0x5b: {  	s28 =	simm.s32 $0x0  }
0x5c: {  	[tilespmem:s28], [sflag:$0x3] =	stream.linear.gather [hbm4b:s12+s28], $0x1500, $0x38;
	[tilespmem:$0x15600] =	vst v63  }
0x5d: {  	_ =	swait.ge [sflag:s21], $0x1500  }
0x5e: {  	[sflag:s21] =	ssyncset.done $0x0  }
0x5f: {  	[sflag:s21] =	ssyncadd.s32 $0xFFFFEB00  }
0x60: {  	[tilespmem:s22], [sflag:$0x3] =	stream.linear.gather [hbm4b:s13+s28], $0x1500, $0x38;
	[tilespmem:$0x15600] =	vst v63  }
0x61: {  	_ =	swait.ge [sflag:s21], $0x1500  }
0x62: {  	[sflag:s21] =	ssyncset.done $0x0  }
0x63: {  	[sflag:s21] =	ssyncadd.s32 $0xFFFFEB00  }
0x64: {  	[tilespmem:s20], [sflag:$0x1] =	stream.indirect.gather [hbm4b:s1+s23], $0x40, s28, s23, $0xb8;
	[tilespmem:$0x15600] =	vst v63  }
0x65: {  	_ = 	snop  }
0x66: {  	[tilespmem:s24], [sflag:$0x2] =	stream.indirect.gather [hbm4b:s1+s23], $0x40, s23, s23, $0xb8;
	[tilespmem:$0x15600] =	vst v63  }
0x67: {  	_ =	swait.ge [sflag:s25], $0x2000  }
0x68: {  	[sflag:s25] =	ssyncset.done $0x0  }
0x69: {  	s28 =	simm.s32 $0x3B00;
	[sflag:s25] =	ssyncadd.s32 $0xFFFFE000  }
0x6a: {  	[spmem:s2] =	stream.indirect.scatter.add.f32 [tilespmem:s20], [sflag:$0x3], $0x40, s28, s23, $0xb8;
	[tilespmem:$0x15600] =	vst v63  }
0x6b: {  	_ =	swait.ge [sflag:s21], $0x2000  }
0x6c: {  	[sflag:s21] =	ssyncset.done $0x0  }
0x6d: {  	s28 =	simm.s32 $0x100;
	[sflag:s21] =	ssyncadd.s32 $0xFFFFE000  }
0x6e: {  	[tilespmem:s20], [sflag:$0x1] =	stream.indirect.gather [hbm4b:s1+s23], $0x40, s28, s23, $0xb8;
	[tilespmem:$0x15600] =	vst v63  }
0x6f: {  	_ =	swait.ge [sflag:s26], $0x2000  }
0x70: {  	[sflag:s26] =	ssyncset.done $0x0  }
0x71: {  	s28 =	simm.s32 $0x3B80;
	[sflag:s26] =	ssyncadd.s32 $0xFFFFE000  }
0x72: {  	[spmem:s2] =	stream.indirect.scatter.add.f32 [tilespmem:s24], [sflag:$0x3], $0x40, s28, s23, $0xb8;
	[tilespmem:$0x15600] =	vst v63  }
0x73: {  	_ =	swait.ge [sflag:s21], $0x2000  }
0x74: {  	[sflag:s21] =	ssyncset.done $0x0  }
0x75: {  	s29 =	simm.s32 $0x180;
	s28 =	simm.s32 $0x400;
	[sflag:s21] =	ssyncadd.s32 $0xFFFFE000  }
.LBB2_8:
0x76: {  	[tilespmem:s24], [sflag:$0x2] =	stream.indirect.gather [hbm4b:s1+s23], $0x40, s29, s23, $0xb8;
	[tilespmem:$0x15600] =	vst v63  }
0x77: {  	s29 =	smov.u32 s28  }
0x78: {  	p1 =	sne.s32 s28, $0x4C00;
	s28 =	sadd.s32 $0x400, s28;
	_ =	swait.ge [sflag:s25], $0x2000  }
0x79: {  	s29 =	sshra.s32 s29, $0x2;
	[sflag:s25] =	ssyncset.done $0x0  }
0x7a: {  	s30 =	sadd.s32 $0x3B00, s29;
	[sflag:s25] =	ssyncadd.s32 $0xFFFFE000  }
0x7b: {  	[spmem:s2] =	stream.indirect.scatter.add.f32 [tilespmem:s20], [sflag:$0x3], $0x40, s30, s23, $0xb8;
	[tilespmem:$0x15600] =	vst v63  }
0x7c: {  	_ =	swait.ge [sflag:s21], $0x2000  }
0x7d: {  	[sflag:s21] =	ssyncset.done $0x0  }
0x7e: {  	s30 =	sadd.s32 $0x100, s29;
	[sflag:s21] =	ssyncadd.s32 $0xFFFFE000  }
0x7f: {  	[tilespmem:s20], [sflag:$0x1] =	stream.indirect.gather [hbm4b:s1+s23], $0x40, s30, s23, $0xb8;
	[tilespmem:$0x15600] =	vst v63  }
0x80: {  	_ =	swait.ge [sflag:s26], $0x2000  }
0x81: {  	[sflag:s26] =	ssyncset.done $0x0  }
.Ltmp4:
0x82: {  	s30 =	sadd.s32 $0x3B80, s29;
	[sflag:s26] =	ssyncadd.s32 $0xFFFFE000;
	(pc) =	sbr.rel @p1 .LBB2_8-.Ltmp4, $4  }
0x83: {  	[spmem:s2] =	stream.indirect.scatter.add.f32 [tilespmem:s24], [sflag:$0x3], $0x40, s30, s23, $0xb8;
	[tilespmem:$0x15600] =	vst v63  }
0x84: {  	_ =	swait.ge [sflag:s21], $0x2000  }
0x85: {  	[sflag:s21] =	ssyncset.done $0x0  }
0x86: {  	s29 =	sadd.s32 $0x180, s29;
	[sflag:s21] =	ssyncadd.s32 $0xFFFFE000  }
.Ltmp5:
0x87: {  	(pc) =	sbr.rel .LBB2_10-.Ltmp5, $3  }
0x88: {  	_ =	sdelay $0x1  }
0x89: {  	[tilespmem:s24], [sflag:$0x2] =	stream.indirect.gather [hbm4b:s1+s23], $0x40, s29, s23, $0xb8;
	[tilespmem:$0x15600] =	vst v63  }
0x8a: {  	s28 =	simm.s32 $0x4F80;
	s29 =	simm.s32 $0x4F00  }
.LBB2_4:
0x8b: {  	[tilespmem:s28], [sflag:$0x3] =	stream.linear.gather [hbm4b:s10+s28], $0x3B00, $0x38;
	[tilespmem:$0x15600] =	vst v63  }
0x8c: {  	_ =	swait.ge [sflag:s21], $0x3B00  }
0x8d: {  	[sflag:s21] =	ssyncset.done $0x0  }
0x8e: {  	[sflag:s21] =	ssyncadd.s32 $0xFFFFC500  }
0x8f: {  	[tilespmem:s22], [sflag:$0x3] =	stream.linear.gather [hbm4b:s11+s28], $0x3B00, $0x38;
	[tilespmem:$0x15600] =	vst v63  }
0x90: {  	_ =	swait.ge [sflag:s21], $0x3B00  }
0x91: {  	[sflag:s21] =	ssyncset.done $0x0  }
0x92: {  	[sflag:s21] =	ssyncadd.s32 $0xFFFFC500  }
0x93: {  	[tilespmem:s20], [sflag:$0x1] =	stream.indirect.gather [hbm4b:s1+s23], $0x40, s28, s23, $0xb8;
	[tilespmem:$0x15600] =	vst v63  }
0x94: {  	_ = 	snop  }
0x95: {  	[tilespmem:s24], [sflag:$0x2] =	stream.indirect.gather [hbm4b:s1+s23], $0x40, s23, s23, $0xb8;
	[tilespmem:$0x15600] =	vst v63  }
0x96: {  	_ =	swait.ge [sflag:s25], $0x2000  }
0x97: {  	[sflag:s25] =	ssyncset.done $0x0  }
0x98: {  	s28 =	simm.s32 $0x3B00;
	[sflag:s25] =	ssyncadd.s32 $0xFFFFE000  }
0x99: {  	[spmem:s2] =	stream.indirect.scatter.add.f32 [tilespmem:s20], [sflag:$0x3], $0x40, s28, s23, $0xb8;
	[tilespmem:$0x15600] =	vst v63  }
0x9a: {  	_ =	swait.ge [sflag:s21], $0x2000  }
0x9b: {  	[sflag:s21] =	ssyncset.done $0x0  }
0x9c: {  	s28 =	simm.s32 $0x100;
	[sflag:s21] =	ssyncadd.s32 $0xFFFFE000  }
0x9d: {  	[tilespmem:s20], [sflag:$0x1] =	stream.indirect.gather [hbm4b:s1+s23], $0x40, s28, s23, $0xb8;
	[tilespmem:$0x15600] =	vst v63  }
0x9e: {  	_ =	swait.ge [sflag:s26], $0x2000  }
0x9f: {  	p1 =	por $0x0, $0x0;
	[sflag:s26] =	ssyncset.done $0x0  }
.Ltmp6:
0xa0: {  	s28 =	simm.s32 $0x3B80;
	[sflag:s26] =	ssyncadd.s32 $0xFFFFE000;
	(pc) =	sbr.rel @p1 .LBB2_6-.Ltmp6, $4  }
0xa1: {  	[spmem:s2] =	stream.indirect.scatter.add.f32 [tilespmem:s24], [sflag:$0x3], $0x40, s28, s23, $0xb8;
	[tilespmem:$0x15600] =	vst v63  }
0xa2: {  	_ =	swait.ge [sflag:s21], $0x2000  }
0xa3: {  	[sflag:s21] =	ssyncset.done $0x0  }
0xa4: {  	s29 =	simm.s32 $0x180;
	s28 =	simm.s32 $0x400;
	[sflag:s21] =	ssyncadd.s32 $0xFFFFE000  }
.LBB2_5:
0xa5: {  	[tilespmem:s24], [sflag:$0x2] =	stream.indirect.gather [hbm4b:s1+s23], $0x40, s29, s23, $0xb8;
	[tilespmem:$0x15600] =	vst v63  }
0xa6: {  	s29 =	smov.u32 s28  }
0xa7: {  	p1 =	seq.s32 s28, $0xE400;
	s28 =	sadd.s32 $0x400, s28;
	_ =	swait.ge [sflag:s25], $0x2000  }
0xa8: {  	s29 =	sshra.s32 s29, $0x2;
	[sflag:s25] =	ssyncset.done $0x0  }
0xa9: {  	s30 =	sadd.s32 $0x3B00, s29;
	[sflag:s25] =	ssyncadd.s32 $0xFFFFE000  }
0xaa: {  	[spmem:s2] =	stream.indirect.scatter.add.f32 [tilespmem:s20], [sflag:$0x3], $0x40, s30, s23, $0xb8;
	[tilespmem:$0x15600] =	vst v63  }
0xab: {  	_ =	swait.ge [sflag:s21], $0x2000  }
0xac: {  	[sflag:s21] =	ssyncset.done $0x0  }
0xad: {  	s30 =	sadd.s32 $0x100, s29;
	[sflag:s21] =	ssyncadd.s32 $0xFFFFE000  }
0xae: {  	[tilespmem:s20], [sflag:$0x1] =	stream.indirect.gather [hbm4b:s1+s23], $0x40, s30, s23, $0xb8;
	[tilespmem:$0x15600] =	vst v63  }
0xaf: {  	_ =	swait.ge [sflag:s26], $0x2000  }
0xb0: {  	[sflag:s26] =	ssyncset.done $0x0  }
.Ltmp7:
0xb1: {  	s30 =	sadd.s32 $0x3B80, s29;
	[sflag:s26] =	ssyncadd.s32 $0xFFFFE000;
	(pc) =	sbr.rel @!p1 .LBB2_5-.Ltmp7, $4  }
0xb2: {  	[spmem:s2] =	stream.indirect.scatter.add.f32 [tilespmem:s24], [sflag:$0x3], $0x40, s30, s23, $0xb8;
	[tilespmem:$0x15600] =	vst v63  }
0xb3: {  	_ =	swait.ge [sflag:s21], $0x2000  }
0xb4: {  	[sflag:s21] =	ssyncset.done $0x0  }
0xb5: {  	s29 =	sadd.s32 $0x180, s29;
	[sflag:s21] =	ssyncadd.s32 $0xFFFFE000  }
.Ltmp8:
0xb6: {  	_ = 	snop;
	(pc) =	sbr.rel .LBB2_6-.Ltmp8, $1  }
0xb7: {  	_ =	sdelay $0x3  }
.LBB2_11:
0xb8: {  	_ =	sfence.sel $0x180000  }
0xb9: {  	[bflag:$0x0] =	sbarrier.arrive $0xFFFF  }
0xba: {  	p0 =	sne.s32 s4, $0x0;
	_ =	strace $0x9000004D  }
0xbb: {  	s0 =	sadd.s32 @!p0 $0x100000, s0;
	[bflag:$0x2] =	sbarrier.arrive $0xFFFF  }
0xbc: {  	[sflag:s0] =	ssyncadd.tile.s32 @!p0 $0x1;
	_ =	shalt  }
.Lfunc_end2:
_tile_overlayer_lowered:
.L_overlay_start_2:
0xbd: {  	(tag) =	ssettag $0x2  }
0xbe: {  	s0 =	rddreg [dreg:$0x0];
	s2 =	stileid.u32  }
0xbf: {  	s1 =	rddreg [dreg:$0x1];
	p0 =	sne.s32 s2, $0x0  }
0xc0: {  	s3 =	rddreg [dreg:$0x2];
	[bflag:$0x3] =	sbarrier.arrive $0xFFFF;
	s2 =	simm.s32 @!p0 $0x1C03  }
0xc1: {  	[timem:s3], [sflag:s2] =	dma.local @!p0 [hbm:s0], s1  }
0xc2: {  	s0 =	simm.s32 @!p0 $0x3  }
0xc3: {  	_ =	swait.ge @!p0 [sflag:s0], s1  }
0xc4: {  	s1 =	ssub.s32 @!p0 $0x0, s1;
	[sflag:s0] =	ssyncset.done @!p0 $0x0  }
0xc5: {  	[sflag:s0] =	ssyncadd.s32 @!p0 s1  }
0xc6: {  	[bflag:$0x3] =	sbarrier.arrive $0xFFFF  }
0xc7: {  	_ =	shalt  }

// kernel: kernel.8.cloned.1.call-start
scs
__scs_entry_jumppad:
0x0: {  	(pc) =	sbr.rel $0x88, $3  }
0x1: {  	(tag) =	ssettag $0x0;
	lr =	simm.s32 $0x1  }
0x2: {  	[smem:$0x3F9B] =	sst lr;
	_ =	strace $0xD0000000  }
0x3: {  	_ = 	snop  }
0x4: {  	_ = 	snop  }
0x5: {  	_ = 	snop  }
0x6: {  	_ = 	snop  }
0x7: {  	_ = 	snop  }
__scs_overlays_trampoline_lowered:
0x8: {  	[smem:$0x3FAA] =	sst s0  }
0x9: {  	[smem:$0x3FAB] =	sst s1  }
0xa: {  	[smem:$0x3FAC] =	sst s2  }
0xb: {  	[smem:$0x3FAD] =	sst s3  }
0xc: {  	[smem:$0x3FAE] =	sst s4  }
0xd: {  	[smem:$0x3FAF] =	sst s5  }
0xe: {  	[smem:$0x3FB0] =	sst s6  }
0xf: {  	[smem:$0x3FB1] =	sst s7  }
0x10: {  	[smem:$0x3FB2] =	sst s8  }
0x11: {  	[smem:$0x3FB3] =	sst s9;
	s0 =	simm.s32 @!p0 $0x0  }
0x12: {  	s1 =	sld [smem:$0x3F99];
	s0 =	simm.s32 @p0 $0x1  }
0x13: {  	[smem:$0x3FB4] =	sst s0;
	s0 =	simm.s32 @!p1 $0x0  }
0x14: {  	s2 =	sld [smem:$0x3F98];
	s0 =	simm.s32 @p1 $0x1  }
0x15: {  	[smem:$0x3FB5] =	sst s0;
	s0 =	simm.s32 @!p2 $0x0  }
0x16: {  	s3 =	sld [smem:$0x3FDB];
	s0 =	simm.s32 @p2 $0x1  }
0x17: {  	s4 =	simm.s32 $0x1BF5;
	[smem:$0x3FB7] =	sst s0  }
0x18: {  	s0 =	sld [smem:$0x3F9A];
	_ =	swait.ge [sflag:s4], $0x0  }
0x19: {  	s7 =	sld [smem:$0x3F9B]  }
0x1a: {  	s8 =	sadd.s32 $0xFFFFE003, lr  }
0x1b: {  	s9 =	sadd.s32 $0xFFFFFEF7, lr;
	s5 =	simm.s32 $0xFFFFFFFF;
	p2 =	slt.u32 s8, $0xFFFFF086  }
0x1c: {  	p1 =	slt.u32 s9, $0xF7A;
	s5 =	simm.s32 @!p2 $0x0  }
0x1d: {  	s5 =	simm.s32 @p1 $0x1;
	p0 =	seq.s32 s7, s2  }
0x1e: {  	s7 =	smul.u32 @!p0 $0xF7A, s2;
	p2 =	seq.s32 @!p0 s5, $0x0  }
0x1f: {  	s9 =	smul.u32 $0xF7A, s1;
	s8 =	simm.s32 @!p0 $0x1BF5;
	p2 =	por !p2, p0  }
0x20: {  	[sflag:s8] =	ssyncset.s32 @!p0 $0xFFFFF086;
	s6 =	sadd.s32 @!p0 s3, s7;
	s7 =	simm.s32 @!p0 $0x108  }
0x21: {  	s3 =	sadd.s32 s3, s9;
	s6 =	sadd.s32 @!p0 $0x88, s6;
	s7 =	simm.s32 @p2 $0x1082  }
0x22: {  	[simem:s7], [sflag:s8] =	dma.local @!p0 [hbm:s6], $0xF7A  }
0x23: {  	s9 =	sor.u32 $0xD0000000, s2;
	s6 =	simm.s32 $0x108;
	_ =	swait.ge @!p0 [sflag:s8], $0x0  }
0x24: {  	s3 =	sadd.s32 $0x88, s3;
	s6 =	simm.s32 @!p1 $0x1082;
	[sflag:s4] =	ssyncset.s32 $0xFFFFF086  }
0x25: {  	[simem:s6], [sflag:s4] =	dma.local [hbm:s3], $0xF7A  }
0x26: {  	[smem:$0x3F9B] =	sst s1;
	(tag) =	ssettag s2;
	_ =	strace s9  }
0x27: {  	s1 =	sld [smem:$0x3FAB]  }
0x28: {  	s2 =	sld [smem:$0x3FAC]  }
0x29: {  	s4 =	sld [smem:$0x3FAE]  }
0x2a: {  	p0 =	seq.s32 s5, $0x0;
	s5 =	sld [smem:$0x3FAF]  }
0x2b: {  	s6 =	sld [smem:$0x3FB0]  }
0x2c: {  	s7 =	sld [smem:$0x3FB1]  }
0x2d: {  	s3 =	simm.s32 $0x108;
	s8 =	sld [smem:$0x3FB2]  }
0x2e: {  	s3 =	simm.s32 @!p0 $0x1082;
	s9 =	sld [smem:$0x3FB3]  }
0x2f: {  	lr =	sadd.s32 s0, s3;
	s0 =	sld [smem:$0x3FAA]  }
0x30: {  	s3 =	sld [smem:$0x3FAD]  }
0x31: {  	[smem:$0x3FB6] =	sst s10  }
0x32: {  	s10 =	sld [smem:$0x3FB4];
	_ =	sdelay $0x3  }
0x33: {  	p0 =	seq.s32 s10, $0x1;
	s10 =	sld [smem:$0x3FB6];
	_ =	sdelay $0x3  }
0x34: {  	[smem:$0x3FB6] =	sst s10  }
0x35: {  	s10 =	sld [smem:$0x3FB5];
	_ =	sdelay $0x3  }
0x36: {  	p1 =	seq.s32 s10, $0x1;
	s10 =	sld [smem:$0x3FB6];
	_ =	sdelay $0x3  }
0x37: {  	[smem:$0x3FB6] =	sst s10  }
0x38: {  	s10 =	sld [smem:$0x3FB7]  }
0x39: {  	_ = 	snop;
	(pc) =	sbr.ind lr, $3  }
0x3a: {  	_ = 	snop  }
0x3b: {  	_ = 	snop  }
0x3c: {  	p2 =	seq.s32 s10, $0x1;
	s10 =	sld [smem:$0x3FB6]  }
0x3d: {  	_ =	shalt  }
0x3e: {  	_ =	shalt  }
0x3f: {  	_ =	shalt  }
0x40: {  	_ =	shalt  }
0x41: {  	_ =	shalt  }
0x42: {  	_ =	shalt  }
0x43: {  	_ =	shalt  }
0x44: {  	_ =	shalt  }
0x45: {  	_ =	shalt  }
0x46: {  	_ =	shalt  }
0x47: {  	_ =	shalt  }
0x48: {  	_ =	shalt  }
0x49: {  	_ =	shalt  }
0x4a: {  	_ =	shalt  }
0x4b: {  	_ =	shalt  }
0x4c: {  	_ =	shalt  }
0x4d: {  	_ =	shalt  }
0x4e: {  	_ =	shalt  }
0x4f: {  	_ =	shalt  }
0x50: {  	_ =	shalt  }
0x51: {  	_ =	shalt  }
0x52: {  	_ =	shalt  }
0x53: {  	_ =	shalt  }
0x54: {  	_ =	shalt  }
0x55: {  	_ =	shalt  }
0x56: {  	_ =	shalt  }
0x57: {  	_ =	shalt  }
0x58: {  	_ =	shalt  }
0x59: {  	_ =	shalt  }
0x5a: {  	_ =	shalt  }
0x5b: {  	_ =	shalt  }
0x5c: {  	_ =	shalt  }
0x5d: {  	_ =	shalt  }
0x5e: {  	_ =	shalt  }
0x5f: {  	_ =	shalt  }
0x60: {  	_ =	shalt  }
0x61: {  	_ =	shalt  }
0x62: {  	_ =	shalt  }
0x63: {  	_ =	shalt  }
0x64: {  	_ =	shalt  }
0x65: {  	_ =	shalt  }
0x66: {  	_ =	shalt  }
0x67: {  	_ =	shalt  }
0x68: {  	_ =	shalt  }
0x69: {  	_ =	shalt  }
0x6a: {  	_ =	shalt  }
0x6b: {  	_ =	shalt  }
0x6c: {  	_ =	shalt  }
0x6d: {  	_ =	shalt  }
0x6e: {  	_ =	shalt  }
0x6f: {  	_ =	shalt  }
0x70: {  	_ =	shalt  }
0x71: {  	_ =	shalt  }
0x72: {  	_ =	shalt  }
0x73: {  	_ =	shalt  }
0x74: {  	_ =	shalt  }
0x75: {  	_ =	shalt  }
0x76: {  	_ =	shalt  }
0x77: {  	_ =	shalt  }
0x78: {  	_ =	shalt  }
0x79: {  	_ =	shalt  }
0x7a: {  	_ =	shalt  }
0x7b: {  	_ =	shalt  }
0x7c: {  	_ =	shalt  }
0x7d: {  	_ =	shalt  }
0x7e: {  	_ =	shalt  }
0x7f: {  	_ =	shalt  }
0x80: {  	_ =	shalt  }
0x81: {  	_ =	shalt  }
0x82: {  	_ =	shalt  }
0x83: {  	_ =	shalt  }
0x84: {  	_ =	shalt  }
0x85: {  	_ =	shalt  }
0x86: {  	_ =	shalt  }
0x87: {  	_ =	shalt  }
.Lfunc_end0:
.L_simem_size_0:
called_computation_lowered:
.L_overlay_start_0:
0x88: {  	s2 =	sld [smem:$0x3FD9]  }
0x89: {  	s3 =	sld [smem:$0x3FFE];
	_ =	sdelay $0x1  }
0x8a: {  	s1 =	srdreg.scid  }
0x8b: {  	s0 =	sand.u32 $0x1, s1  }
0x8c: {  	s14 =	sshll.u32 s0, $0xA;
	s2 =	sadd.s32 s3, s2  }
0x8d: {  	s2 =	sadd.s32 s2, s14  }
0x8e: {  	[smem:$0x3FC2] =	sst s2  }
0x8f: {  	_ = 	snop  }
0x90: {  	s2 =	sld [smem:$0x3FD0];
	_ =	sdelay $0x2  }
0x91: {  	s15 =	simm.s32 $0xA;
	s4 =	simm.s32 $0x10  }
0x92: {  	[smem:s4], [sflag:s15] =	dma.local [hbm:s2], $0x1  }
0x93: {  	_ =	swait.eq [sflag:s15], $0x1  }
0x94: {  	[sflag:s15] =	ssyncset.done $0x0  }
0x95: {  	s16 =	sld [smem:$0x10];
	[sflag:s15] =	ssyncadd.s32 $0xFFFFFFFF  }
0x96: {  	s17 =	sld [smem:$0x11];
	(tm) =	ssettm $0x1  }
0x97: {  	s18 =	sld [smem:$0x3FFB];
	_ =	sdelay $0x3  }
0x98: {  	_ =	strace s18  }
0x99: {  	s4 =	sld [smem:$0x3FFC];
	_ =	sdelay $0x3  }
0x9a: {  	_ =	strace s4  }
0x9b: {  	s4 =	sld [smem:$0x3FFD];
	_ =	sdelay $0x3  }
0x9c: {  	_ =	strace s4  }
0x9d: {  	_ =	strace $0x8FFFFFFF  }
0x9e: {  	s19 =	sld [smem:$0x3FDB];
	_ =	sdelay $0x1  }
0x9f: {  	s5 =	simm.s32 $_scs_section_size  }
0xa0: {  	s6 =	simm.s32 $_size__tile_overlayer_lowered;
	s7 =	simm.s32 $_tile_overlayer_lowered  }
0xa1: {  	s22 =	simm.s32 $0x1BFF;
	s21 =	sshll.u32 s7, $0x1;
	s4 =	sadd.s32 s5, s19  }
0xa2: {  	s8 =	simm.s32 $0x0;
	s20 =	sshll.u32 s6, $0x1;
	s6 =	sadd.s32 s21, s4  }
0xa3: {  	[timem:s8], [sflag:s22] =	dma.local [hbm:s6], s20  }
0xa4: {  	_ =	swait.ge [sflag:s22], s20  }
0xa5: {  	s5 =	ssub.s32 $0x0, s20;
	[sflag:s22] =	ssyncset.done $0x0  }
0xa6: {  	[sflag:s22] =	ssyncadd.s32 s5;
	_ =	sdelay $0x1  }
0xa7: {  	s23 =	simm.s32 $0x1B8B  }
0xa8: {  	_ =	swait.ge [sflag:s23], $0x1  }
0xa9: {  	[sflag:s23] =	ssyncset.done $0x0  }
0xaa: {  	s25 =	simm.s32 $0x1B8E;
	s24 =	sld [smem:$0x3FFE];
	[sflag:s23] =	ssyncadd.s32 $0xFFFFFFFF  }
0xab: {  	s26 =	simm.s32 $execute0_lowered;
	[smem:$0x3FD2] =	sst s25  }
0xac: {  	s6 =	sshll.u32 s26, $0x1;
	_ =	strace $0x80000046;
	[dreg:$0x1] =	wrdreg $0xFFFFFFFF  }
0xad: {  	s28 =	simm.s32 $_size_execute0_lowered;
	s4 =	sadd.s32 s4, s6;
	[dreg:$0x0] =	wrdreg $0x0  }
0xae: {  	s6 =	sshll.u32 s28, $0x1;
	[dreg:$0x2] =	wrdreg s4  }
0xaf: {  	[dreg:$0x3] =	wrdreg s6  }
0xb0: {  	[dreg:$0x4] =	wrdreg $0xC0  }
0xb1: {  	_ =	task [dreg:s8], $0x5FFFF  }
0xb2: {  	[dreg:$0x1] =	wrdreg $0xFFFFFFFF  }
0xb3: {  	[dreg:$0x0] =	wrdreg $0x60  }
0xb4: {  	[dreg:$0x2] =	wrdreg s24  }
0xb5: {  	[dreg:$0x3] =	wrdreg s16  }
0xb6: {  	[dreg:$0x4] =	wrdreg s17  }
0xb7: {  	[dreg:$0x5] =	wrdreg $0x68000  }
0xb8: {  	[dreg:$0x6] =	wrdreg $0x90000  }
0xb9: {  	[dreg:$0x7] =	wrdreg $0x9  }
0xba: {  	_ =	task.clear_ibuf [dreg:s8], $0x8FFFF;
	_ =	strace $0x90000046  }
0xbb: {  	s29 =	simm.s32 $0x9;
	_ =	strace $0x80000048  }
0xbc: {  	_ =	swait.ge [sflag:s29], $0x1  }
0xbd: {  	[sflag:s29] =	ssyncadd.s32 $0xFFFFFFFF  }
0xbe: {  	_ =	strace $0x90000048  }
0xbf: {  	_ =	sfence  }
0xc0: {  	s30 =	sld [smem:$0x0];
	_ =	sdelay $0x2  }
0xc1: {  	s31 =	sshll.u32 s1, $0xD;
	s1 =	sshrl.u32 s1, $0x2  }
0xc2: {  	s3 =	sand.u32 $0x4000, s31;
	s1 =	sadd.s32 s1, s30  }
0xc3: {  	s0 =	sor.u32 s3, s0;
	s1 =	sshll.u32 s1, $0x11  }
0xc4: {  	s0 =	sor.u32 s1, s0  }
0xc5: {  	s0 =	sadd.s32 $0x8F2B, s0  }
0xc6: {  	[sflag:s0] =	ssyncadd.remote.s32 $0x1  }
0xc7: {  	_ =	sfence.sel $0xFFFF  }
0xc8: {  	[dreg:$0x0] =	wrdreg $0xFFFFFFFF;
	(pc) =	sbr.abs _section_cstart, $3  }
0xc9: {  	[dreg:$0x1] =	wrdreg $0xFFFFFFFF  }
0xca: {  	_ =	task.clear_ibuf [dreg:s8], $0x2FFFF;
	_ =	strace $0x9FFFFFFF  }
0xcb: {  	(tm) =	ssettm $0x7FFFFFFF  }
tec
execute0_lowered:
.L_overlay_start_1:
0x0: {  	(tag) =	ssettag $0x1  }
0x1: {  	s0 =	rddreg [dreg:$0x0]  }
0x2: {  	s3 =	rddreg [dreg:$0x1]  }
0x3: {  	s5 =	rddreg [dreg:$0x2]  }
0x4: {  	s1 =	rddreg [dreg:$0x3]  }
0x5: {  	s2 =	rddreg [dreg:$0x4];
	s4 =	simm.s32 $0x0;
	s6 =	srdreg.scid  }
0x6: {  	s12 =	stileid.u32;
	s31 =	simm.s32 $0x6000;
	[smem:$0x7FF] =	sst s4  }
0x7: {  	s6 =	sand.u32 $0x1, s6;
	s8 =	smul.u32 $0x2800, s12;
	s9 =	sadd.s32 $0xCE00, s0  }
0x8: {  	s0 =	sadd.s32 $0x2E00, s0;
	s11 =	smul.u32 $0x600, s12;
	s23 =	sshll.u32 s12, $0xA  }
0x9: {  	_ =	strace $0x80000047;
	s7 =	ssub.s32 $0x2, s6;
	s14 =	smul.u32 $0x28000, s6  }
0xa: {  	p0 =	seq.s32 s6, $0x1;
	s6 =	sadd.s32 $0x6000, s23;
	s10 =	sshrl.u32 s7, $0x1  }
0xb: {  	s24 =	sadd.s32 $0x1000, s8;
	s26 =	sadd.s32 $0x1800, s8;
	s25 =	sadd.s32 s9, s11  }
0xc: {  	s29 =	sadd.s32 $0x2000, s8;
	s11 =	sadd.s32 s0, s11;
	[dreg:$0x6] =	wrdreg s25  }
0xd: {  	s9 =	sadd.s32 s9, s6;
	s0 =	sadd.s32 s0, s6;
	[dreg:$0x7] =	wrdreg s11  }
0xe: {  	s6 =	simm.s32 $0x80;
	s7 =	ssub.s32 s7, s10;
	[dreg:$0x8] =	wrdreg s9  }
0xf: {  	s10 =	sadd.s32 $0x800, s8;
	s13 =	sadd.s32 s8, s14;
	[dreg:$0x9] =	wrdreg s0  }
0x10: {  	s19 =	sadd.s32 s14, s24;
	s21 =	sadd.s32 s14, s26;
	s22 =	sadd.s32 s14, s29  }
0x11: {  	s28 =	sadd.s32 s29, s1;
	s29 =	sadd.s32 s29, s2;
	s15 =	sshrl.u32 s13, $0x3  }
0x12: {  	s17 =	sadd.s32 s14, s10;
	s20 =	sshrl.u32 s19, $0x3;
	s23 =	sshrl.u32 s21, $0x3  }
0x13: {  	s25 =	sshrl.u32 s22, $0x3;
	s19 =	sadd.s32 s8, s1;
	s21 =	sadd.s32 s10, s1  }
0x14: {  	s22 =	sadd.s32 s10, s2;
	s30 =	smax.u32 s7, $0x1;
	s7 =	simm.s32 $0x1  }
0x15: {  	s16 =	sadd.s32 s3, s15;
	s18 =	sadd.s32 s5, s15;
	s0 =	sshrl.u32 s17, $0x3  }
0x16: {  	s13 =	sadd.s32 s3, s20;
	s14 =	sadd.s32 s5, s20;
	s15 =	sadd.s32 s3, s23  }
.Ltmp0:
0x17: {  	s17 =	sadd.s32 s3, s25;
	[dreg:$0xa] =	wrdreg s16;
	(pc) =	sbr.rel .LBB2_1-.Ltmp0, $4  }
0x18: {  	s20 =	sadd.s32 s8, s2;
	s8 =	simm.s32 $0x2;
	[dreg:$0xb] =	wrdreg s18  }
0x19: {  	s11 =	sadd.s32 s3, s0;
	s12 =	sadd.s32 s5, s0;
	s16 =	sadd.s32 s5, s23  }
0x1a: {  	s18 =	sadd.s32 s5, s25;
	s23 =	sadd.s32 s24, s1;
	s24 =	sadd.s32 s24, s2  }
0x1b: {  	v0 =	vimm.f32 $0.0e+00;
	v1 =	vimm.f32 $1.000000000e+00;
	s25 =	sadd.s32 s26, s1;
	s26 =	sadd.s32 s26, s2;
	s0 =	simm.s32 $0x3  }
.LBB2_8:
0x1c: {  	s3 =	sshra.s32 s5, $0x2;
	[sflag:s8] =	ssyncadd.s32 $0xFFFFF800  }
0x1d: {  	[spmem:s1] =	stream.indirect.scatter.add.f32 [tilespmem:s31], [sflag:$0x1], $0x10, s3, s6, $0xb8;
	[tilespmem:$0xB800] =	vst v63  }
0x1e: {  	s5 =	sadd.s32 $0x3000, s3  }
0x1f: {  	[spmem:s2] =	stream.indirect.scatter.add.f32 [tilespmem:s31], [sflag:$0x2], $0x10, s5, s6, $0xb8;
	[tilespmem:$0xB800] =	vst v63  }
0x20: {  	s10 =	sadd.s32 $0x80, s3  }
0x21: {  	[spmem:s1] =	stream.indirect.scatter.add.f32 [tilespmem:s31], [sflag:$0x1], $0x10, s10, s6, $0xb8;
	[tilespmem:$0xB800] =	vst v63  }
0x22: {  	s9 =	sadd.s32 $0x3080, s3  }
0x23: {  	[spmem:s2] =	stream.indirect.scatter.add.f32 [tilespmem:s31], [sflag:$0x2], $0x10, s9, s6, $0xb8;
	[tilespmem:$0xB800] =	vst v63  }
0x24: {  	s10 =	sadd.s32 $0x100, s3  }
0x25: {  	[spmem:s1] =	stream.indirect.scatter.add.f32 [tilespmem:s31], [sflag:$0x1], $0x10, s10, s6, $0xb8;
	[tilespmem:$0xB800] =	vst v63  }
0x26: {  	s9 =	sadd.s32 $0x3100, s3  }
0x27: {  	[spmem:s2] =	stream.indirect.scatter.add.f32 [tilespmem:s31], [sflag:$0x2], $0x10, s9, s6, $0xb8;
	[tilespmem:$0xB800] =	vst v63  }
0x28: {  	s10 =	sadd.s32 $0x180, s3  }
0x29: {  	[spmem:s1] =	stream.indirect.scatter.add.f32 [tilespmem:s31], [sflag:$0x1], $0x10, s10, s6, $0xb8;
	[tilespmem:$0xB800] =	vst v63  }
0x2a: {  	s9 =	sadd.s32 $0x3180, s3  }
0x2b: {  	[spmem:s2] =	stream.indirect.scatter.add.f32 [tilespmem:s31], [sflag:$0x2], $0x10, s9, s6, $0xb8;
	[tilespmem:$0xB800] =	vst v63  }
0x2c: {  	s10 =	sadd.s32 $0x200, s3  }
0x2d: {  	[spmem:s1] =	stream.indirect.scatter.add.f32 [tilespmem:s31], [sflag:$0x1], $0x10, s10, s6, $0xb8;
	[tilespmem:$0xB800] =	vst v63  }
0x2e: {  	s9 =	sadd.s32 $0x3200, s3  }
0x2f: {  	[spmem:s2] =	stream.indirect.scatter.add.f32 [tilespmem:s31], [sflag:$0x2], $0x10, s9, s6, $0xb8;
	[tilespmem:$0xB800] =	vst v63  }
0x30: {  	s10 =	sadd.s32 $0x280, s3  }
0x31: {  	[spmem:s1] =	stream.indirect.scatter.add.f32 [tilespmem:s31], [sflag:$0x1], $0x10, s10, s6, $0xb8;
	[tilespmem:$0xB800] =	vst v63  }
0x32: {  	s9 =	sadd.s32 $0x3280, s3  }
0x33: {  	[spmem:s2] =	stream.indirect.scatter.add.f32 [tilespmem:s31], [sflag:$0x2], $0x10, s9, s6, $0xb8;
	[tilespmem:$0xB800] =	vst v63  }
0x34: {  	s10 =	sadd.s32 $0x300, s3  }
0x35: {  	[spmem:s1] =	stream.indirect.scatter.add.f32 [tilespmem:s31], [sflag:$0x1], $0x10, s10, s6, $0xb8;
	[tilespmem:$0xB800] =	vst v63  }
0x36: {  	s9 =	sadd.s32 $0x3300, s3  }
0x37: {  	[spmem:s2] =	stream.indirect.scatter.add.f32 [tilespmem:s31], [sflag:$0x2], $0x10, s9, s6, $0xb8;
	[tilespmem:$0xB800] =	vst v63  }
0x38: {  	s10 =	sadd.s32 $0x380, s3  }
0x39: {  	[spmem:s1] =	stream.indirect.scatter.add.f32 [tilespmem:s31], [sflag:$0x1], $0x10, s10, s6, $0xb8;
	[tilespmem:$0xB800] =	vst v63  }
0x3a: {  	s3 =	sadd.s32 $0x3380, s3  }
0x3b: {  	[spmem:s2] =	stream.indirect.scatter.add.f32 [tilespmem:s31], [sflag:$0x2], $0x10, s3, s6, $0xb8;
	[tilespmem:$0xB800] =	vst v63  }
0x3c: {  	_ =	swait.ge [sflag:s7], $0x800  }
0x3d: {  	[sflag:s7] =	ssyncset.done $0x0  }
0x3e: {  	[sflag:s7] =	ssyncadd.s32 $0xFFFFF800  }
0x3f: {  	_ =	swait.ge [sflag:s8], $0x800  }
0x40: {  	[sflag:s8] =	ssyncset.done $0x0  }
0x41: {  	[sflag:s8] =	ssyncadd.s32 $0xFFFFF800  }
0x42: {  	_ =	swait.ge [sflag:s7], $0x800  }
0x43: {  	[sflag:s7] =	ssyncset.done $0x0  }
0x44: {  	[sflag:s7] =	ssyncadd.s32 $0xFFFFF800  }
0x45: {  	_ =	swait.ge [sflag:s8], $0x800  }
0x46: {  	[sflag:s8] =	ssyncset.done $0x0  }
0x47: {  	[sflag:s8] =	ssyncadd.s32 $0xFFFFF800  }
0x48: {  	_ =	swait.ge [sflag:s7], $0x800  }
0x49: {  	[sflag:s7] =	ssyncset.done $0x0  }
0x4a: {  	[sflag:s7] =	ssyncadd.s32 $0xFFFFF800  }
0x4b: {  	_ =	swait.ge [sflag:s8], $0x800  }
0x4c: {  	[sflag:s8] =	ssyncset.done $0x0  }
0x4d: {  	[sflag:s8] =	ssyncadd.s32 $0xFFFFF800  }
0x4e: {  	_ =	swait.ge [sflag:s7], $0x800  }
0x4f: {  	[sflag:s7] =	ssyncset.done $0x0  }
0x50: {  	[sflag:s7] =	ssyncadd.s32 $0xFFFFF800  }
0x51: {  	_ =	swait.ge [sflag:s8], $0x800  }
0x52: {  	[sflag:s8] =	ssyncset.done $0x0  }
0x53: {  	[sflag:s8] =	ssyncadd.s32 $0xFFFFF800  }
0x54: {  	_ =	swait.ge [sflag:s7], $0x800  }
0x55: {  	[sflag:s7] =	ssyncset.done $0x0  }
0x56: {  	[sflag:s7] =	ssyncadd.s32 $0xFFFFF800  }
0x57: {  	_ =	swait.ge [sflag:s8], $0x800  }
0x58: {  	[sflag:s8] =	ssyncset.done $0x0  }
0x59: {  	[sflag:s8] =	ssyncadd.s32 $0xFFFFF800  }
0x5a: {  	_ =	swait.ge [sflag:s7], $0x800  }
0x5b: {  	[sflag:s7] =	ssyncset.done $0x0  }
0x5c: {  	[sflag:s7] =	ssyncadd.s32 $0xFFFFF800  }
0x5d: {  	_ =	swait.ge [sflag:s8], $0x800  }
0x5e: {  	[sflag:s8] =	ssyncset.done $0x0  }
0x5f: {  	[sflag:s8] =	ssyncadd.s32 $0xFFFFF800  }
0x60: {  	_ =	swait.ge [sflag:s7], $0x800  }
0x61: {  	[sflag:s7] =	ssyncset.done $0x0  }
0x62: {  	[sflag:s7] =	ssyncadd.s32 $0xFFFFF800  }
0x63: {  	_ =	swait.ge [sflag:s8], $0x800  }
0x64: {  	[sflag:s8] =	ssyncset.done $0x0  }
0x65: {  	[sflag:s8] =	ssyncadd.s32 $0xFFFFF800  }
0x66: {  	_ =	swait.ge [sflag:s7], $0x800  }
0x67: {  	[sflag:s7] =	ssyncset.done $0x0  }
0x68: {  	[sflag:s7] =	ssyncadd.s32 $0xFFFFF800  }
0x69: {  	_ =	swait.ge [sflag:s8], $0x800  }
0x6a: {  	[sflag:s8] =	ssyncset.done $0x0  }
0x6b: {  	[sflag:s8] =	ssyncadd.s32 $0xFFFFF800  }
.LBB2_12:
0x6c: {  	s3 =	stileid.u32  }
0x6d: {  	[bflag:$0x0] =	sbarrier.arrive $0xFFFF;
	s3 =	sshll.u32 s3, $0x6  }
0x6e: {  	s5 =	sshrl.u32 s19, $0x3;
	s9 =	rddreg [dreg:$0xa];
	s3 =	sor.u32 $0x1C03, s3  }
0x6f: {  	[hbm:s9], [sflag:s3] =	dma.local [spmem:s5], $0x100  }
0x70: {  	_ =	swait.ge [sflag:s0], $0x100  }
0x71: {  	[sflag:s0] =	ssyncset.done $0x0  }
0x72: {  	s9 =	sshrl.u32 s20, $0x3;
	s10 =	rddreg [dreg:$0xb];
	[sflag:s0] =	ssyncadd.s32 $0xFFFFFF00  }
0x73: {  	[hbm:s10], [sflag:s3] =	dma.local [spmem:s9], $0x100  }
0x74: {  	_ =	swait.ge [sflag:s0], $0x100  }
0x75: {  	[sflag:s0] =	ssyncset.done $0x0  }
0x76: {  	s9 =	sshrl.u32 s21, $0x3;
	[sflag:s0] =	ssyncadd.s32 $0xFFFFFF00  }
0x77: {  	[hbm:s11], [sflag:s3] =	dma.local [spmem:s9], $0x100  }
0x78: {  	_ =	swait.ge [sflag:s0], $0x100  }
0x79: {  	[sflag:s0] =	ssyncset.done $0x0  }
0x7a: {  	s10 =	sshrl.u32 s22, $0x3;
	[sflag:s0] =	ssyncadd.s32 $0xFFFFFF00  }
0x7b: {  	[hbm:s12], [sflag:s3] =	dma.local [spmem:s10], $0x100  }
0x7c: {  	_ =	swait.ge [sflag:s0], $0x100  }
0x7d: {  	[sflag:s0] =	ssyncset.done $0x0  }
0x7e: {  	s9 =	sshrl.u32 s23, $0x3;
	[sflag:s0] =	ssyncadd.s32 $0xFFFFFF00  }
0x7f: {  	[hbm:s13], [sflag:s3] =	dma.local [spmem:s9], $0x100  }
0x80: {  	_ =	swait.ge [sflag:s0], $0x100  }
0x81: {  	[sflag:s0] =	ssyncset.done $0x0  }
0x82: {  	s10 =	sshrl.u32 s24, $0x3;
	[sflag:s0] =	ssyncadd.s32 $0xFFFFFF00  }
0x83: {  	[hbm:s14], [sflag:s3] =	dma.local [spmem:s10], $0x100  }
0x84: {  	_ =	swait.ge [sflag:s0], $0x100  }
0x85: {  	[sflag:s0] =	ssyncset.done $0x0  }
0x86: {  	s9 =	sshrl.u32 s25, $0x3;
	[sflag:s0] =	ssyncadd.s32 $0xFFFFFF00  }
0x87: {  	[hbm:s15], [sflag:s3] =	dma.local [spmem:s9], $0x100  }
0x88: {  	_ =	swait.ge [sflag:s0], $0x100  }
0x89: {  	[sflag:s0] =	ssyncset.done $0x0  }
0x8a: {  	s10 =	sshrl.u32 s26, $0x3;
	[sflag:s0] =	ssyncadd.s32 $0xFFFFFF00  }
0x8b: {  	[hbm:s16], [sflag:s3] =	dma.local [spmem:s10], $0x100  }
0x8c: {  	_ =	swait.ge [sflag:s0], $0x100  }
0x8d: {  	[sflag:s0] =	ssyncset.done $0x0  }
0x8e: {  	s9 =	sshrl.u32 s28, $0x3;
	[sflag:s0] =	ssyncadd.s32 $0xFFFFFF00  }
0x8f: {  	[hbm:s17], [sflag:s3] =	dma.local [spmem:s9], $0x100  }
0x90: {  	s4 =	sadd.s32 $0x1, s4;
	_ =	swait.ge [sflag:s0], $0x100  }
0x91: {  	p1 =	sne.s32 s4, s30;
	[sflag:s0] =	ssyncset.done $0x0  }
.Ltmp1:
0x92: {  	s10 =	sshrl.u32 s29, $0x3;
	[sflag:s0] =	ssyncadd.s32 $0xFFFFFF00;
	(pc) =	sbr.rel @!p1 .LBB2_13-.Ltmp1, $4  }
0x93: {  	[hbm:s18], [sflag:s3] =	dma.local [spmem:s10], $0x100  }
0x94: {  	_ =	swait.ge [sflag:s0], $0x100  }
0x95: {  	[sflag:s0] =	ssyncset.done $0x0  }
0x96: {  	[sflag:s0] =	ssyncadd.s32 $0xFFFFFF00  }
.LBB2_1:
0x97: {  	s3 =	simm.s32 $0x40;
	s5 =	simm.s32 $0x0  }
.LBB2_2:
0x98: {  	p1 =	sne.s32 s3, $0x1FC0;
	[tilespmem:s5+$0x6000] =	vst v0;
	s5 =	smov.u32 s3;
	s3 =	sadd.s32 $0x40, s3  }
.Ltmp2:
0x99: {  	(pc) =	sbr.rel @p1 .LBB2_2-.Ltmp2, $2  }
0x9a: {  	_ =	sdelay $0x2  }
0x9b: {  	s5 =	sshra.s32 s5, $0x2  }
0x9c: {  	[tilespmem:s5+$0x6000] =	vst v0  }
0x9d: {  	[spmem:s19] =	stream.linear.scatter [tilespmem:s31], [sflag:$0x3], $0x800, $0x38;
	[tilespmem:$0xB800] =	vst v63  }
0x9e: {  	_ =	swait.ge [sflag:s0], $0x800  }
0x9f: {  	[sflag:s0] =	ssyncset.done $0x0  }
0xa0: {  	[sflag:s0] =	ssyncadd.s32 $0xFFFFF800  }
0xa1: {  	[spmem:s20] =	stream.linear.scatter [tilespmem:s31], [sflag:$0x3], $0x800, $0x38;
	[tilespmem:$0xB800] =	vst v63  }
0xa2: {  	_ =	swait.ge [sflag:s0], $0x800  }
0xa3: {  	[sflag:s0] =	ssyncset.done $0x0  }
0xa4: {  	[sflag:s0] =	ssyncadd.s32 $0xFFFFF800  }
0xa5: {  	[spmem:s21] =	stream.linear.scatter [tilespmem:s31], [sflag:$0x3], $0x800, $0x38;
	[tilespmem:$0xB800] =	vst v63  }
0xa6: {  	_ =	swait.ge [sflag:s0], $0x800  }
0xa7: {  	[sflag:s0] =	ssyncset.done $0x0  }
0xa8: {  	[sflag:s0] =	ssyncadd.s32 $0xFFFFF800  }
0xa9: {  	[spmem:s22] =	stream.linear.scatter [tilespmem:s31], [sflag:$0x3], $0x800, $0x38;
	[tilespmem:$0xB800] =	vst v63  }
0xaa: {  	_ =	swait.ge [sflag:s0], $0x800  }
0xab: {  	[sflag:s0] =	ssyncset.done $0x0  }
0xac: {  	[sflag:s0] =	ssyncadd.s32 $0xFFFFF800  }
0xad: {  	[spmem:s23] =	stream.linear.scatter [tilespmem:s31], [sflag:$0x3], $0x800, $0x38;
	[tilespmem:$0xB800] =	vst v63  }
0xae: {  	_ =	swait.ge [sflag:s0], $0x800  }
0xaf: {  	[sflag:s0] =	ssyncset.done $0x0  }
0xb0: {  	[sflag:s0] =	ssyncadd.s32 $0xFFFFF800  }
0xb1: {  	[spmem:s24] =	stream.linear.scatter [tilespmem:s31], [sflag:$0x3], $0x800, $0x38;
	[tilespmem:$0xB800] =	vst v63  }
0xb2: {  	_ =	swait.ge [sflag:s0], $0x800  }
0xb3: {  	[sflag:s0] =	ssyncset.done $0x0  }
0xb4: {  	[sflag:s0] =	ssyncadd.s32 $0xFFFFF800  }
0xb5: {  	[spmem:s25] =	stream.linear.scatter [tilespmem:s31], [sflag:$0x3], $0x800, $0x38;
	[tilespmem:$0xB800] =	vst v63  }
0xb6: {  	_ =	swait.ge [sflag:s0], $0x800  }
0xb7: {  	[sflag:s0] =	ssyncset.done $0x0  }
0xb8: {  	[sflag:s0] =	ssyncadd.s32 $0xFFFFF800  }
0xb9: {  	[spmem:s26] =	stream.linear.scatter [tilespmem:s31], [sflag:$0x3], $0x800, $0x38;
	[tilespmem:$0xB800] =	vst v63  }
0xba: {  	_ =	swait.ge [sflag:s0], $0x800  }
0xbb: {  	[sflag:s0] =	ssyncset.done $0x0  }
0xbc: {  	[sflag:s0] =	ssyncadd.s32 $0xFFFFF800  }
0xbd: {  	[spmem:s28] =	stream.linear.scatter [tilespmem:s31], [sflag:$0x3], $0x800, $0x38;
	[tilespmem:$0xB800] =	vst v63  }
0xbe: {  	_ =	swait.ge [sflag:s0], $0x800  }
0xbf: {  	[sflag:s0] =	ssyncset.done $0x0  }
0xc0: {  	[sflag:s0] =	ssyncadd.s32 $0xFFFFF800  }
0xc1: {  	[spmem:s29] =	stream.linear.scatter [tilespmem:s31], [sflag:$0x3], $0x800, $0x38;
	[tilespmem:$0xB800] =	vst v63  }
0xc2: {  	_ =	swait.ge [sflag:s0], $0x800  }
0xc3: {  	[sflag:s0] =	ssyncset.done $0x0  }
0xc4: {  	s3 =	simm.s32 $0x40;
	s5 =	simm.s32 $0x0;
	[sflag:s0] =	ssyncadd.s32 $0xFFFFF800  }
.LBB2_4:
0xc5: {  	p1 =	sne.s32 s3, $0x1FC0;
	[tilespmem:s5+$0x6000] =	vst v1;
	s5 =	smov.u32 s3;
	s3 =	sadd.s32 $0x40, s3  }
.Ltmp3:
0xc6: {  	(pc) =	sbr.rel @p1 .LBB2_4-.Ltmp3, $2  }
0xc7: {  	_ =	sdelay $0x2  }
0xc8: {  	s5 =	sshra.s32 s5, $0x2  }
.Ltmp4:
0xc9: {  	(pc) =	sbr.rel @!p0 .LBB2_6-.Ltmp4, $4  }
0xca: {  	_ = 	snop  }
0xcb: {  	[tilespmem:s5+$0x6000] =	vst v1  }
0xcc: {  	[bflag:$0x0] =	sbarrier.arrive $0xFFFF  }
0xcd: {  	s3 =	simm.s32 $0x0  }
0xce: {  	s5 =	rddreg [dreg:$0x8]  }
0xcf: {  	[tilespmem:s3], [sflag:$0x3] =	stream.linear.gather [hbm4b:s5+s3], $0x2000, $0x38;
	[tilespmem:$0xB800] =	vst v63  }
0xd0: {  	_ =	swait.ge [sflag:s0], $0x2000  }
0xd1: {  	[sflag:s0] =	ssyncset.done $0x0  }
0xd2: {  	s9 =	simm.s32 $0x3000;
	s10 =	rddreg [dreg:$0x9];
	[sflag:s0] =	ssyncadd.s32 $0xFFFFE000  }
0xd3: {  	[tilespmem:s9], [sflag:$0x3] =	stream.linear.gather [hbm4b:s10+s3], $0x2000, $0x38;
	[tilespmem:$0xB800] =	vst v63  }
0xd4: {  	_ =	swait.ge [sflag:s0], $0x2000  }
0xd5: {  	[sflag:s0] =	ssyncset.done $0x0  }
0xd6: {  	s10 =	simm.s32 $0x0;
	[sflag:s0] =	ssyncadd.s32 $0xFFFFE000  }
0xd7: {  	[spmem:s1] =	stream.indirect.scatter.add.f32 [tilespmem:s31], [sflag:$0x1], $0x10, s10, s6, $0xb8;
	[tilespmem:$0xB800] =	vst v63  }
0xd8: {  	s5 =	simm.s32 $0x3000  }
0xd9: {  	[spmem:s2] =	stream.indirect.scatter.add.f32 [tilespmem:s31], [sflag:$0x2], $0x10, s5, s6, $0xb8;
	[tilespmem:$0xB800] =	vst v63  }
0xda: {  	s9 =	simm.s32 $0x80  }
0xdb: {  	[spmem:s1] =	stream.indirect.scatter.add.f32 [tilespmem:s31], [sflag:$0x1], $0x10, s9, s6, $0xb8;
	[tilespmem:$0xB800] =	vst v63  }
0xdc: {  	s10 =	simm.s32 $0x3080  }
0xdd: {  	[spmem:s2] =	stream.indirect.scatter.add.f32 [tilespmem:s31], [sflag:$0x2], $0x10, s10, s6, $0xb8;
	[tilespmem:$0xB800] =	vst v63  }
0xde: {  	s5 =	simm.s32 $0x100  }
0xdf: {  	[spmem:s1] =	stream.indirect.scatter.add.f32 [tilespmem:s31], [sflag:$0x1], $0x10, s5, s6, $0xb8;
	[tilespmem:$0xB800] =	vst v63  }
0xe0: {  	s9 =	simm.s32 $0x3100  }
0xe1: {  	[spmem:s2] =	stream.indirect.scatter.add.f32 [tilespmem:s31], [sflag:$0x2], $0x10, s9, s6, $0xb8;
	[tilespmem:$0xB800] =	vst v63  }
0xe2: {  	s10 =	simm.s32 $0x180  }
0xe3: {  	[spmem:s1] =	stream.indirect.scatter.add.f32 [tilespmem:s31], [sflag:$0x1], $0x10, s10, s6, $0xb8;
	[tilespmem:$0xB800] =	vst v63  }
0xe4: {  	s5 =	simm.s32 $0x3180  }
0xe5: {  	[spmem:s2] =	stream.indirect.scatter.add.f32 [tilespmem:s31], [sflag:$0x2], $0x10, s5, s6, $0xb8;
	[tilespmem:$0xB800] =	vst v63  }
0xe6: {  	s9 =	simm.s32 $0x200  }
0xe7: {  	[spmem:s1] =	stream.indirect.scatter.add.f32 [tilespmem:s31], [sflag:$0x1], $0x10, s9, s6, $0xb8;
	[tilespmem:$0xB800] =	vst v63  }
0xe8: {  	s10 =	simm.s32 $0x3200  }
0xe9: {  	[spmem:s2] =	stream.indirect.scatter.add.f32 [tilespmem:s31], [sflag:$0x2], $0x10, s10, s6, $0xb8;
	[tilespmem:$0xB800] =	vst v63  }
0xea: {  	s5 =	simm.s32 $0x280  }
0xeb: {  	[spmem:s1] =	stream.indirect.scatter.add.f32 [tilespmem:s31], [sflag:$0x1], $0x10, s5, s6, $0xb8;
	[tilespmem:$0xB800] =	vst v63  }
0xec: {  	s9 =	simm.s32 $0x3280  }
0xed: {  	[spmem:s2] =	stream.indirect.scatter.add.f32 [tilespmem:s31], [sflag:$0x2], $0x10, s9, s6, $0xb8;
	[tilespmem:$0xB800] =	vst v63  }
0xee: {  	s10 =	simm.s32 $0x300  }
0xef: {  	[spmem:s1] =	stream.indirect.scatter.add.f32 [tilespmem:s31], [sflag:$0x1], $0x10, s10, s6, $0xb8;
	[tilespmem:$0xB800] =	vst v63  }
0xf0: {  	s5 =	simm.s32 $0x3300  }
0xf1: {  	[spmem:s2] =	stream.indirect.scatter.add.f32 [tilespmem:s31], [sflag:$0x2], $0x10, s5, s6, $0xb8;
	[tilespmem:$0xB800] =	vst v63  }
0xf2: {  	s9 =	simm.s32 $0x380  }
0xf3: {  	[spmem:s1] =	stream.indirect.scatter.add.f32 [tilespmem:s31], [sflag:$0x1], $0x10, s9, s6, $0xb8;
	[tilespmem:$0xB800] =	vst v63  }
0xf4: {  	s10 =	simm.s32 $0x3380  }
0xf5: {  	[spmem:s2] =	stream.indirect.scatter.add.f32 [tilespmem:s31], [sflag:$0x2], $0x10, s10, s6, $0xb8;
	[tilespmem:$0xB800] =	vst v63  }
0xf6: {  	_ =	swait.ge [sflag:s7], $0x800  }
0xf7: {  	[sflag:s7] =	ssyncset.done $0x0  }
0xf8: {  	[sflag:s7] =	ssyncadd.s32 $0xFFFFF800  }
0xf9: {  	_ =	swait.ge [sflag:s8], $0x800  }
0xfa: {  	[sflag:s8] =	ssyncset.done $0x0  }
0xfb: {  	[sflag:s8] =	ssyncadd.s32 $0xFFFFF800  }
0xfc: {  	_ =	swait.ge [sflag:s7], $0x800  }
0xfd: {  	[sflag:s7] =	ssyncset.done $0x0  }
0xfe: {  	[sflag:s7] =	ssyncadd.s32 $0xFFFFF800  }
0xff: {  	_ =	swait.ge [sflag:s8], $0x800  }
0x100: {  	[sflag:s8] =	ssyncset.done $0x0  }
0x101: {  	[sflag:s8] =	ssyncadd.s32 $0xFFFFF800  }
0x102: {  	_ =	swait.ge [sflag:s7], $0x800  }
0x103: {  	[sflag:s7] =	ssyncset.done $0x0  }
0x104: {  	[sflag:s7] =	ssyncadd.s32 $0xFFFFF800  }
0x105: {  	_ =	swait.ge [sflag:s8], $0x800  }
0x106: {  	[sflag:s8] =	ssyncset.done $0x0  }
0x107: {  	[sflag:s8] =	ssyncadd.s32 $0xFFFFF800  }
0x108: {  	_ =	swait.ge [sflag:s7], $0x800  }
0x109: {  	[sflag:s7] =	ssyncset.done $0x0  }
0x10a: {  	[sflag:s7] =	ssyncadd.s32 $0xFFFFF800  }
0x10b: {  	_ =	swait.ge [sflag:s8], $0x800  }
0x10c: {  	[sflag:s8] =	ssyncset.done $0x0  }
0x10d: {  	[sflag:s8] =	ssyncadd.s32 $0xFFFFF800  }
0x10e: {  	_ =	swait.ge [sflag:s7], $0x800  }
0x10f: {  	[sflag:s7] =	ssyncset.done $0x0  }
0x110: {  	[sflag:s7] =	ssyncadd.s32 $0xFFFFF800  }
0x111: {  	_ =	swait.ge [sflag:s8], $0x800  }
0x112: {  	[sflag:s8] =	ssyncset.done $0x0  }
0x113: {  	[sflag:s8] =	ssyncadd.s32 $0xFFFFF800  }
0x114: {  	_ =	swait.ge [sflag:s7], $0x800  }
0x115: {  	[sflag:s7] =	ssyncset.done $0x0  }
0x116: {  	[sflag:s7] =	ssyncadd.s32 $0xFFFFF800  }
0x117: {  	_ =	swait.ge [sflag:s8], $0x800  }
0x118: {  	[sflag:s8] =	ssyncset.done $0x0  }
0x119: {  	[sflag:s8] =	ssyncadd.s32 $0xFFFFF800  }
0x11a: {  	_ =	swait.ge [sflag:s7], $0x800  }
0x11b: {  	[sflag:s7] =	ssyncset.done $0x0  }
0x11c: {  	[sflag:s7] =	ssyncadd.s32 $0xFFFFF800  }
0x11d: {  	_ =	swait.ge [sflag:s8], $0x800  }
0x11e: {  	[sflag:s8] =	ssyncset.done $0x0  }
0x11f: {  	[sflag:s8] =	ssyncadd.s32 $0xFFFFF800  }
0x120: {  	_ =	swait.ge [sflag:s7], $0x800  }
0x121: {  	[sflag:s7] =	ssyncset.done $0x0  }
0x122: {  	[sflag:s7] =	ssyncadd.s32 $0xFFFFF800  }
0x123: {  	_ =	swait.ge [sflag:s8], $0x800  }
0x124: {  	s5 =	simm.s32 $0x1000;
	s10 =	simm.s32 $0x2000;
	[sflag:s8] =	ssyncset.done $0x0  }
.LBB2_10:
0x125: {  	s9 =	sshra.s32 s5, $0x2  }
0x126: {  	[sflag:s8] =	ssyncadd.s32 $0xFFFFF800;
	s5 =	smov.u32 s10;
	s3 =	sadd.s32 $0x1000, s10  }
0x127: {  	[spmem:s1] =	stream.indirect.scatter.add.f32 [tilespmem:s31], [sflag:$0x1], $0x10, s9, s6, $0xb8;
	[tilespmem:$0xB800] =	vst v63  }
0x128: {  	p1 =	sne.s32 s10, $0x7000;
	s10 =	sadd.s32 $0x3000, s9  }
0x129: {  	[spmem:s2] =	stream.indirect.scatter.add.f32 [tilespmem:s31], [sflag:$0x2], $0x10, s10, s6, $0xb8;
	[tilespmem:$0xB800] =	vst v63  }
0x12a: {  	s10 =	sadd.s32 $0x80, s9  }
0x12b: {  	[spmem:s1] =	stream.indirect.scatter.add.f32 [tilespmem:s31], [sflag:$0x1], $0x10, s10, s6, $0xb8;
	[tilespmem:$0xB800] =	vst v63  }
0x12c: {  	s10 =	sadd.s32 $0x3080, s9  }
0x12d: {  	[spmem:s2] =	stream.indirect.scatter.add.f32 [tilespmem:s31], [sflag:$0x2], $0x10, s10, s6, $0xb8;
	[tilespmem:$0xB800] =	vst v63  }
0x12e: {  	s10 =	sadd.s32 $0x100, s9  }
0x12f: {  	[spmem:s1] =	stream.indirect.scatter.add.f32 [tilespmem:s31], [sflag:$0x1], $0x10, s10, s6, $0xb8;
	[tilespmem:$0xB800] =	vst v63  }
0x130: {  	s10 =	sadd.s32 $0x3100, s9  }
0x131: {  	[spmem:s2] =	stream.indirect.scatter.add.f32 [tilespmem:s31], [sflag:$0x2], $0x10, s10, s6, $0xb8;
	[tilespmem:$0xB800] =	vst v63  }
0x132: {  	s10 =	sadd.s32 $0x180, s9  }
0x133: {  	[spmem:s1] =	stream.indirect.scatter.add.f32 [tilespmem:s31], [sflag:$0x1], $0x10, s10, s6, $0xb8;
	[tilespmem:$0xB800] =	vst v63  }
0x134: {  	s10 =	sadd.s32 $0x3180, s9  }
0x135: {  	[spmem:s2] =	stream.indirect.scatter.add.f32 [tilespmem:s31], [sflag:$0x2], $0x10, s10, s6, $0xb8;
	[tilespmem:$0xB800] =	vst v63  }
0x136: {  	s10 =	sadd.s32 $0x200, s9  }
0x137: {  	[spmem:s1] =	stream.indirect.scatter.add.f32 [tilespmem:s31], [sflag:$0x1], $0x10, s10, s6, $0xb8;
	[tilespmem:$0xB800] =	vst v63  }
0x138: {  	s10 =	sadd.s32 $0x3200, s9  }
0x139: {  	[spmem:s2] =	stream.indirect.scatter.add.f32 [tilespmem:s31], [sflag:$0x2], $0x10, s10, s6, $0xb8;
	[tilespmem:$0xB800] =	vst v63  }
0x13a: {  	s10 =	sadd.s32 $0x280, s9  }
0x13b: {  	[spmem:s1] =	stream.indirect.scatter.add.f32 [tilespmem:s31], [sflag:$0x1], $0x10, s10, s6, $0xb8;
	[tilespmem:$0xB800] =	vst v63  }
0x13c: {  	s10 =	sadd.s32 $0x3280, s9  }
0x13d: {  	[spmem:s2] =	stream.indirect.scatter.add.f32 [tilespmem:s31], [sflag:$0x2], $0x10, s10, s6, $0xb8;
	[tilespmem:$0xB800] =	vst v63  }
0x13e: {  	s10 =	sadd.s32 $0x300, s9  }
0x13f: {  	[spmem:s1] =	stream.indirect.scatter.add.f32 [tilespmem:s31], [sflag:$0x1], $0x10, s10, s6, $0xb8;
	[tilespmem:$0xB800] =	vst v63  }
0x140: {  	s10 =	sadd.s32 $0x3300, s9  }
0x141: {  	[spmem:s2] =	stream.indirect.scatter.add.f32 [tilespmem:s31], [sflag:$0x2], $0x10, s10, s6, $0xb8;
	[tilespmem:$0xB800] =	vst v63  }
0x142: {  	s10 =	sadd.s32 $0x380, s9  }
0x143: {  	[spmem:s1] =	stream.indirect.scatter.add.f32 [tilespmem:s31], [sflag:$0x1], $0x10, s10, s6, $0xb8;
	[tilespmem:$0xB800] =	vst v63  }
0x144: {  	s9 =	sadd.s32 $0x3380, s9  }
0x145: {  	[spmem:s2] =	stream.indirect.scatter.add.f32 [tilespmem:s31], [sflag:$0x2], $0x10, s9, s6, $0xb8;
	[tilespmem:$0xB800] =	vst v63  }
0x146: {  	_ =	swait.ge [sflag:s7], $0x800  }
0x147: {  	[sflag:s7] =	ssyncset.done $0x0  }
0x148: {  	[sflag:s7] =	ssyncadd.s32 $0xFFFFF800  }
0x149: {  	_ =	swait.ge [sflag:s8], $0x800  }
0x14a: {  	[sflag:s8] =	ssyncset.done $0x0  }
0x14b: {  	[sflag:s8] =	ssyncadd.s32 $0xFFFFF800  }
0x14c: {  	_ =	swait.ge [sflag:s7], $0x800  }
0x14d: {  	[sflag:s7] =	ssyncset.done $0x0  }
0x14e: {  	[sflag:s7] =	ssyncadd.s32 $0xFFFFF800  }
0x14f: {  	_ =	swait.ge [sflag:s8], $0x800  }
0x150: {  	[sflag:s8] =	ssyncset.done $0x0  }
0x151: {  	[sflag:s8] =	ssyncadd.s32 $0xFFFFF800  }
0x152: {  	_ =	swait.ge [sflag:s7], $0x800  }
0x153: {  	[sflag:s7] =	ssyncset.done $0x0  }
0x154: {  	[sflag:s7] =	ssyncadd.s32 $0xFFFFF800  }
0x155: {  	_ =	swait.ge [sflag:s8], $0x800  }
0x156: {  	[sflag:s8] =	ssyncset.done $0x0  }
0x157: {  	[sflag:s8] =	ssyncadd.s32 $0xFFFFF800  }
0x158: {  	_ =	swait.ge [sflag:s7], $0x800  }
0x159: {  	[sflag:s7] =	ssyncset.done $0x0  }
0x15a: {  	[sflag:s7] =	ssyncadd.s32 $0xFFFFF800  }
0x15b: {  	_ =	swait.ge [sflag:s8], $0x800  }
0x15c: {  	[sflag:s8] =	ssyncset.done $0x0  }
0x15d: {  	[sflag:s8] =	ssyncadd.s32 $0xFFFFF800  }
0x15e: {  	_ =	swait.ge [sflag:s7], $0x800  }
0x15f: {  	[sflag:s7] =	ssyncset.done $0x0  }
0x160: {  	[sflag:s7] =	ssyncadd.s32 $0xFFFFF800  }
0x161: {  	_ =	swait.ge [sflag:s8], $0x800  }
0x162: {  	[sflag:s8] =	ssyncset.done $0x0  }
0x163: {  	[sflag:s8] =	ssyncadd.s32 $0xFFFFF800  }
0x164: {  	_ =	swait.ge [sflag:s7], $0x800  }
0x165: {  	[sflag:s7] =	ssyncset.done $0x0  }
0x166: {  	[sflag:s7] =	ssyncadd.s32 $0xFFFFF800  }
0x167: {  	_ =	swait.ge [sflag:s8], $0x800  }
0x168: {  	[sflag:s8] =	ssyncset.done $0x0  }
0x169: {  	[sflag:s8] =	ssyncadd.s32 $0xFFFFF800  }
0x16a: {  	_ =	swait.ge [sflag:s7], $0x800  }
0x16b: {  	[sflag:s7] =	ssyncset.done $0x0  }
0x16c: {  	[sflag:s7] =	ssyncadd.s32 $0xFFFFF800  }
0x16d: {  	_ =	swait.ge [sflag:s8], $0x800  }
0x16e: {  	[sflag:s8] =	ssyncset.done $0x0  }
0x16f: {  	[sflag:s8] =	ssyncadd.s32 $0xFFFFF800  }
.Ltmp5:
0x170: {  	_ =	swait.ge [sflag:s7], $0x800;
	(pc) =	sbr.rel @p1 .LBB2_10-.Ltmp5, $4  }
0x171: {  	[sflag:s7] =	ssyncset.done $0x0  }
0x172: {  	[sflag:s7] =	ssyncadd.s32 $0xFFFFF800  }
0x173: {  	_ =	swait.ge [sflag:s8], $0x800  }
0x174: {  	s10 =	smov.u32 s3;
	[sflag:s8] =	ssyncset.done $0x0  }
0x175: {  	s3 =	sshra.s32 s5, $0x2;
	[sflag:s8] =	ssyncadd.s32 $0xFFFFF800  }
0x176: {  	[spmem:s1] =	stream.indirect.scatter.add.f32 [tilespmem:s31], [sflag:$0x1], $0x10, s3, s6, $0xb8;
	[tilespmem:$0xB800] =	vst v63  }
0x177: {  	s5 =	sadd.s32 $0x3000, s3  }
0x178: {  	[spmem:s2] =	stream.indirect.scatter.add.f32 [tilespmem:s31], [sflag:$0x2], $0x10, s5, s6, $0xb8;
	[tilespmem:$0xB800] =	vst v63  }
0x179: {  	s10 =	sadd.s32 $0x80, s3  }
0x17a: {  	[spmem:s1] =	stream.indirect.scatter.add.f32 [tilespmem:s31], [sflag:$0x1], $0x10, s10, s6, $0xb8;
	[tilespmem:$0xB800] =	vst v63  }
0x17b: {  	s9 =	sadd.s32 $0x3080, s3  }
0x17c: {  	[spmem:s2] =	stream.indirect.scatter.add.f32 [tilespmem:s31], [sflag:$0x2], $0x10, s9, s6, $0xb8;
	[tilespmem:$0xB800] =	vst v63  }
0x17d: {  	s10 =	sadd.s32 $0x100, s3  }
0x17e: {  	[spmem:s1] =	stream.indirect.scatter.add.f32 [tilespmem:s31], [sflag:$0x1], $0x10, s10, s6, $0xb8;
	[tilespmem:$0xB800] =	vst v63  }
0x17f: {  	s9 =	sadd.s32 $0x3100, s3  }
0x180: {  	[spmem:s2] =	stream.indirect.scatter.add.f32 [tilespmem:s31], [sflag:$0x2], $0x10, s9, s6, $0xb8;
	[tilespmem:$0xB800] =	vst v63  }
0x181: {  	s10 =	sadd.s32 $0x180, s3  }
0x182: {  	[spmem:s1] =	stream.indirect.scatter.add.f32 [tilespmem:s31], [sflag:$0x1], $0x10, s10, s6, $0xb8;
	[tilespmem:$0xB800] =	vst v63  }
0x183: {  	s9 =	sadd.s32 $0x3180, s3  }
0x184: {  	[spmem:s2] =	stream.indirect.scatter.add.f32 [tilespmem:s31], [sflag:$0x2], $0x10, s9, s6, $0xb8;
	[tilespmem:$0xB800] =	vst v63  }
0x185: {  	s10 =	sadd.s32 $0x200, s3  }
0x186: {  	[spmem:s1] =	stream.indirect.scatter.add.f32 [tilespmem:s31], [sflag:$0x1], $0x10, s10, s6, $0xb8;
	[tilespmem:$0xB800] =	vst v63  }
0x187: {  	s9 =	sadd.s32 $0x3200, s3  }
0x188: {  	[spmem:s2] =	stream.indirect.scatter.add.f32 [tilespmem:s31], [sflag:$0x2], $0x10, s9, s6, $0xb8;
	[tilespmem:$0xB800] =	vst v63  }
0x189: {  	s10 =	sadd.s32 $0x280, s3  }
0x18a: {  	[spmem:s1] =	stream.indirect.scatter.add.f32 [tilespmem:s31], [sflag:$0x1], $0x10, s10, s6, $0xb8;
	[tilespmem:$0xB800] =	vst v63  }
0x18b: {  	s9 =	sadd.s32 $0x3280, s3  }
0x18c: {  	[spmem:s2] =	stream.indirect.scatter.add.f32 [tilespmem:s31], [sflag:$0x2], $0x10, s9, s6, $0xb8;
	[tilespmem:$0xB800] =	vst v63  }
0x18d: {  	s10 =	sadd.s32 $0x300, s3  }
0x18e: {  	[spmem:s1] =	stream.indirect.scatter.add.f32 [tilespmem:s31], [sflag:$0x1], $0x10, s10, s6, $0xb8;
	[tilespmem:$0xB800] =	vst v63  }
0x18f: {  	s9 =	sadd.s32 $0x3300, s3  }
0x190: {  	[spmem:s2] =	stream.indirect.scatter.add.f32 [tilespmem:s31], [sflag:$0x2], $0x10, s9, s6, $0xb8;
	[tilespmem:$0xB800] =	vst v63  }
0x191: {  	s10 =	sadd.s32 $0x380, s3  }
0x192: {  	[spmem:s1] =	stream.indirect.scatter.add.f32 [tilespmem:s31], [sflag:$0x1], $0x10, s10, s6, $0xb8;
	[tilespmem:$0xB800] =	vst v63  }
0x193: {  	s3 =	sadd.s32 $0x3380, s3  }
0x194: {  	[spmem:s2] =	stream.indirect.scatter.add.f32 [tilespmem:s31], [sflag:$0x2], $0x10, s3, s6, $0xb8;
	[tilespmem:$0xB800] =	vst v63  }
0x195: {  	_ =	swait.ge [sflag:s7], $0x800  }
0x196: {  	[sflag:s7] =	ssyncset.done $0x0  }
0x197: {  	[sflag:s7] =	ssyncadd.s32 $0xFFFFF800  }
0x198: {  	_ =	swait.ge [sflag:s8], $0x800  }
0x199: {  	[sflag:s8] =	ssyncset.done $0x0  }
0x19a: {  	[sflag:s8] =	ssyncadd.s32 $0xFFFFF800  }
0x19b: {  	_ =	swait.ge [sflag:s7], $0x800  }
0x19c: {  	[sflag:s7] =	ssyncset.done $0x0  }
0x19d: {  	[sflag:s7] =	ssyncadd.s32 $0xFFFFF800  }
0x19e: {  	_ =	swait.ge [sflag:s8], $0x800  }
0x19f: {  	[sflag:s8] =	ssyncset.done $0x0  }
0x1a0: {  	[sflag:s8] =	ssyncadd.s32 $0xFFFFF800  }
0x1a1: {  	_ =	swait.ge [sflag:s7], $0x800  }
0x1a2: {  	[sflag:s7] =	ssyncset.done $0x0  }
0x1a3: {  	[sflag:s7] =	ssyncadd.s32 $0xFFFFF800  }
0x1a4: {  	_ =	swait.ge [sflag:s8], $0x800  }
0x1a5: {  	[sflag:s8] =	ssyncset.done $0x0  }
0x1a6: {  	[sflag:s8] =	ssyncadd.s32 $0xFFFFF800  }
0x1a7: {  	_ =	swait.ge [sflag:s7], $0x800  }
0x1a8: {  	[sflag:s7] =	ssyncset.done $0x0  }
0x1a9: {  	[sflag:s7] =	ssyncadd.s32 $0xFFFFF800  }
0x1aa: {  	_ =	swait.ge [sflag:s8], $0x800  }
0x1ab: {  	[sflag:s8] =	ssyncset.done $0x0  }
0x1ac: {  	[sflag:s8] =	ssyncadd.s32 $0xFFFFF800  }
0x1ad: {  	_ =	swait.ge [sflag:s7], $0x800  }
0x1ae: {  	[sflag:s7] =	ssyncset.done $0x0  }
0x1af: {  	[sflag:s7] =	ssyncadd.s32 $0xFFFFF800  }
0x1b0: {  	_ =	swait.ge [sflag:s8], $0x800  }
0x1b1: {  	[sflag:s8] =	ssyncset.done $0x0  }
0x1b2: {  	[sflag:s8] =	ssyncadd.s32 $0xFFFFF800  }
0x1b3: {  	_ =	swait.ge [sflag:s7], $0x800  }
0x1b4: {  	[sflag:s7] =	ssyncset.done $0x0  }
0x1b5: {  	[sflag:s7] =	ssyncadd.s32 $0xFFFFF800  }
0x1b6: {  	_ =	swait.ge [sflag:s8], $0x800  }
0x1b7: {  	[sflag:s8] =	ssyncset.done $0x0  }
0x1b8: {  	[sflag:s8] =	ssyncadd.s32 $0xFFFFF800  }
0x1b9: {  	_ =	swait.ge [sflag:s7], $0x800  }
0x1ba: {  	[sflag:s7] =	ssyncset.done $0x0  }
0x1bb: {  	[sflag:s7] =	ssyncadd.s32 $0xFFFFF800  }
0x1bc: {  	_ =	swait.ge [sflag:s8], $0x800  }
0x1bd: {  	[sflag:s8] =	ssyncset.done $0x0  }
0x1be: {  	[sflag:s8] =	ssyncadd.s32 $0xFFFFF800  }
0x1bf: {  	_ =	swait.ge [sflag:s7], $0x800  }
.Ltmp6:
0x1c0: {  	[sflag:s7] =	ssyncset.done $0x0;
	(pc) =	sbr.rel .LBB2_12-.Ltmp6, $4  }
0x1c1: {  	[sflag:s7] =	ssyncadd.s32 $0xFFFFF800  }
0x1c2: {  	_ =	swait.ge [sflag:s8], $0x800  }
0x1c3: {  	[sflag:s8] =	ssyncset.done $0x0  }
0x1c4: {  	[sflag:s8] =	ssyncadd.s32 $0xFFFFF800  }
.LBB2_6:
0x1c5: {  	s5 =	rddreg [dreg:$0x6]  }
0x1c6: {  	[tilespmem:s3], [sflag:$0x3] =	stream.linear.gather [hbm4b:s5+s3], $0x3000, $0x38;
	[tilespmem:$0xB800] =	vst v63  }
0x1c7: {  	_ =	swait.ge [sflag:s0], $0x3000  }
0x1c8: {  	[sflag:s0] =	ssyncset.done $0x0  }
0x1c9: {  	s9 =	simm.s32 $0x3000;
	s10 =	rddreg [dreg:$0x7];
	[sflag:s0] =	ssyncadd.s32 $0xFFFFD000  }
0x1ca: {  	[tilespmem:s9], [sflag:$0x3] =	stream.linear.gather [hbm4b:s10+s3], $0x3000, $0x38;
	[tilespmem:$0xB800] =	vst v63  }
0x1cb: {  	_ =	swait.ge [sflag:s0], $0x3000  }
0x1cc: {  	[sflag:s0] =	ssyncset.done $0x0  }
0x1cd: {  	s10 =	simm.s32 $0x0;
	[sflag:s0] =	ssyncadd.s32 $0xFFFFD000  }
0x1ce: {  	[spmem:s1] =	stream.indirect.scatter.add.f32 [tilespmem:s31], [sflag:$0x1], $0x10, s10, s6, $0xb8;
	[tilespmem:$0xB800] =	vst v63  }
0x1cf: {  	s5 =	simm.s32 $0x3000  }
0x1d0: {  	[spmem:s2] =	stream.indirect.scatter.add.f32 [tilespmem:s31], [sflag:$0x2], $0x10, s5, s6, $0xb8;
	[tilespmem:$0xB800] =	vst v63  }
0x1d1: {  	s9 =	simm.s32 $0x80  }
0x1d2: {  	[spmem:s1] =	stream.indirect.scatter.add.f32 [tilespmem:s31], [sflag:$0x1], $0x10, s9, s6, $0xb8;
	[tilespmem:$0xB800] =	vst v63  }
0x1d3: {  	s10 =	simm.s32 $0x3080  }
0x1d4: {  	[spmem:s2] =	stream.indirect.scatter.add.f32 [tilespmem:s31], [sflag:$0x2], $0x10, s10, s6, $0xb8;
	[tilespmem:$0xB800] =	vst v63  }
0x1d5: {  	s5 =	simm.s32 $0x100  }
0x1d6: {  	[spmem:s1] =	stream.indirect.scatter.add.f32 [tilespmem:s31], [sflag:$0x1], $0x10, s5, s6, $0xb8;
	[tilespmem:$0xB800] =	vst v63  }
0x1d7: {  	s9 =	simm.s32 $0x3100  }
0x1d8: {  	[spmem:s2] =	stream.indirect.scatter.add.f32 [tilespmem:s31], [sflag:$0x2], $0x10, s9, s6, $0xb8;
	[tilespmem:$0xB800] =	vst v63  }
0x1d9: {  	s10 =	simm.s32 $0x180  }
0x1da: {  	[spmem:s1] =	stream.indirect.scatter.add.f32 [tilespmem:s31], [sflag:$0x1], $0x10, s10, s6, $0xb8;
	[tilespmem:$0xB800] =	vst v63  }
0x1db: {  	s5 =	simm.s32 $0x3180  }
0x1dc: {  	[spmem:s2] =	stream.indirect.scatter.add.f32 [tilespmem:s31], [sflag:$0x2], $0x10, s5, s6, $0xb8;
	[tilespmem:$0xB800] =	vst v63  }
0x1dd: {  	s9 =	simm.s32 $0x200  }
0x1de: {  	[spmem:s1] =	stream.indirect.scatter.add.f32 [tilespmem:s31], [sflag:$0x1], $0x10, s9, s6, $0xb8;
	[tilespmem:$0xB800] =	vst v63  }
0x1df: {  	s10 =	simm.s32 $0x3200  }
0x1e0: {  	[spmem:s2] =	stream.indirect.scatter.add.f32 [tilespmem:s31], [sflag:$0x2], $0x10, s10, s6, $0xb8;
	[tilespmem:$0xB800] =	vst v63  }
0x1e1: {  	s5 =	simm.s32 $0x280  }
0x1e2: {  	[spmem:s1] =	stream.indirect.scatter.add.f32 [tilespmem:s31], [sflag:$0x1], $0x10, s5, s6, $0xb8;
	[tilespmem:$0xB800] =	vst v63  }
0x1e3: {  	s9 =	simm.s32 $0x3280  }
0x1e4: {  	[spmem:s2] =	stream.indirect.scatter.add.f32 [tilespmem:s31], [sflag:$0x2], $0x10, s9, s6, $0xb8;
	[tilespmem:$0xB800] =	vst v63  }
0x1e5: {  	s10 =	simm.s32 $0x300  }
0x1e6: {  	[spmem:s1] =	stream.indirect.scatter.add.f32 [tilespmem:s31], [sflag:$0x1], $0x10, s10, s6, $0xb8;
	[tilespmem:$0xB800] =	vst v63  }
0x1e7: {  	s5 =	simm.s32 $0x3300  }
0x1e8: {  	[spmem:s2] =	stream.indirect.scatter.add.f32 [tilespmem:s31], [sflag:$0x2], $0x10, s5, s6, $0xb8;
	[tilespmem:$0xB800] =	vst v63  }
0x1e9: {  	s9 =	simm.s32 $0x380  }
0x1ea: {  	[spmem:s1] =	stream.indirect.scatter.add.f32 [tilespmem:s31], [sflag:$0x1], $0x10, s9, s6, $0xb8;
	[tilespmem:$0xB800] =	vst v63  }
0x1eb: {  	s10 =	simm.s32 $0x3380  }
0x1ec: {  	[spmem:s2] =	stream.indirect.scatter.add.f32 [tilespmem:s31], [sflag:$0x2], $0x10, s10, s6, $0xb8;
	[tilespmem:$0xB800] =	vst v63  }
0x1ed: {  	_ =	swait.ge [sflag:s7], $0x800  }
0x1ee: {  	[sflag:s7] =	ssyncset.done $0x0  }
0x1ef: {  	[sflag:s7] =	ssyncadd.s32 $0xFFFFF800  }
0x1f0: {  	_ =	swait.ge [sflag:s8], $0x800  }
0x1f1: {  	[sflag:s8] =	ssyncset.done $0x0  }
0x1f2: {  	[sflag:s8] =	ssyncadd.s32 $0xFFFFF800  }
0x1f3: {  	_ =	swait.ge [sflag:s7], $0x800  }
0x1f4: {  	[sflag:s7] =	ssyncset.done $0x0  }
0x1f5: {  	[sflag:s7] =	ssyncadd.s32 $0xFFFFF800  }
0x1f6: {  	_ =	swait.ge [sflag:s8], $0x800  }
0x1f7: {  	[sflag:s8] =	ssyncset.done $0x0  }
0x1f8: {  	[sflag:s8] =	ssyncadd.s32 $0xFFFFF800  }
0x1f9: {  	_ =	swait.ge [sflag:s7], $0x800  }
0x1fa: {  	[sflag:s7] =	ssyncset.done $0x0  }
0x1fb: {  	[sflag:s7] =	ssyncadd.s32 $0xFFFFF800  }
0x1fc: {  	_ =	swait.ge [sflag:s8], $0x800  }
0x1fd: {  	[sflag:s8] =	ssyncset.done $0x0  }
0x1fe: {  	[sflag:s8] =	ssyncadd.s32 $0xFFFFF800  }
0x1ff: {  	_ =	swait.ge [sflag:s7], $0x800  }
0x200: {  	[sflag:s7] =	ssyncset.done $0x0  }
0x201: {  	[sflag:s7] =	ssyncadd.s32 $0xFFFFF800  }
0x202: {  	_ =	swait.ge [sflag:s8], $0x800  }
0x203: {  	[sflag:s8] =	ssyncset.done $0x0  }
0x204: {  	[sflag:s8] =	ssyncadd.s32 $0xFFFFF800  }
0x205: {  	_ =	swait.ge [sflag:s7], $0x800  }
0x206: {  	[sflag:s7] =	ssyncset.done $0x0  }
0x207: {  	[sflag:s7] =	ssyncadd.s32 $0xFFFFF800  }
0x208: {  	_ =	swait.ge [sflag:s8], $0x800  }
0x209: {  	[sflag:s8] =	ssyncset.done $0x0  }
0x20a: {  	[sflag:s8] =	ssyncadd.s32 $0xFFFFF800  }
0x20b: {  	_ =	swait.ge [sflag:s7], $0x800  }
0x20c: {  	[sflag:s7] =	ssyncset.done $0x0  }
0x20d: {  	[sflag:s7] =	ssyncadd.s32 $0xFFFFF800  }
0x20e: {  	_ =	swait.ge [sflag:s8], $0x800  }
0x20f: {  	[sflag:s8] =	ssyncset.done $0x0  }
0x210: {  	[sflag:s8] =	ssyncadd.s32 $0xFFFFF800  }
0x211: {  	_ =	swait.ge [sflag:s7], $0x800  }
0x212: {  	[sflag:s7] =	ssyncset.done $0x0  }
0x213: {  	[sflag:s7] =	ssyncadd.s32 $0xFFFFF800  }
0x214: {  	_ =	swait.ge [sflag:s8], $0x800  }
0x215: {  	[sflag:s8] =	ssyncset.done $0x0  }
0x216: {  	[sflag:s8] =	ssyncadd.s32 $0xFFFFF800  }
0x217: {  	_ =	swait.ge [sflag:s7], $0x800  }
0x218: {  	[sflag:s7] =	ssyncset.done $0x0  }
0x219: {  	[sflag:s7] =	ssyncadd.s32 $0xFFFFF800  }
0x21a: {  	_ =	swait.ge [sflag:s8], $0x800  }
0x21b: {  	s3 =	simm.s32 $0x2000;
	s5 =	simm.s32 $0x1000;
	[sflag:s8] =	ssyncset.done $0x0  }
.LBB2_7:
0x21c: {  	s9 =	sshra.s32 s5, $0x2  }
0x21d: {  	[sflag:s8] =	ssyncadd.s32 $0xFFFFF800;
	s5 =	smov.u32 s3;
	s10 =	sadd.s32 $0x1000, s3  }
0x21e: {  	[spmem:s1] =	stream.indirect.scatter.add.f32 [tilespmem:s31], [sflag:$0x1], $0x10, s9, s6, $0xb8;
	[tilespmem:$0xB800] =	vst v63  }
0x21f: {  	p1 =	seq.s32 s3, $0xB000;
	s3 =	sadd.s32 $0x3000, s9  }
0x220: {  	[spmem:s2] =	stream.indirect.scatter.add.f32 [tilespmem:s31], [sflag:$0x2], $0x10, s3, s6, $0xb8;
	[tilespmem:$0xB800] =	vst v63  }
0x221: {  	s3 =	sadd.s32 $0x80, s9  }
0x222: {  	[spmem:s1] =	stream.indirect.scatter.add.f32 [tilespmem:s31], [sflag:$0x1], $0x10, s3, s6, $0xb8;
	[tilespmem:$0xB800] =	vst v63  }
0x223: {  	s3 =	sadd.s32 $0x3080, s9  }
0x224: {  	[spmem:s2] =	stream.indirect.scatter.add.f32 [tilespmem:s31], [sflag:$0x2], $0x10, s3, s6, $0xb8;
	[tilespmem:$0xB800] =	vst v63  }
0x225: {  	s3 =	sadd.s32 $0x100, s9  }
0x226: {  	[spmem:s1] =	stream.indirect.scatter.add.f32 [tilespmem:s31], [sflag:$0x1], $0x10, s3, s6, $0xb8;
	[tilespmem:$0xB800] =	vst v63  }
0x227: {  	s3 =	sadd.s32 $0x3100, s9  }
0x228: {  	[spmem:s2] =	stream.indirect.scatter.add.f32 [tilespmem:s31], [sflag:$0x2], $0x10, s3, s6, $0xb8;
	[tilespmem:$0xB800] =	vst v63  }
0x229: {  	s3 =	sadd.s32 $0x180, s9  }
0x22a: {  	[spmem:s1] =	stream.indirect.scatter.add.f32 [tilespmem:s31], [sflag:$0x1], $0x10, s3, s6, $0xb8;
	[tilespmem:$0xB800] =	vst v63  }
0x22b: {  	s3 =	sadd.s32 $0x3180, s9  }
0x22c: {  	[spmem:s2] =	stream.indirect.scatter.add.f32 [tilespmem:s31], [sflag:$0x2], $0x10, s3, s6, $0xb8;
	[tilespmem:$0xB800] =	vst v63  }
0x22d: {  	s3 =	sadd.s32 $0x200, s9  }
0x22e: {  	[spmem:s1] =	stream.indirect.scatter.add.f32 [tilespmem:s31], [sflag:$0x1], $0x10, s3, s6, $0xb8;
	[tilespmem:$0xB800] =	vst v63  }
0x22f: {  	s3 =	sadd.s32 $0x3200, s9  }
0x230: {  	[spmem:s2] =	stream.indirect.scatter.add.f32 [tilespmem:s31], [sflag:$0x2], $0x10, s3, s6, $0xb8;
	[tilespmem:$0xB800] =	vst v63  }
0x231: {  	s3 =	sadd.s32 $0x280, s9  }
0x232: {  	[spmem:s1] =	stream.indirect.scatter.add.f32 [tilespmem:s31], [sflag:$0x1], $0x10, s3, s6, $0xb8;
	[tilespmem:$0xB800] =	vst v63  }
0x233: {  	s3 =	sadd.s32 $0x3280, s9  }
0x234: {  	[spmem:s2] =	stream.indirect.scatter.add.f32 [tilespmem:s31], [sflag:$0x2], $0x10, s3, s6, $0xb8;
	[tilespmem:$0xB800] =	vst v63  }
0x235: {  	s3 =	sadd.s32 $0x300, s9  }
0x236: {  	[spmem:s1] =	stream.indirect.scatter.add.f32 [tilespmem:s31], [sflag:$0x1], $0x10, s3, s6, $0xb8;
	[tilespmem:$0xB800] =	vst v63  }
0x237: {  	s3 =	sadd.s32 $0x3300, s9  }
0x238: {  	[spmem:s2] =	stream.indirect.scatter.add.f32 [tilespmem:s31], [sflag:$0x2], $0x10, s3, s6, $0xb8;
	[tilespmem:$0xB800] =	vst v63  }
0x239: {  	s3 =	sadd.s32 $0x380, s9  }
0x23a: {  	[spmem:s1] =	stream.indirect.scatter.add.f32 [tilespmem:s31], [sflag:$0x1], $0x10, s3, s6, $0xb8;
	[tilespmem:$0xB800] =	vst v63  }
0x23b: {  	s3 =	sadd.s32 $0x3380, s9  }
0x23c: {  	[spmem:s2] =	stream.indirect.scatter.add.f32 [tilespmem:s31], [sflag:$0x2], $0x10, s3, s6, $0xb8;
	[tilespmem:$0xB800] =	vst v63  }
0x23d: {  	_ =	swait.ge [sflag:s7], $0x800  }
0x23e: {  	[sflag:s7] =	ssyncset.done $0x0  }
0x23f: {  	[sflag:s7] =	ssyncadd.s32 $0xFFFFF800  }
0x240: {  	_ =	swait.ge [sflag:s8], $0x800  }
0x241: {  	[sflag:s8] =	ssyncset.done $0x0  }
0x242: {  	[sflag:s8] =	ssyncadd.s32 $0xFFFFF800  }
0x243: {  	_ =	swait.ge [sflag:s7], $0x800  }
0x244: {  	[sflag:s7] =	ssyncset.done $0x0  }
0x245: {  	[sflag:s7] =	ssyncadd.s32 $0xFFFFF800  }
0x246: {  	_ =	swait.ge [sflag:s8], $0x800  }
0x247: {  	[sflag:s8] =	ssyncset.done $0x0  }
0x248: {  	[sflag:s8] =	ssyncadd.s32 $0xFFFFF800  }
0x249: {  	_ =	swait.ge [sflag:s7], $0x800  }
0x24a: {  	[sflag:s7] =	ssyncset.done $0x0  }
0x24b: {  	[sflag:s7] =	ssyncadd.s32 $0xFFFFF800  }
0x24c: {  	_ =	swait.ge [sflag:s8], $0x800  }
0x24d: {  	[sflag:s8] =	ssyncset.done $0x0  }
0x24e: {  	[sflag:s8] =	ssyncadd.s32 $0xFFFFF800  }
0x24f: {  	_ =	swait.ge [sflag:s7], $0x800  }
0x250: {  	[sflag:s7] =	ssyncset.done $0x0  }
0x251: {  	[sflag:s7] =	ssyncadd.s32 $0xFFFFF800  }
0x252: {  	_ =	swait.ge [sflag:s8], $0x800  }
0x253: {  	[sflag:s8] =	ssyncset.done $0x0  }
0x254: {  	[sflag:s8] =	ssyncadd.s32 $0xFFFFF800  }
0x255: {  	_ =	swait.ge [sflag:s7], $0x800  }
0x256: {  	[sflag:s7] =	ssyncset.done $0x0  }
0x257: {  	[sflag:s7] =	ssyncadd.s32 $0xFFFFF800  }
0x258: {  	_ =	swait.ge [sflag:s8], $0x800  }
0x259: {  	[sflag:s8] =	ssyncset.done $0x0  }
0x25a: {  	[sflag:s8] =	ssyncadd.s32 $0xFFFFF800  }
0x25b: {  	_ =	swait.ge [sflag:s7], $0x800  }
0x25c: {  	[sflag:s7] =	ssyncset.done $0x0  }
0x25d: {  	[sflag:s7] =	ssyncadd.s32 $0xFFFFF800  }
0x25e: {  	_ =	swait.ge [sflag:s8], $0x800  }
0x25f: {  	[sflag:s8] =	ssyncset.done $0x0  }
0x260: {  	[sflag:s8] =	ssyncadd.s32 $0xFFFFF800  }
0x261: {  	_ =	swait.ge [sflag:s7], $0x800  }
0x262: {  	[sflag:s7] =	ssyncset.done $0x0  }
0x263: {  	[sflag:s7] =	ssyncadd.s32 $0xFFFFF800  }
0x264: {  	_ =	swait.ge [sflag:s8], $0x800  }
0x265: {  	[sflag:s8] =	ssyncset.done $0x0  }
0x266: {  	[sflag:s8] =	ssyncadd.s32 $0xFFFFF800  }
.Ltmp7:
0x267: {  	_ =	swait.ge [sflag:s7], $0x800;
	(pc) =	sbr.rel @!p1 .LBB2_7-.Ltmp7, $4  }
0x268: {  	[sflag:s7] =	ssyncset.done $0x0  }
0x269: {  	[sflag:s7] =	ssyncadd.s32 $0xFFFFF800  }
0x26a: {  	_ =	swait.ge [sflag:s8], $0x800  }
0x26b: {  	s3 =	smov.u32 s10;
	[sflag:s8] =	ssyncset.done $0x0  }
.Ltmp8:
0x26c: {  	_ = 	snop;
	(pc) =	sbr.rel .LBB2_8-.Ltmp8, $1  }
0x26d: {  	_ =	sdelay $0x3  }
.LBB2_13:
0x26e: {  	_ =	sfence.sel $0x180000  }
0x26f: {  	[bflag:$0x0] =	sbarrier.arrive $0xFFFF  }
0x270: {  	_ =	strace $0x90000047  }
0x271: {  	s0 =	stileid.u32;
	[bflag:$0x2] =	sbarrier.arrive $0xFFFF  }
0x272: {  	p0 =	sne.s32 s0, $0x0;
	s0 =	rddreg [dreg:$0x5]  }
0x273: {  	s0 =	sadd.s32 @!p0 $0x100000, s0  }
0x274: {  	[sflag:s0] =	ssyncadd.tile.s32 @!p0 $0x1;
	_ =	shalt  }
.Lfunc_end2:
_tile_overlayer_lowered:
.L_overlay_start_2:
0x275: {  	(tag) =	ssettag $0x2  }
0x276: {  	s0 =	rddreg [dreg:$0x0];
	s2 =	stileid.u32  }
0x277: {  	s1 =	rddreg [dreg:$0x1];
	p0 =	sne.s32 s2, $0x0  }
0x278: {  	s3 =	rddreg [dreg:$0x2];
	[bflag:$0x3] =	sbarrier.arrive $0xFFFF;
	s2 =	simm.s32 @!p0 $0x1C03  }
0x279: {  	[timem:s3], [sflag:s2] =	dma.local @!p0 [hbm:s0], s1  }
0x27a: {  	s0 =	simm.s32 @!p0 $0x3  }
0x27b: {  	_ =	swait.ge @!p0 [sflag:s0], s1  }
0x27c: {  	s1 =	ssub.s32 @!p0 $0x0, s1;
	[sflag:s0] =	ssyncset.done @!p0 $0x0  }
0x27d: {  	[sflag:s0] =	ssyncadd.s32 @!p0 s1  }
0x27e: {  	[bflag:$0x3] =	sbarrier.arrive $0xFFFF  }
0x27f: {  	_ =	shalt  }

</sc_bundles>
